<compile_context>
chip_gen: v7x
topology: tpu7x:2x2x1
jax: 0.10.2.dev20260603
libtpu: 0.0.44.dev20260713+nightly
codegen_flags: <defaults>
</compile_context>

<pallas_src>
import functools

import jax
import jax.numpy as jnp
from jax import lax
from jax.experimental import pallas as pl
from jax.experimental.pallas import tpu as pltpu
from jax.experimental.pallas import tpu_sc as plsc

N_NODES = 10000
D = 128
N_EDGES = 320000
N_GRAPHS = 64

NC = 2
NS = 16
NW = NC * NS
E_PER_TILE = N_EDGES // NW
CHUNK = 125
NCHUNK = E_PER_TILE // CHUNK
NPAD = 10240
ROWS_PER_TILE = NPAD // NS
ZROWS = 128
HP = 10240
HSLC = HP // NS

_mesh = plsc.VectorSubcoreMesh(core_axis_name="c", subcore_axis_name="s")

BLK = 1024
NBLK = NPAD // BLK



def _sc_degree(dst2d):

    @functools.partial(
        pl.kernel,
        out_type=jax.ShapeDtypeStruct((NC * HP,), jnp.float32),
        mesh=_mesh,
        scratch_types=[
            pltpu.VMEM((NCHUNK, CHUNK), jnp.int32),
            pltpu.VMEM((128,), jnp.float32),
            pltpu.VMEM((HSLC,), jnp.float32),
            pltpu.VMEM_SHARED((HP,), jnp.float32),
        ],
    )
    def k(dst_hbm, out_hbm, didx, ones_v, zv, shist):
        cid = lax.axis_index("c")
        sid = lax.axis_index("s")
        wid = cid * NS + sid

        @pl.loop(0, 128, step=16)
        def _(i):
            ones_v[pl.ds(i, 16)] = jnp.full((16,), 1.0, jnp.float32)

        @pl.loop(0, HSLC, step=16)
        def _(i):
            zv[pl.ds(i, 16)] = jnp.zeros((16,), jnp.float32)

        pltpu.sync_copy(zv, shist.at[pl.ds(sid * HSLC, HSLC)])
        pltpu.sync_copy(dst_hbm.at[pl.ds(wid * NCHUNK, NCHUNK)], didx)
        plsc.subcore_barrier()

        @pl.loop(0, NCHUNK)
        def _(j):
            pltpu.sync_copy(ones_v.at[pl.ds(0, CHUNK)],
                            shist.at[didx.at[j]], add=True)

        plsc.subcore_barrier()
        pltpu.sync_copy(shist.at[pl.ds(sid * HSLC, HSLC)],
                        out_hbm.at[pl.ds(cid * HP + sid * HSLC, HSLC)])

    return k(dst2d)


GRP = 8
NGRP = NCHUNK // GRP

EPAD = 327680
CHP = 80
NCHP = EPAD // NW // CHP
NGRPP = NCHP // GRP


def _sc_aggregate(y, srcp, dstp):

    @functools.partial(
        pl.kernel,
        out_type=jax.ShapeDtypeStruct((NC * NPAD, D), jnp.float32),
        mesh=_mesh,
        scratch_types=(
            [pltpu.VMEM((GRP, CHP), jnp.int32)] * 4
            + [pltpu.VMEM((GRP, CHP), jnp.int32)] * 4
            + [pltpu.VMEM((CHP, D), jnp.float32)] * 4
            + [pltpu.VMEM_SHARED((NPAD, D), jnp.float32)]
            + [pltpu.SemaphoreType.DMA] * 12
        ),
    )
    def k(y_hbm, src_hbm, dst_hbm, out_hbm,
          sr0, sr1, sr2, sr3, dr0, dr1, dr2, dr3,
          r0, r1, r2, r3, acc,
          i0, i1, i2, i3, g0, g1, g2, g3, s0, s1, s2, s3):
        cid = lax.axis_index("c")
        sid = lax.axis_index("s")
        wid = cid * NS + sid
        srings = (sr0, sr1, sr2, sr3)
        drings = (dr0, dr1, dr2, dr3)
        rows = (r0, r1, r2, r3)
        isems = (i0, i1, i2, i3)
        gsems = (g0, g1, g2, g3)
        ssems = (s0, s1, s2, s3)
        brow = wid * NCHP

        def idx_start(grp, sl):
            pltpu.async_copy(src_hbm.at[pl.ds(brow + grp * GRP, GRP)],
                             srings[sl], isems[sl])
            pltpu.async_copy(dst_hbm.at[pl.ds(brow + grp * GRP, GRP)],
                             drings[sl], isems[sl])

        def idx_wait(grp, sl):
            pltpu.make_async_copy(src_hbm.at[pl.ds(brow + grp * GRP, GRP)],
                                  srings[sl], isems[sl]).wait()
            pltpu.make_async_copy(dst_hbm.at[pl.ds(brow + grp * GRP, GRP)],
                                  drings[sl], isems[sl]).wait()

        def gather_start(sl, m, q):
            pltpu.async_copy(y_hbm.at[srings[sl].at[m]], rows[q], gsems[q])

        def gather_wait(sl, m, q):
            pltpu.make_async_copy(y_hbm.at[srings[sl].at[m]], rows[q],
                                  gsems[q]).wait()

        def scat_start(sl, m, q):
            pltpu.async_copy(rows[q], acc.at[drings[sl].at[m]], ssems[q],
                             add=True)

        def scat_wait(sl, m, q):
            pltpu.make_async_copy(rows[q], acc.at[drings[sl].at[m]],
                                  ssems[q]).wait()

        @pl.loop(0, CHP)
        def _(r):
            @pl.loop(0, D, step=16)
            def _(c):
                r0[r, pl.ds(c, 16)] = jnp.zeros((16,), jnp.float32)

        zbase = sid * ROWS_PER_TILE

        @pl.loop(0, ROWS_PER_TILE, step=CHP)
        def _(o):
            pltpu.async_copy(r0, acc.at[pl.ds(zbase + o, CHP)], g0)

        @pl.loop(0, ROWS_PER_TILE, step=CHP)
        def _(o):
            pltpu.make_async_copy(r0, acc.at[pl.ds(zbase + o, CHP)],
                                  g0).wait()

        plsc.subcore_barrier()

        idx_start(0, 0)
        idx_start(1, 1)
        idx_start(2, 2)
        idx_wait(0, 0)
        gather_start(0, 0, 0)
        gather_start(0, 1, 1)

        gather_start(0, 2, 2)

        def chunk_body(G, sl, m):
            q = m % 4
            t = G * GRP + m
            gather_wait(sl, m, q)
            scat_start(sl, m, q)

            if m >= 1:
                pv_sl, pv_m = sl, m - 1
            else:
                pv_sl, pv_m = (sl + 3) % 4, GRP - 1

            @pl.when(t > 0)
            def _():
                scat_wait(pv_sl, pv_m, (q + 3) % 4)

            if m == 2:
                @pl.when(G + 3 < NGRPP)
                def _():
                    idx_start(G + 3, (sl + 3) % 4)

            if m < GRP - 3:
                gather_start(sl, m + 3, (q + 3) % 4)
            elif m == GRP - 3:
                @pl.when(G + 1 < NGRPP)
                def _():
                    idx_wait(G + 1, (sl + 1) % 4)
                    gather_start((sl + 1) % 4, 0, (q + 3) % 4)
            else:
                @pl.when(G + 1 < NGRPP)
                def _():
                    gather_start((sl + 1) % 4, m - (GRP - 3), (q + 3) % 4)

        @pl.loop(0, NGRPP, step=4)
        def _(G):
            for k_ in range(4):
                for m in range(GRP):
                    chunk_body(G + k_, k_, m)

        scat_wait(3, GRP - 1, 3)
        plsc.subcore_barrier()

        @pl.loop(0, ROWS_PER_TILE, step=ZROWS)
        def _(o):
            pltpu.async_copy(acc.at[pl.ds(zbase + o, ZROWS)],
                             out_hbm.at[pl.ds(cid * NPAD + zbase + o, ZROWS)],
                             g0)

        @pl.loop(0, ROWS_PER_TILE, step=ZROWS)
        def _(o):
            pltpu.make_async_copy(acc.at[pl.ds(zbase + o, ZROWS)],
                                  out_hbm.at[pl.ds(cid * NPAD + zbase + o,
                                                   ZROWS)], g0).wait()

    return k(y, srcp, dstp)



def _tc_matmul(x, W):
    def body(x_ref, w_ref, o_ref):
        o_ref[...] = jnp.dot(x_ref[...], w_ref[...],
                             preferred_element_type=jnp.float32)

    return pl.pallas_call(
        body,
        grid=(NBLK,),
        in_specs=[pl.BlockSpec((BLK, D), lambda i: (i, 0)),
                  pl.BlockSpec((D, D), lambda i: (0, 0))],
        out_specs=pl.BlockSpec((BLK, D), lambda i: (i, 0)),
        out_shape=jax.ShapeDtypeStruct((NPAD, D), jnp.float32),
    )(x, W)


def _tc_scale(xw, dpt):

    def body(xw_ref, dp_ref, y_ref, dinv_ref):
        deg = 1.0 + dp_ref[:, 0:1] + dp_ref[:, 1:2]
        dinv = lax.rsqrt(deg)
        dinv_ref[...] = dinv
        y_ref[...] = xw_ref[...] * dinv

    return pl.pallas_call(
        body,
        grid=(NBLK,),
        in_specs=[pl.BlockSpec((BLK, D), lambda i: (i, 0)),
                  pl.BlockSpec((BLK, 2), lambda i: (i, 0))],
        out_specs=[pl.BlockSpec((BLK, D), lambda i: (i, 0)),
                   pl.BlockSpec((BLK, 1), lambda i: (i, 0))],
        out_shape=[jax.ShapeDtypeStruct((NPAD, D), jnp.float32),
                   jax.ShapeDtypeStruct((NPAD, 1), jnp.float32)],
    )(xw, dpt)


_A0 = pl.BlockSpec((BLK, D), lambda i: (i, 0))
_A1 = pl.BlockSpec((BLK, D), lambda i: (NBLK + i, 0))


def _tc_mid(agg, y1, dinv, b1, W2):

    def body(a0_ref, a1_ref, y1_ref, dinv_ref, b1_ref, w2_ref, y2_ref):
        dinv = dinv_ref[...]
        h = (a0_ref[...] + a1_ref[...] + y1_ref[...]) * dinv + b1_ref[...]
        h = jnp.maximum(h, 0.0)
        y2_ref[...] = jnp.dot(h, w2_ref[...],
                              preferred_element_type=jnp.float32) * dinv

    return pl.pallas_call(
        body,
        grid=(NBLK,),
        in_specs=[_A0, _A1,
                  pl.BlockSpec((BLK, D), lambda i: (i, 0)),
                  pl.BlockSpec((BLK, 1), lambda i: (i, 0)),
                  pl.BlockSpec((1, D), lambda i: (0, 0)),
                  pl.BlockSpec((D, D), lambda i: (0, 0))],
        out_specs=pl.BlockSpec((BLK, D), lambda i: (i, 0)),
        out_shape=jax.ShapeDtypeStruct((NPAD, D), jnp.float32),
    )(agg, agg, y1, dinv, b1, W2)


def _tc_pool(agg, y2, dinv, b2, bcol):

    def body(a0_ref, a1_ref, y2_ref, dinv_ref, b2_ref, b_ref, p_ref):
        i = pl.program_id(0)

        @pl.when(i == 0)
        def _():
            p_ref[...] = jnp.full((N_GRAPHS, D), -jnp.inf, jnp.float32)

        h = ((a0_ref[...] + a1_ref[...] + y2_ref[...]) * dinv_ref[...]
             + b2_ref[...])
        b = b_ref[...]
        lo = jnp.maximum(jnp.min(b), 0)
        hi = jnp.max(b)

        def upd(g, carry):
            m = jnp.max(jnp.where(b == g, h, -jnp.inf), axis=0, keepdims=True)
            p_ref[pl.ds(g, 1), :] = jnp.maximum(p_ref[pl.ds(g, 1), :], m)
            return carry

        lax.fori_loop(lo, hi + 1, upd, 0)

    return pl.pallas_call(
        body,
        grid=(NBLK,),
        in_specs=[_A0, _A1,
                  pl.BlockSpec((BLK, D), lambda i: (i, 0)),
                  pl.BlockSpec((BLK, 1), lambda i: (i, 0)),
                  pl.BlockSpec((1, D), lambda i: (0, 0)),
                  pl.BlockSpec((BLK, 1), lambda i: (i, 0))],
        out_specs=pl.BlockSpec((N_GRAPHS, D), lambda i: (0, 0)),
        out_shape=jax.ShapeDtypeStruct((N_GRAPHS, D), jnp.float32),
    )(agg, agg, y2, dinv, b2, bcol)


def _tc_dec(pooled, Wd, bd):
    NP = Wd.shape[1]
    CBLK = 1024

    def body(p_ref, wd_ref, bd_ref, o_ref):
        o_ref[...] = jnp.dot(p_ref[...], wd_ref[...],
                             preferred_element_type=jnp.float32) + bd_ref[...]

    return pl.pallas_call(
        body,
        grid=(NP // CBLK,),
        in_specs=[pl.BlockSpec((N_GRAPHS, D), lambda i: (0, 0)),
                  pl.BlockSpec((D, CBLK), lambda i: (0, i)),
                  pl.BlockSpec((1, CBLK), lambda i: (0, i))],
        out_specs=pl.BlockSpec((N_GRAPHS, CBLK), lambda i: (0, i)),
        out_shape=jax.ShapeDtypeStruct((N_GRAPHS, NP), jnp.float32),
    )(pooled, Wd, bd)



def kernel(x, edge_index, batch, W1, b1, W2, b2, Wd, bd):
    dst2d = edge_index[1].reshape(N_EDGES // CHUNK, CHUNK)
    pad_i = jnp.arange(EPAD - N_EDGES, dtype=jnp.int32)
    srcp = jnp.concatenate(
        [edge_index[0], pad_i % N_NODES]).reshape(EPAD // CHP, CHP)
    dstp = jnp.concatenate(
        [edge_index[1], N_NODES + pad_i % (NPAD - N_NODES)]
    ).reshape(EPAD // CHP, CHP)

    x_p = jnp.pad(x, ((0, NPAD - N_NODES), (0, 0)))
    b_p = jnp.pad(batch.reshape(N_NODES, 1), ((0, NPAD - N_NODES), (0, 0)),
                  constant_values=-1)

    degp = _sc_degree(dst2d).reshape(NC, HP)
    xw1 = _tc_matmul(x_p, W1)
    dpt = jnp.transpose(degp)
    y1, dinv = _tc_scale(xw1, dpt)

    agg1 = _sc_aggregate(y1, srcp, dstp)
    y2 = _tc_mid(agg1, y1, dinv, b1.reshape(1, D), W2)

    agg2 = _sc_aggregate(y2, srcp, dstp)
    pooled = _tc_pool(agg2, y2, dinv, b2.reshape(1, D), b_p)

    Wd_p = jnp.pad(Wd, ((0, 0), (0, NPAD - N_NODES)))
    bd_p = jnp.pad(bd.reshape(1, N_NODES), ((0, 0), (0, NPAD - N_NODES)))
    return _tc_dec(pooled, Wd_p, bd_p)[:, :N_NODES]

# --- scband reference (transcript-rebuilt; emitter-appended) ---
"""Pipeline reference for scband-gnn-20882130993830 (READ-ONLY COPY).

The authoritative reference and input builder live on the scoring server;
editing this copy changes nothing except your own understanding.
"""

import jax, jax.numpy as jnp
import numpy as np

NUM_NODES = 10000
D_FEAT = 128
HIDDEN = 128
OUT_DIM = 128
N_EDGES = 320000
N_GRAPHS = 64


def setup_inputs(seed: int = 0) -> dict:
    key = jax.random.key(seed)
    ks = jax.random.split(key, 10)
    x = jax.random.normal(ks[0], (NUM_NODES, D_FEAT), dtype=jnp.float32)
    edge_index = jax.random.randint(ks[1], (2, N_EDGES), 0, NUM_NODES, dtype=jnp.int32)
    batch = jnp.sort(jax.random.randint(ks[2], (NUM_NODES,), 0, N_GRAPHS, dtype=jnp.int32))
    W1 = jax.random.normal(ks[3], (D_FEAT, HIDDEN), dtype=jnp.float32) * (1.0 / np.sqrt(D_FEAT))
    b1 = jnp.zeros((HIDDEN,), dtype=jnp.float32)
    W2 = jax.random.normal(ks[4], (HIDDEN, OUT_DIM), dtype=jnp.float32) * (1.0 / np.sqrt(HIDDEN))
    b2 = jnp.zeros((OUT_DIM,), dtype=jnp.float32)
    Wd = jax.random.normal(ks[5], (OUT_DIM, NUM_NODES), dtype=jnp.float32) * (1.0 / np.sqrt(OUT_DIM))
    bd = jnp.zeros((NUM_NODES,), dtype=jnp.float32)
    return {"x": x, "edge_index": edge_index, "batch": batch,
            "W1": W1, "b1": b1, "W2": W2, "b2": b2, "Wd": Wd, "bd": bd}


def gcn_conv(x, edge_index, W, b):
    # PyG-style GCNConv: add self-loops, symmetric D^-1/2 (A+I) D^-1/2 normalization
    n = x.shape[0]
    loop = jnp.arange(n, dtype=edge_index.dtype)
    src = jnp.concatenate([edge_index[0], loop])
    dst = jnp.concatenate([edge_index[1], loop])
    xw = x @ W
    deg = jax.ops.segment_sum(jnp.ones(dst.shape[0], dtype=xw.dtype), dst, num_segments=n)
    deg_inv_sqrt = jnp.where(deg > 0, 1.0 / jnp.sqrt(deg), 0.0)
    norm = deg_inv_sqrt[src] * deg_inv_sqrt[dst]
    msgs = xw[src] * norm[:, None]
    out = jax.ops.segment_sum(msgs, dst, num_segments=n)
    return out + b


def reference(x, edge_index, batch, W1, b1, W2, b2, Wd, bd):
    h = jax.nn.relu(gcn_conv(x, edge_index, W1, b1))
    h = gcn_conv(h, edge_index, W2, b2)
    pooled = jax.ops.segment_max(h, batch, num_segments=N_GRAPHS)
    return pooled @ Wd + bd

if __name__ == "__main__":
    import jax
    _d = setup_inputs()
    print(jax.jit(kernel)(*tuple(_d.values())))

</pallas_src>

<mosaic_0001>
#map = affine_map<(d0, d1) -> (0, 0)>
#map1 = affine_map<(d0, d1) -> (0)>
module attributes {stable_mosaic.version = 14 : i64} {
  func.func @k(%arg0: i32, %arg1: i32, %arg2: memref<2560x125xi32, #tpu.memory_space<hbm>>, %arg3: memref<20480xf32, #tpu.memory_space<hbm>>, %arg4: memref<80x125xi32, #tpu.memory_space<vmem>>, %arg5: memref<128xf32, #tpu.memory_space<vmem>>, %arg6: memref<640xf32, #tpu.memory_space<vmem>>, %arg7: memref<10240xf32, #tpu.memory_space<vmem_shared>>) attributes {dimension_semantics = [#tpu.dimension_semantics<core_parallel>, #tpu.dimension_semantics<subcore_parallel>], iteration_bounds = array<i64: 2, 16>, scalar_prefetch = 0 : i64, scratch_operands = 4 : i64, tpu.core_type = #tpu.core_type<sc_vector_subcore>, window_params = [{transform_indices = #map}, {transform_indices = #map1}]} {
    %mul3A = arith.constant 16 : i32
    %mul3A_0 = arith.muli %arg0, %mul3A : i32
    %add3A = arith.addi %mul3A_0, %arg1 : i32
    %scan3A = arith.constant 0 : i32
    %scan3A_1 = arith.constant 8 : i32
    %scan3A_2 = arith.addi %scan3A, %scan3A_1 : i32
    %scan3A_3 = arith.constant 1 : i32
    scf.for %scan3A_27 = %scan3A to %scan3A_2 step %scan3A_3  : i32 {
      %mul3A_28 = arith.constant 16 : i32
      %mul3A_29 = arith.muli %scan3A_27, %mul3A_28 : i32
      %add3A_30 = arith.constant 0 : i32
      %add3A_31 = arith.addi %add3A_30, %mul3A_29 : i32
      %broadcast_in_dim3A = arith.constant 1.000000e+00 : f32
      %broadcast_in_dim3A_32 = vector.broadcast %broadcast_in_dim3A : f32 to vector<16xf32>
      %swap3A = arith.index_cast %add3A_31 : i32 to index
      %swap3A_33 = tpu.vector_load %arg5[%swap3A] {strides = array<i32>} : memref<128xf32, #tpu.memory_space<vmem>>, vector<16xf32>,
      %swap3A_34 = vector.shape_cast %swap3A_33 : vector<16xf32> to vector<16xf32>
      %swap3A_35 = vector.shape_cast %broadcast_in_dim3A_32 : vector<16xf32> to vector<16xf32>
      tpu.vector_store %arg5[%swap3A], %swap3A_35 {strides = array<i32>} : memref<128xf32, #tpu.memory_space<vmem>>, vector<16xf32>,
    }
    %scan3A_4 = arith.constant 8 : i32
    %scan3A_5 = arith.constant 0 : i32
    %scan3A_6 = arith.constant 40 : i32
    %scan3A_7 = arith.addi %scan3A_5, %scan3A_6 : i32
    %scan3A_8 = arith.constant 1 : i32
    scf.for %scan3A_27 = %scan3A_5 to %scan3A_7 step %scan3A_8  : i32 {
      %mul3A_28 = arith.constant 16 : i32
      %mul3A_29 = arith.muli %scan3A_27, %mul3A_28 : i32
      %add3A_30 = arith.constant 0 : i32
      %add3A_31 = arith.addi %add3A_30, %mul3A_29 : i32
      %broadcast_in_dim3A = arith.constant 0.000000e+00 : f32
      %broadcast_in_dim3A_32 = vector.broadcast %broadcast_in_dim3A : f32 to vector<16xf32>
      %swap3A = arith.index_cast %add3A_31 : i32 to index
      %swap3A_33 = tpu.vector_load %arg6[%swap3A] {strides = array<i32>} : memref<640xf32, #tpu.memory_space<vmem>>, vector<16xf32>,
      %swap3A_34 = vector.shape_cast %swap3A_33 : vector<16xf32> to vector<16xf32>
      %swap3A_35 = vector.shape_cast %broadcast_in_dim3A_32 : vector<16xf32> to vector<16xf32>
      tpu.vector_store %arg6[%swap3A], %swap3A_35 {strides = array<i32>} : memref<640xf32, #tpu.memory_space<vmem>>, vector<16xf32>,
    }
    %scan3A_9 = arith.constant 40 : i32
    %mul3A_10 = arith.constant 640 : i32
    %mul3A_11 = arith.muli %arg1, %mul3A_10 : i32
    "tpu.region"() ({
      %run_scoped3A = tpu.sem_alloc : memref<!tpu.dma_semaphore, #tpu.memory_space<semaphore_mem>>
      %dma_start3A = tpu.memref_slice %arg7[%mul3A_11] : memref<10240xf32, #tpu.memory_space<vmem_shared>> -> memref<640xf32, #tpu.memory_space<vmem_shared>>
      %dma_start3A_27 = tpu.memref_slice %arg7[%mul3A_11] : memref<10240xf32, #tpu.memory_space<vmem_shared>> -> memref<640xf32, #tpu.memory_space<vmem_shared>>
      tpu.enqueue_dma source(%arg6 : memref<640xf32, #tpu.memory_space<vmem>>) target(%dma_start3A_27 : memref<640xf32, #tpu.memory_space<vmem_shared>>) target_semaphore(%run_scoped3A : memref<!tpu.dma_semaphore, #tpu.memory_space<semaphore_mem>>)
      %dma_wait3A = tpu.memref_slice %arg7[%mul3A_11] : memref<10240xf32, #tpu.memory_space<vmem_shared>> -> memref<640xf32, #tpu.memory_space<vmem_shared>>
      %dma_wait3A_28 = tpu.memref_slice %arg7[%mul3A_11] : memref<10240xf32, #tpu.memory_space<vmem_shared>> -> memref<640xf32, #tpu.memory_space<vmem_shared>>
      tpu.wait_dma2 semaphore(%run_scoped3A : memref<!tpu.dma_semaphore, #tpu.memory_space<semaphore_mem>>) src(%arg6 : memref<640xf32, #tpu.memory_space<vmem>>) dst(%dma_wait3A_28 : memref<640xf32, #tpu.memory_space<vmem_shared>>)
      tpu.yield
    }) : () -> ()
    %mul3A_12 = arith.constant 80 : i32
    %mul3A_13 = arith.muli %add3A, %mul3A_12 : i32
    "tpu.region"() ({
      %run_scoped3A = tpu.sem_alloc : memref<!tpu.dma_semaphore, #tpu.memory_space<semaphore_mem>>
      %dma_start3A = arith.constant 0 : i32
      %dma_start3A_27 = tpu.memref_slice %arg2[%mul3A_13, %dma_start3A] : memref<2560x125xi32, #tpu.memory_space<hbm>> -> memref<80x125xi32, #tpu.memory_space<hbm>>
      %dma_start3A_28 = arith.constant 0 : i32
      %dma_start3A_29 = tpu.memref_slice %arg2[%mul3A_13, %dma_start3A_28] : memref<2560x125xi32, #tpu.memory_space<hbm>> -> memref<80x125xi32, #tpu.memory_space<hbm>>
      tpu.enqueue_dma source(%dma_start3A_29 : memref<80x125xi32, #tpu.memory_space<hbm>>) target(%arg4 : memref<80x125xi32, #tpu.memory_space<vmem>>) target_semaphore(%run_scoped3A : memref<!tpu.dma_semaphore, #tpu.memory_space<semaphore_mem>>)
      %dma_wait3A = arith.constant 0 : i32
      %dma_wait3A_30 = tpu.memref_slice %arg2[%mul3A_13, %dma_wait3A] : memref<2560x125xi32, #tpu.memory_space<hbm>> -> memref<80x125xi32, #tpu.memory_space<hbm>>
      %dma_wait3A_31 = arith.constant 0 : i32
      %dma_wait3A_32 = tpu.memref_slice %arg2[%mul3A_13, %dma_wait3A_31] : memref<2560x125xi32, #tpu.memory_space<hbm>> -> memref<80x125xi32, #tpu.memory_space<hbm>>
      tpu.wait_dma2 semaphore(%run_scoped3A : memref<!tpu.dma_semaphore, #tpu.memory_space<semaphore_mem>>) src(%dma_wait3A_32 : memref<80x125xi32, #tpu.memory_space<hbm>>) dst(%arg4 : memref<80x125xi32, #tpu.memory_space<vmem>>)
      tpu.yield
    }) : () -> ()
    %barrier3A = arith.constant 0 : index
    tpu.barrier barrier_id(%barrier3A)
    %scan3A_14 = arith.constant 0 : i32
    %scan3A_15 = arith.constant 80 : i32
    %scan3A_16 = arith.addi %scan3A_14, %scan3A_15 : i32
    %scan3A_17 = arith.constant 1 : i32
    scf.for %scan3A_27 = %scan3A_14 to %scan3A_16 step %scan3A_17  : i32 {
      %mul3A_28 = arith.constant 1 : i32
      %mul3A_29 = arith.muli %scan3A_27, %mul3A_28 : i32
      %add3A_30 = arith.constant 0 : i32
      %add3A_31 = arith.addi %add3A_30, %mul3A_29 : i32
      "tpu.region"() ({
        %run_scoped3A = tpu.sem_alloc : memref<!tpu.dma_semaphore, #tpu.memory_space<semaphore_mem>>
        %dma_start3A = arith.constant 0 : i32
        %dma_start3A_32 = tpu.memref_slice %arg5[%dma_start3A] : memref<128xf32, #tpu.memory_space<vmem>> -> memref<125xf32, #tpu.memory_space<vmem>>
        %dma_start3A_33 = arith.constant 0 : i32
        %dma_start3A_34 = tpu.memref_slice %arg4[%add3A_31, %dma_start3A_33] : memref<80x125xi32, #tpu.memory_space<vmem>> -> memref<1x125xi32, #tpu.memory_space<vmem>>
        %dma_start3A_35 = tpu.memref_squeeze %dma_start3A_34 : memref<1x125xi32, #tpu.memory_space<vmem>> -> memref<125xi32, #tpu.memory_space<vmem>>
        %dma_start3A_36 = arith.constant 0 : i32
        %dma_start3A_37 = tpu.memref_slice %arg7[%dma_start3A_36] : memref<10240xf32, #tpu.memory_space<vmem_shared>> -> memref<10240xf32, #tpu.memory_space<vmem_shared>>
        tpu.enqueue_indirect_dma source(%dma_start3A_32 : memref<125xf32, #tpu.memory_space<vmem>>) target(%dma_start3A_37 : memref<10240xf32, #tpu.memory_space<vmem_shared>>) offsets(%dma_start3A_35 : memref<125xi32, #tpu.memory_space<vmem>>) semaphore(%run_scoped3A : memref<!tpu.dma_semaphore, #tpu.memory_space<semaphore_mem>>) {add = true}
        %dma_wait3A = arith.constant 0 : i32
        %dma_wait3A_38 = tpu.memref_slice %arg5[%dma_wait3A] : memref<128xf32, #tpu.memory_space<vmem>> -> memref<125xf32, #tpu.memory_space<vmem>>
        %dma_wait3A_39 = arith.constant 0 : i32
        %dma_wait3A_40 = tpu.memref_slice %arg4[%add3A_31, %dma_wait3A_39] : memref<80x125xi32, #tpu.memory_space<vmem>> -> memref<1x125xi32, #tpu.memory_space<vmem>>
        %dma_wait3A_41 = tpu.memref_squeeze %dma_wait3A_40 : memref<1x125xi32, #tpu.memory_space<vmem>> -> memref<125xi32, #tpu.memory_space<vmem>>
        %dma_wait3A_42 = arith.constant 0 : i32
        %dma_wait3A_43 = tpu.memref_slice %arg7[%dma_wait3A_42] : memref<10240xf32, #tpu.memory_space<vmem_shared>> -> memref<10240xf32, #tpu.memory_space<vmem_shared>>
        tpu.wait_indirect_dma semaphore(%run_scoped3A : memref<!tpu.dma_semaphore, #tpu.memory_space<semaphore_mem>>) src(%dma_wait3A_38 : memref<125xf32, #tpu.memory_space<vmem>>) dst(%dma_wait3A_43 : memref<10240xf32, #tpu.memory_space<vmem_shared>>)
        tpu.yield
      }) : () -> ()
    }
    %scan3A_18 = arith.constant 80 : i32
    %barrier3A_19 = arith.constant 0 : index
    tpu.barrier barrier_id(%barrier3A_19)
    %mul3A_20 = arith.constant 640 : i32
    %mul3A_21 = arith.muli %arg1, %mul3A_20 : i32
    %mul3A_22 = arith.constant 10240 : i32
    %mul3A_23 = arith.muli %arg0, %mul3A_22 : i32
    %mul3A_24 = arith.constant 640 : i32
    %mul3A_25 = arith.muli %arg1, %mul3A_24 : i32
    %add3A_26 = arith.addi %mul3A_23, %mul3A_25 : i32
    "tpu.region"() ({
      %run_scoped3A = tpu.sem_alloc : memref<!tpu.dma_semaphore, #tpu.memory_space<semaphore_mem>>
      %dma_start3A = tpu.memref_slice %arg3[%add3A_26] : memref<20480xf32, #tpu.memory_space<hbm>> -> memref<640xf32, #tpu.memory_space<hbm>>
      %dma_start3A_27 = tpu.memref_slice %arg7[%mul3A_21] : memref<10240xf32, #tpu.memory_space<vmem_shared>> -> memref<640xf32, #tpu.memory_space<vmem_shared>>
      tpu.enqueue_dma source(%dma_start3A_27 : memref<640xf32, #tpu.memory_space<vmem_shared>>) target(%dma_start3A : memref<640xf32, #tpu.memory_space<hbm>>) target_semaphore(%run_scoped3A : memref<!tpu.dma_semaphore, #tpu.memory_space<semaphore_mem>>)
      %dma_wait3A = tpu.memref_slice %arg3[%add3A_26] : memref<20480xf32, #tpu.memory_space<hbm>> -> memref<640xf32, #tpu.memory_space<hbm>>
      %dma_wait3A_28 = tpu.memref_slice %arg7[%mul3A_21] : memref<10240xf32, #tpu.memory_space<vmem_shared>> -> memref<640xf32, #tpu.memory_space<vmem_shared>>
      tpu.wait_dma2 semaphore(%run_scoped3A : memref<!tpu.dma_semaphore, #tpu.memory_space<semaphore_mem>>) src(%dma_wait3A_28 : memref<640xf32, #tpu.memory_space<vmem_shared>>) dst(%dma_wait3A : memref<640xf32, #tpu.memory_space<hbm>>)
      tpu.yield
    }) : () -> ()
    return
  }
}

#map = affine_map<(d0, d1) -> (0, 0)>
module attributes {stable_mosaic.version = 14 : i64} {
  func.func @k(%arg0: i32, %arg1: i32, %arg2: memref<10240x128xf32, #tpu.memory_space<hbm>>, %arg3: memref<4096x80xi32, #tpu.memory_space<hbm>>, %arg4: memref<4096x80xi32, #tpu.memory_space<hbm>>, %arg5: memref<20480x128xf32, #tpu.memory_space<hbm>>, %arg6: memref<8x80xi32, #tpu.memory_space<vmem>>, %arg7: memref<8x80xi32, #tpu.memory_space<vmem>>, %arg8: memref<8x80xi32, #tpu.memory_space<vmem>>, %arg9: memref<8x80xi32, #tpu.memory_space<vmem>>, %arg10: memref<8x80xi32, #tpu.memory_space<vmem>>, %arg11: memref<8x80xi32, #tpu.memory_space<vmem>>, %arg12: memref<8x80xi32, #tpu.memory_space<vmem>>, %arg13: memref<8x80xi32, #tpu.memory_space<vmem>>, %arg14: memref<80x128xf32, #tpu.memory_space<vmem>>, %arg15: memref<80x128xf32, #tpu.memory_space<vmem>>, %arg16: memref<80x128xf32, #tpu.memory_space<vmem>>, %arg17: memref<80x128xf32, #tpu.memory_space<vmem>>, %arg18: memref<10240x128xf32, #tpu.memory_space<vmem_shared>>, %arg19: memref<!tpu.dma_semaphore, #tpu.memory_space<semaphore_mem>>, %arg20: memref<!tpu.dma_semaphore, #tpu.memory_space<semaphore_mem>>, %arg21: memref<!tpu.dma_semaphore, #tpu.memory_space<semaphore_mem>>, %arg22: memref<!tpu.dma_semaphore, #tpu.memory_space<semaphore_mem>>, %arg23: memref<!tpu.dma_semaphore, #tpu.memory_space<semaphore_mem>>, %arg24: memref<!tpu.dma_semaphore, #tpu.memory_space<semaphore_mem>>, %arg25: memref<!tpu.dma_semaphore, #tpu.memory_space<semaphore_mem>>, %arg26: memref<!tpu.dma_semaphore, #tpu.memory_space<semaphore_mem>>, %arg27: memref<!tpu.dma_semaphore, #tpu.memory_space<semaphore_mem>>, %arg28: memref<!tpu.dma_semaphore, #tpu.memory_space<semaphore_mem>>, %arg29: memref<!tpu.dma_semaphore, #tpu.memory_space<semaphore_mem>>, %arg30: memref<!tpu.dma_semaphore, #tpu.memory_space<semaphore_mem>>) attributes {dimension_semantics = [#tpu.dimension_semantics<core_parallel>, #tpu.dimension_semantics<subcore_parallel>], iteration_bounds = array<i64: 2, 16>, scalar_prefetch = 0 : i64, scratch_operands = 25 : i64, tpu.core_type = #tpu.core_type<sc_vector_subcore>, window_params = [{transform_indices = #map}, {transform_indices = #map}, {transform_indices = #map}, {transform_indices = #map}]} {
    %mul3A = arith.constant 16 : i32
    %mul3A_0 = arith.muli %arg0, %mul3A : i32
    %add3A = arith.addi %mul3A_0, %arg1 : i32
    %mul3A_1 = arith.constant 128 : i32
    %mul3A_2 = arith.muli %add3A, %mul3A_1 : i32
    %scan3A = arith.constant 0 : i32
    %scan3A_3 = arith.constant 80 : i32
    %scan3A_4 = arith.addi %scan3A, %scan3A_3 : i32
    %scan3A_5 = arith.constant 1 : i32
    scf.for %scan3A_109 = %scan3A to %scan3A_4 step %scan3A_5  : i32 {
      %mul3A_110 = arith.constant 1 : i32
      %mul3A_111 = arith.muli %scan3A_109, %mul3A_110 : i32
      %add3A_112 = arith.constant 0 : i32
      %add3A_113 = arith.addi %add3A_112, %mul3A_111 : i32
      %scan3A_114 = arith.constant 0 : i32
      %scan3A_115 = arith.constant 8 : i32
      %scan3A_116 = arith.addi %scan3A_114, %scan3A_115 : i32
      %scan3A_117 = arith.constant 1 : i32
      scf.for %scan3A_119 = %scan3A_114 to %scan3A_116 step %scan3A_117  : i32 {
        %mul3A_120 = arith.constant 16 : i32
        %mul3A_121 = arith.muli %scan3A_119, %mul3A_120 : i32
        %add3A_122 = arith.constant 0 : i32
        %add3A_123 = arith.addi %add3A_122, %mul3A_121 : i32
        %broadcast_in_dim3A = arith.constant 0.000000e+00 : f32
        %broadcast_in_dim3A_124 = vector.broadcast %broadcast_in_dim3A : f32 to vector<16xf32>
        %swap3A = arith.index_cast %add3A_113 : i32 to index
        %swap3A_125 = arith.index_cast %add3A_123 : i32 to index
        %swap3A_126 = tpu.vector_load %arg14[%swap3A, %swap3A_125] {strides = array<i32>} : memref<80x128xf32, #tpu.memory_space<vmem>>, vector<1x16xf32>,
        %swap3A_127 = vector.shape_cast %swap3A_126 : vector<1x16xf32> to vector<16xf32>
        %swap3A_128 = vector.shape_cast %broadcast_in_dim3A_124 : vector<16xf32> to vector<1x16xf32>
        tpu.vector_store %arg14[%swap3A, %swap3A_125], %swap3A_128 {strides = array<i32>} : memref<80x128xf32, #tpu.memory_space<vmem>>, vector<1x16xf32>,
      }
      %scan3A_118 = arith.constant 8 : i32
    }
    %scan3A_6 = arith.constant 80 : i32
    %mul3A_7 = arith.constant 640 : i32
    %mul3A_8 = arith.muli %arg1, %mul3A_7 : i32
    %scan3A_9 = arith.constant 0 : i32
    %scan3A_10 = arith.constant 8 : i32
    %scan3A_11 = arith.addi %scan3A_9, %scan3A_10 : i32
    %scan3A_12 = arith.constant 1 : i32
    scf.for %scan3A_109 = %scan3A_9 to %scan3A_11 step %scan3A_12  : i32 {
      %mul3A_110 = arith.constant 80 : i32
      %mul3A_111 = arith.muli %scan3A_109, %mul3A_110 : i32
      %add3A_112 = arith.constant 0 : i32
      %add3A_113 = arith.addi %add3A_112, %mul3A_111 : i32
      %add3A_114 = arith.addi %mul3A_8, %add3A_113 : i32
      %dma_start3A_115 = arith.constant 0 : i32
      %dma_start3A_116 = tpu.memref_slice %arg18[%add3A_114, %dma_start3A_115] : memref<10240x128xf32, #tpu.memory_space<vmem_shared>> -> memref<80x128xf32, #tpu.memory_space<vmem_shared>>
      %dma_start3A_117 = arith.constant 0 : i32
      %dma_start3A_118 = tpu.memref_slice %arg18[%add3A_114, %dma_start3A_117] : memref<10240x128xf32, #tpu.memory_space<vmem_shared>> -> memref<80x128xf32, #tpu.memory_space<vmem_shared>>
      tpu.enqueue_dma source(%arg14 : memref<80x128xf32, #tpu.memory_space<vmem>>) target(%dma_start3A_118 : memref<80x128xf32, #tpu.memory_space<vmem_shared>>) target_semaphore(%arg23 : memref<!tpu.dma_semaphore, #tpu.memory_space<semaphore_mem>>)
    }
    %scan3A_13 = arith.constant 8 : i32
    %scan3A_14 = arith.constant 0 : i32
    %scan3A_15 = arith.constant 8 : i32
    %scan3A_16 = arith.addi %scan3A_14, %scan3A_15 : i32
    %scan3A_17 = arith.constant 1 : i32
    scf.for %scan3A_109 = %scan3A_14 to %scan3A_16 step %scan3A_17  : i32 {
      %mul3A_110 = arith.constant 80 : i32
      %mul3A_111 = arith.muli %scan3A_109, %mul3A_110 : i32
      %add3A_112 = arith.constant 0 : i32
      %add3A_113 = arith.addi %add3A_112, %mul3A_111 : i32
      %add3A_114 = arith.addi %mul3A_8, %add3A_113 : i32
      %dma_wait3A_115 = arith.constant 0 : i32
      %dma_wait3A_116 = tpu.memref_slice %arg18[%add3A_114, %dma_wait3A_115] : memref<10240x128xf32, #tpu.memory_space<vmem_shared>> -> memref<80x128xf32, #tpu.memory_space<vmem_shared>>
      %dma_wait3A_117 = arith.constant 0 : i32
      %dma_wait3A_118 = tpu.memref_slice %arg18[%add3A_114, %dma_wait3A_117] : memref<10240x128xf32, #tpu.memory_space<vmem_shared>> -> memref<80x128xf32, #tpu.memory_space<vmem_shared>>
      tpu.wait_dma2 semaphore(%arg23 : memref<!tpu.dma_semaphore, #tpu.memory_space<semaphore_mem>>) src(%arg14 : memref<80x128xf32, #tpu.memory_space<vmem>>) dst(%dma_wait3A_118 : memref<80x128xf32, #tpu.memory_space<vmem_shared>>)
    }
    %scan3A_18 = arith.constant 8 : i32
    %barrier3A = arith.constant 0 : index
    tpu.barrier barrier_id(%barrier3A)
    %add3A_19 = arith.constant 0 : i32
    %add3A_20 = arith.addi %mul3A_2, %add3A_19 : i32
    %dma_start3A = arith.constant 0 : i32
    %dma_start3A_21 = tpu.memref_slice %arg3[%add3A_20, %dma_start3A] : memref<4096x80xi32, #tpu.memory_space<hbm>> -> memref<8x80xi32, #tpu.memory_space<hbm>>
    %dma_start3A_22 = arith.constant 0 : i32
    %dma_start3A_23 = tpu.memref_slice %arg3[%add3A_20, %dma_start3A_22] : memref<4096x80xi32, #tpu.memory_space<hbm>> -> memref<8x80xi32, #tpu.memory_space<hbm>>
    tpu.enqueue_dma source(%dma_start3A_23 : memref<8x80xi32, #tpu.memory_space<hbm>>) target(%arg6 : memref<8x80xi32, #tpu.memory_space<vmem>>) target_semaphore(%arg19 : memref<!tpu.dma_semaphore, #tpu.memory_space<semaphore_mem>>)
    %add3A_24 = arith.constant 0 : i32
    %add3A_25 = arith.addi %mul3A_2, %add3A_24 : i32
    %dma_start3A_26 = arith.constant 0 : i32
    %dma_start3A_27 = tpu.memref_slice %arg4[%add3A_25, %dma_start3A_26] : memref<4096x80xi32, #tpu.memory_space<hbm>> -> memref<8x80xi32, #tpu.memory_space<hbm>>
    %dma_start3A_28 = arith.constant 0 : i32
    %dma_start3A_29 = tpu.memref_slice %arg4[%add3A_25, %dma_start3A_28] : memref<4096x80xi32, #tpu.memory_space<hbm>> -> memref<8x80xi32, #tpu.memory_space<hbm>>
    tpu.enqueue_dma source(%dma_start3A_29 : memref<8x80xi32, #tpu.memory_space<hbm>>) target(%arg10 : memref<8x80xi32, #tpu.memory_space<vmem>>) target_semaphore(%arg19 : memref<!tpu.dma_semaphore, #tpu.memory_space<semaphore_mem>>)
    %add3A_30 = arith.constant 8 : i32
    %add3A_31 = arith.addi %mul3A_2, %add3A_30 : i32
    %dma_start3A_32 = arith.constant 0 : i32
    %dma_start3A_33 = tpu.memref_slice %arg3[%add3A_31, %dma_start3A_32] : memref<4096x80xi32, #tpu.memory_space<hbm>> -> memref<8x80xi32, #tpu.memory_space<hbm>>
    %dma_start3A_34 = arith.constant 0 : i32
    %dma_start3A_35 = tpu.memref_slice %arg3[%add3A_31, %dma_start3A_34] : memref<4096x80xi32, #tpu.memory_space<hbm>> -> memref<8x80xi32, #tpu.memory_space<hbm>>
    tpu.enqueue_dma source(%dma_start3A_35 : memref<8x80xi32, #tpu.memory_space<hbm>>) target(%arg7 : memref<8x80xi32, #tpu.memory_space<vmem>>) target_semaphore(%arg20 : memref<!tpu.dma_semaphore, #tpu.memory_space<semaphore_mem>>)
    %add3A_36 = arith.constant 8 : i32
    %add3A_37 = arith.addi %mul3A_2, %add3A_36 : i32
    %dma_start3A_38 = arith.constant 0 : i32
    %dma_start3A_39 = tpu.memref_slice %arg4[%add3A_37, %dma_start3A_38] : memref<4096x80xi32, #tpu.memory_space<hbm>> -> memref<8x80xi32, #tpu.memory_space<hbm>>
    %dma_start3A_40 = arith.constant 0 : i32
    %dma_start3A_41 = tpu.memref_slice %arg4[%add3A_37, %dma_start3A_40] : memref<4096x80xi32, #tpu.memory_space<hbm>> -> memref<8x80xi32, #tpu.memory_space<hbm>>
    tpu.enqueue_dma source(%dma_start3A_41 : memref<8x80xi32, #tpu.memory_space<hbm>>) target(%arg11 : memref<8x80xi32, #tpu.memory_space<vmem>>) target_semaphore(%arg20 : memref<!tpu.dma_semaphore, #tpu.memory_space<semaphore_mem>>)
    %add3A_42 = arith.constant 16 : i32
    %add3A_43 = arith.addi %mul3A_2, %add3A_42 : i32
    %dma_start3A_44 = arith.constant 0 : i32
    %dma_start3A_45 = tpu.memref_slice %arg3[%add3A_43, %dma_start3A_44] : memref<4096x80xi32, #tpu.memory_space<hbm>> -> memref<8x80xi32, #tpu.memory_space<hbm>>
    %dma_start3A_46 = arith.constant 0 : i32
    %dma_start3A_47 = tpu.memref_slice %arg3[%add3A_43, %dma_start3A_46] : memref<4096x80xi32, #tpu.memory_space<hbm>> -> memref<8x80xi32, #tpu.memory_space<hbm>>
    tpu.enqueue_dma source(%dma_start3A_47 : memref<8x80xi32, #tpu.memory_space<hbm>>) target(%arg8 : memref<8x80xi32, #tpu.memory_space<vmem>>) target_semaphore(%arg21 : memref<!tpu.dma_semaphore, #tpu.memory_space<semaphore_mem>>)
    %add3A_48 = arith.constant 16 : i32
    %add3A_49 = arith.addi %mul3A_2, %add3A_48 : i32
    %dma_start3A_50 = arith.constant 0 : i32
    %dma_start3A_51 = tpu.memref_slice %arg4[%add3A_49, %dma_start3A_50] : memref<4096x80xi32, #tpu.memory_space<hbm>> -> memref<8x80xi32, #tpu.memory_space<hbm>>
    %dma_start3A_52 = arith.constant 0 : i32
    %dma_start3A_53 = tpu.memref_slice %arg4[%add3A_49, %dma_start3A_52] : memref<4096x80xi32, #tpu.memory_space<hbm>> -> memref<8x80xi32, #tpu.memory_space<hbm>>
    tpu.enqueue_dma source(%dma_start3A_53 : memref<8x80xi32, #tpu.memory_space<hbm>>) target(%arg12 : memref<8x80xi32, #tpu.memory_space<vmem>>) target_semaphore(%arg21 : memref<!tpu.dma_semaphore, #tpu.memory_space<semaphore_mem>>)
    %add3A_54 = arith.constant 0 : i32
    %add3A_55 = arith.addi %mul3A_2, %add3A_54 : i32
    %dma_wait3A = arith.constant 0 : i32
    %dma_wait3A_56 = tpu.memref_slice %arg3[%add3A_55, %dma_wait3A] : memref<4096x80xi32, #tpu.memory_space<hbm>> -> memref<8x80xi32, #tpu.memory_space<hbm>>
    %dma_wait3A_57 = arith.constant 0 : i32
    %dma_wait3A_58 = tpu.memref_slice %arg3[%add3A_55, %dma_wait3A_57] : memref<4096x80xi32, #tpu.memory_space<hbm>> -> memref<8x80xi32, #tpu.memory_space<hbm>>
    tpu.wait_dma2 semaphore(%arg19 : memref<!tpu.dma_semaphore, #tpu.memory_space<semaphore_mem>>) src(%dma_wait3A_58 : memref<8x80xi32, #tpu.memory_space<hbm>>) dst(%arg6 : memref<8x80xi32, #tpu.memory_space<vmem>>)
    %add3A_59 = arith.constant 0 : i32
    %add3A_60 = arith.addi %mul3A_2, %add3A_59 : i32
    %dma_wait3A_61 = arith.constant 0 : i32
    %dma_wait3A_62 = tpu.memref_slice %arg4[%add3A_60, %dma_wait3A_61] : memref<4096x80xi32, #tpu.memory_space<hbm>> -> memref<8x80xi32, #tpu.memory_space<hbm>>
    %dma_wait3A_63 = arith.constant 0 : i32
    %dma_wait3A_64 = tpu.memref_slice %arg4[%add3A_60, %dma_wait3A_63] : memref<4096x80xi32, #tpu.memory_space<hbm>> -> memref<8x80xi32, #tpu.memory_space<hbm>>
    tpu.wait_dma2 semaphore(%arg19 : memref<!tpu.dma_semaphore, #tpu.memory_space<semaphore_mem>>) src(%dma_wait3A_64 : memref<8x80xi32, #tpu.memory_space<hbm>>) dst(%arg10 : memref<8x80xi32, #tpu.memory_space<vmem>>)
    %dma_start3A_65 = arith.constant 0 : i32
    %dma_start3A_66 = arith.constant 0 : i32
    %dma_start3A_67 = tpu.memref_slice %arg6[%dma_start3A_65, %dma_start3A_66] : memref<8x80xi32, #tpu.memory_space<vmem>> -> memref<1x80xi32, #tpu.memory_space<vmem>>
    %dma_start3A_68 = tpu.memref_squeeze %dma_start3A_67 : memref<1x80xi32, #tpu.memory_space<vmem>> -> memref<80xi32, #tpu.memory_space<vmem>>
    %dma_start3A_69 = arith.constant 0 : i32
    %dma_start3A_70 = arith.constant 0 : i32
    %dma_start3A_71 = tpu.memref_slice %arg2[%dma_start3A_69, %dma_start3A_70] : memref<10240x128xf32, #tpu.memory_space<hbm>> -> memref<10240x128xf32, #tpu.memory_space<hbm>>
    tpu.enqueue_indirect_dma source(%dma_start3A_71 : memref<10240x128xf32, #tpu.memory_space<hbm>>) target(%arg14 : memref<80x128xf32, #tpu.memory_space<vmem>>) offsets(%dma_start3A_68 : memref<80xi32, #tpu.memory_space<vmem>>) semaphore(%arg23 : memref<!tpu.dma_semaphore, #tpu.memory_space<semaphore_mem>>)
    %dma_start3A_72 = arith.constant 1 : i32
    %dma_start3A_73 = arith.constant 0 : i32
    %dma_start3A_74 = tpu.memref_slice %arg6[%dma_start3A_72, %dma_start3A_73] : memref<8x80xi32, #tpu.memory_space<vmem>> -> memref<1x80xi32, #tpu.memory_space<vmem>>
    %dma_start3A_75 = tpu.memref_squeeze %dma_start3A_74 : memref<1x80xi32, #tpu.memory_space<vmem>> -> memref<80xi32, #tpu.memory_space<vmem>>
    %dma_start3A_76 = arith.constant 0 : i32
    %dma_start3A_77 = arith.constant 0 : i32
    %dma_start3A_78 = tpu.memref_slice %arg2[%dma_start3A_76, %dma_start3A_77] : memref<10240x128xf32, #tpu.memory_space<hbm>> -> memref<10240x128xf32, #tpu.memory_space<hbm>>
    tpu.enqueue_indirect_dma source(%dma_start3A_78 : memref<10240x128xf32, #tpu.memory_space<hbm>>) target(%arg15 : memref<80x128xf32, #tpu.memory_space<vmem>>) offsets(%dma_start3A_75 : memref<80xi32, #tpu.memory_space<vmem>>) semaphore(%arg24 : memref<!tpu.dma_semaphore, #tpu.memory_space<semaphore_mem>>)
    %dma_start3A_79 = arith.constant 2 : i32
    %dma_start3A_80 = arith.constant 0 : i32
    %dma_start3A_81 = tpu.memref_slice %arg6[%dma_start3A_79, %dma_start3A_80] : memref<8x80xi32, #tpu.memory_space<vmem>> -> memref<1x80xi32, #tpu.memory_space<vmem>>
    %dma_start3A_82 = tpu.memref_squeeze %dma_start3A_81 : memref<1x80xi32, #tpu.memory_space<vmem>> -> memref<80xi32, #tpu.memory_space<vmem>>
    %dma_start3A_83 = arith.constant 0 : i32
    %dma_start3A_84 = arith.constant 0 : i32
    %dma_start3A_85 = tpu.memref_slice %arg2[%dma_start3A_83, %dma_start3A_84] : memref<10240x128xf32, #tpu.memory_space<hbm>> -> memref<10240x128xf32, #tpu.memory_space<hbm>>
    tpu.enqueue_indirect_dma source(%dma_start3A_85 : memref<10240x128xf32, #tpu.memory_space<hbm>>) target(%arg16 : memref<80x128xf32, #tpu.memory_space<vmem>>) offsets(%dma_start3A_82 : memref<80xi32, #tpu.memory_space<vmem>>) semaphore(%arg25 : memref<!tpu.dma_semaphore, #tpu.memory_space<semaphore_mem>>)
    %scan3A_86 = arith.constant 0 : i32
    %scan3A_87 = arith.constant 4 : i32
    %scan3A_88 = arith.addi %scan3A_86, %scan3A_87 : i32
    %scan3A_89 = arith.constant 1 : i32
    scf.for %scan3A_109 = %scan3A_86 to %scan3A_88 step %scan3A_89  : i32 {
      %mul3A_110 = arith.constant 4 : i32
      %mul3A_111 = arith.muli %scan3A_109, %mul3A_110 : i32
      %add3A_112 = arith.constant 0 : i32
      %add3A_113 = arith.addi %add3A_112, %mul3A_111 : i32
      %add3A_114 = arith.constant 0 : i32
      %add3A_115 = arith.addi %add3A_113, %add3A_114 : i32
      %mul3A_116 = arith.constant 8 : i32
      %mul3A_117 = arith.muli %add3A_115, %mul3A_116 : i32
      %add3A_118 = arith.constant 0 : i32
      %add3A_119 = arith.addi %mul3A_117, %add3A_118 : i32
      %dma_wait3A_120 = arith.constant 0 : i32
      %dma_wait3A_121 = arith.constant 0 : i32
      %dma_wait3A_122 = tpu.memref_slice %arg6[%dma_wait3A_120, %dma_wait3A_121] : memref<8x80xi32, #tpu.memory_space<vmem>> -> memref<1x80xi32, #tpu.memory_space<vmem>>
      %dma_wait3A_123 = tpu.memref_squeeze %dma_wait3A_122 : memref<1x80xi32, #tpu.memory_space<vmem>> -> memref<80xi32, #tpu.memory_space<vmem>>
      %dma_wait3A_124 = arith.constant 0 : i32
      %dma_wait3A_125 = arith.constant 0 : i32
      %dma_wait3A_126 = tpu.memref_slice %arg2[%dma_wait3A_124, %dma_wait3A_125] : memref<10240x128xf32, #tpu.memory_space<hbm>> -> memref<10240x128xf32, #tpu.memory_space<hbm>>
      tpu.wait_indirect_dma semaphore(%arg23 : memref<!tpu.dma_semaphore, #tpu.memory_space<semaphore_mem>>) src(%dma_wait3A_126 : memref<10240x128xf32, #tpu.memory_space<hbm>>) dst(%arg14 : memref<80x128xf32, #tpu.memory_space<vmem>>)
      %dma_start3A_127 = arith.constant 0 : i32
      %dma_start3A_128 = arith.constant 0 : i32
      %dma_start3A_129 = tpu.memref_slice %arg10[%dma_start3A_127, %dma_start3A_128] : memref<8x80xi32, #tpu.memory_space<vmem>> -> memref<1x80xi32, #tpu.memory_space<vmem>>
      %dma_start3A_130 = tpu.memref_squeeze %dma_start3A_129 : memref<1x80xi32, #tpu.memory_space<vmem>> -> memref<80xi32, #tpu.memory_space<vmem>>
      %dma_start3A_131 = arith.constant 0 : i32
      %dma_start3A_132 = arith.constant 0 : i32
      %dma_start3A_133 = tpu.memref_slice %arg18[%dma_start3A_131, %dma_start3A_132] : memref<10240x128xf32, #tpu.memory_space<vmem_shared>> -> memref<10240x128xf32, #tpu.memory_space<vmem_shared>>
      tpu.enqueue_indirect_dma source(%arg14 : memref<80x128xf32, #tpu.memory_space<vmem>>) target(%dma_start3A_133 : memref<10240x128xf32, #tpu.memory_space<vmem_shared>>) offsets(%dma_start3A_130 : memref<80xi32, #tpu.memory_space<vmem>>) semaphore(%arg27 : memref<!tpu.dma_semaphore, #tpu.memory_space<semaphore_mem>>) {add = true}
      %gt3A = arith.constant 0 : i32
      %gt3A_134 = arith.cmpi sgt, %add3A_119, %gt3A : i32
      %convert_element_type3A = arith.extui %gt3A_134 : i1 to i32
      %cond3A = arith.constant 0 : i32
      %cond3A_135 = arith.cmpi ne, %convert_element_type3A, %cond3A : i32
      scf.if %cond3A_135 {
        %dma_wait3A_1162 = arith.constant 7 : i32
        %dma_wait3A_1163 = arith.constant 0 : i32
        %dma_wait3A_1164 = tpu.memref_slice %arg13[%dma_wait3A_1162, %dma_wait3A_1163] : memref<8x80xi32, #tpu.memory_space<vmem>> -> memref<1x80xi32, #tpu.memory_space<vmem>>
        %dma_wait3A_1165 = tpu.memref_squeeze %dma_wait3A_1164 : memref<1x80xi32, #tpu.memory_space<vmem>> -> memref<80xi32, #tpu.memory_space<vmem>>
        %dma_wait3A_1166 = arith.constant 0 : i32
        %dma_wait3A_1167 = arith.constant 0 : i32
        %dma_wait3A_1168 = tpu.memref_slice %arg18[%dma_wait3A_1166, %dma_wait3A_1167] : memref<10240x128xf32, #tpu.memory_space<vmem_shared>> -> memref<10240x128xf32, #tpu.memory_space<vmem_shared>>
        tpu.wait_indirect_dma semaphore(%arg30 : memref<!tpu.dma_semaphore, #tpu.memory_space<semaphore_mem>>) src(%arg17 : memref<80x128xf32, #tpu.memory_space<vmem>>) dst(%dma_wait3A_1168 : memref<10240x128xf32, #tpu.memory_space<vmem_shared>>)
      } else {
      }
      %dma_start3A_136 = arith.constant 3 : i32
      %dma_start3A_137 = arith.constant 0 : i32
      %dma_start3A_138 = tpu.memref_slice %arg6[%dma_start3A_136, %dma_start3A_137] : memref<8x80xi32, #tpu.memory_space<vmem>> -> memref<1x80xi32, #tpu.memory_space<vmem>>
      %dma_start3A_139 = tpu.memref_squeeze %dma_start3A_138 : memref<1x80xi32, #tpu.memory_space<vmem>> -> memref<80xi32, #tpu.memory_space<vmem>>
      %dma_start3A_140 = arith.constant 0 : i32
      %dma_start3A_141 = arith.constant 0 : i32
      %dma_start3A_142 = tpu.memref_slice %arg2[%dma_start3A_140, %dma_start3A_141] : memref<10240x128xf32, #tpu.memory_space<hbm>> -> memref<10240x128xf32, #tpu.memory_space<hbm>>
      tpu.enqueue_indirect_dma source(%dma_start3A_142 : memref<10240x128xf32, #tpu.memory_space<hbm>>) target(%arg17 : memref<80x128xf32, #tpu.memory_space<vmem>>) offsets(%dma_start3A_139 : memref<80xi32, #tpu.memory_space<vmem>>) semaphore(%arg26 : memref<!tpu.dma_semaphore, #tpu.memory_space<semaphore_mem>>)
      %add3A_143 = arith.constant 0 : i32
      %add3A_144 = arith.addi %add3A_113, %add3A_143 : i32
      %mul3A_145 = arith.constant 8 : i32
      %mul3A_146 = arith.muli %add3A_144, %mul3A_145 : i32
      %add3A_147 = arith.constant 1 : i32
      %add3A_148 = arith.addi %mul3A_146, %add3A_147 : i32
      %dma_wait3A_149 = arith.constant 1 : i32
      %dma_wait3A_150 = arith.constant 0 : i32
      %dma_wait3A_151 = tpu.memref_slice %arg6[%dma_wait3A_149, %dma_wait3A_150] : memref<8x80xi32, #tpu.memory_space<vmem>> -> memref<1x80xi32, #tpu.memory_space<vmem>>
      %dma_wait3A_152 = tpu.memref_squeeze %dma_wait3A_151 : memref<1x80xi32, #tpu.memory_space<vmem>> -> memref<80xi32, #tpu.memory_space<vmem>>
      %dma_wait3A_153 = arith.constant 0 : i32
      %dma_wait3A_154 = arith.constant 0 : i32
      %dma_wait3A_155 = tpu.memref_slice %arg2[%dma_wait3A_153, %dma_wait3A_154] : memref<10240x128xf32, #tpu.memory_space<hbm>> -> memref<10240x128xf32, #tpu.memory_space<hbm>>
      tpu.wait_indirect_dma semaphore(%arg24 : memref<!tpu.dma_semaphore, #tpu.memory_space<semaphore_mem>>) src(%dma_wait3A_155 : memref<10240x128xf32, #tpu.memory_space<hbm>>) dst(%arg15 : memref<80x128xf32, #tpu.memory_space<vmem>>)
      %dma_start3A_156 = arith.constant 1 : i32
      %dma_start3A_157 = arith.constant 0 : i32
      %dma_start3A_158 = tpu.memref_slice %arg10[%dma_start3A_156, %dma_start3A_157] : memref<8x80xi32, #tpu.memory_space<vmem>> -> memref<1x80xi32, #tpu.memory_space<vmem>>
      %dma_start3A_159 = tpu.memref_squeeze %dma_start3A_158 : memref<1x80xi32, #tpu.memory_space<vmem>> -> memref<80xi32, #tpu.memory_space<vmem>>
      %dma_start3A_160 = arith.constant 0 : i32
      %dma_start3A_161 = arith.constant 0 : i32
      %dma_start3A_162 = tpu.memref_slice %arg18[%dma_start3A_160, %dma_start3A_161] : memref<10240x128xf32, #tpu.memory_space<vmem_shared>> -> memref<10240x128xf32, #tpu.memory_space<vmem_shared>>
      tpu.enqueue_indirect_dma source(%arg15 : memref<80x128xf32, #tpu.memory_space<vmem>>) target(%dma_start3A_162 : memref<10240x128xf32, #tpu.memory_space<vmem_shared>>) offsets(%dma_start3A_159 : memref<80xi32, #tpu.memory_space<vmem>>) semaphore(%arg28 : memref<!tpu.dma_semaphore, #tpu.memory_space<semaphore_mem>>) {add = true}
      %gt3A_163 = arith.constant 0 : i32
      %gt3A_164 = arith.cmpi sgt, %add3A_148, %gt3A_163 : i32
      %convert_element_type3A_165 = arith.extui %gt3A_164 : i1 to i32
      %cond3A_166 = arith.constant 0 : i32
      %cond3A_167 = arith.cmpi ne, %convert_element_type3A_165, %cond3A_166 : i32
      scf.if %cond3A_167 {
        %dma_wait3A_1162 = arith.constant 0 : i32
        %dma_wait3A_1163 = arith.constant 0 : i32
        %dma_wait3A_1164 = tpu.memref_slice %arg10[%dma_wait3A_1162, %dma_wait3A_1163] : memref<8x80xi32, #tpu.memory_space<vmem>> -> memref<1x80xi32, #tpu.memory_space<vmem>>
        %dma_wait3A_1165 = tpu.memref_squeeze %dma_wait3A_1164 : memref<1x80xi32, #tpu.memory_space<vmem>> -> memref<80xi32, #tpu.memory_space<vmem>>
        %dma_wait3A_1166 = arith.constant 0 : i32
        %dma_wait3A_1167 = arith.constant 0 : i32
        %dma_wait3A_1168 = tpu.memref_slice %arg18[%dma_wait3A_1166, %dma_wait3A_1167] : memref<10240x128xf32, #tpu.memory_space<vmem_shared>> -> memref<10240x128xf32, #tpu.memory_space<vmem_shared>>
        tpu.wait_indirect_dma semaphore(%arg27 : memref<!tpu.dma_semaphore, #tpu.memory_space<semaphore_mem>>) src(%arg14 : memref<80x128xf32, #tpu.memory_space<vmem>>) dst(%dma_wait3A_1168 : memref<10240x128xf32, #tpu.memory_space<vmem_shared>>)
      } else {
      }
      %dma_start3A_168 = arith.constant 4 : i32
      %dma_start3A_169 = arith.constant 0 : i32
      %dma_start3A_170 = tpu.memref_slice %arg6[%dma_start3A_168, %dma_start3A_169] : memref<8x80xi32, #tpu.memory_space<vmem>> -> memref<1x80xi32, #tpu.memory_space<vmem>>
      %dma_start3A_171 = tpu.memref_squeeze %dma_start3A_170 : memref<1x80xi32, #tpu.memory_space<vmem>> -> memref<80xi32, #tpu.memory_space<vmem>>
      %dma_start3A_172 = arith.constant 0 : i32
      %dma_start3A_173 = arith.constant 0 : i32
      %dma_start3A_174 = tpu.memref_slice %arg2[%dma_start3A_172, %dma_start3A_173] : memref<10240x128xf32, #tpu.memory_space<hbm>> -> memref<10240x128xf32, #tpu.memory_space<hbm>>
      tpu.enqueue_indirect_dma source(%dma_start3A_174 : memref<10240x128xf32, #tpu.memory_space<hbm>>) target(%arg14 : memref<80x128xf32, #tpu.memory_space<vmem>>) offsets(%dma_start3A_171 : memref<80xi32, #tpu.memory_space<vmem>>) semaphore(%arg23 : memref<!tpu.dma_semaphore, #tpu.memory_space<semaphore_mem>>)
      %add3A_175 = arith.constant 0 : i32
      %add3A_176 = arith.addi %add3A_113, %add3A_175 : i32
      %mul3A_177 = arith.constant 8 : i32
      %mul3A_178 = arith.muli %add3A_176, %mul3A_177 : i32
      %add3A_179 = arith.constant 2 : i32
      %add3A_180 = arith.addi %mul3A_178, %add3A_179 : i32
      %dma_wait3A_181 = arith.constant 2 : i32
      %dma_wait3A_182 = arith.constant 0 : i32
      %dma_wait3A_183 = tpu.memref_slice %arg6[%dma_wait3A_181, %dma_wait3A_182] : memref<8x80xi32, #tpu.memory_space<vmem>> -> memref<1x80xi32, #tpu.memory_space<vmem>>
      %dma_wait3A_184 = tpu.memref_squeeze %dma_wait3A_183 : memref<1x80xi32, #tpu.memory_space<vmem>> -> memref<80xi32, #tpu.memory_space<vmem>>
      %dma_wait3A_185 = arith.constant 0 : i32
      %dma_wait3A_186 = arith.constant 0 : i32
      %dma_wait3A_187 = tpu.memref_slice %arg2[%dma_wait3A_185, %dma_wait3A_186] : memref<10240x128xf32, #tpu.memory_space<hbm>> -> memref<10240x128xf32, #tpu.memory_space<hbm>>
      tpu.wait_indirect_dma semaphore(%arg25 : memref<!tpu.dma_semaphore, #tpu.memory_space<semaphore_mem>>) src(%dma_wait3A_187 : memref<10240x128xf32, #tpu.memory_space<hbm>>) dst(%arg16 : memref<80x128xf32, #tpu.memory_space<vmem>>)
      %dma_start3A_188 = arith.constant 2 : i32
      %dma_start3A_189 = arith.constant 0 : i32
      %dma_start3A_190 = tpu.memref_slice %arg10[%dma_start3A_188, %dma_start3A_189] : memref<8x80xi32, #tpu.memory_space<vmem>> -> memref<1x80xi32, #tpu.memory_space<vmem>>
      %dma_start3A_191 = tpu.memref_squeeze %dma_start3A_190 : memref<1x80xi32, #tpu.memory_space<vmem>> -> memref<80xi32, #tpu.memory_space<vmem>>
      %dma_start3A_192 = arith.constant 0 : i32
      %dma_start3A_193 = arith.constant 0 : i32
      %dma_start3A_194 = tpu.memref_slice %arg18[%dma_start3A_192, %dma_start3A_193] : memref<10240x128xf32, #tpu.memory_space<vmem_shared>> -> memref<10240x128xf32, #tpu.memory_space<vmem_shared>>
      tpu.enqueue_indirect_dma source(%arg16 : memref<80x128xf32, #tpu.memory_space<vmem>>) target(%dma_start3A_194 : memref<10240x128xf32, #tpu.memory_space<vmem_shared>>) offsets(%dma_start3A_191 : memref<80xi32, #tpu.memory_space<vmem>>) semaphore(%arg29 : memref<!tpu.dma_semaphore, #tpu.memory_space<semaphore_mem>>) {add = true}
      %gt3A_195 = arith.constant 0 : i32
      %gt3A_196 = arith.cmpi sgt, %add3A_180, %gt3A_195 : i32
      %convert_element_type3A_197 = arith.extui %gt3A_196 : i1 to i32
      %cond3A_198 = arith.constant 0 : i32
      %cond3A_199 = arith.cmpi ne, %convert_element_type3A_197, %cond3A_198 : i32
      scf.if %cond3A_199 {
        %dma_wait3A_1162 = arith.constant 1 : i32
        %dma_wait3A_1163 = arith.constant 0 : i32
        %dma_wait3A_1164 = tpu.memref_slice %arg10[%dma_wait3A_1162, %dma_wait3A_1163] : memref<8x80xi32, #tpu.memory_space<vmem>> -> memref<1x80xi32, #tpu.memory_space<vmem>>
        %dma_wait3A_1165 = tpu.memref_squeeze %dma_wait3A_1164 : memref<1x80xi32, #tpu.memory_space<vmem>> -> memref<80xi32, #tpu.memory_space<vmem>>
        %dma_wait3A_1166 = arith.constant 0 : i32
        %dma_wait3A_1167 = arith.constant 0 : i32
        %dma_wait3A_1168 = tpu.memref_slice %arg18[%dma_wait3A_1166, %dma_wait3A_1167] : memref<10240x128xf32, #tpu.memory_space<vmem_shared>> -> memref<10240x128xf32, #tpu.memory_space<vmem_shared>>
        tpu.wait_indirect_dma semaphore(%arg28 : memref<!tpu.dma_semaphore, #tpu.memory_space<semaphore_mem>>) src(%arg15 : memref<80x128xf32, #tpu.memory_space<vmem>>) dst(%dma_wait3A_1168 : memref<10240x128xf32, #tpu.memory_space<vmem_shared>>)
      } else {
      }
      %add3A_200 = arith.constant 3 : i32
      %add3A_201 = arith.addi %add3A_176, %add3A_200 : i32
      %lt3A = arith.constant 16 : i32
      %lt3A_202 = arith.cmpi slt, %add3A_201, %lt3A : i32
      %convert_element_type3A_203 = arith.extui %lt3A_202 : i1 to i32
      %cond3A_204 = arith.constant 0 : i32
      %cond3A_205 = arith.cmpi ne, %convert_element_type3A_203, %cond3A_204 : i32
      scf.if %cond3A_205 {
        %add3A_1162 = arith.constant 3 : i32
        %add3A_1163 = arith.addi %add3A_176, %add3A_1162 : i32
        %mul3A_1164 = arith.constant 8 : i32
        %mul3A_1165 = arith.muli %add3A_1163, %mul3A_1164 : i32
        %add3A_1166 = arith.addi %mul3A_2, %mul3A_1165 : i32
        %dma_start3A_1167 = arith.constant 0 : i32
        %dma_start3A_1168 = tpu.memref_slice %arg3[%add3A_1166, %dma_start3A_1167] : memref<4096x80xi32, #tpu.memory_space<hbm>> -> memref<8x80xi32, #tpu.memory_space<hbm>>
        %dma_start3A_1169 = arith.constant 0 : i32
        %dma_start3A_1170 = tpu.memref_slice %arg3[%add3A_1166, %dma_start3A_1169] : memref<4096x80xi32, #tpu.memory_space<hbm>> -> memref<8x80xi32, #tpu.memory_space<hbm>>
        tpu.enqueue_dma source(%dma_start3A_1170 : memref<8x80xi32, #tpu.memory_space<hbm>>) target(%arg9 : memref<8x80xi32, #tpu.memory_space<vmem>>) target_semaphore(%arg22 : memref<!tpu.dma_semaphore, #tpu.memory_space<semaphore_mem>>)
        %mul3A_1171 = arith.constant 8 : i32
        %mul3A_1172 = arith.muli %add3A_1163, %mul3A_1171 : i32
        %add3A_1173 = arith.addi %mul3A_2, %mul3A_1172 : i32
        %dma_start3A_1174 = arith.constant 0 : i32
        %dma_start3A_1175 = tpu.memref_slice %arg4[%add3A_1173, %dma_start3A_1174] : memref<4096x80xi32, #tpu.memory_space<hbm>> -> memref<8x80xi32, #tpu.memory_space<hbm>>
        %dma_start3A_1176 = arith.constant 0 : i32
        %dma_start3A_1177 = tpu.memref_slice %arg4[%add3A_1173, %dma_start3A_1176] : memref<4096x80xi32, #tpu.memory_space<hbm>> -> memref<8x80xi32, #tpu.memory_space<hbm>>
        tpu.enqueue_dma source(%dma_start3A_1177 : memref<8x80xi32, #tpu.memory_space<hbm>>) target(%arg13 : memref<8x80xi32, #tpu.memory_space<vmem>>) target_semaphore(%arg22 : memref<!tpu.dma_semaphore, #tpu.memory_space<semaphore_mem>>)
      } else {
      }
      %dma_start3A_206 = arith.constant 5 : i32
      %dma_start3A_207 = arith.constant 0 : i32
      %dma_start3A_208 = tpu.memref_slice %arg6[%dma_start3A_206, %dma_start3A_207] : memref<8x80xi32, #tpu.memory_space<vmem>> -> memref<1x80xi32, #tpu.memory_space<vmem>>
      %dma_start3A_209 = tpu.memref_squeeze %dma_start3A_208 : memref<1x80xi32, #tpu.memory_space<vmem>> -> memref<80xi32, #tpu.memory_space<vmem>>
      %dma_start3A_210 = arith.constant 0 : i32
      %dma_start3A_211 = arith.constant 0 : i32
      %dma_start3A_212 = tpu.memref_slice %arg2[%dma_start3A_210, %dma_start3A_211] : memref<10240x128xf32, #tpu.memory_space<hbm>> -> memref<10240x128xf32, #tpu.memory_space<hbm>>
      tpu.enqueue_indirect_dma source(%dma_start3A_212 : memref<10240x128xf32, #tpu.memory_space<hbm>>) target(%arg15 : memref<80x128xf32, #tpu.memory_space<vmem>>) offsets(%dma_start3A_209 : memref<80xi32, #tpu.memory_space<vmem>>) semaphore(%arg24 : memref<!tpu.dma_semaphore, #tpu.memory_space<semaphore_mem>>)
      %add3A_213 = arith.constant 0 : i32
      %add3A_214 = arith.addi %add3A_113, %add3A_213 : i32
      %mul3A_215 = arith.constant 8 : i32
      %mul3A_216 = arith.muli %add3A_214, %mul3A_215 : i32
      %add3A_217 = arith.constant 3 : i32
      %add3A_218 = arith.addi %mul3A_216, %add3A_217 : i32
      %dma_wait3A_219 = arith.constant 3 : i32
      %dma_wait3A_220 = arith.constant 0 : i32
      %dma_wait3A_221 = tpu.memref_slice %arg6[%dma_wait3A_219, %dma_wait3A_220] : memref<8x80xi32, #tpu.memory_space<vmem>> -> memref<1x80xi32, #tpu.memory_space<vmem>>
      %dma_wait3A_222 = tpu.memref_squeeze %dma_wait3A_221 : memref<1x80xi32, #tpu.memory_space<vmem>> -> memref<80xi32, #tpu.memory_space<vmem>>
      %dma_wait3A_223 = arith.constant 0 : i32
      %dma_wait3A_224 = arith.constant 0 : i32
      %dma_wait3A_225 = tpu.memref_slice %arg2[%dma_wait3A_223, %dma_wait3A_224] : memref<10240x128xf32, #tpu.memory_space<hbm>> -> memref<10240x128xf32, #tpu.memory_space<hbm>>
      tpu.wait_indirect_dma semaphore(%arg26 : memref<!tpu.dma_semaphore, #tpu.memory_space<semaphore_mem>>) src(%dma_wait3A_225 : memref<10240x128xf32, #tpu.memory_space<hbm>>) dst(%arg17 : memref<80x128xf32, #tpu.memory_space<vmem>>)
      %dma_start3A_226 = arith.constant 3 : i32
      %dma_start3A_227 = arith.constant 0 : i32
      %dma_start3A_228 = tpu.memref_slice %arg10[%dma_start3A_226, %dma_start3A_227] : memref<8x80xi32, #tpu.memory_space<vmem>> -> memref<1x80xi32, #tpu.memory_space<vmem>>
      %dma_start3A_229 = tpu.memref_squeeze %dma_start3A_228 : memref<1x80xi32, #tpu.memory_space<vmem>> -> memref<80xi32, #tpu.memory_space<vmem>>
      %dma_start3A_230 = arith.constant 0 : i32
      %dma_start3A_231 = arith.constant 0 : i32
      %dma_start3A_232 = tpu.memref_slice %arg18[%dma_start3A_230, %dma_start3A_231] : memref<10240x128xf32, #tpu.memory_space<vmem_shared>> -> memref<10240x128xf32, #tpu.memory_space<vmem_shared>>
      tpu.enqueue_indirect_dma source(%arg17 : memref<80x128xf32, #tpu.memory_space<vmem>>) target(%dma_start3A_232 : memref<10240x128xf32, #tpu.memory_space<vmem_shared>>) offsets(%dma_start3A_229 : memref<80xi32, #tpu.memory_space<vmem>>) semaphore(%arg30 : memref<!tpu.dma_semaphore, #tpu.memory_space<semaphore_mem>>) {add = true}
      %gt3A_233 = arith.constant 0 : i32
      %gt3A_234 = arith.cmpi sgt, %add3A_218, %gt3A_233 : i32
      %convert_element_type3A_235 = arith.extui %gt3A_234 : i1 to i32
      %cond3A_236 = arith.constant 0 : i32
      %cond3A_237 = arith.cmpi ne, %convert_element_type3A_235, %cond3A_236 : i32
      scf.if %cond3A_237 {
        %dma_wait3A_1162 = arith.constant 2 : i32
        %dma_wait3A_1163 = arith.constant 0 : i32
        %dma_wait3A_1164 = tpu.memref_slice %arg10[%dma_wait3A_1162, %dma_wait3A_1163] : memref<8x80xi32, #tpu.memory_space<vmem>> -> memref<1x80xi32, #tpu.memory_space<vmem>>
        %dma_wait3A_1165 = tpu.memref_squeeze %dma_wait3A_1164 : memref<1x80xi32, #tpu.memory_space<vmem>> -> memref<80xi32, #tpu.memory_space<vmem>>
        %dma_wait3A_1166 = arith.constant 0 : i32
        %dma_wait3A_1167 = arith.constant 0 : i32
        %dma_wait3A_1168 = tpu.memref_slice %arg18[%dma_wait3A_1166, %dma_wait3A_1167] : memref<10240x128xf32, #tpu.memory_space<vmem_shared>> -> memref<10240x128xf32, #tpu.memory_space<vmem_shared>>
        tpu.wait_indirect_dma semaphore(%arg29 : memref<!tpu.dma_semaphore, #tpu.memory_space<semaphore_mem>>) src(%arg16 : memref<80x128xf32, #tpu.memory_space<vmem>>) dst(%dma_wait3A_1168 : memref<10240x128xf32, #tpu.memory_space<vmem_shared>>)
      } else {
      }
      %dma_start3A_238 = arith.constant 6 : i32
      %dma_start3A_239 = arith.constant 0 : i32
      %dma_start3A_240 = tpu.memref_slice %arg6[%dma_start3A_238, %dma_start3A_239] : memref<8x80xi32, #tpu.memory_space<vmem>> -> memref<1x80xi32, #tpu.memory_space<vmem>>
      %dma_start3A_241 = tpu.memref_squeeze %dma_start3A_240 : memref<1x80xi32, #tpu.memory_space<vmem>> -> memref<80xi32, #tpu.memory_space<vmem>>
      %dma_start3A_242 = arith.constant 0 : i32
      %dma_start3A_243 = arith.constant 0 : i32
      %dma_start3A_244 = tpu.memref_slice %arg2[%dma_start3A_242, %dma_start3A_243] : memref<10240x128xf32, #tpu.memory_space<hbm>> -> memref<10240x128xf32, #tpu.memory_space<hbm>>
      tpu.enqueue_indirect_dma source(%dma_start3A_244 : memref<10240x128xf32, #tpu.memory_space<hbm>>) target(%arg16 : memref<80x128xf32, #tpu.memory_space<vmem>>) offsets(%dma_start3A_241 : memref<80xi32, #tpu.memory_space<vmem>>) semaphore(%arg25 : memref<!tpu.dma_semaphore, #tpu.memory_space<semaphore_mem>>)
      %add3A_245 = arith.constant 0 : i32
      %add3A_246 = arith.addi %add3A_113, %add3A_245 : i32
      %mul3A_247 = arith.constant 8 : i32
      %mul3A_248 = arith.muli %add3A_246, %mul3A_247 : i32
      %add3A_249 = arith.constant 4 : i32
      %add3A_250 = arith.addi %mul3A_248, %add3A_249 : i32
      %dma_wait3A_251 = arith.constant 4 : i32
      %dma_wait3A_252 = arith.constant 0 : i32
      %dma_wait3A_253 = tpu.memref_slice %arg6[%dma_wait3A_251, %dma_wait3A_252] : memref<8x80xi32, #tpu.memory_space<vmem>> -> memref<1x80xi32, #tpu.memory_space<vmem>>
      %dma_wait3A_254 = tpu.memref_squeeze %dma_wait3A_253 : memref<1x80xi32, #tpu.memory_space<vmem>> -> memref<80xi32, #tpu.memory_space<vmem>>
      %dma_wait3A_255 = arith.constant 0 : i32
      %dma_wait3A_256 = arith.constant 0 : i32
      %dma_wait3A_257 = tpu.memref_slice %arg2[%dma_wait3A_255, %dma_wait3A_256] : memref<10240x128xf32, #tpu.memory_space<hbm>> -> memref<10240x128xf32, #tpu.memory_space<hbm>>
      tpu.wait_indirect_dma semaphore(%arg23 : memref<!tpu.dma_semaphore, #tpu.memory_space<semaphore_mem>>) src(%dma_wait3A_257 : memref<10240x128xf32, #tpu.memory_space<hbm>>) dst(%arg14 : memref<80x128xf32, #tpu.memory_space<vmem>>)
      %dma_start3A_258 = arith.constant 4 : i32
      %dma_start3A_259 = arith.constant 0 : i32
      %dma_start3A_260 = tpu.memref_slice %arg10[%dma_start3A_258, %dma_start3A_259] : memref<8x80xi32, #tpu.memory_space<vmem>> -> memref<1x80xi32, #tpu.memory_space<vmem>>
      %dma_start3A_261 = tpu.memref_squeeze %dma_start3A_260 : memref<1x80xi32, #tpu.memory_space<vmem>> -> memref<80xi32, #tpu.memory_space<vmem>>
      %dma_start3A_262 = arith.constant 0 : i32
      %dma_start3A_263 = arith.constant 0 : i32
      %dma_start3A_264 = tpu.memref_slice %arg18[%dma_start3A_262, %dma_start3A_263] : memref<10240x128xf32, #tpu.memory_space<vmem_shared>> -> memref<10240x128xf32, #tpu.memory_space<vmem_shared>>
      tpu.enqueue_indirect_dma source(%arg14 : memref<80x128xf32, #tpu.memory_space<vmem>>) target(%dma_start3A_264 : memref<10240x128xf32, #tpu.memory_space<vmem_shared>>) offsets(%dma_start3A_261 : memref<80xi32, #tpu.memory_space<vmem>>) semaphore(%arg27 : memref<!tpu.dma_semaphore, #tpu.memory_space<semaphore_mem>>) {add = true}
      %gt3A_265 = arith.constant 0 : i32
      %gt3A_266 = arith.cmpi sgt, %add3A_250, %gt3A_265 : i32
      %convert_element_type3A_267 = arith.extui %gt3A_266 : i1 to i32
      %cond3A_268 = arith.constant 0 : i32
      %cond3A_269 = arith.cmpi ne, %convert_element_type3A_267, %cond3A_268 : i32
      scf.if %cond3A_269 {
        %dma_wait3A_1162 = arith.constant 3 : i32
        %dma_wait3A_1163 = arith.constant 0 : i32
        %dma_wait3A_1164 = tpu.memref_slice %arg10[%dma_wait3A_1162, %dma_wait3A_1163] : memref<8x80xi32, #tpu.memory_space<vmem>> -> memref<1x80xi32, #tpu.memory_space<vmem>>
        %dma_wait3A_1165 = tpu.memref_squeeze %dma_wait3A_1164 : memref<1x80xi32, #tpu.memory_space<vmem>> -> memref<80xi32, #tpu.memory_space<vmem>>
        %dma_wait3A_1166 = arith.constant 0 : i32
        %dma_wait3A_1167 = arith.constant 0 : i32
        %dma_wait3A_1168 = tpu.memref_slice %arg18[%dma_wait3A_1166, %dma_wait3A_1167] : memref<10240x128xf32, #tpu.memory_space<vmem_shared>> -> memref<10240x128xf32, #tpu.memory_space<vmem_shared>>
        tpu.wait_indirect_dma semaphore(%arg30 : memref<!tpu.dma_semaphore, #tpu.memory_space<semaphore_mem>>) src(%arg17 : memref<80x128xf32, #tpu.memory_space<vmem>>) dst(%dma_wait3A_1168 : memref<10240x128xf32, #tpu.memory_space<vmem_shared>>)
      } else {
      }
      %dma_start3A_270 = arith.constant 7 : i32
      %dma_start3A_271 = arith.constant 0 : i32
      %dma_start3A_272 = tpu.memref_slice %arg6[%dma_start3A_270, %dma_start3A_271] : memref<8x80xi32, #tpu.memory_space<vmem>> -> memref<1x80xi32, #tpu.memory_space<vmem>>
      %dma_start3A_273 = tpu.memref_squeeze %dma_start3A_272 : memref<1x80xi32, #tpu.memory_space<vmem>> -> memref<80xi32, #tpu.memory_space<vmem>>
      %dma_start3A_274 = arith.constant 0 : i32
      %dma_start3A_275 = arith.constant 0 : i32
      %dma_start3A_276 = tpu.memref_slice %arg2[%dma_start3A_274, %dma_start3A_275] : memref<10240x128xf32, #tpu.memory_space<hbm>> -> memref<10240x128xf32, #tpu.memory_space<hbm>>
      tpu.enqueue_indirect_dma source(%dma_start3A_276 : memref<10240x128xf32, #tpu.memory_space<hbm>>) target(%arg17 : memref<80x128xf32, #tpu.memory_space<vmem>>) offsets(%dma_start3A_273 : memref<80xi32, #tpu.memory_space<vmem>>) semaphore(%arg26 : memref<!tpu.dma_semaphore, #tpu.memory_space<semaphore_mem>>)
      %add3A_277 = arith.constant 0 : i32
      %add3A_278 = arith.addi %add3A_113, %add3A_277 : i32
      %mul3A_279 = arith.constant 8 : i32
      %mul3A_280 = arith.muli %add3A_278, %mul3A_279 : i32
      %add3A_281 = arith.constant 5 : i32
      %add3A_282 = arith.addi %mul3A_280, %add3A_281 : i32
      %dma_wait3A_283 = arith.constant 5 : i32
      %dma_wait3A_284 = arith.constant 0 : i32
      %dma_wait3A_285 = tpu.memref_slice %arg6[%dma_wait3A_283, %dma_wait3A_284] : memref<8x80xi32, #tpu.memory_space<vmem>> -> memref<1x80xi32, #tpu.memory_space<vmem>>
      %dma_wait3A_286 = tpu.memref_squeeze %dma_wait3A_285 : memref<1x80xi32, #tpu.memory_space<vmem>> -> memref<80xi32, #tpu.memory_space<vmem>>
      %dma_wait3A_287 = arith.constant 0 : i32
      %dma_wait3A_288 = arith.constant 0 : i32
      %dma_wait3A_289 = tpu.memref_slice %arg2[%dma_wait3A_287, %dma_wait3A_288] : memref<10240x128xf32, #tpu.memory_space<hbm>> -> memref<10240x128xf32, #tpu.memory_space<hbm>>
      tpu.wait_indirect_dma semaphore(%arg24 : memref<!tpu.dma_semaphore, #tpu.memory_space<semaphore_mem>>) src(%dma_wait3A_289 : memref<10240x128xf32, #tpu.memory_space<hbm>>) dst(%arg15 : memref<80x128xf32, #tpu.memory_space<vmem>>)
      %dma_start3A_290 = arith.constant 5 : i32
      %dma_start3A_291 = arith.constant 0 : i32
      %dma_start3A_292 = tpu.memref_slice %arg10[%dma_start3A_290, %dma_start3A_291] : memref<8x80xi32, #tpu.memory_space<vmem>> -> memref<1x80xi32, #tpu.memory_space<vmem>>
      %dma_start3A_293 = tpu.memref_squeeze %dma_start3A_292 : memref<1x80xi32, #tpu.memory_space<vmem>> -> memref<80xi32, #tpu.memory_space<vmem>>
      %dma_start3A_294 = arith.constant 0 : i32
      %dma_start3A_295 = arith.constant 0 : i32
      %dma_start3A_296 = tpu.memref_slice %arg18[%dma_start3A_294, %dma_start3A_295] : memref<10240x128xf32, #tpu.memory_space<vmem_shared>> -> memref<10240x128xf32, #tpu.memory_space<vmem_shared>>
      tpu.enqueue_indirect_dma source(%arg15 : memref<80x128xf32, #tpu.memory_space<vmem>>) target(%dma_start3A_296 : memref<10240x128xf32, #tpu.memory_space<vmem_shared>>) offsets(%dma_start3A_293 : memref<80xi32, #tpu.memory_space<vmem>>) semaphore(%arg28 : memref<!tpu.dma_semaphore, #tpu.memory_space<semaphore_mem>>) {add = true}
      %gt3A_297 = arith.constant 0 : i32
      %gt3A_298 = arith.cmpi sgt, %add3A_282, %gt3A_297 : i32
      %convert_element_type3A_299 = arith.extui %gt3A_298 : i1 to i32
      %cond3A_300 = arith.constant 0 : i32
      %cond3A_301 = arith.cmpi ne, %convert_element_type3A_299, %cond3A_300 : i32
      scf.if %cond3A_301 {
        %dma_wait3A_1162 = arith.constant 4 : i32
        %dma_wait3A_1163 = arith.constant 0 : i32
        %dma_wait3A_1164 = tpu.memref_slice %arg10[%dma_wait3A_1162, %dma_wait3A_1163] : memref<8x80xi32, #tpu.memory_space<vmem>> -> memref<1x80xi32, #tpu.memory_space<vmem>>
        %dma_wait3A_1165 = tpu.memref_squeeze %dma_wait3A_1164 : memref<1x80xi32, #tpu.memory_space<vmem>> -> memref<80xi32, #tpu.memory_space<vmem>>
        %dma_wait3A_1166 = arith.constant 0 : i32
        %dma_wait3A_1167 = arith.constant 0 : i32
        %dma_wait3A_1168 = tpu.memref_slice %arg18[%dma_wait3A_1166, %dma_wait3A_1167] : memref<10240x128xf32, #tpu.memory_space<vmem_shared>> -> memref<10240x128xf32, #tpu.memory_space<vmem_shared>>
        tpu.wait_indirect_dma semaphore(%arg27 : memref<!tpu.dma_semaphore, #tpu.memory_space<semaphore_mem>>) src(%arg14 : memref<80x128xf32, #tpu.memory_space<vmem>>) dst(%dma_wait3A_1168 : memref<10240x128xf32, #tpu.memory_space<vmem_shared>>)
      } else {
      }
      %add3A_302 = arith.constant 1 : i32
      %add3A_303 = arith.addi %add3A_278, %add3A_302 : i32
      %lt3A_304 = arith.constant 16 : i32
      %lt3A_305 = arith.cmpi slt, %add3A_303, %lt3A_304 : i32
      %convert_element_type3A_306 = arith.extui %lt3A_305 : i1 to i32
      %cond3A_307 = arith.constant 0 : i32
      %cond3A_308 = arith.cmpi ne, %convert_element_type3A_306, %cond3A_307 : i32
      scf.if %cond3A_308 {
        %add3A_1162 = arith.constant 1 : i32
        %add3A_1163 = arith.addi %add3A_278, %add3A_1162 : i32
        %mul3A_1164 = arith.constant 8 : i32
        %mul3A_1165 = arith.muli %add3A_1163, %mul3A_1164 : i32
        %add3A_1166 = arith.addi %mul3A_2, %mul3A_1165 : i32
        %dma_wait3A_1167 = arith.constant 0 : i32
        %dma_wait3A_1168 = tpu.memref_slice %arg3[%add3A_1166, %dma_wait3A_1167] : memref<4096x80xi32, #tpu.memory_space<hbm>> -> memref<8x80xi32, #tpu.memory_space<hbm>>
        %dma_wait3A_1169 = arith.constant 0 : i32
        %dma_wait3A_1170 = tpu.memref_slice %arg3[%add3A_1166, %dma_wait3A_1169] : memref<4096x80xi32, #tpu.memory_space<hbm>> -> memref<8x80xi32, #tpu.memory_space<hbm>>
        tpu.wait_dma2 semaphore(%arg20 : memref<!tpu.dma_semaphore, #tpu.memory_space<semaphore_mem>>) src(%dma_wait3A_1170 : memref<8x80xi32, #tpu.memory_space<hbm>>) dst(%arg7 : memref<8x80xi32, #tpu.memory_space<vmem>>)
        %mul3A_1171 = arith.constant 8 : i32
        %mul3A_1172 = arith.muli %add3A_1163, %mul3A_1171 : i32
        %add3A_1173 = arith.addi %mul3A_2, %mul3A_1172 : i32
        %dma_wait3A_1174 = arith.constant 0 : i32
        %dma_wait3A_1175 = tpu.memref_slice %arg4[%add3A_1173, %dma_wait3A_1174] : memref<4096x80xi32, #tpu.memory_space<hbm>> -> memref<8x80xi32, #tpu.memory_space<hbm>>
        %dma_wait3A_1176 = arith.constant 0 : i32
        %dma_wait3A_1177 = tpu.memref_slice %arg4[%add3A_1173, %dma_wait3A_1176] : memref<4096x80xi32, #tpu.memory_space<hbm>> -> memref<8x80xi32, #tpu.memory_space<hbm>>
        tpu.wait_dma2 semaphore(%arg20 : memref<!tpu.dma_semaphore, #tpu.memory_space<semaphore_mem>>) src(%dma_wait3A_1177 : memref<8x80xi32, #tpu.memory_space<hbm>>) dst(%arg11 : memref<8x80xi32, #tpu.memory_space<vmem>>)
        %dma_start3A_1178 = arith.constant 0 : i32
        %dma_start3A_1179 = arith.constant 0 : i32
        %dma_start3A_1180 = tpu.memref_slice %arg7[%dma_start3A_1178, %dma_start3A_1179] : memref<8x80xi32, #tpu.memory_space<vmem>> -> memref<1x80xi32, #tpu.memory_space<vmem>>
        %dma_start3A_1181 = tpu.memref_squeeze %dma_start3A_1180 : memref<1x80xi32, #tpu.memory_space<vmem>> -> memref<80xi32, #tpu.memory_space<vmem>>
        %dma_start3A_1182 = arith.constant 0 : i32
        %dma_start3A_1183 = arith.constant 0 : i32
        %dma_start3A_1184 = tpu.memref_slice %arg2[%dma_start3A_1182, %dma_start3A_1183] : memref<10240x128xf32, #tpu.memory_space<hbm>> -> memref<10240x128xf32, #tpu.memory_space<hbm>>
        tpu.enqueue_indirect_dma source(%dma_start3A_1184 : memref<10240x128xf32, #tpu.memory_space<hbm>>) target(%arg14 : memref<80x128xf32, #tpu.memory_space<vmem>>) offsets(%dma_start3A_1181 : memref<80xi32, #tpu.memory_space<vmem>>) semaphore(%arg23 : memref<!tpu.dma_semaphore, #tpu.memory_space<semaphore_mem>>)
      } else {
      }
      %add3A_309 = arith.constant 0 : i32
      %add3A_310 = arith.addi %add3A_113, %add3A_309 : i32
      %mul3A_311 = arith.constant 8 : i32
      %mul3A_312 = arith.muli %add3A_310, %mul3A_311 : i32
      %add3A_313 = arith.constant 6 : i32
      %add3A_314 = arith.addi %mul3A_312, %add3A_313 : i32
      %dma_wait3A_315 = arith.constant 6 : i32
      %dma_wait3A_316 = arith.constant 0 : i32
      %dma_wait3A_317 = tpu.memref_slice %arg6[%dma_wait3A_315, %dma_wait3A_316] : memref<8x80xi32, #tpu.memory_space<vmem>> -> memref<1x80xi32, #tpu.memory_space<vmem>>
      %dma_wait3A_318 = tpu.memref_squeeze %dma_wait3A_317 : memref<1x80xi32, #tpu.memory_space<vmem>> -> memref<80xi32, #tpu.memory_space<vmem>>
      %dma_wait3A_319 = arith.constant 0 : i32
      %dma_wait3A_320 = arith.constant 0 : i32
      %dma_wait3A_321 = tpu.memref_slice %arg2[%dma_wait3A_319, %dma_wait3A_320] : memref<10240x128xf32, #tpu.memory_space<hbm>> -> memref<10240x128xf32, #tpu.memory_space<hbm>>
      tpu.wait_indirect_dma semaphore(%arg25 : memref<!tpu.dma_semaphore, #tpu.memory_space<semaphore_mem>>) src(%dma_wait3A_321 : memref<10240x128xf32, #tpu.memory_space<hbm>>) dst(%arg16 : memref<80x128xf32, #tpu.memory_space<vmem>>)
      %dma_start3A_322 = arith.constant 6 : i32
      %dma_start3A_323 = arith.constant 0 : i32
      %dma_start3A_324 = tpu.memref_slice %arg10[%dma_start3A_322, %dma_start3A_323] : memref<8x80xi32, #tpu.memory_space<vmem>> -> memref<1x80xi32, #tpu.memory_space<vmem>>
      %dma_start3A_325 = tpu.memref_squeeze %dma_start3A_324 : memref<1x80xi32, #tpu.memory_space<vmem>> -> memref<80xi32, #tpu.memory_space<vmem>>
      %dma_start3A_326 = arith.constant 0 : i32
      %dma_start3A_327 = arith.constant 0 : i32
      %dma_start3A_328 = tpu.memref_slice %arg18[%dma_start3A_326, %dma_start3A_327] : memref<10240x128xf32, #tpu.memory_space<vmem_shared>> -> memref<10240x128xf32, #tpu.memory_space<vmem_shared>>
      tpu.enqueue_indirect_dma source(%arg16 : memref<80x128xf32, #tpu.memory_space<vmem>>) target(%dma_start3A_328 : memref<10240x128xf32, #tpu.memory_space<vmem_shared>>) offsets(%dma_start3A_325 : memref<80xi32, #tpu.memory_space<vmem>>) semaphore(%arg29 : memref<!tpu.dma_semaphore, #tpu.memory_space<semaphore_mem>>) {add = true}
      %gt3A_329 = arith.constant 0 : i32
      %gt3A_330 = arith.cmpi sgt, %add3A_314, %gt3A_329 : i32
      %convert_element_type3A_331 = arith.extui %gt3A_330 : i1 to i32
      %cond3A_332 = arith.constant 0 : i32
      %cond3A_333 = arith.cmpi ne, %convert_element_type3A_331, %cond3A_332 : i32
      scf.if %cond3A_333 {
        %dma_wait3A_1162 = arith.constant 5 : i32
        %dma_wait3A_1163 = arith.constant 0 : i32
        %dma_wait3A_1164 = tpu.memref_slice %arg10[%dma_wait3A_1162, %dma_wait3A_1163] : memref<8x80xi32, #tpu.memory_space<vmem>> -> memref<1x80xi32, #tpu.memory_space<vmem>>
        %dma_wait3A_1165 = tpu.memref_squeeze %dma_wait3A_1164 : memref<1x80xi32, #tpu.memory_space<vmem>> -> memref<80xi32, #tpu.memory_space<vmem>>
        %dma_wait3A_1166 = arith.constant 0 : i32
        %dma_wait3A_1167 = arith.constant 0 : i32
        %dma_wait3A_1168 = tpu.memref_slice %arg18[%dma_wait3A_1166, %dma_wait3A_1167] : memref<10240x128xf32, #tpu.memory_space<vmem_shared>> -> memref<10240x128xf32, #tpu.memory_space<vmem_shared>>
        tpu.wait_indirect_dma semaphore(%arg28 : memref<!tpu.dma_semaphore, #tpu.memory_space<semaphore_mem>>) src(%arg15 : memref<80x128xf32, #tpu.memory_space<vmem>>) dst(%dma_wait3A_1168 : memref<10240x128xf32, #tpu.memory_space<vmem_shared>>)
      } else {
      }
      %add3A_334 = arith.constant 1 : i32
      %add3A_335 = arith.addi %add3A_310, %add3A_334 : i32
      %lt3A_336 = arith.constant 16 : i32
      %lt3A_337 = arith.cmpi slt, %add3A_335, %lt3A_336 : i32
      %convert_element_type3A_338 = arith.extui %lt3A_337 : i1 to i32
      %cond3A_339 = arith.constant 0 : i32
      %cond3A_340 = arith.cmpi ne, %convert_element_type3A_338, %cond3A_339 : i32
      scf.if %cond3A_340 {
        %dma_start3A_1162 = arith.constant 1 : i32
        %dma_start3A_1163 = arith.constant 0 : i32
        %dma_start3A_1164 = tpu.memref_slice %arg7[%dma_start3A_1162, %dma_start3A_1163] : memref<8x80xi32, #tpu.memory_space<vmem>> -> memref<1x80xi32, #tpu.memory_space<vmem>>
        %dma_start3A_1165 = tpu.memref_squeeze %dma_start3A_1164 : memref<1x80xi32, #tpu.memory_space<vmem>> -> memref<80xi32, #tpu.memory_space<vmem>>
        %dma_start3A_1166 = arith.constant 0 : i32
        %dma_start3A_1167 = arith.constant 0 : i32
        %dma_start3A_1168 = tpu.memref_slice %arg2[%dma_start3A_1166, %dma_start3A_1167] : memref<10240x128xf32, #tpu.memory_space<hbm>> -> memref<10240x128xf32, #tpu.memory_space<hbm>>
        tpu.enqueue_indirect_dma source(%dma_start3A_1168 : memref<10240x128xf32, #tpu.memory_space<hbm>>) target(%arg15 : memref<80x128xf32, #tpu.memory_space<vmem>>) offsets(%dma_start3A_1165 : memref<80xi32, #tpu.memory_space<vmem>>) semaphore(%arg24 : memref<!tpu.dma_semaphore, #tpu.memory_space<semaphore_mem>>)
      } else {
      }
      %add3A_341 = arith.constant 0 : i32
      %add3A_342 = arith.addi %add3A_113, %add3A_341 : i32
      %mul3A_343 = arith.constant 8 : i32
      %mul3A_344 = arith.muli %add3A_342, %mul3A_343 : i32
      %add3A_345 = arith.constant 7 : i32
      %add3A_346 = arith.addi %mul3A_344, %add3A_345 : i32
      %dma_wait3A_347 = arith.constant 7 : i32
      %dma_wait3A_348 = arith.constant 0 : i32
      %dma_wait3A_349 = tpu.memref_slice %arg6[%dma_wait3A_347, %dma_wait3A_348] : memref<8x80xi32, #tpu.memory_space<vmem>> -> memref<1x80xi32, #tpu.memory_space<vmem>>
      %dma_wait3A_350 = tpu.memref_squeeze %dma_wait3A_349 : memref<1x80xi32, #tpu.memory_space<vmem>> -> memref<80xi32, #tpu.memory_space<vmem>>
      %dma_wait3A_351 = arith.constant 0 : i32
      %dma_wait3A_352 = arith.constant 0 : i32
      %dma_wait3A_353 = tpu.memref_slice %arg2[%dma_wait3A_351, %dma_wait3A_352] : memref<10240x128xf32, #tpu.memory_space<hbm>> -> memref<10240x128xf32, #tpu.memory_space<hbm>>
      tpu.wait_indirect_dma semaphore(%arg26 : memref<!tpu.dma_semaphore, #tpu.memory_space<semaphore_mem>>) src(%dma_wait3A_353 : memref<10240x128xf32, #tpu.memory_space<hbm>>) dst(%arg17 : memref<80x128xf32, #tpu.memory_space<vmem>>)
      %dma_start3A_354 = arith.constant 7 : i32
      %dma_start3A_355 = arith.constant 0 : i32
      %dma_start3A_356 = tpu.memref_slice %arg10[%dma_start3A_354, %dma_start3A_355] : memref<8x80xi32, #tpu.memory_space<vmem>> -> memref<1x80xi32, #tpu.memory_space<vmem>>
      %dma_start3A_357 = tpu.memref_squeeze %dma_start3A_356 : memref<1x80xi32, #tpu.memory_space<vmem>> -> memref<80xi32, #tpu.memory_space<vmem>>
      %dma_start3A_358 = arith.constant 0 : i32
      %dma_start3A_359 = arith.constant 0 : i32
      %dma_start3A_360 = tpu.memref_slice %arg18[%dma_start3A_358, %dma_start3A_359] : memref<10240x128xf32, #tpu.memory_space<vmem_shared>> -> memref<10240x128xf32, #tpu.memory_space<vmem_shared>>
      tpu.enqueue_indirect_dma source(%arg17 : memref<80x128xf32, #tpu.memory_space<vmem>>) target(%dma_start3A_360 : memref<10240x128xf32, #tpu.memory_space<vmem_shared>>) offsets(%dma_start3A_357 : memref<80xi32, #tpu.memory_space<vmem>>) semaphore(%arg30 : memref<!tpu.dma_semaphore, #tpu.memory_space<semaphore_mem>>) {add = true}
      %gt3A_361 = arith.constant 0 : i32
      %gt3A_362 = arith.cmpi sgt, %add3A_346, %gt3A_361 : i32
      %convert_element_type3A_363 = arith.extui %gt3A_362 : i1 to i32
      %cond3A_364 = arith.constant 0 : i32
      %cond3A_365 = arith.cmpi ne, %convert_element_type3A_363, %cond3A_364 : i32
      scf.if %cond3A_365 {
        %dma_wait3A_1162 = arith.constant 6 : i32
        %dma_wait3A_1163 = arith.constant 0 : i32
        %dma_wait3A_1164 = tpu.memref_slice %arg10[%dma_wait3A_1162, %dma_wait3A_1163] : memref<8x80xi32, #tpu.memory_space<vmem>> -> memref<1x80xi32, #tpu.memory_space<vmem>>
        %dma_wait3A_1165 = tpu.memref_squeeze %dma_wait3A_1164 : memref<1x80xi32, #tpu.memory_space<vmem>> -> memref<80xi32, #tpu.memory_space<vmem>>
        %dma_wait3A_1166 = arith.constant 0 : i32
        %dma_wait3A_1167 = arith.constant 0 : i32
        %dma_wait3A_1168 = tpu.memref_slice %arg18[%dma_wait3A_1166, %dma_wait3A_1167] : memref<10240x128xf32, #tpu.memory_space<vmem_shared>> -> memref<10240x128xf32, #tpu.memory_space<vmem_shared>>
        tpu.wait_indirect_dma semaphore(%arg29 : memref<!tpu.dma_semaphore, #tpu.memory_space<semaphore_mem>>) src(%arg16 : memref<80x128xf32, #tpu.memory_space<vmem>>) dst(%dma_wait3A_1168 : memref<10240x128xf32, #tpu.memory_space<vmem_shared>>)
      } else {
      }
      %add3A_366 = arith.constant 1 : i32
      %add3A_367 = arith.addi %add3A_342, %add3A_366 : i32
      %lt3A_368 = arith.constant 16 : i32
      %lt3A_369 = arith.cmpi slt, %add3A_367, %lt3A_368 : i32
      %convert_element_type3A_370 = arith.extui %lt3A_369 : i1 to i32
      %cond3A_371 = arith.constant 0 : i32
      %cond3A_372 = arith.cmpi ne, %convert_element_type3A_370, %cond3A_371 : i32
      scf.if %cond3A_372 {
        %dma_start3A_1162 = arith.constant 2 : i32
        %dma_start3A_1163 = arith.constant 0 : i32
        %dma_start3A_1164 = tpu.memref_slice %arg7[%dma_start3A_1162, %dma_start3A_1163] : memref<8x80xi32, #tpu.memory_space<vmem>> -> memref<1x80xi32, #tpu.memory_space<vmem>>
        %dma_start3A_1165 = tpu.memref_squeeze %dma_start3A_1164 : memref<1x80xi32, #tpu.memory_space<vmem>> -> memref<80xi32, #tpu.memory_space<vmem>>
        %dma_start3A_1166 = arith.constant 0 : i32
        %dma_start3A_1167 = arith.constant 0 : i32
        %dma_start3A_1168 = tpu.memref_slice %arg2[%dma_start3A_1166, %dma_start3A_1167] : memref<10240x128xf32, #tpu.memory_space<hbm>> -> memref<10240x128xf32, #tpu.memory_space<hbm>>
        tpu.enqueue_indirect_dma source(%dma_start3A_1168 : memref<10240x128xf32, #tpu.memory_space<hbm>>) target(%arg16 : memref<80x128xf32, #tpu.memory_space<vmem>>) offsets(%dma_start3A_1165 : memref<80xi32, #tpu.memory_space<vmem>>) semaphore(%arg25 : memref<!tpu.dma_semaphore, #tpu.memory_space<semaphore_mem>>)
      } else {
      }
      %add3A_373 = arith.constant 1 : i32
      %add3A_374 = arith.addi %add3A_113, %add3A_373 : i32
      %mul3A_375 = arith.constant 8 : i32
      %mul3A_376 = arith.muli %add3A_374, %mul3A_375 : i32
      %add3A_377 = arith.constant 0 : i32
      %add3A_378 = arith.addi %mul3A_376, %add3A_377 : i32
      %dma_wait3A_379 = arith.constant 0 : i32
      %dma_wait3A_380 = arith.constant 0 : i32
      %dma_wait3A_381 = tpu.memref_slice %arg7[%dma_wait3A_379, %dma_wait3A_380] : memref<8x80xi32, #tpu.memory_space<vmem>> -> memref<1x80xi32, #tpu.memory_space<vmem>>
      %dma_wait3A_382 = tpu.memref_squeeze %dma_wait3A_381 : memref<1x80xi32, #tpu.memory_space<vmem>> -> memref<80xi32, #tpu.memory_space<vmem>>
      %dma_wait3A_383 = arith.constant 0 : i32
      %dma_wait3A_384 = arith.constant 0 : i32
      %dma_wait3A_385 = tpu.memref_slice %arg2[%dma_wait3A_383, %dma_wait3A_384] : memref<10240x128xf32, #tpu.memory_space<hbm>> -> memref<10240x128xf32, #tpu.memory_space<hbm>>
      tpu.wait_indirect_dma semaphore(%arg23 : memref<!tpu.dma_semaphore, #tpu.memory_space<semaphore_mem>>) src(%dma_wait3A_385 : memref<10240x128xf32, #tpu.memory_space<hbm>>) dst(%arg14 : memref<80x128xf32, #tpu.memory_space<vmem>>)
      %dma_start3A_386 = arith.constant 0 : i32
      %dma_start3A_387 = arith.constant 0 : i32
      %dma_start3A_388 = tpu.memref_slice %arg11[%dma_start3A_386, %dma_start3A_387] : memref<8x80xi32, #tpu.memory_space<vmem>> -> memref<1x80xi32, #tpu.memory_space<vmem>>
      %dma_start3A_389 = tpu.memref_squeeze %dma_start3A_388 : memref<1x80xi32, #tpu.memory_space<vmem>> -> memref<80xi32, #tpu.memory_space<vmem>>
      %dma_start3A_390 = arith.constant 0 : i32
      %dma_start3A_391 = arith.constant 0 : i32
      %dma_start3A_392 = tpu.memref_slice %arg18[%dma_start3A_390, %dma_start3A_391] : memref<10240x128xf32, #tpu.memory_space<vmem_shared>> -> memref<10240x128xf32, #tpu.memory_space<vmem_shared>>
      tpu.enqueue_indirect_dma source(%arg14 : memref<80x128xf32, #tpu.memory_space<vmem>>) target(%dma_start3A_392 : memref<10240x128xf32, #tpu.memory_space<vmem_shared>>) offsets(%dma_start3A_389 : memref<80xi32, #tpu.memory_space<vmem>>) semaphore(%arg27 : memref<!tpu.dma_semaphore, #tpu.memory_space<semaphore_mem>>) {add = true}
      %gt3A_393 = arith.constant 0 : i32
      %gt3A_394 = arith.cmpi sgt, %add3A_378, %gt3A_393 : i32
      %convert_element_type3A_395 = arith.extui %gt3A_394 : i1 to i32
      %cond3A_396 = arith.constant 0 : i32
      %cond3A_397 = arith.cmpi ne, %convert_element_type3A_395, %cond3A_396 : i32
      scf.if %cond3A_397 {
        %dma_wait3A_1162 = arith.constant 7 : i32
        %dma_wait3A_1163 = arith.constant 0 : i32
        %dma_wait3A_1164 = tpu.memref_slice %arg10[%dma_wait3A_1162, %dma_wait3A_1163] : memref<8x80xi32, #tpu.memory_space<vmem>> -> memref<1x80xi32, #tpu.memory_space<vmem>>
        %dma_wait3A_1165 = tpu.memref_squeeze %dma_wait3A_1164 : memref<1x80xi32, #tpu.memory_space<vmem>> -> memref<80xi32, #tpu.memory_space<vmem>>
        %dma_wait3A_1166 = arith.constant 0 : i32
        %dma_wait3A_1167 = arith.constant 0 : i32
        %dma_wait3A_1168 = tpu.memref_slice %arg18[%dma_wait3A_1166, %dma_wait3A_1167] : memref<10240x128xf32, #tpu.memory_space<vmem_shared>> -> memref<10240x128xf32, #tpu.memory_space<vmem_shared>>
        tpu.wait_indirect_dma semaphore(%arg30 : memref<!tpu.dma_semaphore, #tpu.memory_space<semaphore_mem>>) src(%arg17 : memref<80x128xf32, #tpu.memory_space<vmem>>) dst(%dma_wait3A_1168 : memref<10240x128xf32, #tpu.memory_space<vmem_shared>>)
      } else {
      }
      %dma_start3A_398 = arith.constant 3 : i32
      %dma_start3A_399 = arith.constant 0 : i32
      %dma_start3A_400 = tpu.memref_slice %arg7[%dma_start3A_398, %dma_start3A_399] : memref<8x80xi32, #tpu.memory_space<vmem>> -> memref<1x80xi32, #tpu.memory_space<vmem>>
      %dma_start3A_401 = tpu.memref_squeeze %dma_start3A_400 : memref<1x80xi32, #tpu.memory_space<vmem>> -> memref<80xi32, #tpu.memory_space<vmem>>
      %dma_start3A_402 = arith.constant 0 : i32
      %dma_start3A_403 = arith.constant 0 : i32
      %dma_start3A_404 = tpu.memref_slice %arg2[%dma_start3A_402, %dma_start3A_403] : memref<10240x128xf32, #tpu.memory_space<hbm>> -> memref<10240x128xf32, #tpu.memory_space<hbm>>
      tpu.enqueue_indirect_dma source(%dma_start3A_404 : memref<10240x128xf32, #tpu.memory_space<hbm>>) target(%arg17 : memref<80x128xf32, #tpu.memory_space<vmem>>) offsets(%dma_start3A_401 : memref<80xi32, #tpu.memory_space<vmem>>) semaphore(%arg26 : memref<!tpu.dma_semaphore, #tpu.memory_space<semaphore_mem>>)
      %add3A_405 = arith.constant 1 : i32
      %add3A_406 = arith.addi %add3A_113, %add3A_405 : i32
      %mul3A_407 = arith.constant 8 : i32
      %mul3A_408 = arith.muli %add3A_406, %mul3A_407 : i32
      %add3A_409 = arith.constant 1 : i32
      %add3A_410 = arith.addi %mul3A_408, %add3A_409 : i32
      %dma_wait3A_411 = arith.constant 1 : i32
      %dma_wait3A_412 = arith.constant 0 : i32
      %dma_wait3A_413 = tpu.memref_slice %arg7[%dma_wait3A_411, %dma_wait3A_412] : memref<8x80xi32, #tpu.memory_space<vmem>> -> memref<1x80xi32, #tpu.memory_space<vmem>>
      %dma_wait3A_414 = tpu.memref_squeeze %dma_wait3A_413 : memref<1x80xi32, #tpu.memory_space<vmem>> -> memref<80xi32, #tpu.memory_space<vmem>>
      %dma_wait3A_415 = arith.constant 0 : i32
      %dma_wait3A_416 = arith.constant 0 : i32
      %dma_wait3A_417 = tpu.memref_slice %arg2[%dma_wait3A_415, %dma_wait3A_416] : memref<10240x128xf32, #tpu.memory_space<hbm>> -> memref<10240x128xf32, #tpu.memory_space<hbm>>
      tpu.wait_indirect_dma semaphore(%arg24 : memref<!tpu.dma_semaphore, #tpu.memory_space<semaphore_mem>>) src(%dma_wait3A_417 : memref<10240x128xf32, #tpu.memory_space<hbm>>) dst(%arg15 : memref<80x128xf32, #tpu.memory_space<vmem>>)
      %dma_start3A_418 = arith.constant 1 : i32
      %dma_start3A_419 = arith.constant 0 : i32
      %dma_start3A_420 = tpu.memref_slice %arg11[%dma_start3A_418, %dma_start3A_419] : memref<8x80xi32, #tpu.memory_space<vmem>> -> memref<1x80xi32, #tpu.memory_space<vmem>>
      %dma_start3A_421 = tpu.memref_squeeze %dma_start3A_420 : memref<1x80xi32, #tpu.memory_space<vmem>> -> memref<80xi32, #tpu.memory_space<vmem>>
      %dma_start3A_422 = arith.constant 0 : i32
      %dma_start3A_423 = arith.constant 0 : i32
      %dma_start3A_424 = tpu.memref_slice %arg18[%dma_start3A_422, %dma_start3A_423] : memref<10240x128xf32, #tpu.memory_space<vmem_shared>> -> memref<10240x128xf32, #tpu.memory_space<vmem_shared>>
      tpu.enqueue_indirect_dma source(%arg15 : memref<80x128xf32, #tpu.memory_space<vmem>>) target(%dma_start3A_424 : memref<10240x128xf32, #tpu.memory_space<vmem_shared>>) offsets(%dma_start3A_421 : memref<80xi32, #tpu.memory_space<vmem>>) semaphore(%arg28 : memref<!tpu.dma_semaphore, #tpu.memory_space<semaphore_mem>>) {add = true}
      %gt3A_425 = arith.constant 0 : i32
      %gt3A_426 = arith.cmpi sgt, %add3A_410, %gt3A_425 : i32
      %convert_element_type3A_427 = arith.extui %gt3A_426 : i1 to i32
      %cond3A_428 = arith.constant 0 : i32
      %cond3A_429 = arith.cmpi ne, %convert_element_type3A_427, %cond3A_428 : i32
      scf.if %cond3A_429 {
        %dma_wait3A_1162 = arith.constant 0 : i32
        %dma_wait3A_1163 = arith.constant 0 : i32
        %dma_wait3A_1164 = tpu.memref_slice %arg11[%dma_wait3A_1162, %dma_wait3A_1163] : memref<8x80xi32, #tpu.memory_space<vmem>> -> memref<1x80xi32, #tpu.memory_space<vmem>>
        %dma_wait3A_1165 = tpu.memref_squeeze %dma_wait3A_1164 : memref<1x80xi32, #tpu.memory_space<vmem>> -> memref<80xi32, #tpu.memory_space<vmem>>
        %dma_wait3A_1166 = arith.constant 0 : i32
        %dma_wait3A_1167 = arith.constant 0 : i32
        %dma_wait3A_1168 = tpu.memref_slice %arg18[%dma_wait3A_1166, %dma_wait3A_1167] : memref<10240x128xf32, #tpu.memory_space<vmem_shared>> -> memref<10240x128xf32, #tpu.memory_space<vmem_shared>>
        tpu.wait_indirect_dma semaphore(%arg27 : memref<!tpu.dma_semaphore, #tpu.memory_space<semaphore_mem>>) src(%arg14 : memref<80x128xf32, #tpu.memory_space<vmem>>) dst(%dma_wait3A_1168 : memref<10240x128xf32, #tpu.memory_space<vmem_shared>>)
      } else {
      }
      %dma_start3A_430 = arith.constant 4 : i32
      %dma_start3A_431 = arith.constant 0 : i32
      %dma_start3A_432 = tpu.memref_slice %arg7[%dma_start3A_430, %dma_start3A_431] : memref<8x80xi32, #tpu.memory_space<vmem>> -> memref<1x80xi32, #tpu.memory_space<vmem>>
      %dma_start3A_433 = tpu.memref_squeeze %dma_start3A_432 : memref<1x80xi32, #tpu.memory_space<vmem>> -> memref<80xi32, #tpu.memory_space<vmem>>
      %dma_start3A_434 = arith.constant 0 : i32
      %dma_start3A_435 = arith.constant 0 : i32
      %dma_start3A_436 = tpu.memref_slice %arg2[%dma_start3A_434, %dma_start3A_435] : memref<10240x128xf32, #tpu.memory_space<hbm>> -> memref<10240x128xf32, #tpu.memory_space<hbm>>
      tpu.enqueue_indirect_dma source(%dma_start3A_436 : memref<10240x128xf32, #tpu.memory_space<hbm>>) target(%arg14 : memref<80x128xf32, #tpu.memory_space<vmem>>) offsets(%dma_start3A_433 : memref<80xi32, #tpu.memory_space<vmem>>) semaphore(%arg23 : memref<!tpu.dma_semaphore, #tpu.memory_space<semaphore_mem>>)
      %add3A_437 = arith.constant 1 : i32
      %add3A_438 = arith.addi %add3A_113, %add3A_437 : i32
      %mul3A_439 = arith.constant 8 : i32
      %mul3A_440 = arith.muli %add3A_438, %mul3A_439 : i32
      %add3A_441 = arith.constant 2 : i32
      %add3A_442 = arith.addi %mul3A_440, %add3A_441 : i32
      %dma_wait3A_443 = arith.constant 2 : i32
      %dma_wait3A_444 = arith.constant 0 : i32
      %dma_wait3A_445 = tpu.memref_slice %arg7[%dma_wait3A_443, %dma_wait3A_444] : memref<8x80xi32, #tpu.memory_space<vmem>> -> memref<1x80xi32, #tpu.memory_space<vmem>>
      %dma_wait3A_446 = tpu.memref_squeeze %dma_wait3A_445 : memref<1x80xi32, #tpu.memory_space<vmem>> -> memref<80xi32, #tpu.memory_space<vmem>>
      %dma_wait3A_447 = arith.constant 0 : i32
      %dma_wait3A_448 = arith.constant 0 : i32
      %dma_wait3A_449 = tpu.memref_slice %arg2[%dma_wait3A_447, %dma_wait3A_448] : memref<10240x128xf32, #tpu.memory_space<hbm>> -> memref<10240x128xf32, #tpu.memory_space<hbm>>
      tpu.wait_indirect_dma semaphore(%arg25 : memref<!tpu.dma_semaphore, #tpu.memory_space<semaphore_mem>>) src(%dma_wait3A_449 : memref<10240x128xf32, #tpu.memory_space<hbm>>) dst(%arg16 : memref<80x128xf32, #tpu.memory_space<vmem>>)
      %dma_start3A_450 = arith.constant 2 : i32
      %dma_start3A_451 = arith.constant 0 : i32
      %dma_start3A_452 = tpu.memref_slice %arg11[%dma_start3A_450, %dma_start3A_451] : memref<8x80xi32, #tpu.memory_space<vmem>> -> memref<1x80xi32, #tpu.memory_space<vmem>>
      %dma_start3A_453 = tpu.memref_squeeze %dma_start3A_452 : memref<1x80xi32, #tpu.memory_space<vmem>> -> memref<80xi32, #tpu.memory_space<vmem>>
      %dma_start3A_454 = arith.constant 0 : i32
      %dma_start3A_455 = arith.constant 0 : i32
      %dma_start3A_456 = tpu.memref_slice %arg18[%dma_start3A_454, %dma_start3A_455] : memref<10240x128xf32, #tpu.memory_space<vmem_shared>> -> memref<10240x128xf32, #tpu.memory_space<vmem_shared>>
      tpu.enqueue_indirect_dma source(%arg16 : memref<80x128xf32, #tpu.memory_space<vmem>>) target(%dma_start3A_456 : memref<10240x128xf32, #tpu.memory_space<vmem_shared>>) offsets(%dma_start3A_453 : memref<80xi32, #tpu.memory_space<vmem>>) semaphore(%arg29 : memref<!tpu.dma_semaphore, #tpu.memory_space<semaphore_mem>>) {add = true}
      %gt3A_457 = arith.constant 0 : i32
      %gt3A_458 = arith.cmpi sgt, %add3A_442, %gt3A_457 : i32
      %convert_element_type3A_459 = arith.extui %gt3A_458 : i1 to i32
      %cond3A_460 = arith.constant 0 : i32
      %cond3A_461 = arith.cmpi ne, %convert_element_type3A_459, %cond3A_460 : i32
      scf.if %cond3A_461 {
        %dma_wait3A_1162 = arith.constant 1 : i32
        %dma_wait3A_1163 = arith.constant 0 : i32
        %dma_wait3A_1164 = tpu.memref_slice %arg11[%dma_wait3A_1162, %dma_wait3A_1163] : memref<8x80xi32, #tpu.memory_space<vmem>> -> memref<1x80xi32, #tpu.memory_space<vmem>>
        %dma_wait3A_1165 = tpu.memref_squeeze %dma_wait3A_1164 : memref<1x80xi32, #tpu.memory_space<vmem>> -> memref<80xi32, #tpu.memory_space<vmem>>
        %dma_wait3A_1166 = arith.constant 0 : i32
        %dma_wait3A_1167 = arith.constant 0 : i32
        %dma_wait3A_1168 = tpu.memref_slice %arg18[%dma_wait3A_1166, %dma_wait3A_1167] : memref<10240x128xf32, #tpu.memory_space<vmem_shared>> -> memref<10240x128xf32, #tpu.memory_space<vmem_shared>>
        tpu.wait_indirect_dma semaphore(%arg28 : memref<!tpu.dma_semaphore, #tpu.memory_space<semaphore_mem>>) src(%arg15 : memref<80x128xf32, #tpu.memory_space<vmem>>) dst(%dma_wait3A_1168 : memref<10240x128xf32, #tpu.memory_space<vmem_shared>>)
      } else {
      }
      %add3A_462 = arith.constant 3 : i32
      %add3A_463 = arith.addi %add3A_438, %add3A_462 : i32
      %lt3A_464 = arith.constant 16 : i32
      %lt3A_465 = arith.cmpi slt, %add3A_463, %lt3A_464 : i32
      %convert_element_type3A_466 = arith.extui %lt3A_465 : i1 to i32
      %cond3A_467 = arith.constant 0 : i32
      %cond3A_468 = arith.cmpi ne, %convert_element_type3A_466, %cond3A_467 : i32
      scf.if %cond3A_468 {
        %add3A_1162 = arith.constant 3 : i32
        %add3A_1163 = arith.addi %add3A_438, %add3A_1162 : i32
        %mul3A_1164 = arith.constant 8 : i32
        %mul3A_1165 = arith.muli %add3A_1163, %mul3A_1164 : i32
        %add3A_1166 = arith.addi %mul3A_2, %mul3A_1165 : i32
        %dma_start3A_1167 = arith.constant 0 : i32
        %dma_start3A_1168 = tpu.memref_slice %arg3[%add3A_1166, %dma_start3A_1167] : memref<4096x80xi32, #tpu.memory_space<hbm>> -> memref<8x80xi32, #tpu.memory_space<hbm>>
        %dma_start3A_1169 = arith.constant 0 : i32
        %dma_start3A_1170 = tpu.memref_slice %arg3[%add3A_1166, %dma_start3A_1169] : memref<4096x80xi32, #tpu.memory_space<hbm>> -> memref<8x80xi32, #tpu.memory_space<hbm>>
        tpu.enqueue_dma source(%dma_start3A_1170 : memref<8x80xi32, #tpu.memory_space<hbm>>) target(%arg6 : memref<8x80xi32, #tpu.memory_space<vmem>>) target_semaphore(%arg19 : memref<!tpu.dma_semaphore, #tpu.memory_space<semaphore_mem>>)
        %mul3A_1171 = arith.constant 8 : i32
        %mul3A_1172 = arith.muli %add3A_1163, %mul3A_1171 : i32
        %add3A_1173 = arith.addi %mul3A_2, %mul3A_1172 : i32
        %dma_start3A_1174 = arith.constant 0 : i32
        %dma_start3A_1175 = tpu.memref_slice %arg4[%add3A_1173, %dma_start3A_1174] : memref<4096x80xi32, #tpu.memory_space<hbm>> -> memref<8x80xi32, #tpu.memory_space<hbm>>
        %dma_start3A_1176 = arith.constant 0 : i32
        %dma_start3A_1177 = tpu.memref_slice %arg4[%add3A_1173, %dma_start3A_1176] : memref<4096x80xi32, #tpu.memory_space<hbm>> -> memref<8x80xi32, #tpu.memory_space<hbm>>
        tpu.enqueue_dma source(%dma_start3A_1177 : memref<8x80xi32, #tpu.memory_space<hbm>>) target(%arg10 : memref<8x80xi32, #tpu.memory_space<vmem>>) target_semaphore(%arg19 : memref<!tpu.dma_semaphore, #tpu.memory_space<semaphore_mem>>)
      } else {
      }
      %dma_start3A_469 = arith.constant 5 : i32
      %dma_start3A_470 = arith.constant 0 : i32
      %dma_start3A_471 = tpu.memref_slice %arg7[%dma_start3A_469, %dma_start3A_470] : memref<8x80xi32, #tpu.memory_space<vmem>> -> memref<1x80xi32, #tpu.memory_space<vmem>>
      %dma_start3A_472 = tpu.memref_squeeze %dma_start3A_471 : memref<1x80xi32, #tpu.memory_space<vmem>> -> memref<80xi32, #tpu.memory_space<vmem>>
      %dma_start3A_473 = arith.constant 0 : i32
      %dma_start3A_474 = arith.constant 0 : i32
      %dma_start3A_475 = tpu.memref_slice %arg2[%dma_start3A_473, %dma_start3A_474] : memref<10240x128xf32, #tpu.memory_space<hbm>> -> memref<10240x128xf32, #tpu.memory_space<hbm>>
      tpu.enqueue_indirect_dma source(%dma_start3A_475 : memref<10240x128xf32, #tpu.memory_space<hbm>>) target(%arg15 : memref<80x128xf32, #tpu.memory_space<vmem>>) offsets(%dma_start3A_472 : memref<80xi32, #tpu.memory_space<vmem>>) semaphore(%arg24 : memref<!tpu.dma_semaphore, #tpu.memory_space<semaphore_mem>>)
      %add3A_476 = arith.constant 1 : i32
      %add3A_477 = arith.addi %add3A_113, %add3A_476 : i32
      %mul3A_478 = arith.constant 8 : i32
      %mul3A_479 = arith.muli %add3A_477, %mul3A_478 : i32
      %add3A_480 = arith.constant 3 : i32
      %add3A_481 = arith.addi %mul3A_479, %add3A_480 : i32
      %dma_wait3A_482 = arith.constant 3 : i32
      %dma_wait3A_483 = arith.constant 0 : i32
      %dma_wait3A_484 = tpu.memref_slice %arg7[%dma_wait3A_482, %dma_wait3A_483] : memref<8x80xi32, #tpu.memory_space<vmem>> -> memref<1x80xi32, #tpu.memory_space<vmem>>
      %dma_wait3A_485 = tpu.memref_squeeze %dma_wait3A_484 : memref<1x80xi32, #tpu.memory_space<vmem>> -> memref<80xi32, #tpu.memory_space<vmem>>
      %dma_wait3A_486 = arith.constant 0 : i32
      %dma_wait3A_487 = arith.constant 0 : i32
      %dma_wait3A_488 = tpu.memref_slice %arg2[%dma_wait3A_486, %dma_wait3A_487] : memref<10240x128xf32, #tpu.memory_space<hbm>> -> memref<10240x128xf32, #tpu.memory_space<hbm>>
      tpu.wait_indirect_dma semaphore(%arg26 : memref<!tpu.dma_semaphore, #tpu.memory_space<semaphore_mem>>) src(%dma_wait3A_488 : memref<10240x128xf32, #tpu.memory_space<hbm>>) dst(%arg17 : memref<80x128xf32, #tpu.memory_space<vmem>>)
      %dma_start3A_489 = arith.constant 3 : i32
      %dma_start3A_490 = arith.constant 0 : i32
      %dma_start3A_491 = tpu.memref_slice %arg11[%dma_start3A_489, %dma_start3A_490] : memref<8x80xi32, #tpu.memory_space<vmem>> -> memref<1x80xi32, #tpu.memory_space<vmem>>
      %dma_start3A_492 = tpu.memref_squeeze %dma_start3A_491 : memref<1x80xi32, #tpu.memory_space<vmem>> -> memref<80xi32, #tpu.memory_space<vmem>>
      %dma_start3A_493 = arith.constant 0 : i32
      %dma_start3A_494 = arith.constant 0 : i32
      %dma_start3A_495 = tpu.memref_slice %arg18[%dma_start3A_493, %dma_start3A_494] : memref<10240x128xf32, #tpu.memory_space<vmem_shared>> -> memref<10240x128xf32, #tpu.memory_space<vmem_shared>>
      tpu.enqueue_indirect_dma source(%arg17 : memref<80x128xf32, #tpu.memory_space<vmem>>) target(%dma_start3A_495 : memref<10240x128xf32, #tpu.memory_space<vmem_shared>>) offsets(%dma_start3A_492 : memref<80xi32, #tpu.memory_space<vmem>>) semaphore(%arg30 : memref<!tpu.dma_semaphore, #tpu.memory_space<semaphore_mem>>) {add = true}
      %gt3A_496 = arith.constant 0 : i32
      %gt3A_497 = arith.cmpi sgt, %add3A_481, %gt3A_496 : i32
      %convert_element_type3A_498 = arith.extui %gt3A_497 : i1 to i32
      %cond3A_499 = arith.constant 0 : i32
      %cond3A_500 = arith.cmpi ne, %convert_element_type3A_498, %cond3A_499 : i32
      scf.if %cond3A_500 {
        %dma_wait3A_1162 = arith.constant 2 : i32
        %dma_wait3A_1163 = arith.constant 0 : i32
        %dma_wait3A_1164 = tpu.memref_slice %arg11[%dma_wait3A_1162, %dma_wait3A_1163] : memref<8x80xi32, #tpu.memory_space<vmem>> -> memref<1x80xi32, #tpu.memory_space<vmem>>
        %dma_wait3A_1165 = tpu.memref_squeeze %dma_wait3A_1164 : memref<1x80xi32, #tpu.memory_space<vmem>> -> memref<80xi32, #tpu.memory_space<vmem>>
        %dma_wait3A_1166 = arith.constant 0 : i32
        %dma_wait3A_1167 = arith.constant 0 : i32
        %dma_wait3A_1168 = tpu.memref_slice %arg18[%dma_wait3A_1166, %dma_wait3A_1167] : memref<10240x128xf32, #tpu.memory_space<vmem_shared>> -> memref<10240x128xf32, #tpu.memory_space<vmem_shared>>
        tpu.wait_indirect_dma semaphore(%arg29 : memref<!tpu.dma_semaphore, #tpu.memory_space<semaphore_mem>>) src(%arg16 : memref<80x128xf32, #tpu.memory_space<vmem>>) dst(%dma_wait3A_1168 : memref<10240x128xf32, #tpu.memory_space<vmem_shared>>)
      } else {
      }
      %dma_start3A_501 = arith.constant 6 : i32
      %dma_start3A_502 = arith.constant 0 : i32
      %dma_start3A_503 = tpu.memref_slice %arg7[%dma_start3A_501, %dma_start3A_502] : memref<8x80xi32, #tpu.memory_space<vmem>> -> memref<1x80xi32, #tpu.memory_space<vmem>>
      %dma_start3A_504 = tpu.memref_squeeze %dma_start3A_503 : memref<1x80xi32, #tpu.memory_space<vmem>> -> memref<80xi32, #tpu.memory_space<vmem>>
      %dma_start3A_505 = arith.constant 0 : i32
      %dma_start3A_506 = arith.constant 0 : i32
      %dma_start3A_507 = tpu.memref_slice %arg2[%dma_start3A_505, %dma_start3A_506] : memref<10240x128xf32, #tpu.memory_space<hbm>> -> memref<10240x128xf32, #tpu.memory_space<hbm>>
      tpu.enqueue_indirect_dma source(%dma_start3A_507 : memref<10240x128xf32, #tpu.memory_space<hbm>>) target(%arg16 : memref<80x128xf32, #tpu.memory_space<vmem>>) offsets(%dma_start3A_504 : memref<80xi32, #tpu.memory_space<vmem>>) semaphore(%arg25 : memref<!tpu.dma_semaphore, #tpu.memory_space<semaphore_mem>>)
      %add3A_508 = arith.constant 1 : i32
      %add3A_509 = arith.addi %add3A_113, %add3A_508 : i32
      %mul3A_510 = arith.constant 8 : i32
      %mul3A_511 = arith.muli %add3A_509, %mul3A_510 : i32
      %add3A_512 = arith.constant 4 : i32
      %add3A_513 = arith.addi %mul3A_511, %add3A_512 : i32
      %dma_wait3A_514 = arith.constant 4 : i32
      %dma_wait3A_515 = arith.constant 0 : i32
      %dma_wait3A_516 = tpu.memref_slice %arg7[%dma_wait3A_514, %dma_wait3A_515] : memref<8x80xi32, #tpu.memory_space<vmem>> -> memref<1x80xi32, #tpu.memory_space<vmem>>
      %dma_wait3A_517 = tpu.memref_squeeze %dma_wait3A_516 : memref<1x80xi32, #tpu.memory_space<vmem>> -> memref<80xi32, #tpu.memory_space<vmem>>
      %dma_wait3A_518 = arith.constant 0 : i32
      %dma_wait3A_519 = arith.constant 0 : i32
      %dma_wait3A_520 = tpu.memref_slice %arg2[%dma_wait3A_518, %dma_wait3A_519] : memref<10240x128xf32, #tpu.memory_space<hbm>> -> memref<10240x128xf32, #tpu.memory_space<hbm>>
      tpu.wait_indirect_dma semaphore(%arg23 : memref<!tpu.dma_semaphore, #tpu.memory_space<semaphore_mem>>) src(%dma_wait3A_520 : memref<10240x128xf32, #tpu.memory_space<hbm>>) dst(%arg14 : memref<80x128xf32, #tpu.memory_space<vmem>>)
      %dma_start3A_521 = arith.constant 4 : i32
      %dma_start3A_522 = arith.constant 0 : i32
      %dma_start3A_523 = tpu.memref_slice %arg11[%dma_start3A_521, %dma_start3A_522] : memref<8x80xi32, #tpu.memory_space<vmem>> -> memref<1x80xi32, #tpu.memory_space<vmem>>
      %dma_start3A_524 = tpu.memref_squeeze %dma_start3A_523 : memref<1x80xi32, #tpu.memory_space<vmem>> -> memref<80xi32, #tpu.memory_space<vmem>>
      %dma_start3A_525 = arith.constant 0 : i32
      %dma_start3A_526 = arith.constant 0 : i32
      %dma_start3A_527 = tpu.memref_slice %arg18[%dma_start3A_525, %dma_start3A_526] : memref<10240x128xf32, #tpu.memory_space<vmem_shared>> -> memref<10240x128xf32, #tpu.memory_space<vmem_shared>>
      tpu.enqueue_indirect_dma source(%arg14 : memref<80x128xf32, #tpu.memory_space<vmem>>) target(%dma_start3A_527 : memref<10240x128xf32, #tpu.memory_space<vmem_shared>>) offsets(%dma_start3A_524 : memref<80xi32, #tpu.memory_space<vmem>>) semaphore(%arg27 : memref<!tpu.dma_semaphore, #tpu.memory_space<semaphore_mem>>) {add = true}
      %gt3A_528 = arith.constant 0 : i32
      %gt3A_529 = arith.cmpi sgt, %add3A_513, %gt3A_528 : i32
      %convert_element_type3A_530 = arith.extui %gt3A_529 : i1 to i32
      %cond3A_531 = arith.constant 0 : i32
      %cond3A_532 = arith.cmpi ne, %convert_element_type3A_530, %cond3A_531 : i32
      scf.if %cond3A_532 {
        %dma_wait3A_1162 = arith.constant 3 : i32
        %dma_wait3A_1163 = arith.constant 0 : i32
        %dma_wait3A_1164 = tpu.memref_slice %arg11[%dma_wait3A_1162, %dma_wait3A_1163] : memref<8x80xi32, #tpu.memory_space<vmem>> -> memref<1x80xi32, #tpu.memory_space<vmem>>
        %dma_wait3A_1165 = tpu.memref_squeeze %dma_wait3A_1164 : memref<1x80xi32, #tpu.memory_space<vmem>> -> memref<80xi32, #tpu.memory_space<vmem>>
        %dma_wait3A_1166 = arith.constant 0 : i32
        %dma_wait3A_1167 = arith.constant 0 : i32
        %dma_wait3A_1168 = tpu.memref_slice %arg18[%dma_wait3A_1166, %dma_wait3A_1167] : memref<10240x128xf32, #tpu.memory_space<vmem_shared>> -> memref<10240x128xf32, #tpu.memory_space<vmem_shared>>
        tpu.wait_indirect_dma semaphore(%arg30 : memref<!tpu.dma_semaphore, #tpu.memory_space<semaphore_mem>>) src(%arg17 : memref<80x128xf32, #tpu.memory_space<vmem>>) dst(%dma_wait3A_1168 : memref<10240x128xf32, #tpu.memory_space<vmem_shared>>)
      } else {
      }
      %dma_start3A_533 = arith.constant 7 : i32
      %dma_start3A_534 = arith.constant 0 : i32
      %dma_start3A_535 = tpu.memref_slice %arg7[%dma_start3A_533, %dma_start3A_534] : memref<8x80xi32, #tpu.memory_space<vmem>> -> memref<1x80xi32, #tpu.memory_space<vmem>>
      %dma_start3A_536 = tpu.memref_squeeze %dma_start3A_535 : memref<1x80xi32, #tpu.memory_space<vmem>> -> memref<80xi32, #tpu.memory_space<vmem>>
      %dma_start3A_537 = arith.constant 0 : i32
      %dma_start3A_538 = arith.constant 0 : i32
      %dma_start3A_539 = tpu.memref_slice %arg2[%dma_start3A_537, %dma_start3A_538] : memref<10240x128xf32, #tpu.memory_space<hbm>> -> memref<10240x128xf32, #tpu.memory_space<hbm>>
      tpu.enqueue_indirect_dma source(%dma_start3A_539 : memref<10240x128xf32, #tpu.memory_space<hbm>>) target(%arg17 : memref<80x128xf32, #tpu.memory_space<vmem>>) offsets(%dma_start3A_536 : memref<80xi32, #tpu.memory_space<vmem>>) semaphore(%arg26 : memref<!tpu.dma_semaphore, #tpu.memory_space<semaphore_mem>>)
      %add3A_540 = arith.constant 1 : i32
      %add3A_541 = arith.addi %add3A_113, %add3A_540 : i32
      %mul3A_542 = arith.constant 8 : i32
      %mul3A_543 = arith.muli %add3A_541, %mul3A_542 : i32
      %add3A_544 = arith.constant 5 : i32
      %add3A_545 = arith.addi %mul3A_543, %add3A_544 : i32
      %dma_wait3A_546 = arith.constant 5 : i32
      %dma_wait3A_547 = arith.constant 0 : i32
      %dma_wait3A_548 = tpu.memref_slice %arg7[%dma_wait3A_546, %dma_wait3A_547] : memref<8x80xi32, #tpu.memory_space<vmem>> -> memref<1x80xi32, #tpu.memory_space<vmem>>
      %dma_wait3A_549 = tpu.memref_squeeze %dma_wait3A_548 : memref<1x80xi32, #tpu.memory_space<vmem>> -> memref<80xi32, #tpu.memory_space<vmem>>
      %dma_wait3A_550 = arith.constant 0 : i32
      %dma_wait3A_551 = arith.constant 0 : i32
      %dma_wait3A_552 = tpu.memref_slice %arg2[%dma_wait3A_550, %dma_wait3A_551] : memref<10240x128xf32, #tpu.memory_space<hbm>> -> memref<10240x128xf32, #tpu.memory_space<hbm>>
      tpu.wait_indirect_dma semaphore(%arg24 : memref<!tpu.dma_semaphore, #tpu.memory_space<semaphore_mem>>) src(%dma_wait3A_552 : memref<10240x128xf32, #tpu.memory_space<hbm>>) dst(%arg15 : memref<80x128xf32, #tpu.memory_space<vmem>>)
      %dma_start3A_553 = arith.constant 5 : i32
      %dma_start3A_554 = arith.constant 0 : i32
      %dma_start3A_555 = tpu.memref_slice %arg11[%dma_start3A_553, %dma_start3A_554] : memref<8x80xi32, #tpu.memory_space<vmem>> -> memref<1x80xi32, #tpu.memory_space<vmem>>
      %dma_start3A_556 = tpu.memref_squeeze %dma_start3A_555 : memref<1x80xi32, #tpu.memory_space<vmem>> -> memref<80xi32, #tpu.memory_space<vmem>>
      %dma_start3A_557 = arith.constant 0 : i32
      %dma_start3A_558 = arith.constant 0 : i32
      %dma_start3A_559 = tpu.memref_slice %arg18[%dma_start3A_557, %dma_start3A_558] : memref<10240x128xf32, #tpu.memory_space<vmem_shared>> -> memref<10240x128xf32, #tpu.memory_space<vmem_shared>>
      tpu.enqueue_indirect_dma source(%arg15 : memref<80x128xf32, #tpu.memory_space<vmem>>) target(%dma_start3A_559 : memref<10240x128xf32, #tpu.memory_space<vmem_shared>>) offsets(%dma_start3A_556 : memref<80xi32, #tpu.memory_space<vmem>>) semaphore(%arg28 : memref<!tpu.dma_semaphore, #tpu.memory_space<semaphore_mem>>) {add = true}
      %gt3A_560 = arith.constant 0 : i32
      %gt3A_561 = arith.cmpi sgt, %add3A_545, %gt3A_560 : i32
      %convert_element_type3A_562 = arith.extui %gt3A_561 : i1 to i32
      %cond3A_563 = arith.constant 0 : i32
      %cond3A_564 = arith.cmpi ne, %convert_element_type3A_562, %cond3A_563 : i32
      scf.if %cond3A_564 {
        %dma_wait3A_1162 = arith.constant 4 : i32
        %dma_wait3A_1163 = arith.constant 0 : i32
        %dma_wait3A_1164 = tpu.memref_slice %arg11[%dma_wait3A_1162, %dma_wait3A_1163] : memref<8x80xi32, #tpu.memory_space<vmem>> -> memref<1x80xi32, #tpu.memory_space<vmem>>
        %dma_wait3A_1165 = tpu.memref_squeeze %dma_wait3A_1164 : memref<1x80xi32, #tpu.memory_space<vmem>> -> memref<80xi32, #tpu.memory_space<vmem>>
        %dma_wait3A_1166 = arith.constant 0 : i32
        %dma_wait3A_1167 = arith.constant 0 : i32
        %dma_wait3A_1168 = tpu.memref_slice %arg18[%dma_wait3A_1166, %dma_wait3A_1167] : memref<10240x128xf32, #tpu.memory_space<vmem_shared>> -> memref<10240x128xf32, #tpu.memory_space<vmem_shared>>
        tpu.wait_indirect_dma semaphore(%arg27 : memref<!tpu.dma_semaphore, #tpu.memory_space<semaphore_mem>>) src(%arg14 : memref<80x128xf32, #tpu.memory_space<vmem>>) dst(%dma_wait3A_1168 : memref<10240x128xf32, #tpu.memory_space<vmem_shared>>)
      } else {
      }
      %add3A_565 = arith.constant 1 : i32
      %add3A_566 = arith.addi %add3A_541, %add3A_565 : i32
      %lt3A_567 = arith.constant 16 : i32
      %lt3A_568 = arith.cmpi slt, %add3A_566, %lt3A_567 : i32
      %convert_element_type3A_569 = arith.extui %lt3A_568 : i1 to i32
      %cond3A_570 = arith.constant 0 : i32
      %cond3A_571 = arith.cmpi ne, %convert_element_type3A_569, %cond3A_570 : i32
      scf.if %cond3A_571 {
        %add3A_1162 = arith.constant 1 : i32
        %add3A_1163 = arith.addi %add3A_541, %add3A_1162 : i32
        %mul3A_1164 = arith.constant 8 : i32
        %mul3A_1165 = arith.muli %add3A_1163, %mul3A_1164 : i32
        %add3A_1166 = arith.addi %mul3A_2, %mul3A_1165 : i32
        %dma_wait3A_1167 = arith.constant 0 : i32
        %dma_wait3A_1168 = tpu.memref_slice %arg3[%add3A_1166, %dma_wait3A_1167] : memref<4096x80xi32, #tpu.memory_space<hbm>> -> memref<8x80xi32, #tpu.memory_space<hbm>>
        %dma_wait3A_1169 = arith.constant 0 : i32
        %dma_wait3A_1170 = tpu.memref_slice %arg3[%add3A_1166, %dma_wait3A_1169] : memref<4096x80xi32, #tpu.memory_space<hbm>> -> memref<8x80xi32, #tpu.memory_space<hbm>>
        tpu.wait_dma2 semaphore(%arg21 : memref<!tpu.dma_semaphore, #tpu.memory_space<semaphore_mem>>) src(%dma_wait3A_1170 : memref<8x80xi32, #tpu.memory_space<hbm>>) dst(%arg8 : memref<8x80xi32, #tpu.memory_space<vmem>>)
        %mul3A_1171 = arith.constant 8 : i32
        %mul3A_1172 = arith.muli %add3A_1163, %mul3A_1171 : i32
        %add3A_1173 = arith.addi %mul3A_2, %mul3A_1172 : i32
        %dma_wait3A_1174 = arith.constant 0 : i32
        %dma_wait3A_1175 = tpu.memref_slice %arg4[%add3A_1173, %dma_wait3A_1174] : memref<4096x80xi32, #tpu.memory_space<hbm>> -> memref<8x80xi32, #tpu.memory_space<hbm>>
        %dma_wait3A_1176 = arith.constant 0 : i32
        %dma_wait3A_1177 = tpu.memref_slice %arg4[%add3A_1173, %dma_wait3A_1176] : memref<4096x80xi32, #tpu.memory_space<hbm>> -> memref<8x80xi32, #tpu.memory_space<hbm>>
        tpu.wait_dma2 semaphore(%arg21 : memref<!tpu.dma_semaphore, #tpu.memory_space<semaphore_mem>>) src(%dma_wait3A_1177 : memref<8x80xi32, #tpu.memory_space<hbm>>) dst(%arg12 : memref<8x80xi32, #tpu.memory_space<vmem>>)
        %dma_start3A_1178 = arith.constant 0 : i32
        %dma_start3A_1179 = arith.constant 0 : i32
        %dma_start3A_1180 = tpu.memref_slice %arg8[%dma_start3A_1178, %dma_start3A_1179] : memref<8x80xi32, #tpu.memory_space<vmem>> -> memref<1x80xi32, #tpu.memory_space<vmem>>
        %dma_start3A_1181 = tpu.memref_squeeze %dma_start3A_1180 : memref<1x80xi32, #tpu.memory_space<vmem>> -> memref<80xi32, #tpu.memory_space<vmem>>
        %dma_start3A_1182 = arith.constant 0 : i32
        %dma_start3A_1183 = arith.constant 0 : i32
        %dma_start3A_1184 = tpu.memref_slice %arg2[%dma_start3A_1182, %dma_start3A_1183] : memref<10240x128xf32, #tpu.memory_space<hbm>> -> memref<10240x128xf32, #tpu.memory_space<hbm>>
        tpu.enqueue_indirect_dma source(%dma_start3A_1184 : memref<10240x128xf32, #tpu.memory_space<hbm>>) target(%arg14 : memref<80x128xf32, #tpu.memory_space<vmem>>) offsets(%dma_start3A_1181 : memref<80xi32, #tpu.memory_space<vmem>>) semaphore(%arg23 : memref<!tpu.dma_semaphore, #tpu.memory_space<semaphore_mem>>)
      } else {
      }
      %add3A_572 = arith.constant 1 : i32
      %add3A_573 = arith.addi %add3A_113, %add3A_572 : i32
      %mul3A_574 = arith.constant 8 : i32
      %mul3A_575 = arith.muli %add3A_573, %mul3A_574 : i32
      %add3A_576 = arith.constant 6 : i32
      %add3A_577 = arith.addi %mul3A_575, %add3A_576 : i32
      %dma_wait3A_578 = arith.constant 6 : i32
      %dma_wait3A_579 = arith.constant 0 : i32
      %dma_wait3A_580 = tpu.memref_slice %arg7[%dma_wait3A_578, %dma_wait3A_579] : memref<8x80xi32, #tpu.memory_space<vmem>> -> memref<1x80xi32, #tpu.memory_space<vmem>>
      %dma_wait3A_581 = tpu.memref_squeeze %dma_wait3A_580 : memref<1x80xi32, #tpu.memory_space<vmem>> -> memref<80xi32, #tpu.memory_space<vmem>>
      %dma_wait3A_582 = arith.constant 0 : i32
      %dma_wait3A_583 = arith.constant 0 : i32
      %dma_wait3A_584 = tpu.memref_slice %arg2[%dma_wait3A_582, %dma_wait3A_583] : memref<10240x128xf32, #tpu.memory_space<hbm>> -> memref<10240x128xf32, #tpu.memory_space<hbm>>
      tpu.wait_indirect_dma semaphore(%arg25 : memref<!tpu.dma_semaphore, #tpu.memory_space<semaphore_mem>>) src(%dma_wait3A_584 : memref<10240x128xf32, #tpu.memory_space<hbm>>) dst(%arg16 : memref<80x128xf32, #tpu.memory_space<vmem>>)
      %dma_start3A_585 = arith.constant 6 : i32
      %dma_start3A_586 = arith.constant 0 : i32
      %dma_start3A_587 = tpu.memref_slice %arg11[%dma_start3A_585, %dma_start3A_586] : memref<8x80xi32, #tpu.memory_space<vmem>> -> memref<1x80xi32, #tpu.memory_space<vmem>>
      %dma_start3A_588 = tpu.memref_squeeze %dma_start3A_587 : memref<1x80xi32, #tpu.memory_space<vmem>> -> memref<80xi32, #tpu.memory_space<vmem>>
      %dma_start3A_589 = arith.constant 0 : i32
      %dma_start3A_590 = arith.constant 0 : i32
      %dma_start3A_591 = tpu.memref_slice %arg18[%dma_start3A_589, %dma_start3A_590] : memref<10240x128xf32, #tpu.memory_space<vmem_shared>> -> memref<10240x128xf32, #tpu.memory_space<vmem_shared>>
      tpu.enqueue_indirect_dma source(%arg16 : memref<80x128xf32, #tpu.memory_space<vmem>>) target(%dma_start3A_591 : memref<10240x128xf32, #tpu.memory_space<vmem_shared>>) offsets(%dma_start3A_588 : memref<80xi32, #tpu.memory_space<vmem>>) semaphore(%arg29 : memref<!tpu.dma_semaphore, #tpu.memory_space<semaphore_mem>>) {add = true}
      %gt3A_592 = arith.constant 0 : i32
      %gt3A_593 = arith.cmpi sgt, %add3A_577, %gt3A_592 : i32
      %convert_element_type3A_594 = arith.extui %gt3A_593 : i1 to i32
      %cond3A_595 = arith.constant 0 : i32
      %cond3A_596 = arith.cmpi ne, %convert_element_type3A_594, %cond3A_595 : i32
      scf.if %cond3A_596 {
        %dma_wait3A_1162 = arith.constant 5 : i32
        %dma_wait3A_1163 = arith.constant 0 : i32
        %dma_wait3A_1164 = tpu.memref_slice %arg11[%dma_wait3A_1162, %dma_wait3A_1163] : memref<8x80xi32, #tpu.memory_space<vmem>> -> memref<1x80xi32, #tpu.memory_space<vmem>>
        %dma_wait3A_1165 = tpu.memref_squeeze %dma_wait3A_1164 : memref<1x80xi32, #tpu.memory_space<vmem>> -> memref<80xi32, #tpu.memory_space<vmem>>
        %dma_wait3A_1166 = arith.constant 0 : i32
        %dma_wait3A_1167 = arith.constant 0 : i32
        %dma_wait3A_1168 = tpu.memref_slice %arg18[%dma_wait3A_1166, %dma_wait3A_1167] : memref<10240x128xf32, #tpu.memory_space<vmem_shared>> -> memref<10240x128xf32, #tpu.memory_space<vmem_shared>>
        tpu.wait_indirect_dma semaphore(%arg28 : memref<!tpu.dma_semaphore, #tpu.memory_space<semaphore_mem>>) src(%arg15 : memref<80x128xf32, #tpu.memory_space<vmem>>) dst(%dma_wait3A_1168 : memref<10240x128xf32, #tpu.memory_space<vmem_shared>>)
      } else {
      }
      %add3A_597 = arith.constant 1 : i32
      %add3A_598 = arith.addi %add3A_573, %add3A_597 : i32
      %lt3A_599 = arith.constant 16 : i32
      %lt3A_600 = arith.cmpi slt, %add3A_598, %lt3A_599 : i32
      %convert_element_type3A_601 = arith.extui %lt3A_600 : i1 to i32
      %cond3A_602 = arith.constant 0 : i32
      %cond3A_603 = arith.cmpi ne, %convert_element_type3A_601, %cond3A_602 : i32
      scf.if %cond3A_603 {
        %dma_start3A_1162 = arith.constant 1 : i32
        %dma_start3A_1163 = arith.constant 0 : i32
        %dma_start3A_1164 = tpu.memref_slice %arg8[%dma_start3A_1162, %dma_start3A_1163] : memref<8x80xi32, #tpu.memory_space<vmem>> -> memref<1x80xi32, #tpu.memory_space<vmem>>
        %dma_start3A_1165 = tpu.memref_squeeze %dma_start3A_1164 : memref<1x80xi32, #tpu.memory_space<vmem>> -> memref<80xi32, #tpu.memory_space<vmem>>
        %dma_start3A_1166 = arith.constant 0 : i32
        %dma_start3A_1167 = arith.constant 0 : i32
        %dma_start3A_1168 = tpu.memref_slice %arg2[%dma_start3A_1166, %dma_start3A_1167] : memref<10240x128xf32, #tpu.memory_space<hbm>> -> memref<10240x128xf32, #tpu.memory_space<hbm>>
        tpu.enqueue_indirect_dma source(%dma_start3A_1168 : memref<10240x128xf32, #tpu.memory_space<hbm>>) target(%arg15 : memref<80x128xf32, #tpu.memory_space<vmem>>) offsets(%dma_start3A_1165 : memref<80xi32, #tpu.memory_space<vmem>>) semaphore(%arg24 : memref<!tpu.dma_semaphore, #tpu.memory_space<semaphore_mem>>)
      } else {
      }
      %add3A_604 = arith.constant 1 : i32
      %add3A_605 = arith.addi %add3A_113, %add3A_604 : i32
      %mul3A_606 = arith.constant 8 : i32
      %mul3A_607 = arith.muli %add3A_605, %mul3A_606 : i32
      %add3A_608 = arith.constant 7 : i32
      %add3A_609 = arith.addi %mul3A_607, %add3A_608 : i32
      %dma_wait3A_610 = arith.constant 7 : i32
      %dma_wait3A_611 = arith.constant 0 : i32
      %dma_wait3A_612 = tpu.memref_slice %arg7[%dma_wait3A_610, %dma_wait3A_611] : memref<8x80xi32, #tpu.memory_space<vmem>> -> memref<1x80xi32, #tpu.memory_space<vmem>>
      %dma_wait3A_613 = tpu.memref_squeeze %dma_wait3A_612 : memref<1x80xi32, #tpu.memory_space<vmem>> -> memref<80xi32, #tpu.memory_space<vmem>>
      %dma_wait3A_614 = arith.constant 0 : i32
      %dma_wait3A_615 = arith.constant 0 : i32
      %dma_wait3A_616 = tpu.memref_slice %arg2[%dma_wait3A_614, %dma_wait3A_615] : memref<10240x128xf32, #tpu.memory_space<hbm>> -> memref<10240x128xf32, #tpu.memory_space<hbm>>
      tpu.wait_indirect_dma semaphore(%arg26 : memref<!tpu.dma_semaphore, #tpu.memory_space<semaphore_mem>>) src(%dma_wait3A_616 : memref<10240x128xf32, #tpu.memory_space<hbm>>) dst(%arg17 : memref<80x128xf32, #tpu.memory_space<vmem>>)
      %dma_start3A_617 = arith.constant 7 : i32
      %dma_start3A_618 = arith.constant 0 : i32
      %dma_start3A_619 = tpu.memref_slice %arg11[%dma_start3A_617, %dma_start3A_618] : memref<8x80xi32, #tpu.memory_space<vmem>> -> memref<1x80xi32, #tpu.memory_space<vmem>>
      %dma_start3A_620 = tpu.memref_squeeze %dma_start3A_619 : memref<1x80xi32, #tpu.memory_space<vmem>> -> memref<80xi32, #tpu.memory_space<vmem>>
      %dma_start3A_621 = arith.constant 0 : i32
      %dma_start3A_622 = arith.constant 0 : i32
      %dma_start3A_623 = tpu.memref_slice %arg18[%dma_start3A_621, %dma_start3A_622] : memref<10240x128xf32, #tpu.memory_space<vmem_shared>> -> memref<10240x128xf32, #tpu.memory_space<vmem_shared>>
      tpu.enqueue_indirect_dma source(%arg17 : memref<80x128xf32, #tpu.memory_space<vmem>>) target(%dma_start3A_623 : memref<10240x128xf32, #tpu.memory_space<vmem_shared>>) offsets(%dma_start3A_620 : memref<80xi32, #tpu.memory_space<vmem>>) semaphore(%arg30 : memref<!tpu.dma_semaphore, #tpu.memory_space<semaphore_mem>>) {add = true}
      %gt3A_624 = arith.constant 0 : i32
      %gt3A_625 = arith.cmpi sgt, %add3A_609, %gt3A_624 : i32
      %convert_element_type3A_626 = arith.extui %gt3A_625 : i1 to i32
      %cond3A_627 = arith.constant 0 : i32
      %cond3A_628 = arith.cmpi ne, %convert_element_type3A_626, %cond3A_627 : i32
      scf.if %cond3A_628 {
        %dma_wait3A_1162 = arith.constant 6 : i32
        %dma_wait3A_1163 = arith.constant 0 : i32
        %dma_wait3A_1164 = tpu.memref_slice %arg11[%dma_wait3A_1162, %dma_wait3A_1163] : memref<8x80xi32, #tpu.memory_space<vmem>> -> memref<1x80xi32, #tpu.memory_space<vmem>>
        %dma_wait3A_1165 = tpu.memref_squeeze %dma_wait3A_1164 : memref<1x80xi32, #tpu.memory_space<vmem>> -> memref<80xi32, #tpu.memory_space<vmem>>
        %dma_wait3A_1166 = arith.constant 0 : i32
        %dma_wait3A_1167 = arith.constant 0 : i32
        %dma_wait3A_1168 = tpu.memref_slice %arg18[%dma_wait3A_1166, %dma_wait3A_1167] : memref<10240x128xf32, #tpu.memory_space<vmem_shared>> -> memref<10240x128xf32, #tpu.memory_space<vmem_shared>>
        tpu.wait_indirect_dma semaphore(%arg29 : memref<!tpu.dma_semaphore, #tpu.memory_space<semaphore_mem>>) src(%arg16 : memref<80x128xf32, #tpu.memory_space<vmem>>) dst(%dma_wait3A_1168 : memref<10240x128xf32, #tpu.memory_space<vmem_shared>>)
      } else {
      }
      %add3A_629 = arith.constant 1 : i32
      %add3A_630 = arith.addi %add3A_605, %add3A_629 : i32
      %lt3A_631 = arith.constant 16 : i32
      %lt3A_632 = arith.cmpi slt, %add3A_630, %lt3A_631 : i32
      %convert_element_type3A_633 = arith.extui %lt3A_632 : i1 to i32
      %cond3A_634 = arith.constant 0 : i32
      %cond3A_635 = arith.cmpi ne, %convert_element_type3A_633, %cond3A_634 : i32
      scf.if %cond3A_635 {
        %dma_start3A_1162 = arith.constant 2 : i32
        %dma_start3A_1163 = arith.constant 0 : i32
        %dma_start3A_1164 = tpu.memref_slice %arg8[%dma_start3A_1162, %dma_start3A_1163] : memref<8x80xi32, #tpu.memory_space<vmem>> -> memref<1x80xi32, #tpu.memory_space<vmem>>
        %dma_start3A_1165 = tpu.memref_squeeze %dma_start3A_1164 : memref<1x80xi32, #tpu.memory_space<vmem>> -> memref<80xi32, #tpu.memory_space<vmem>>
        %dma_start3A_1166 = arith.constant 0 : i32
        %dma_start3A_1167 = arith.constant 0 : i32
        %dma_start3A_1168 = tpu.memref_slice %arg2[%dma_start3A_1166, %dma_start3A_1167] : memref<10240x128xf32, #tpu.memory_space<hbm>> -> memref<10240x128xf32, #tpu.memory_space<hbm>>
        tpu.enqueue_indirect_dma source(%dma_start3A_1168 : memref<10240x128xf32, #tpu.memory_space<hbm>>) target(%arg16 : memref<80x128xf32, #tpu.memory_space<vmem>>) offsets(%dma_start3A_1165 : memref<80xi32, #tpu.memory_space<vmem>>) semaphore(%arg25 : memref<!tpu.dma_semaphore, #tpu.memory_space<semaphore_mem>>)
      } else {
      }
      %add3A_636 = arith.constant 2 : i32
      %add3A_637 = arith.addi %add3A_113, %add3A_636 : i32
      %mul3A_638 = arith.constant 8 : i32
      %mul3A_639 = arith.muli %add3A_637, %mul3A_638 : i32
      %add3A_640 = arith.constant 0 : i32
      %add3A_641 = arith.addi %mul3A_639, %add3A_640 : i32
      %dma_wait3A_642 = arith.constant 0 : i32
      %dma_wait3A_643 = arith.constant 0 : i32
      %dma_wait3A_644 = tpu.memref_slice %arg8[%dma_wait3A_642, %dma_wait3A_643] : memref<8x80xi32, #tpu.memory_space<vmem>> -> memref<1x80xi32, #tpu.memory_space<vmem>>
      %dma_wait3A_645 = tpu.memref_squeeze %dma_wait3A_644 : memref<1x80xi32, #tpu.memory_space<vmem>> -> memref<80xi32, #tpu.memory_space<vmem>>
      %dma_wait3A_646 = arith.constant 0 : i32
      %dma_wait3A_647 = arith.constant 0 : i32
      %dma_wait3A_648 = tpu.memref_slice %arg2[%dma_wait3A_646, %dma_wait3A_647] : memref<10240x128xf32, #tpu.memory_space<hbm>> -> memref<10240x128xf32, #tpu.memory_space<hbm>>
      tpu.wait_indirect_dma semaphore(%arg23 : memref<!tpu.dma_semaphore, #tpu.memory_space<semaphore_mem>>) src(%dma_wait3A_648 : memref<10240x128xf32, #tpu.memory_space<hbm>>) dst(%arg14 : memref<80x128xf32, #tpu.memory_space<vmem>>)
      %dma_start3A_649 = arith.constant 0 : i32
      %dma_start3A_650 = arith.constant 0 : i32
      %dma_start3A_651 = tpu.memref_slice %arg12[%dma_start3A_649, %dma_start3A_650] : memref<8x80xi32, #tpu.memory_space<vmem>> -> memref<1x80xi32, #tpu.memory_space<vmem>>
      %dma_start3A_652 = tpu.memref_squeeze %dma_start3A_651 : memref<1x80xi32, #tpu.memory_space<vmem>> -> memref<80xi32, #tpu.memory_space<vmem>>
      %dma_start3A_653 = arith.constant 0 : i32
      %dma_start3A_654 = arith.constant 0 : i32
      %dma_start3A_655 = tpu.memref_slice %arg18[%dma_start3A_653, %dma_start3A_654] : memref<10240x128xf32, #tpu.memory_space<vmem_shared>> -> memref<10240x128xf32, #tpu.memory_space<vmem_shared>>
      tpu.enqueue_indirect_dma source(%arg14 : memref<80x128xf32, #tpu.memory_space<vmem>>) target(%dma_start3A_655 : memref<10240x128xf32, #tpu.memory_space<vmem_shared>>) offsets(%dma_start3A_652 : memref<80xi32, #tpu.memory_space<vmem>>) semaphore(%arg27 : memref<!tpu.dma_semaphore, #tpu.memory_space<semaphore_mem>>) {add = true}
      %gt3A_656 = arith.constant 0 : i32
      %gt3A_657 = arith.cmpi sgt, %add3A_641, %gt3A_656 : i32
      %convert_element_type3A_658 = arith.extui %gt3A_657 : i1 to i32
      %cond3A_659 = arith.constant 0 : i32
      %cond3A_660 = arith.cmpi ne, %convert_element_type3A_658, %cond3A_659 : i32
      scf.if %cond3A_660 {
        %dma_wait3A_1162 = arith.constant 7 : i32
        %dma_wait3A_1163 = arith.constant 0 : i32
        %dma_wait3A_1164 = tpu.memref_slice %arg11[%dma_wait3A_1162, %dma_wait3A_1163] : memref<8x80xi32, #tpu.memory_space<vmem>> -> memref<1x80xi32, #tpu.memory_space<vmem>>
        %dma_wait3A_1165 = tpu.memref_squeeze %dma_wait3A_1164 : memref<1x80xi32, #tpu.memory_space<vmem>> -> memref<80xi32, #tpu.memory_space<vmem>>
        %dma_wait3A_1166 = arith.constant 0 : i32
        %dma_wait3A_1167 = arith.constant 0 : i32
        %dma_wait3A_1168 = tpu.memref_slice %arg18[%dma_wait3A_1166, %dma_wait3A_1167] : memref<10240x128xf32, #tpu.memory_space<vmem_shared>> -> memref<10240x128xf32, #tpu.memory_space<vmem_shared>>
        tpu.wait_indirect_dma semaphore(%arg30 : memref<!tpu.dma_semaphore, #tpu.memory_space<semaphore_mem>>) src(%arg17 : memref<80x128xf32, #tpu.memory_space<vmem>>) dst(%dma_wait3A_1168 : memref<10240x128xf32, #tpu.memory_space<vmem_shared>>)
      } else {
      }
      %dma_start3A_661 = arith.constant 3 : i32
      %dma_start3A_662 = arith.constant 0 : i32
      %dma_start3A_663 = tpu.memref_slice %arg8[%dma_start3A_661, %dma_start3A_662] : memref<8x80xi32, #tpu.memory_space<vmem>> -> memref<1x80xi32, #tpu.memory_space<vmem>>
      %dma_start3A_664 = tpu.memref_squeeze %dma_start3A_663 : memref<1x80xi32, #tpu.memory_space<vmem>> -> memref<80xi32, #tpu.memory_space<vmem>>
      %dma_start3A_665 = arith.constant 0 : i32
      %dma_start3A_666 = arith.constant 0 : i32
      %dma_start3A_667 = tpu.memref_slice %arg2[%dma_start3A_665, %dma_start3A_666] : memref<10240x128xf32, #tpu.memory_space<hbm>> -> memref<10240x128xf32, #tpu.memory_space<hbm>>
      tpu.enqueue_indirect_dma source(%dma_start3A_667 : memref<10240x128xf32, #tpu.memory_space<hbm>>) target(%arg17 : memref<80x128xf32, #tpu.memory_space<vmem>>) offsets(%dma_start3A_664 : memref<80xi32, #tpu.memory_space<vmem>>) semaphore(%arg26 : memref<!tpu.dma_semaphore, #tpu.memory_space<semaphore_mem>>)
      %add3A_668 = arith.constant 2 : i32
      %add3A_669 = arith.addi %add3A_113, %add3A_668 : i32
      %mul3A_670 = arith.constant 8 : i32
      %mul3A_671 = arith.muli %add3A_669, %mul3A_670 : i32
      %add3A_672 = arith.constant 1 : i32
      %add3A_673 = arith.addi %mul3A_671, %add3A_672 : i32
      %dma_wait3A_674 = arith.constant 1 : i32
      %dma_wait3A_675 = arith.constant 0 : i32
      %dma_wait3A_676 = tpu.memref_slice %arg8[%dma_wait3A_674, %dma_wait3A_675] : memref<8x80xi32, #tpu.memory_space<vmem>> -> memref<1x80xi32, #tpu.memory_space<vmem>>
      %dma_wait3A_677 = tpu.memref_squeeze %dma_wait3A_676 : memref<1x80xi32, #tpu.memory_space<vmem>> -> memref<80xi32, #tpu.memory_space<vmem>>
      %dma_wait3A_678 = arith.constant 0 : i32
      %dma_wait3A_679 = arith.constant 0 : i32
      %dma_wait3A_680 = tpu.memref_slice %arg2[%dma_wait3A_678, %dma_wait3A_679] : memref<10240x128xf32, #tpu.memory_space<hbm>> -> memref<10240x128xf32, #tpu.memory_space<hbm>>
      tpu.wait_indirect_dma semaphore(%arg24 : memref<!tpu.dma_semaphore, #tpu.memory_space<semaphore_mem>>) src(%dma_wait3A_680 : memref<10240x128xf32, #tpu.memory_space<hbm>>) dst(%arg15 : memref<80x128xf32, #tpu.memory_space<vmem>>)
      %dma_start3A_681 = arith.constant 1 : i32
      %dma_start3A_682 = arith.constant 0 : i32
      %dma_start3A_683 = tpu.memref_slice %arg12[%dma_start3A_681, %dma_start3A_682] : memref<8x80xi32, #tpu.memory_space<vmem>> -> memref<1x80xi32, #tpu.memory_space<vmem>>
      %dma_start3A_684 = tpu.memref_squeeze %dma_start3A_683 : memref<1x80xi32, #tpu.memory_space<vmem>> -> memref<80xi32, #tpu.memory_space<vmem>>
      %dma_start3A_685 = arith.constant 0 : i32
      %dma_start3A_686 = arith.constant 0 : i32
      %dma_start3A_687 = tpu.memref_slice %arg18[%dma_start3A_685, %dma_start3A_686] : memref<10240x128xf32, #tpu.memory_space<vmem_shared>> -> memref<10240x128xf32, #tpu.memory_space<vmem_shared>>
      tpu.enqueue_indirect_dma source(%arg15 : memref<80x128xf32, #tpu.memory_space<vmem>>) target(%dma_start3A_687 : memref<10240x128xf32, #tpu.memory_space<vmem_shared>>) offsets(%dma_start3A_684 : memref<80xi32, #tpu.memory_space<vmem>>) semaphore(%arg28 : memref<!tpu.dma_semaphore, #tpu.memory_space<semaphore_mem>>) {add = true}
      %gt3A_688 = arith.constant 0 : i32
      %gt3A_689 = arith.cmpi sgt, %add3A_673, %gt3A_688 : i32
      %convert_element_type3A_690 = arith.extui %gt3A_689 : i1 to i32
      %cond3A_691 = arith.constant 0 : i32
      %cond3A_692 = arith.cmpi ne, %convert_element_type3A_690, %cond3A_691 : i32
      scf.if %cond3A_692 {
        %dma_wait3A_1162 = arith.constant 0 : i32
        %dma_wait3A_1163 = arith.constant 0 : i32
        %dma_wait3A_1164 = tpu.memref_slice %arg12[%dma_wait3A_1162, %dma_wait3A_1163] : memref<8x80xi32, #tpu.memory_space<vmem>> -> memref<1x80xi32, #tpu.memory_space<vmem>>
        %dma_wait3A_1165 = tpu.memref_squeeze %dma_wait3A_1164 : memref<1x80xi32, #tpu.memory_space<vmem>> -> memref<80xi32, #tpu.memory_space<vmem>>
        %dma_wait3A_1166 = arith.constant 0 : i32
        %dma_wait3A_1167 = arith.constant 0 : i32
        %dma_wait3A_1168 = tpu.memref_slice %arg18[%dma_wait3A_1166, %dma_wait3A_1167] : memref<10240x128xf32, #tpu.memory_space<vmem_shared>> -> memref<10240x128xf32, #tpu.memory_space<vmem_shared>>
        tpu.wait_indirect_dma semaphore(%arg27 : memref<!tpu.dma_semaphore, #tpu.memory_space<semaphore_mem>>) src(%arg14 : memref<80x128xf32, #tpu.memory_space<vmem>>) dst(%dma_wait3A_1168 : memref<10240x128xf32, #tpu.memory_space<vmem_shared>>)
      } else {
      }
      %dma_start3A_693 = arith.constant 4 : i32
      %dma_start3A_694 = arith.constant 0 : i32
      %dma_start3A_695 = tpu.memref_slice %arg8[%dma_start3A_693, %dma_start3A_694] : memref<8x80xi32, #tpu.memory_space<vmem>> -> memref<1x80xi32, #tpu.memory_space<vmem>>
      %dma_start3A_696 = tpu.memref_squeeze %dma_start3A_695 : memref<1x80xi32, #tpu.memory_space<vmem>> -> memref<80xi32, #tpu.memory_space<vmem>>
      %dma_start3A_697 = arith.constant 0 : i32
      %dma_start3A_698 = arith.constant 0 : i32
      %dma_start3A_699 = tpu.memref_slice %arg2[%dma_start3A_697, %dma_start3A_698] : memref<10240x128xf32, #tpu.memory_space<hbm>> -> memref<10240x128xf32, #tpu.memory_space<hbm>>
      tpu.enqueue_indirect_dma source(%dma_start3A_699 : memref<10240x128xf32, #tpu.memory_space<hbm>>) target(%arg14 : memref<80x128xf32, #tpu.memory_space<vmem>>) offsets(%dma_start3A_696 : memref<80xi32, #tpu.memory_space<vmem>>) semaphore(%arg23 : memref<!tpu.dma_semaphore, #tpu.memory_space<semaphore_mem>>)
      %add3A_700 = arith.constant 2 : i32
      %add3A_701 = arith.addi %add3A_113, %add3A_700 : i32
      %mul3A_702 = arith.constant 8 : i32
      %mul3A_703 = arith.muli %add3A_701, %mul3A_702 : i32
      %add3A_704 = arith.constant 2 : i32
      %add3A_705 = arith.addi %mul3A_703, %add3A_704 : i32
      %dma_wait3A_706 = arith.constant 2 : i32
      %dma_wait3A_707 = arith.constant 0 : i32
      %dma_wait3A_708 = tpu.memref_slice %arg8[%dma_wait3A_706, %dma_wait3A_707] : memref<8x80xi32, #tpu.memory_space<vmem>> -> memref<1x80xi32, #tpu.memory_space<vmem>>
      %dma_wait3A_709 = tpu.memref_squeeze %dma_wait3A_708 : memref<1x80xi32, #tpu.memory_space<vmem>> -> memref<80xi32, #tpu.memory_space<vmem>>
      %dma_wait3A_710 = arith.constant 0 : i32
      %dma_wait3A_711 = arith.constant 0 : i32
      %dma_wait3A_712 = tpu.memref_slice %arg2[%dma_wait3A_710, %dma_wait3A_711] : memref<10240x128xf32, #tpu.memory_space<hbm>> -> memref<10240x128xf32, #tpu.memory_space<hbm>>
      tpu.wait_indirect_dma semaphore(%arg25 : memref<!tpu.dma_semaphore, #tpu.memory_space<semaphore_mem>>) src(%dma_wait3A_712 : memref<10240x128xf32, #tpu.memory_space<hbm>>) dst(%arg16 : memref<80x128xf32, #tpu.memory_space<vmem>>)
      %dma_start3A_713 = arith.constant 2 : i32
      %dma_start3A_714 = arith.constant 0 : i32
      %dma_start3A_715 = tpu.memref_slice %arg12[%dma_start3A_713, %dma_start3A_714] : memref<8x80xi32, #tpu.memory_space<vmem>> -> memref<1x80xi32, #tpu.memory_space<vmem>>
      %dma_start3A_716 = tpu.memref_squeeze %dma_start3A_715 : memref<1x80xi32, #tpu.memory_space<vmem>> -> memref<80xi32, #tpu.memory_space<vmem>>
      %dma_start3A_717 = arith.constant 0 : i32
      %dma_start3A_718 = arith.constant 0 : i32
      %dma_start3A_719 = tpu.memref_slice %arg18[%dma_start3A_717, %dma_start3A_718] : memref<10240x128xf32, #tpu.memory_space<vmem_shared>> -> memref<10240x128xf32, #tpu.memory_space<vmem_shared>>
      tpu.enqueue_indirect_dma source(%arg16 : memref<80x128xf32, #tpu.memory_space<vmem>>) target(%dma_start3A_719 : memref<10240x128xf32, #tpu.memory_space<vmem_shared>>) offsets(%dma_start3A_716 : memref<80xi32, #tpu.memory_space<vmem>>) semaphore(%arg29 : memref<!tpu.dma_semaphore, #tpu.memory_space<semaphore_mem>>) {add = true}
      %gt3A_720 = arith.constant 0 : i32
      %gt3A_721 = arith.cmpi sgt, %add3A_705, %gt3A_720 : i32
      %convert_element_type3A_722 = arith.extui %gt3A_721 : i1 to i32
      %cond3A_723 = arith.constant 0 : i32
      %cond3A_724 = arith.cmpi ne, %convert_element_type3A_722, %cond3A_723 : i32
      scf.if %cond3A_724 {
        %dma_wait3A_1162 = arith.constant 1 : i32
        %dma_wait3A_1163 = arith.constant 0 : i32
        %dma_wait3A_1164 = tpu.memref_slice %arg12[%dma_wait3A_1162, %dma_wait3A_1163] : memref<8x80xi32, #tpu.memory_space<vmem>> -> memref<1x80xi32, #tpu.memory_space<vmem>>
        %dma_wait3A_1165 = tpu.memref_squeeze %dma_wait3A_1164 : memref<1x80xi32, #tpu.memory_space<vmem>> -> memref<80xi32, #tpu.memory_space<vmem>>
        %dma_wait3A_1166 = arith.constant 0 : i32
        %dma_wait3A_1167 = arith.constant 0 : i32
        %dma_wait3A_1168 = tpu.memref_slice %arg18[%dma_wait3A_1166, %dma_wait3A_1167] : memref<10240x128xf32, #tpu.memory_space<vmem_shared>> -> memref<10240x128xf32, #tpu.memory_space<vmem_shared>>
        tpu.wait_indirect_dma semaphore(%arg28 : memref<!tpu.dma_semaphore, #tpu.memory_space<semaphore_mem>>) src(%arg15 : memref<80x128xf32, #tpu.memory_space<vmem>>) dst(%dma_wait3A_1168 : memref<10240x128xf32, #tpu.memory_space<vmem_shared>>)
      } else {
      }
      %add3A_725 = arith.constant 3 : i32
      %add3A_726 = arith.addi %add3A_701, %add3A_725 : i32
      %lt3A_727 = arith.constant 16 : i32
      %lt3A_728 = arith.cmpi slt, %add3A_726, %lt3A_727 : i32
      %convert_element_type3A_729 = arith.extui %lt3A_728 : i1 to i32
      %cond3A_730 = arith.constant 0 : i32
      %cond3A_731 = arith.cmpi ne, %convert_element_type3A_729, %cond3A_730 : i32
      scf.if %cond3A_731 {
        %add3A_1162 = arith.constant 3 : i32
        %add3A_1163 = arith.addi %add3A_701, %add3A_1162 : i32
        %mul3A_1164 = arith.constant 8 : i32
        %mul3A_1165 = arith.muli %add3A_1163, %mul3A_1164 : i32
        %add3A_1166 = arith.addi %mul3A_2, %mul3A_1165 : i32
        %dma_start3A_1167 = arith.constant 0 : i32
        %dma_start3A_1168 = tpu.memref_slice %arg3[%add3A_1166, %dma_start3A_1167] : memref<4096x80xi32, #tpu.memory_space<hbm>> -> memref<8x80xi32, #tpu.memory_space<hbm>>
        %dma_start3A_1169 = arith.constant 0 : i32
        %dma_start3A_1170 = tpu.memref_slice %arg3[%add3A_1166, %dma_start3A_1169] : memref<4096x80xi32, #tpu.memory_space<hbm>> -> memref<8x80xi32, #tpu.memory_space<hbm>>
        tpu.enqueue_dma source(%dma_start3A_1170 : memref<8x80xi32, #tpu.memory_space<hbm>>) target(%arg7 : memref<8x80xi32, #tpu.memory_space<vmem>>) target_semaphore(%arg20 : memref<!tpu.dma_semaphore, #tpu.memory_space<semaphore_mem>>)
        %mul3A_1171 = arith.constant 8 : i32
        %mul3A_1172 = arith.muli %add3A_1163, %mul3A_1171 : i32
        %add3A_1173 = arith.addi %mul3A_2, %mul3A_1172 : i32
        %dma_start3A_1174 = arith.constant 0 : i32
        %dma_start3A_1175 = tpu.memref_slice %arg4[%add3A_1173, %dma_start3A_1174] : memref<4096x80xi32, #tpu.memory_space<hbm>> -> memref<8x80xi32, #tpu.memory_space<hbm>>
        %dma_start3A_1176 = arith.constant 0 : i32
        %dma_start3A_1177 = tpu.memref_slice %arg4[%add3A_1173, %dma_start3A_1176] : memref<4096x80xi32, #tpu.memory_space<hbm>> -> memref<8x80xi32, #tpu.memory_space<hbm>>
        tpu.enqueue_dma source(%dma_start3A_1177 : memref<8x80xi32, #tpu.memory_space<hbm>>) target(%arg11 : memref<8x80xi32, #tpu.memory_space<vmem>>) target_semaphore(%arg20 : memref<!tpu.dma_semaphore, #tpu.memory_space<semaphore_mem>>)
      } else {
      }
      %dma_start3A_732 = arith.constant 5 : i32
      %dma_start3A_733 = arith.constant 0 : i32
      %dma_start3A_734 = tpu.memref_slice %arg8[%dma_start3A_732, %dma_start3A_733] : memref<8x80xi32, #tpu.memory_space<vmem>> -> memref<1x80xi32, #tpu.memory_space<vmem>>
      %dma_start3A_735 = tpu.memref_squeeze %dma_start3A_734 : memref<1x80xi32, #tpu.memory_space<vmem>> -> memref<80xi32, #tpu.memory_space<vmem>>
      %dma_start3A_736 = arith.constant 0 : i32
      %dma_start3A_737 = arith.constant 0 : i32
      %dma_start3A_738 = tpu.memref_slice %arg2[%dma_start3A_736, %dma_start3A_737] : memref<10240x128xf32, #tpu.memory_space<hbm>> -> memref<10240x128xf32, #tpu.memory_space<hbm>>
      tpu.enqueue_indirect_dma source(%dma_start3A_738 : memref<10240x128xf32, #tpu.memory_space<hbm>>) target(%arg15 : memref<80x128xf32, #tpu.memory_space<vmem>>) offsets(%dma_start3A_735 : memref<80xi32, #tpu.memory_space<vmem>>) semaphore(%arg24 : memref<!tpu.dma_semaphore, #tpu.memory_space<semaphore_mem>>)
      %add3A_739 = arith.constant 2 : i32
      %add3A_740 = arith.addi %add3A_113, %add3A_739 : i32
      %mul3A_741 = arith.constant 8 : i32
      %mul3A_742 = arith.muli %add3A_740, %mul3A_741 : i32
      %add3A_743 = arith.constant 3 : i32
      %add3A_744 = arith.addi %mul3A_742, %add3A_743 : i32
      %dma_wait3A_745 = arith.constant 3 : i32
      %dma_wait3A_746 = arith.constant 0 : i32
      %dma_wait3A_747 = tpu.memref_slice %arg8[%dma_wait3A_745, %dma_wait3A_746] : memref<8x80xi32, #tpu.memory_space<vmem>> -> memref<1x80xi32, #tpu.memory_space<vmem>>
      %dma_wait3A_748 = tpu.memref_squeeze %dma_wait3A_747 : memref<1x80xi32, #tpu.memory_space<vmem>> -> memref<80xi32, #tpu.memory_space<vmem>>
      %dma_wait3A_749 = arith.constant 0 : i32
      %dma_wait3A_750 = arith.constant 0 : i32
      %dma_wait3A_751 = tpu.memref_slice %arg2[%dma_wait3A_749, %dma_wait3A_750] : memref<10240x128xf32, #tpu.memory_space<hbm>> -> memref<10240x128xf32, #tpu.memory_space<hbm>>
      tpu.wait_indirect_dma semaphore(%arg26 : memref<!tpu.dma_semaphore, #tpu.memory_space<semaphore_mem>>) src(%dma_wait3A_751 : memref<10240x128xf32, #tpu.memory_space<hbm>>) dst(%arg17 : memref<80x128xf32, #tpu.memory_space<vmem>>)
      %dma_start3A_752 = arith.constant 3 : i32
      %dma_start3A_753 = arith.constant 0 : i32
      %dma_start3A_754 = tpu.memref_slice %arg12[%dma_start3A_752, %dma_start3A_753] : memref<8x80xi32, #tpu.memory_space<vmem>> -> memref<1x80xi32, #tpu.memory_space<vmem>>
      %dma_start3A_755 = tpu.memref_squeeze %dma_start3A_754 : memref<1x80xi32, #tpu.memory_space<vmem>> -> memref<80xi32, #tpu.memory_space<vmem>>
      %dma_start3A_756 = arith.constant 0 : i32
      %dma_start3A_757 = arith.constant 0 : i32
      %dma_start3A_758 = tpu.memref_slice %arg18[%dma_start3A_756, %dma_start3A_757] : memref<10240x128xf32, #tpu.memory_space<vmem_shared>> -> memref<10240x128xf32, #tpu.memory_space<vmem_shared>>
      tpu.enqueue_indirect_dma source(%arg17 : memref<80x128xf32, #tpu.memory_space<vmem>>) target(%dma_start3A_758 : memref<10240x128xf32, #tpu.memory_space<vmem_shared>>) offsets(%dma_start3A_755 : memref<80xi32, #tpu.memory_space<vmem>>) semaphore(%arg30 : memref<!tpu.dma_semaphore, #tpu.memory_space<semaphore_mem>>) {add = true}
      %gt3A_759 = arith.constant 0 : i32
      %gt3A_760 = arith.cmpi sgt, %add3A_744, %gt3A_759 : i32
      %convert_element_type3A_761 = arith.extui %gt3A_760 : i1 to i32
      %cond3A_762 = arith.constant 0 : i32
      %cond3A_763 = arith.cmpi ne, %convert_element_type3A_761, %cond3A_762 : i32
      scf.if %cond3A_763 {
        %dma_wait3A_1162 = arith.constant 2 : i32
        %dma_wait3A_1163 = arith.constant 0 : i32
        %dma_wait3A_1164 = tpu.memref_slice %arg12[%dma_wait3A_1162, %dma_wait3A_1163] : memref<8x80xi32, #tpu.memory_space<vmem>> -> memref<1x80xi32, #tpu.memory_space<vmem>>
        %dma_wait3A_1165 = tpu.memref_squeeze %dma_wait3A_1164 : memref<1x80xi32, #tpu.memory_space<vmem>> -> memref<80xi32, #tpu.memory_space<vmem>>
        %dma_wait3A_1166 = arith.constant 0 : i32
        %dma_wait3A_1167 = arith.constant 0 : i32
        %dma_wait3A_1168 = tpu.memref_slice %arg18[%dma_wait3A_1166, %dma_wait3A_1167] : memref<10240x128xf32, #tpu.memory_space<vmem_shared>> -> memref<10240x128xf32, #tpu.memory_space<vmem_shared>>
        tpu.wait_indirect_dma semaphore(%arg29 : memref<!tpu.dma_semaphore, #tpu.memory_space<semaphore_mem>>) src(%arg16 : memref<80x128xf32, #tpu.memory_space<vmem>>) dst(%dma_wait3A_1168 : memref<10240x128xf32, #tpu.memory_space<vmem_shared>>)
      } else {
      }
      %dma_start3A_764 = arith.constant 6 : i32
      %dma_start3A_765 = arith.constant 0 : i32
      %dma_start3A_766 = tpu.memref_slice %arg8[%dma_start3A_764, %dma_start3A_765] : memref<8x80xi32, #tpu.memory_space<vmem>> -> memref<1x80xi32, #tpu.memory_space<vmem>>
      %dma_start3A_767 = tpu.memref_squeeze %dma_start3A_766 : memref<1x80xi32, #tpu.memory_space<vmem>> -> memref<80xi32, #tpu.memory_space<vmem>>
      %dma_start3A_768 = arith.constant 0 : i32
      %dma_start3A_769 = arith.constant 0 : i32
      %dma_start3A_770 = tpu.memref_slice %arg2[%dma_start3A_768, %dma_start3A_769] : memref<10240x128xf32, #tpu.memory_space<hbm>> -> memref<10240x128xf32, #tpu.memory_space<hbm>>
      tpu.enqueue_indirect_dma source(%dma_start3A_770 : memref<10240x128xf32, #tpu.memory_space<hbm>>) target(%arg16 : memref<80x128xf32, #tpu.memory_space<vmem>>) offsets(%dma_start3A_767 : memref<80xi32, #tpu.memory_space<vmem>>) semaphore(%arg25 : memref<!tpu.dma_semaphore, #tpu.memory_space<semaphore_mem>>)
      %add3A_771 = arith.constant 2 : i32
      %add3A_772 = arith.addi %add3A_113, %add3A_771 : i32
      %mul3A_773 = arith.constant 8 : i32
      %mul3A_774 = arith.muli %add3A_772, %mul3A_773 : i32
      %add3A_775 = arith.constant 4 : i32
      %add3A_776 = arith.addi %mul3A_774, %add3A_775 : i32
      %dma_wait3A_777 = arith.constant 4 : i32
      %dma_wait3A_778 = arith.constant 0 : i32
      %dma_wait3A_779 = tpu.memref_slice %arg8[%dma_wait3A_777, %dma_wait3A_778] : memref<8x80xi32, #tpu.memory_space<vmem>> -> memref<1x80xi32, #tpu.memory_space<vmem>>
      %dma_wait3A_780 = tpu.memref_squeeze %dma_wait3A_779 : memref<1x80xi32, #tpu.memory_space<vmem>> -> memref<80xi32, #tpu.memory_space<vmem>>
      %dma_wait3A_781 = arith.constant 0 : i32
      %dma_wait3A_782 = arith.constant 0 : i32
      %dma_wait3A_783 = tpu.memref_slice %arg2[%dma_wait3A_781, %dma_wait3A_782] : memref<10240x128xf32, #tpu.memory_space<hbm>> -> memref<10240x128xf32, #tpu.memory_space<hbm>>
      tpu.wait_indirect_dma semaphore(%arg23 : memref<!tpu.dma_semaphore, #tpu.memory_space<semaphore_mem>>) src(%dma_wait3A_783 : memref<10240x128xf32, #tpu.memory_space<hbm>>) dst(%arg14 : memref<80x128xf32, #tpu.memory_space<vmem>>)
      %dma_start3A_784 = arith.constant 4 : i32
      %dma_start3A_785 = arith.constant 0 : i32
      %dma_start3A_786 = tpu.memref_slice %arg12[%dma_start3A_784, %dma_start3A_785] : memref<8x80xi32, #tpu.memory_space<vmem>> -> memref<1x80xi32, #tpu.memory_space<vmem>>
      %dma_start3A_787 = tpu.memref_squeeze %dma_start3A_786 : memref<1x80xi32, #tpu.memory_space<vmem>> -> memref<80xi32, #tpu.memory_space<vmem>>
      %dma_start3A_788 = arith.constant 0 : i32
      %dma_start3A_789 = arith.constant 0 : i32
      %dma_start3A_790 = tpu.memref_slice %arg18[%dma_start3A_788, %dma_start3A_789] : memref<10240x128xf32, #tpu.memory_space<vmem_shared>> -> memref<10240x128xf32, #tpu.memory_space<vmem_shared>>
      tpu.enqueue_indirect_dma source(%arg14 : memref<80x128xf32, #tpu.memory_space<vmem>>) target(%dma_start3A_790 : memref<10240x128xf32, #tpu.memory_space<vmem_shared>>) offsets(%dma_start3A_787 : memref<80xi32, #tpu.memory_space<vmem>>) semaphore(%arg27 : memref<!tpu.dma_semaphore, #tpu.memory_space<semaphore_mem>>) {add = true}
      %gt3A_791 = arith.constant 0 : i32
      %gt3A_792 = arith.cmpi sgt, %add3A_776, %gt3A_791 : i32
      %convert_element_type3A_793 = arith.extui %gt3A_792 : i1 to i32
      %cond3A_794 = arith.constant 0 : i32
      %cond3A_795 = arith.cmpi ne, %convert_element_type3A_793, %cond3A_794 : i32
      scf.if %cond3A_795 {
        %dma_wait3A_1162 = arith.constant 3 : i32
        %dma_wait3A_1163 = arith.constant 0 : i32
        %dma_wait3A_1164 = tpu.memref_slice %arg12[%dma_wait3A_1162, %dma_wait3A_1163] : memref<8x80xi32, #tpu.memory_space<vmem>> -> memref<1x80xi32, #tpu.memory_space<vmem>>
        %dma_wait3A_1165 = tpu.memref_squeeze %dma_wait3A_1164 : memref<1x80xi32, #tpu.memory_space<vmem>> -> memref<80xi32, #tpu.memory_space<vmem>>
        %dma_wait3A_1166 = arith.constant 0 : i32
        %dma_wait3A_1167 = arith.constant 0 : i32
        %dma_wait3A_1168 = tpu.memref_slice %arg18[%dma_wait3A_1166, %dma_wait3A_1167] : memref<10240x128xf32, #tpu.memory_space<vmem_shared>> -> memref<10240x128xf32, #tpu.memory_space<vmem_shared>>
        tpu.wait_indirect_dma semaphore(%arg30 : memref<!tpu.dma_semaphore, #tpu.memory_space<semaphore_mem>>) src(%arg17 : memref<80x128xf32, #tpu.memory_space<vmem>>) dst(%dma_wait3A_1168 : memref<10240x128xf32, #tpu.memory_space<vmem_shared>>)
      } else {
      }
      %dma_start3A_796 = arith.constant 7 : i32
      %dma_start3A_797 = arith.constant 0 : i32
      %dma_start3A_798 = tpu.memref_slice %arg8[%dma_start3A_796, %dma_start3A_797] : memref<8x80xi32, #tpu.memory_space<vmem>> -> memref<1x80xi32, #tpu.memory_space<vmem>>
      %dma_start3A_799 = tpu.memref_squeeze %dma_start3A_798 : memref<1x80xi32, #tpu.memory_space<vmem>> -> memref<80xi32, #tpu.memory_space<vmem>>
      %dma_start3A_800 = arith.constant 0 : i32
      %dma_start3A_801 = arith.constant 0 : i32
      %dma_start3A_802 = tpu.memref_slice %arg2[%dma_start3A_800, %dma_start3A_801] : memref<10240x128xf32, #tpu.memory_space<hbm>> -> memref<10240x128xf32, #tpu.memory_space<hbm>>
      tpu.enqueue_indirect_dma source(%dma_start3A_802 : memref<10240x128xf32, #tpu.memory_space<hbm>>) target(%arg17 : memref<80x128xf32, #tpu.memory_space<vmem>>) offsets(%dma_start3A_799 : memref<80xi32, #tpu.memory_space<vmem>>) semaphore(%arg26 : memref<!tpu.dma_semaphore, #tpu.memory_space<semaphore_mem>>)
      %add3A_803 = arith.constant 2 : i32
      %add3A_804 = arith.addi %add3A_113, %add3A_803 : i32
      %mul3A_805 = arith.constant 8 : i32
      %mul3A_806 = arith.muli %add3A_804, %mul3A_805 : i32
      %add3A_807 = arith.constant 5 : i32
      %add3A_808 = arith.addi %mul3A_806, %add3A_807 : i32
      %dma_wait3A_809 = arith.constant 5 : i32
      %dma_wait3A_810 = arith.constant 0 : i32
      %dma_wait3A_811 = tpu.memref_slice %arg8[%dma_wait3A_809, %dma_wait3A_810] : memref<8x80xi32, #tpu.memory_space<vmem>> -> memref<1x80xi32, #tpu.memory_space<vmem>>
      %dma_wait3A_812 = tpu.memref_squeeze %dma_wait3A_811 : memref<1x80xi32, #tpu.memory_space<vmem>> -> memref<80xi32, #tpu.memory_space<vmem>>
      %dma_wait3A_813 = arith.constant 0 : i32
      %dma_wait3A_814 = arith.constant 0 : i32
      %dma_wait3A_815 = tpu.memref_slice %arg2[%dma_wait3A_813, %dma_wait3A_814] : memref<10240x128xf32, #tpu.memory_space<hbm>> -> memref<10240x128xf32, #tpu.memory_space<hbm>>
      tpu.wait_indirect_dma semaphore(%arg24 : memref<!tpu.dma_semaphore, #tpu.memory_space<semaphore_mem>>) src(%dma_wait3A_815 : memref<10240x128xf32, #tpu.memory_space<hbm>>) dst(%arg15 : memref<80x128xf32, #tpu.memory_space<vmem>>)
      %dma_start3A_816 = arith.constant 5 : i32
      %dma_start3A_817 = arith.constant 0 : i32
      %dma_start3A_818 = tpu.memref_slice %arg12[%dma_start3A_816, %dma_start3A_817] : memref<8x80xi32, #tpu.memory_space<vmem>> -> memref<1x80xi32, #tpu.memory_space<vmem>>
      %dma_start3A_819 = tpu.memref_squeeze %dma_start3A_818 : memref<1x80xi32, #tpu.memory_space<vmem>> -> memref<80xi32, #tpu.memory_space<vmem>>
      %dma_start3A_820 = arith.constant 0 : i32
      %dma_start3A_821 = arith.constant 0 : i32
      %dma_start3A_822 = tpu.memref_slice %arg18[%dma_start3A_820, %dma_start3A_821] : memref<10240x128xf32, #tpu.memory_space<vmem_shared>> -> memref<10240x128xf32, #tpu.memory_space<vmem_shared>>
      tpu.enqueue_indirect_dma source(%arg15 : memref<80x128xf32, #tpu.memory_space<vmem>>) target(%dma_start3A_822 : memref<10240x128xf32, #tpu.memory_space<vmem_shared>>) offsets(%dma_start3A_819 : memref<80xi32, #tpu.memory_space<vmem>>) semaphore(%arg28 : memref<!tpu.dma_semaphore, #tpu.memory_space<semaphore_mem>>) {add = true}
      %gt3A_823 = arith.constant 0 : i32
      %gt3A_824 = arith.cmpi sgt, %add3A_808, %gt3A_823 : i32
      %convert_element_type3A_825 = arith.extui %gt3A_824 : i1 to i32
      %cond3A_826 = arith.constant 0 : i32
      %cond3A_827 = arith.cmpi ne, %convert_element_type3A_825, %cond3A_826 : i32
      scf.if %cond3A_827 {
        %dma_wait3A_1162 = arith.constant 4 : i32
        %dma_wait3A_1163 = arith.constant 0 : i32
        %dma_wait3A_1164 = tpu.memref_slice %arg12[%dma_wait3A_1162, %dma_wait3A_1163] : memref<8x80xi32, #tpu.memory_space<vmem>> -> memref<1x80xi32, #tpu.memory_space<vmem>>
        %dma_wait3A_1165 = tpu.memref_squeeze %dma_wait3A_1164 : memref<1x80xi32, #tpu.memory_space<vmem>> -> memref<80xi32, #tpu.memory_space<vmem>>
        %dma_wait3A_1166 = arith.constant 0 : i32
        %dma_wait3A_1167 = arith.constant 0 : i32
        %dma_wait3A_1168 = tpu.memref_slice %arg18[%dma_wait3A_1166, %dma_wait3A_1167] : memref<10240x128xf32, #tpu.memory_space<vmem_shared>> -> memref<10240x128xf32, #tpu.memory_space<vmem_shared>>
        tpu.wait_indirect_dma semaphore(%arg27 : memref<!tpu.dma_semaphore, #tpu.memory_space<semaphore_mem>>) src(%arg14 : memref<80x128xf32, #tpu.memory_space<vmem>>) dst(%dma_wait3A_1168 : memref<10240x128xf32, #tpu.memory_space<vmem_shared>>)
      } else {
      }
      %add3A_828 = arith.constant 1 : i32
      %add3A_829 = arith.addi %add3A_804, %add3A_828 : i32
      %lt3A_830 = arith.constant 16 : i32
      %lt3A_831 = arith.cmpi slt, %add3A_829, %lt3A_830 : i32
      %convert_element_type3A_832 = arith.extui %lt3A_831 : i1 to i32
      %cond3A_833 = arith.constant 0 : i32
      %cond3A_834 = arith.cmpi ne, %convert_element_type3A_832, %cond3A_833 : i32
      scf.if %cond3A_834 {
        %add3A_1162 = arith.constant 1 : i32
        %add3A_1163 = arith.addi %add3A_804, %add3A_1162 : i32
        %mul3A_1164 = arith.constant 8 : i32
        %mul3A_1165 = arith.muli %add3A_1163, %mul3A_1164 : i32
        %add3A_1166 = arith.addi %mul3A_2, %mul3A_1165 : i32
        %dma_wait3A_1167 = arith.constant 0 : i32
        %dma_wait3A_1168 = tpu.memref_slice %arg3[%add3A_1166, %dma_wait3A_1167] : memref<4096x80xi32, #tpu.memory_space<hbm>> -> memref<8x80xi32, #tpu.memory_space<hbm>>
        %dma_wait3A_1169 = arith.constant 0 : i32
        %dma_wait3A_1170 = tpu.memref_slice %arg3[%add3A_1166, %dma_wait3A_1169] : memref<4096x80xi32, #tpu.memory_space<hbm>> -> memref<8x80xi32, #tpu.memory_space<hbm>>
        tpu.wait_dma2 semaphore(%arg22 : memref<!tpu.dma_semaphore, #tpu.memory_space<semaphore_mem>>) src(%dma_wait3A_1170 : memref<8x80xi32, #tpu.memory_space<hbm>>) dst(%arg9 : memref<8x80xi32, #tpu.memory_space<vmem>>)
        %mul3A_1171 = arith.constant 8 : i32
        %mul3A_1172 = arith.muli %add3A_1163, %mul3A_1171 : i32
        %add3A_1173 = arith.addi %mul3A_2, %mul3A_1172 : i32
        %dma_wait3A_1174 = arith.constant 0 : i32
        %dma_wait3A_1175 = tpu.memref_slice %arg4[%add3A_1173, %dma_wait3A_1174] : memref<4096x80xi32, #tpu.memory_space<hbm>> -> memref<8x80xi32, #tpu.memory_space<hbm>>
        %dma_wait3A_1176 = arith.constant 0 : i32
        %dma_wait3A_1177 = tpu.memref_slice %arg4[%add3A_1173, %dma_wait3A_1176] : memref<4096x80xi32, #tpu.memory_space<hbm>> -> memref<8x80xi32, #tpu.memory_space<hbm>>
        tpu.wait_dma2 semaphore(%arg22 : memref<!tpu.dma_semaphore, #tpu.memory_space<semaphore_mem>>) src(%dma_wait3A_1177 : memref<8x80xi32, #tpu.memory_space<hbm>>) dst(%arg13 : memref<8x80xi32, #tpu.memory_space<vmem>>)
        %dma_start3A_1178 = arith.constant 0 : i32
        %dma_start3A_1179 = arith.constant 0 : i32
        %dma_start3A_1180 = tpu.memref_slice %arg9[%dma_start3A_1178, %dma_start3A_1179] : memref<8x80xi32, #tpu.memory_space<vmem>> -> memref<1x80xi32, #tpu.memory_space<vmem>>
        %dma_start3A_1181 = tpu.memref_squeeze %dma_start3A_1180 : memref<1x80xi32, #tpu.memory_space<vmem>> -> memref<80xi32, #tpu.memory_space<vmem>>
        %dma_start3A_1182 = arith.constant 0 : i32
        %dma_start3A_1183 = arith.constant 0 : i32
        %dma_start3A_1184 = tpu.memref_slice %arg2[%dma_start3A_1182, %dma_start3A_1183] : memref<10240x128xf32, #tpu.memory_space<hbm>> -> memref<10240x128xf32, #tpu.memory_space<hbm>>
        tpu.enqueue_indirect_dma source(%dma_start3A_1184 : memref<10240x128xf32, #tpu.memory_space<hbm>>) target(%arg14 : memref<80x128xf32, #tpu.memory_space<vmem>>) offsets(%dma_start3A_1181 : memref<80xi32, #tpu.memory_space<vmem>>) semaphore(%arg23 : memref<!tpu.dma_semaphore, #tpu.memory_space<semaphore_mem>>)
      } else {
      }
      %add3A_835 = arith.constant 2 : i32
      %add3A_836 = arith.addi %add3A_113, %add3A_835 : i32
      %mul3A_837 = arith.constant 8 : i32
      %mul3A_838 = arith.muli %add3A_836, %mul3A_837 : i32
      %add3A_839 = arith.constant 6 : i32
      %add3A_840 = arith.addi %mul3A_838, %add3A_839 : i32
      %dma_wait3A_841 = arith.constant 6 : i32
      %dma_wait3A_842 = arith.constant 0 : i32
      %dma_wait3A_843 = tpu.memref_slice %arg8[%dma_wait3A_841, %dma_wait3A_842] : memref<8x80xi32, #tpu.memory_space<vmem>> -> memref<1x80xi32, #tpu.memory_space<vmem>>
      %dma_wait3A_844 = tpu.memref_squeeze %dma_wait3A_843 : memref<1x80xi32, #tpu.memory_space<vmem>> -> memref<80xi32, #tpu.memory_space<vmem>>
      %dma_wait3A_845 = arith.constant 0 : i32
      %dma_wait3A_846 = arith.constant 0 : i32
      %dma_wait3A_847 = tpu.memref_slice %arg2[%dma_wait3A_845, %dma_wait3A_846] : memref<10240x128xf32, #tpu.memory_space<hbm>> -> memref<10240x128xf32, #tpu.memory_space<hbm>>
      tpu.wait_indirect_dma semaphore(%arg25 : memref<!tpu.dma_semaphore, #tpu.memory_space<semaphore_mem>>) src(%dma_wait3A_847 : memref<10240x128xf32, #tpu.memory_space<hbm>>) dst(%arg16 : memref<80x128xf32, #tpu.memory_space<vmem>>)
      %dma_start3A_848 = arith.constant 6 : i32
      %dma_start3A_849 = arith.constant 0 : i32
      %dma_start3A_850 = tpu.memref_slice %arg12[%dma_start3A_848, %dma_start3A_849] : memref<8x80xi32, #tpu.memory_space<vmem>> -> memref<1x80xi32, #tpu.memory_space<vmem>>
      %dma_start3A_851 = tpu.memref_squeeze %dma_start3A_850 : memref<1x80xi32, #tpu.memory_space<vmem>> -> memref<80xi32, #tpu.memory_space<vmem>>
      %dma_start3A_852 = arith.constant 0 : i32
      %dma_start3A_853 = arith.constant 0 : i32
      %dma_start3A_854 = tpu.memref_slice %arg18[%dma_start3A_852, %dma_start3A_853] : memref<10240x128xf32, #tpu.memory_space<vmem_shared>> -> memref<10240x128xf32, #tpu.memory_space<vmem_shared>>
      tpu.enqueue_indirect_dma source(%arg16 : memref<80x128xf32, #tpu.memory_space<vmem>>) target(%dma_start3A_854 : memref<10240x128xf32, #tpu.memory_space<vmem_shared>>) offsets(%dma_start3A_851 : memref<80xi32, #tpu.memory_space<vmem>>) semaphore(%arg29 : memref<!tpu.dma_semaphore, #tpu.memory_space<semaphore_mem>>) {add = true}
      %gt3A_855 = arith.constant 0 : i32
      %gt3A_856 = arith.cmpi sgt, %add3A_840, %gt3A_855 : i32
      %convert_element_type3A_857 = arith.extui %gt3A_856 : i1 to i32
      %cond3A_858 = arith.constant 0 : i32
      %cond3A_859 = arith.cmpi ne, %convert_element_type3A_857, %cond3A_858 : i32
      scf.if %cond3A_859 {
        %dma_wait3A_1162 = arith.constant 5 : i32
        %dma_wait3A_1163 = arith.constant 0 : i32
        %dma_wait3A_1164 = tpu.memref_slice %arg12[%dma_wait3A_1162, %dma_wait3A_1163] : memref<8x80xi32, #tpu.memory_space<vmem>> -> memref<1x80xi32, #tpu.memory_space<vmem>>
        %dma_wait3A_1165 = tpu.memref_squeeze %dma_wait3A_1164 : memref<1x80xi32, #tpu.memory_space<vmem>> -> memref<80xi32, #tpu.memory_space<vmem>>
        %dma_wait3A_1166 = arith.constant 0 : i32
        %dma_wait3A_1167 = arith.constant 0 : i32
        %dma_wait3A_1168 = tpu.memref_slice %arg18[%dma_wait3A_1166, %dma_wait3A_1167] : memref<10240x128xf32, #tpu.memory_space<vmem_shared>> -> memref<10240x128xf32, #tpu.memory_space<vmem_shared>>
        tpu.wait_indirect_dma semaphore(%arg28 : memref<!tpu.dma_semaphore, #tpu.memory_space<semaphore_mem>>) src(%arg15 : memref<80x128xf32, #tpu.memory_space<vmem>>) dst(%dma_wait3A_1168 : memref<10240x128xf32, #tpu.memory_space<vmem_shared>>)
      } else {
      }
      %add3A_860 = arith.constant 1 : i32
      %add3A_861 = arith.addi %add3A_836, %add3A_860 : i32
      %lt3A_862 = arith.constant 16 : i32
      %lt3A_863 = arith.cmpi slt, %add3A_861, %lt3A_862 : i32
      %convert_element_type3A_864 = arith.extui %lt3A_863 : i1 to i32
      %cond3A_865 = arith.constant 0 : i32
      %cond3A_866 = arith.cmpi ne, %convert_element_type3A_864, %cond3A_865 : i32
      scf.if %cond3A_866 {
        %dma_start3A_1162 = arith.constant 1 : i32
        %dma_start3A_1163 = arith.constant 0 : i32
        %dma_start3A_1164 = tpu.memref_slice %arg9[%dma_start3A_1162, %dma_start3A_1163] : memref<8x80xi32, #tpu.memory_space<vmem>> -> memref<1x80xi32, #tpu.memory_space<vmem>>
        %dma_start3A_1165 = tpu.memref_squeeze %dma_start3A_1164 : memref<1x80xi32, #tpu.memory_space<vmem>> -> memref<80xi32, #tpu.memory_space<vmem>>
        %dma_start3A_1166 = arith.constant 0 : i32
        %dma_start3A_1167 = arith.constant 0 : i32
        %dma_start3A_1168 = tpu.memref_slice %arg2[%dma_start3A_1166, %dma_start3A_1167] : memref<10240x128xf32, #tpu.memory_space<hbm>> -> memref<10240x128xf32, #tpu.memory_space<hbm>>
        tpu.enqueue_indirect_dma source(%dma_start3A_1168 : memref<10240x128xf32, #tpu.memory_space<hbm>>) target(%arg15 : memref<80x128xf32, #tpu.memory_space<vmem>>) offsets(%dma_start3A_1165 : memref<80xi32, #tpu.memory_space<vmem>>) semaphore(%arg24 : memref<!tpu.dma_semaphore, #tpu.memory_space<semaphore_mem>>)
      } else {
      }
      %add3A_867 = arith.constant 2 : i32
      %add3A_868 = arith.addi %add3A_113, %add3A_867 : i32
      %mul3A_869 = arith.constant 8 : i32
      %mul3A_870 = arith.muli %add3A_868, %mul3A_869 : i32
      %add3A_871 = arith.constant 7 : i32
      %add3A_872 = arith.addi %mul3A_870, %add3A_871 : i32
      %dma_wait3A_873 = arith.constant 7 : i32
      %dma_wait3A_874 = arith.constant 0 : i32
      %dma_wait3A_875 = tpu.memref_slice %arg8[%dma_wait3A_873, %dma_wait3A_874] : memref<8x80xi32, #tpu.memory_space<vmem>> -> memref<1x80xi32, #tpu.memory_space<vmem>>
      %dma_wait3A_876 = tpu.memref_squeeze %dma_wait3A_875 : memref<1x80xi32, #tpu.memory_space<vmem>> -> memref<80xi32, #tpu.memory_space<vmem>>
      %dma_wait3A_877 = arith.constant 0 : i32
      %dma_wait3A_878 = arith.constant 0 : i32
      %dma_wait3A_879 = tpu.memref_slice %arg2[%dma_wait3A_877, %dma_wait3A_878] : memref<10240x128xf32, #tpu.memory_space<hbm>> -> memref<10240x128xf32, #tpu.memory_space<hbm>>
      tpu.wait_indirect_dma semaphore(%arg26 : memref<!tpu.dma_semaphore, #tpu.memory_space<semaphore_mem>>) src(%dma_wait3A_879 : memref<10240x128xf32, #tpu.memory_space<hbm>>) dst(%arg17 : memref<80x128xf32, #tpu.memory_space<vmem>>)
      %dma_start3A_880 = arith.constant 7 : i32
      %dma_start3A_881 = arith.constant 0 : i32
      %dma_start3A_882 = tpu.memref_slice %arg12[%dma_start3A_880, %dma_start3A_881] : memref<8x80xi32, #tpu.memory_space<vmem>> -> memref<1x80xi32, #tpu.memory_space<vmem>>
      %dma_start3A_883 = tpu.memref_squeeze %dma_start3A_882 : memref<1x80xi32, #tpu.memory_space<vmem>> -> memref<80xi32, #tpu.memory_space<vmem>>
      %dma_start3A_884 = arith.constant 0 : i32
      %dma_start3A_885 = arith.constant 0 : i32
      %dma_start3A_886 = tpu.memref_slice %arg18[%dma_start3A_884, %dma_start3A_885] : memref<10240x128xf32, #tpu.memory_space<vmem_shared>> -> memref<10240x128xf32, #tpu.memory_space<vmem_shared>>
      tpu.enqueue_indirect_dma source(%arg17 : memref<80x128xf32, #tpu.memory_space<vmem>>) target(%dma_start3A_886 : memref<10240x128xf32, #tpu.memory_space<vmem_shared>>) offsets(%dma_start3A_883 : memref<80xi32, #tpu.memory_space<vmem>>) semaphore(%arg30 : memref<!tpu.dma_semaphore, #tpu.memory_space<semaphore_mem>>) {add = true}
      %gt3A_887 = arith.constant 0 : i32
      %gt3A_888 = arith.cmpi sgt, %add3A_872, %gt3A_887 : i32
      %convert_element_type3A_889 = arith.extui %gt3A_888 : i1 to i32
      %cond3A_890 = arith.constant 0 : i32
      %cond3A_891 = arith.cmpi ne, %convert_element_type3A_889, %cond3A_890 : i32
      scf.if %cond3A_891 {
        %dma_wait3A_1162 = arith.constant 6 : i32
        %dma_wait3A_1163 = arith.constant 0 : i32
        %dma_wait3A_1164 = tpu.memref_slice %arg12[%dma_wait3A_1162, %dma_wait3A_1163] : memref<8x80xi32, #tpu.memory_space<vmem>> -> memref<1x80xi32, #tpu.memory_space<vmem>>
        %dma_wait3A_1165 = tpu.memref_squeeze %dma_wait3A_1164 : memref<1x80xi32, #tpu.memory_space<vmem>> -> memref<80xi32, #tpu.memory_space<vmem>>
        %dma_wait3A_1166 = arith.constant 0 : i32
        %dma_wait3A_1167 = arith.constant 0 : i32
        %dma_wait3A_1168 = tpu.memref_slice %arg18[%dma_wait3A_1166, %dma_wait3A_1167] : memref<10240x128xf32, #tpu.memory_space<vmem_shared>> -> memref<10240x128xf32, #tpu.memory_space<vmem_shared>>
        tpu.wait_indirect_dma semaphore(%arg29 : memref<!tpu.dma_semaphore, #tpu.memory_space<semaphore_mem>>) src(%arg16 : memref<80x128xf32, #tpu.memory_space<vmem>>) dst(%dma_wait3A_1168 : memref<10240x128xf32, #tpu.memory_space<vmem_shared>>)
      } else {
      }
      %add3A_892 = arith.constant 1 : i32
      %add3A_893 = arith.addi %add3A_868, %add3A_892 : i32
      %lt3A_894 = arith.constant 16 : i32
      %lt3A_895 = arith.cmpi slt, %add3A_893, %lt3A_894 : i32
      %convert_element_type3A_896 = arith.extui %lt3A_895 : i1 to i32
      %cond3A_897 = arith.constant 0 : i32
      %cond3A_898 = arith.cmpi ne, %convert_element_type3A_896, %cond3A_897 : i32
      scf.if %cond3A_898 {
        %dma_start3A_1162 = arith.constant 2 : i32
        %dma_start3A_1163 = arith.constant 0 : i32
        %dma_start3A_1164 = tpu.memref_slice %arg9[%dma_start3A_1162, %dma_start3A_1163] : memref<8x80xi32, #tpu.memory_space<vmem>> -> memref<1x80xi32, #tpu.memory_space<vmem>>
        %dma_start3A_1165 = tpu.memref_squeeze %dma_start3A_1164 : memref<1x80xi32, #tpu.memory_space<vmem>> -> memref<80xi32, #tpu.memory_space<vmem>>
        %dma_start3A_1166 = arith.constant 0 : i32
        %dma_start3A_1167 = arith.constant 0 : i32
        %dma_start3A_1168 = tpu.memref_slice %arg2[%dma_start3A_1166, %dma_start3A_1167] : memref<10240x128xf32, #tpu.memory_space<hbm>> -> memref<10240x128xf32, #tpu.memory_space<hbm>>
        tpu.enqueue_indirect_dma source(%dma_start3A_1168 : memref<10240x128xf32, #tpu.memory_space<hbm>>) target(%arg16 : memref<80x128xf32, #tpu.memory_space<vmem>>) offsets(%dma_start3A_1165 : memref<80xi32, #tpu.memory_space<vmem>>) semaphore(%arg25 : memref<!tpu.dma_semaphore, #tpu.memory_space<semaphore_mem>>)
      } else {
      }
      %add3A_899 = arith.constant 3 : i32
      %add3A_900 = arith.addi %add3A_113, %add3A_899 : i32
      %mul3A_901 = arith.constant 8 : i32
      %mul3A_902 = arith.muli %add3A_900, %mul3A_901 : i32
      %add3A_903 = arith.constant 0 : i32
      %add3A_904 = arith.addi %mul3A_902, %add3A_903 : i32
      %dma_wait3A_905 = arith.constant 0 : i32
      %dma_wait3A_906 = arith.constant 0 : i32
      %dma_wait3A_907 = tpu.memref_slice %arg9[%dma_wait3A_905, %dma_wait3A_906] : memref<8x80xi32, #tpu.memory_space<vmem>> -> memref<1x80xi32, #tpu.memory_space<vmem>>
      %dma_wait3A_908 = tpu.memref_squeeze %dma_wait3A_907 : memref<1x80xi32, #tpu.memory_space<vmem>> -> memref<80xi32, #tpu.memory_space<vmem>>
      %dma_wait3A_909 = arith.constant 0 : i32
      %dma_wait3A_910 = arith.constant 0 : i32
      %dma_wait3A_911 = tpu.memref_slice %arg2[%dma_wait3A_909, %dma_wait3A_910] : memref<10240x128xf32, #tpu.memory_space<hbm>> -> memref<10240x128xf32, #tpu.memory_space<hbm>>
      tpu.wait_indirect_dma semaphore(%arg23 : memref<!tpu.dma_semaphore, #tpu.memory_space<semaphore_mem>>) src(%dma_wait3A_911 : memref<10240x128xf32, #tpu.memory_space<hbm>>) dst(%arg14 : memref<80x128xf32, #tpu.memory_space<vmem>>)
      %dma_start3A_912 = arith.constant 0 : i32
      %dma_start3A_913 = arith.constant 0 : i32
      %dma_start3A_914 = tpu.memref_slice %arg13[%dma_start3A_912, %dma_start3A_913] : memref<8x80xi32, #tpu.memory_space<vmem>> -> memref<1x80xi32, #tpu.memory_space<vmem>>
      %dma_start3A_915 = tpu.memref_squeeze %dma_start3A_914 : memref<1x80xi32, #tpu.memory_space<vmem>> -> memref<80xi32, #tpu.memory_space<vmem>>
      %dma_start3A_916 = arith.constant 0 : i32
      %dma_start3A_917 = arith.constant 0 : i32
      %dma_start3A_918 = tpu.memref_slice %arg18[%dma_start3A_916, %dma_start3A_917] : memref<10240x128xf32, #tpu.memory_space<vmem_shared>> -> memref<10240x128xf32, #tpu.memory_space<vmem_shared>>
      tpu.enqueue_indirect_dma source(%arg14 : memref<80x128xf32, #tpu.memory_space<vmem>>) target(%dma_start3A_918 : memref<10240x128xf32, #tpu.memory_space<vmem_shared>>) offsets(%dma_start3A_915 : memref<80xi32, #tpu.memory_space<vmem>>) semaphore(%arg27 : memref<!tpu.dma_semaphore, #tpu.memory_space<semaphore_mem>>) {add = true}
      %gt3A_919 = arith.constant 0 : i32
      %gt3A_920 = arith.cmpi sgt, %add3A_904, %gt3A_919 : i32
      %convert_element_type3A_921 = arith.extui %gt3A_920 : i1 to i32
      %cond3A_922 = arith.constant 0 : i32
      %cond3A_923 = arith.cmpi ne, %convert_element_type3A_921, %cond3A_922 : i32
      scf.if %cond3A_923 {
        %dma_wait3A_1162 = arith.constant 7 : i32
        %dma_wait3A_1163 = arith.constant 0 : i32
        %dma_wait3A_1164 = tpu.memref_slice %arg12[%dma_wait3A_1162, %dma_wait3A_1163] : memref<8x80xi32, #tpu.memory_space<vmem>> -> memref<1x80xi32, #tpu.memory_space<vmem>>
        %dma_wait3A_1165 = tpu.memref_squeeze %dma_wait3A_1164 : memref<1x80xi32, #tpu.memory_space<vmem>> -> memref<80xi32, #tpu.memory_space<vmem>>
        %dma_wait3A_1166 = arith.constant 0 : i32
        %dma_wait3A_1167 = arith.constant 0 : i32
        %dma_wait3A_1168 = tpu.memref_slice %arg18[%dma_wait3A_1166, %dma_wait3A_1167] : memref<10240x128xf32, #tpu.memory_space<vmem_shared>> -> memref<10240x128xf32, #tpu.memory_space<vmem_shared>>
        tpu.wait_indirect_dma semaphore(%arg30 : memref<!tpu.dma_semaphore, #tpu.memory_space<semaphore_mem>>) src(%arg17 : memref<80x128xf32, #tpu.memory_space<vmem>>) dst(%dma_wait3A_1168 : memref<10240x128xf32, #tpu.memory_space<vmem_shared>>)
      } else {
      }
      %dma_start3A_924 = arith.constant 3 : i32
      %dma_start3A_925 = arith.constant 0 : i32
      %dma_start3A_926 = tpu.memref_slice %arg9[%dma_start3A_924, %dma_start3A_925] : memref<8x80xi32, #tpu.memory_space<vmem>> -> memref<1x80xi32, #tpu.memory_space<vmem>>
      %dma_start3A_927 = tpu.memref_squeeze %dma_start3A_926 : memref<1x80xi32, #tpu.memory_space<vmem>> -> memref<80xi32, #tpu.memory_space<vmem>>
      %dma_start3A_928 = arith.constant 0 : i32
      %dma_start3A_929 = arith.constant 0 : i32
      %dma_start3A_930 = tpu.memref_slice %arg2[%dma_start3A_928, %dma_start3A_929] : memref<10240x128xf32, #tpu.memory_space<hbm>> -> memref<10240x128xf32, #tpu.memory_space<hbm>>
      tpu.enqueue_indirect_dma source(%dma_start3A_930 : memref<10240x128xf32, #tpu.memory_space<hbm>>) target(%arg17 : memref<80x128xf32, #tpu.memory_space<vmem>>) offsets(%dma_start3A_927 : memref<80xi32, #tpu.memory_space<vmem>>) semaphore(%arg26 : memref<!tpu.dma_semaphore, #tpu.memory_space<semaphore_mem>>)
      %add3A_931 = arith.constant 3 : i32
      %add3A_932 = arith.addi %add3A_113, %add3A_931 : i32
      %mul3A_933 = arith.constant 8 : i32
      %mul3A_934 = arith.muli %add3A_932, %mul3A_933 : i32
      %add3A_935 = arith.constant 1 : i32
      %add3A_936 = arith.addi %mul3A_934, %add3A_935 : i32
      %dma_wait3A_937 = arith.constant 1 : i32
      %dma_wait3A_938 = arith.constant 0 : i32
      %dma_wait3A_939 = tpu.memref_slice %arg9[%dma_wait3A_937, %dma_wait3A_938] : memref<8x80xi32, #tpu.memory_space<vmem>> -> memref<1x80xi32, #tpu.memory_space<vmem>>
      %dma_wait3A_940 = tpu.memref_squeeze %dma_wait3A_939 : memref<1x80xi32, #tpu.memory_space<vmem>> -> memref<80xi32, #tpu.memory_space<vmem>>
      %dma_wait3A_941 = arith.constant 0 : i32
      %dma_wait3A_942 = arith.constant 0 : i32
      %dma_wait3A_943 = tpu.memref_slice %arg2[%dma_wait3A_941, %dma_wait3A_942] : memref<10240x128xf32, #tpu.memory_space<hbm>> -> memref<10240x128xf32, #tpu.memory_space<hbm>>
      tpu.wait_indirect_dma semaphore(%arg24 : memref<!tpu.dma_semaphore, #tpu.memory_space<semaphore_mem>>) src(%dma_wait3A_943 : memref<10240x128xf32, #tpu.memory_space<hbm>>) dst(%arg15 : memref<80x128xf32, #tpu.memory_space<vmem>>)
      %dma_start3A_944 = arith.constant 1 : i32
      %dma_start3A_945 = arith.constant 0 : i32
      %dma_start3A_946 = tpu.memref_slice %arg13[%dma_start3A_944, %dma_start3A_945] : memref<8x80xi32, #tpu.memory_space<vmem>> -> memref<1x80xi32, #tpu.memory_space<vmem>>
      %dma_start3A_947 = tpu.memref_squeeze %dma_start3A_946 : memref<1x80xi32, #tpu.memory_space<vmem>> -> memref<80xi32, #tpu.memory_space<vmem>>
      %dma_start3A_948 = arith.constant 0 : i32
      %dma_start3A_949 = arith.constant 0 : i32
      %dma_start3A_950 = tpu.memref_slice %arg18[%dma_start3A_948, %dma_start3A_949] : memref<10240x128xf32, #tpu.memory_space<vmem_shared>> -> memref<10240x128xf32, #tpu.memory_space<vmem_shared>>
      tpu.enqueue_indirect_dma source(%arg15 : memref<80x128xf32, #tpu.memory_space<vmem>>) target(%dma_start3A_950 : memref<10240x128xf32, #tpu.memory_space<vmem_shared>>) offsets(%dma_start3A_947 : memref<80xi32, #tpu.memory_space<vmem>>) semaphore(%arg28 : memref<!tpu.dma_semaphore, #tpu.memory_space<semaphore_mem>>) {add = true}
      %gt3A_951 = arith.constant 0 : i32
      %gt3A_952 = arith.cmpi sgt, %add3A_936, %gt3A_951 : i32
      %convert_element_type3A_953 = arith.extui %gt3A_952 : i1 to i32
      %cond3A_954 = arith.constant 0 : i32
      %cond3A_955 = arith.cmpi ne, %convert_element_type3A_953, %cond3A_954 : i32
      scf.if %cond3A_955 {
        %dma_wait3A_1162 = arith.constant 0 : i32
        %dma_wait3A_1163 = arith.constant 0 : i32
        %dma_wait3A_1164 = tpu.memref_slice %arg13[%dma_wait3A_1162, %dma_wait3A_1163] : memref<8x80xi32, #tpu.memory_space<vmem>> -> memref<1x80xi32, #tpu.memory_space<vmem>>
        %dma_wait3A_1165 = tpu.memref_squeeze %dma_wait3A_1164 : memref<1x80xi32, #tpu.memory_space<vmem>> -> memref<80xi32, #tpu.memory_space<vmem>>
        %dma_wait3A_1166 = arith.constant 0 : i32
        %dma_wait3A_1167 = arith.constant 0 : i32
        %dma_wait3A_1168 = tpu.memref_slice %arg18[%dma_wait3A_1166, %dma_wait3A_1167] : memref<10240x128xf32, #tpu.memory_space<vmem_shared>> -> memref<10240x128xf32, #tpu.memory_space<vmem_shared>>
        tpu.wait_indirect_dma semaphore(%arg27 : memref<!tpu.dma_semaphore, #tpu.memory_space<semaphore_mem>>) src(%arg14 : memref<80x128xf32, #tpu.memory_space<vmem>>) dst(%dma_wait3A_1168 : memref<10240x128xf32, #tpu.memory_space<vmem_shared>>)
      } else {
      }
      %dma_start3A_956 = arith.constant 4 : i32
      %dma_start3A_957 = arith.constant 0 : i32
      %dma_start3A_958 = tpu.memref_slice %arg9[%dma_start3A_956, %dma_start3A_957] : memref<8x80xi32, #tpu.memory_space<vmem>> -> memref<1x80xi32, #tpu.memory_space<vmem>>
      %dma_start3A_959 = tpu.memref_squeeze %dma_start3A_958 : memref<1x80xi32, #tpu.memory_space<vmem>> -> memref<80xi32, #tpu.memory_space<vmem>>
      %dma_start3A_960 = arith.constant 0 : i32
      %dma_start3A_961 = arith.constant 0 : i32
      %dma_start3A_962 = tpu.memref_slice %arg2[%dma_start3A_960, %dma_start3A_961] : memref<10240x128xf32, #tpu.memory_space<hbm>> -> memref<10240x128xf32, #tpu.memory_space<hbm>>
      tpu.enqueue_indirect_dma source(%dma_start3A_962 : memref<10240x128xf32, #tpu.memory_space<hbm>>) target(%arg14 : memref<80x128xf32, #tpu.memory_space<vmem>>) offsets(%dma_start3A_959 : memref<80xi32, #tpu.memory_space<vmem>>) semaphore(%arg23 : memref<!tpu.dma_semaphore, #tpu.memory_space<semaphore_mem>>)
      %add3A_963 = arith.constant 3 : i32
      %add3A_964 = arith.addi %add3A_113, %add3A_963 : i32
      %mul3A_965 = arith.constant 8 : i32
      %mul3A_966 = arith.muli %add3A_964, %mul3A_965 : i32
      %add3A_967 = arith.constant 2 : i32
      %add3A_968 = arith.addi %mul3A_966, %add3A_967 : i32
      %dma_wait3A_969 = arith.constant 2 : i32
      %dma_wait3A_970 = arith.constant 0 : i32
      %dma_wait3A_971 = tpu.memref_slice %arg9[%dma_wait3A_969, %dma_wait3A_970] : memref<8x80xi32, #tpu.memory_space<vmem>> -> memref<1x80xi32, #tpu.memory_space<vmem>>
      %dma_wait3A_972 = tpu.memref_squeeze %dma_wait3A_971 : memref<1x80xi32, #tpu.memory_space<vmem>> -> memref<80xi32, #tpu.memory_space<vmem>>
      %dma_wait3A_973 = arith.constant 0 : i32
      %dma_wait3A_974 = arith.constant 0 : i32
      %dma_wait3A_975 = tpu.memref_slice %arg2[%dma_wait3A_973, %dma_wait3A_974] : memref<10240x128xf32, #tpu.memory_space<hbm>> -> memref<10240x128xf32, #tpu.memory_space<hbm>>
      tpu.wait_indirect_dma semaphore(%arg25 : memref<!tpu.dma_semaphore, #tpu.memory_space<semaphore_mem>>) src(%dma_wait3A_975 : memref<10240x128xf32, #tpu.memory_space<hbm>>) dst(%arg16 : memref<80x128xf32, #tpu.memory_space<vmem>>)
      %dma_start3A_976 = arith.constant 2 : i32
      %dma_start3A_977 = arith.constant 0 : i32
      %dma_start3A_978 = tpu.memref_slice %arg13[%dma_start3A_976, %dma_start3A_977] : memref<8x80xi32, #tpu.memory_space<vmem>> -> memref<1x80xi32, #tpu.memory_space<vmem>>
      %dma_start3A_979 = tpu.memref_squeeze %dma_start3A_978 : memref<1x80xi32, #tpu.memory_space<vmem>> -> memref<80xi32, #tpu.memory_space<vmem>>
      %dma_start3A_980 = arith.constant 0 : i32
      %dma_start3A_981 = arith.constant 0 : i32
      %dma_start3A_982 = tpu.memref_slice %arg18[%dma_start3A_980, %dma_start3A_981] : memref<10240x128xf32, #tpu.memory_space<vmem_shared>> -> memref<10240x128xf32, #tpu.memory_space<vmem_shared>>
      tpu.enqueue_indirect_dma source(%arg16 : memref<80x128xf32, #tpu.memory_space<vmem>>) target(%dma_start3A_982 : memref<10240x128xf32, #tpu.memory_space<vmem_shared>>) offsets(%dma_start3A_979 : memref<80xi32, #tpu.memory_space<vmem>>) semaphore(%arg29 : memref<!tpu.dma_semaphore, #tpu.memory_space<semaphore_mem>>) {add = true}
      %gt3A_983 = arith.constant 0 : i32
      %gt3A_984 = arith.cmpi sgt, %add3A_968, %gt3A_983 : i32
      %convert_element_type3A_985 = arith.extui %gt3A_984 : i1 to i32
      %cond3A_986 = arith.constant 0 : i32
      %cond3A_987 = arith.cmpi ne, %convert_element_type3A_985, %cond3A_986 : i32
      scf.if %cond3A_987 {
        %dma_wait3A_1162 = arith.constant 1 : i32
        %dma_wait3A_1163 = arith.constant 0 : i32
        %dma_wait3A_1164 = tpu.memref_slice %arg13[%dma_wait3A_1162, %dma_wait3A_1163] : memref<8x80xi32, #tpu.memory_space<vmem>> -> memref<1x80xi32, #tpu.memory_space<vmem>>
        %dma_wait3A_1165 = tpu.memref_squeeze %dma_wait3A_1164 : memref<1x80xi32, #tpu.memory_space<vmem>> -> memref<80xi32, #tpu.memory_space<vmem>>
        %dma_wait3A_1166 = arith.constant 0 : i32
        %dma_wait3A_1167 = arith.constant 0 : i32
        %dma_wait3A_1168 = tpu.memref_slice %arg18[%dma_wait3A_1166, %dma_wait3A_1167] : memref<10240x128xf32, #tpu.memory_space<vmem_shared>> -> memref<10240x128xf32, #tpu.memory_space<vmem_shared>>
        tpu.wait_indirect_dma semaphore(%arg28 : memref<!tpu.dma_semaphore, #tpu.memory_space<semaphore_mem>>) src(%arg15 : memref<80x128xf32, #tpu.memory_space<vmem>>) dst(%dma_wait3A_1168 : memref<10240x128xf32, #tpu.memory_space<vmem_shared>>)
      } else {
      }
      %add3A_988 = arith.constant 3 : i32
      %add3A_989 = arith.addi %add3A_964, %add3A_988 : i32
      %lt3A_990 = arith.constant 16 : i32
      %lt3A_991 = arith.cmpi slt, %add3A_989, %lt3A_990 : i32
      %convert_element_type3A_992 = arith.extui %lt3A_991 : i1 to i32
      %cond3A_993 = arith.constant 0 : i32
      %cond3A_994 = arith.cmpi ne, %convert_element_type3A_992, %cond3A_993 : i32
      scf.if %cond3A_994 {
        %add3A_1162 = arith.constant 3 : i32
        %add3A_1163 = arith.addi %add3A_964, %add3A_1162 : i32
        %mul3A_1164 = arith.constant 8 : i32
        %mul3A_1165 = arith.muli %add3A_1163, %mul3A_1164 : i32
        %add3A_1166 = arith.addi %mul3A_2, %mul3A_1165 : i32
        %dma_start3A_1167 = arith.constant 0 : i32
        %dma_start3A_1168 = tpu.memref_slice %arg3[%add3A_1166, %dma_start3A_1167] : memref<4096x80xi32, #tpu.memory_space<hbm>> -> memref<8x80xi32, #tpu.memory_space<hbm>>
        %dma_start3A_1169 = arith.constant 0 : i32
        %dma_start3A_1170 = tpu.memref_slice %arg3[%add3A_1166, %dma_start3A_1169] : memref<4096x80xi32, #tpu.memory_space<hbm>> -> memref<8x80xi32, #tpu.memory_space<hbm>>
        tpu.enqueue_dma source(%dma_start3A_1170 : memref<8x80xi32, #tpu.memory_space<hbm>>) target(%arg8 : memref<8x80xi32, #tpu.memory_space<vmem>>) target_semaphore(%arg21 : memref<!tpu.dma_semaphore, #tpu.memory_space<semaphore_mem>>)
        %mul3A_1171 = arith.constant 8 : i32
        %mul3A_1172 = arith.muli %add3A_1163, %mul3A_1171 : i32
        %add3A_1173 = arith.addi %mul3A_2, %mul3A_1172 : i32
        %dma_start3A_1174 = arith.constant 0 : i32
        %dma_start3A_1175 = tpu.memref_slice %arg4[%add3A_1173, %dma_start3A_1174] : memref<4096x80xi32, #tpu.memory_space<hbm>> -> memref<8x80xi32, #tpu.memory_space<hbm>>
        %dma_start3A_1176 = arith.constant 0 : i32
        %dma_start3A_1177 = tpu.memref_slice %arg4[%add3A_1173, %dma_start3A_1176] : memref<4096x80xi32, #tpu.memory_space<hbm>> -> memref<8x80xi32, #tpu.memory_space<hbm>>
        tpu.enqueue_dma source(%dma_start3A_1177 : memref<8x80xi32, #tpu.memory_space<hbm>>) target(%arg12 : memref<8x80xi32, #tpu.memory_space<vmem>>) target_semaphore(%arg21 : memref<!tpu.dma_semaphore, #tpu.memory_space<semaphore_mem>>)
      } else {
      }
      %dma_start3A_995 = arith.constant 5 : i32
      %dma_start3A_996 = arith.constant 0 : i32
      %dma_start3A_997 = tpu.memref_slice %arg9[%dma_start3A_995, %dma_start3A_996] : memref<8x80xi32, #tpu.memory_space<vmem>> -> memref<1x80xi32, #tpu.memory_space<vmem>>
      %dma_start3A_998 = tpu.memref_squeeze %dma_start3A_997 : memref<1x80xi32, #tpu.memory_space<vmem>> -> memref<80xi32, #tpu.memory_space<vmem>>
      %dma_start3A_999 = arith.constant 0 : i32
      %dma_start3A_1000 = arith.constant 0 : i32
      %dma_start3A_1001 = tpu.memref_slice %arg2[%dma_start3A_999, %dma_start3A_1000] : memref<10240x128xf32, #tpu.memory_space<hbm>> -> memref<10240x128xf32, #tpu.memory_space<hbm>>
      tpu.enqueue_indirect_dma source(%dma_start3A_1001 : memref<10240x128xf32, #tpu.memory_space<hbm>>) target(%arg15 : memref<80x128xf32, #tpu.memory_space<vmem>>) offsets(%dma_start3A_998 : memref<80xi32, #tpu.memory_space<vmem>>) semaphore(%arg24 : memref<!tpu.dma_semaphore, #tpu.memory_space<semaphore_mem>>)
      %add3A_1002 = arith.constant 3 : i32
      %add3A_1003 = arith.addi %add3A_113, %add3A_1002 : i32
      %mul3A_1004 = arith.constant 8 : i32
      %mul3A_1005 = arith.muli %add3A_1003, %mul3A_1004 : i32
      %add3A_1006 = arith.constant 3 : i32
      %add3A_1007 = arith.addi %mul3A_1005, %add3A_1006 : i32
      %dma_wait3A_1008 = arith.constant 3 : i32
      %dma_wait3A_1009 = arith.constant 0 : i32
      %dma_wait3A_1010 = tpu.memref_slice %arg9[%dma_wait3A_1008, %dma_wait3A_1009] : memref<8x80xi32, #tpu.memory_space<vmem>> -> memref<1x80xi32, #tpu.memory_space<vmem>>
      %dma_wait3A_1011 = tpu.memref_squeeze %dma_wait3A_1010 : memref<1x80xi32, #tpu.memory_space<vmem>> -> memref<80xi32, #tpu.memory_space<vmem>>
      %dma_wait3A_1012 = arith.constant 0 : i32
      %dma_wait3A_1013 = arith.constant 0 : i32
      %dma_wait3A_1014 = tpu.memref_slice %arg2[%dma_wait3A_1012, %dma_wait3A_1013] : memref<10240x128xf32, #tpu.memory_space<hbm>> -> memref<10240x128xf32, #tpu.memory_space<hbm>>
      tpu.wait_indirect_dma semaphore(%arg26 : memref<!tpu.dma_semaphore, #tpu.memory_space<semaphore_mem>>) src(%dma_wait3A_1014 : memref<10240x128xf32, #tpu.memory_space<hbm>>) dst(%arg17 : memref<80x128xf32, #tpu.memory_space<vmem>>)
      %dma_start3A_1015 = arith.constant 3 : i32
      %dma_start3A_1016 = arith.constant 0 : i32
      %dma_start3A_1017 = tpu.memref_slice %arg13[%dma_start3A_1015, %dma_start3A_1016] : memref<8x80xi32, #tpu.memory_space<vmem>> -> memref<1x80xi32, #tpu.memory_space<vmem>>
      %dma_start3A_1018 = tpu.memref_squeeze %dma_start3A_1017 : memref<1x80xi32, #tpu.memory_space<vmem>> -> memref<80xi32, #tpu.memory_space<vmem>>
      %dma_start3A_1019 = arith.constant 0 : i32
      %dma_start3A_1020 = arith.constant 0 : i32
      %dma_start3A_1021 = tpu.memref_slice %arg18[%dma_start3A_1019, %dma_start3A_1020] : memref<10240x128xf32, #tpu.memory_space<vmem_shared>> -> memref<10240x128xf32, #tpu.memory_space<vmem_shared>>
      tpu.enqueue_indirect_dma source(%arg17 : memref<80x128xf32, #tpu.memory_space<vmem>>) target(%dma_start3A_1021 : memref<10240x128xf32, #tpu.memory_space<vmem_shared>>) offsets(%dma_start3A_1018 : memref<80xi32, #tpu.memory_space<vmem>>) semaphore(%arg30 : memref<!tpu.dma_semaphore, #tpu.memory_space<semaphore_mem>>) {add = true}
      %gt3A_1022 = arith.constant 0 : i32
      %gt3A_1023 = arith.cmpi sgt, %add3A_1007, %gt3A_1022 : i32
      %convert_element_type3A_1024 = arith.extui %gt3A_1023 : i1 to i32
      %cond3A_1025 = arith.constant 0 : i32
      %cond3A_1026 = arith.cmpi ne, %convert_element_type3A_1024, %cond3A_1025 : i32
      scf.if %cond3A_1026 {
        %dma_wait3A_1162 = arith.constant 2 : i32
        %dma_wait3A_1163 = arith.constant 0 : i32
        %dma_wait3A_1164 = tpu.memref_slice %arg13[%dma_wait3A_1162, %dma_wait3A_1163] : memref<8x80xi32, #tpu.memory_space<vmem>> -> memref<1x80xi32, #tpu.memory_space<vmem>>
        %dma_wait3A_1165 = tpu.memref_squeeze %dma_wait3A_1164 : memref<1x80xi32, #tpu.memory_space<vmem>> -> memref<80xi32, #tpu.memory_space<vmem>>
        %dma_wait3A_1166 = arith.constant 0 : i32
        %dma_wait3A_1167 = arith.constant 0 : i32
        %dma_wait3A_1168 = tpu.memref_slice %arg18[%dma_wait3A_1166, %dma_wait3A_1167] : memref<10240x128xf32, #tpu.memory_space<vmem_shared>> -> memref<10240x128xf32, #tpu.memory_space<vmem_shared>>
        tpu.wait_indirect_dma semaphore(%arg29 : memref<!tpu.dma_semaphore, #tpu.memory_space<semaphore_mem>>) src(%arg16 : memref<80x128xf32, #tpu.memory_space<vmem>>) dst(%dma_wait3A_1168 : memref<10240x128xf32, #tpu.memory_space<vmem_shared>>)
      } else {
      }
      %dma_start3A_1027 = arith.constant 6 : i32
      %dma_start3A_1028 = arith.constant 0 : i32
      %dma_start3A_1029 = tpu.memref_slice %arg9[%dma_start3A_1027, %dma_start3A_1028] : memref<8x80xi32, #tpu.memory_space<vmem>> -> memref<1x80xi32, #tpu.memory_space<vmem>>
      %dma_start3A_1030 = tpu.memref_squeeze %dma_start3A_1029 : memref<1x80xi32, #tpu.memory_space<vmem>> -> memref<80xi32, #tpu.memory_space<vmem>>
      %dma_start3A_1031 = arith.constant 0 : i32
      %dma_start3A_1032 = arith.constant 0 : i32
      %dma_start3A_1033 = tpu.memref_slice %arg2[%dma_start3A_1031, %dma_start3A_1032] : memref<10240x128xf32, #tpu.memory_space<hbm>> -> memref<10240x128xf32, #tpu.memory_space<hbm>>
      tpu.enqueue_indirect_dma source(%dma_start3A_1033 : memref<10240x128xf32, #tpu.memory_space<hbm>>) target(%arg16 : memref<80x128xf32, #tpu.memory_space<vmem>>) offsets(%dma_start3A_1030 : memref<80xi32, #tpu.memory_space<vmem>>) semaphore(%arg25 : memref<!tpu.dma_semaphore, #tpu.memory_space<semaphore_mem>>)
      %add3A_1034 = arith.constant 3 : i32
      %add3A_1035 = arith.addi %add3A_113, %add3A_1034 : i32
      %mul3A_1036 = arith.constant 8 : i32
      %mul3A_1037 = arith.muli %add3A_1035, %mul3A_1036 : i32
      %add3A_1038 = arith.constant 4 : i32
      %add3A_1039 = arith.addi %mul3A_1037, %add3A_1038 : i32
      %dma_wait3A_1040 = arith.constant 4 : i32
      %dma_wait3A_1041 = arith.constant 0 : i32
      %dma_wait3A_1042 = tpu.memref_slice %arg9[%dma_wait3A_1040, %dma_wait3A_1041] : memref<8x80xi32, #tpu.memory_space<vmem>> -> memref<1x80xi32, #tpu.memory_space<vmem>>
      %dma_wait3A_1043 = tpu.memref_squeeze %dma_wait3A_1042 : memref<1x80xi32, #tpu.memory_space<vmem>> -> memref<80xi32, #tpu.memory_space<vmem>>
      %dma_wait3A_1044 = arith.constant 0 : i32
      %dma_wait3A_1045 = arith.constant 0 : i32
      %dma_wait3A_1046 = tpu.memref_slice %arg2[%dma_wait3A_1044, %dma_wait3A_1045] : memref<10240x128xf32, #tpu.memory_space<hbm>> -> memref<10240x128xf32, #tpu.memory_space<hbm>>
      tpu.wait_indirect_dma semaphore(%arg23 : memref<!tpu.dma_semaphore, #tpu.memory_space<semaphore_mem>>) src(%dma_wait3A_1046 : memref<10240x128xf32, #tpu.memory_space<hbm>>) dst(%arg14 : memref<80x128xf32, #tpu.memory_space<vmem>>)
      %dma_start3A_1047 = arith.constant 4 : i32
      %dma_start3A_1048 = arith.constant 0 : i32
      %dma_start3A_1049 = tpu.memref_slice %arg13[%dma_start3A_1047, %dma_start3A_1048] : memref<8x80xi32, #tpu.memory_space<vmem>> -> memref<1x80xi32, #tpu.memory_space<vmem>>
      %dma_start3A_1050 = tpu.memref_squeeze %dma_start3A_1049 : memref<1x80xi32, #tpu.memory_space<vmem>> -> memref<80xi32, #tpu.memory_space<vmem>>
      %dma_start3A_1051 = arith.constant 0 : i32
      %dma_start3A_1052 = arith.constant 0 : i32
      %dma_start3A_1053 = tpu.memref_slice %arg18[%dma_start3A_1051, %dma_start3A_1052] : memref<10240x128xf32, #tpu.memory_space<vmem_shared>> -> memref<10240x128xf32, #tpu.memory_space<vmem_shared>>
      tpu.enqueue_indirect_dma source(%arg14 : memref<80x128xf32, #tpu.memory_space<vmem>>) target(%dma_start3A_1053 : memref<10240x128xf32, #tpu.memory_space<vmem_shared>>) offsets(%dma_start3A_1050 : memref<80xi32, #tpu.memory_space<vmem>>) semaphore(%arg27 : memref<!tpu.dma_semaphore, #tpu.memory_space<semaphore_mem>>) {add = true}
      %gt3A_1054 = arith.constant 0 : i32
      %gt3A_1055 = arith.cmpi sgt, %add3A_1039, %gt3A_1054 : i32
      %convert_element_type3A_1056 = arith.extui %gt3A_1055 : i1 to i32
      %cond3A_1057 = arith.constant 0 : i32
      %cond3A_1058 = arith.cmpi ne, %convert_element_type3A_1056, %cond3A_1057 : i32
      scf.if %cond3A_1058 {
        %dma_wait3A_1162 = arith.constant 3 : i32
        %dma_wait3A_1163 = arith.constant 0 : i32
        %dma_wait3A_1164 = tpu.memref_slice %arg13[%dma_wait3A_1162, %dma_wait3A_1163] : memref<8x80xi32, #tpu.memory_space<vmem>> -> memref<1x80xi32, #tpu.memory_space<vmem>>
        %dma_wait3A_1165 = tpu.memref_squeeze %dma_wait3A_1164 : memref<1x80xi32, #tpu.memory_space<vmem>> -> memref<80xi32, #tpu.memory_space<vmem>>
        %dma_wait3A_1166 = arith.constant 0 : i32
        %dma_wait3A_1167 = arith.constant 0 : i32
        %dma_wait3A_1168 = tpu.memref_slice %arg18[%dma_wait3A_1166, %dma_wait3A_1167] : memref<10240x128xf32, #tpu.memory_space<vmem_shared>> -> memref<10240x128xf32, #tpu.memory_space<vmem_shared>>
        tpu.wait_indirect_dma semaphore(%arg30 : memref<!tpu.dma_semaphore, #tpu.memory_space<semaphore_mem>>) src(%arg17 : memref<80x128xf32, #tpu.memory_space<vmem>>) dst(%dma_wait3A_1168 : memref<10240x128xf32, #tpu.memory_space<vmem_shared>>)
      } else {
      }
      %dma_start3A_1059 = arith.constant 7 : i32
      %dma_start3A_1060 = arith.constant 0 : i32
      %dma_start3A_1061 = tpu.memref_slice %arg9[%dma_start3A_1059, %dma_start3A_1060] : memref<8x80xi32, #tpu.memory_space<vmem>> -> memref<1x80xi32, #tpu.memory_space<vmem>>
      %dma_start3A_1062 = tpu.memref_squeeze %dma_start3A_1061 : memref<1x80xi32, #tpu.memory_space<vmem>> -> memref<80xi32, #tpu.memory_space<vmem>>
      %dma_start3A_1063 = arith.constant 0 : i32
      %dma_start3A_1064 = arith.constant 0 : i32
      %dma_start3A_1065 = tpu.memref_slice %arg2[%dma_start3A_1063, %dma_start3A_1064] : memref<10240x128xf32, #tpu.memory_space<hbm>> -> memref<10240x128xf32, #tpu.memory_space<hbm>>
      tpu.enqueue_indirect_dma source(%dma_start3A_1065 : memref<10240x128xf32, #tpu.memory_space<hbm>>) target(%arg17 : memref<80x128xf32, #tpu.memory_space<vmem>>) offsets(%dma_start3A_1062 : memref<80xi32, #tpu.memory_space<vmem>>) semaphore(%arg26 : memref<!tpu.dma_semaphore, #tpu.memory_space<semaphore_mem>>)
      %add3A_1066 = arith.constant 3 : i32
      %add3A_1067 = arith.addi %add3A_113, %add3A_1066 : i32
      %mul3A_1068 = arith.constant 8 : i32
      %mul3A_1069 = arith.muli %add3A_1067, %mul3A_1068 : i32
      %add3A_1070 = arith.constant 5 : i32
      %add3A_1071 = arith.addi %mul3A_1069, %add3A_1070 : i32
      %dma_wait3A_1072 = arith.constant 5 : i32
      %dma_wait3A_1073 = arith.constant 0 : i32
      %dma_wait3A_1074 = tpu.memref_slice %arg9[%dma_wait3A_1072, %dma_wait3A_1073] : memref<8x80xi32, #tpu.memory_space<vmem>> -> memref<1x80xi32, #tpu.memory_space<vmem>>
      %dma_wait3A_1075 = tpu.memref_squeeze %dma_wait3A_1074 : memref<1x80xi32, #tpu.memory_space<vmem>> -> memref<80xi32, #tpu.memory_space<vmem>>
      %dma_wait3A_1076 = arith.constant 0 : i32
      %dma_wait3A_1077 = arith.constant 0 : i32
      %dma_wait3A_1078 = tpu.memref_slice %arg2[%dma_wait3A_1076, %dma_wait3A_1077] : memref<10240x128xf32, #tpu.memory_space<hbm>> -> memref<10240x128xf32, #tpu.memory_space<hbm>>
      tpu.wait_indirect_dma semaphore(%arg24 : memref<!tpu.dma_semaphore, #tpu.memory_space<semaphore_mem>>) src(%dma_wait3A_1078 : memref<10240x128xf32, #tpu.memory_space<hbm>>) dst(%arg15 : memref<80x128xf32, #tpu.memory_space<vmem>>)
      %dma_start3A_1079 = arith.constant 5 : i32
      %dma_start3A_1080 = arith.constant 0 : i32
      %dma_start3A_1081 = tpu.memref_slice %arg13[%dma_start3A_1079, %dma_start3A_1080] : memref<8x80xi32, #tpu.memory_space<vmem>> -> memref<1x80xi32, #tpu.memory_space<vmem>>
      %dma_start3A_1082 = tpu.memref_squeeze %dma_start3A_1081 : memref<1x80xi32, #tpu.memory_space<vmem>> -> memref<80xi32, #tpu.memory_space<vmem>>
      %dma_start3A_1083 = arith.constant 0 : i32
      %dma_start3A_1084 = arith.constant 0 : i32
      %dma_start3A_1085 = tpu.memref_slice %arg18[%dma_start3A_1083, %dma_start3A_1084] : memref<10240x128xf32, #tpu.memory_space<vmem_shared>> -> memref<10240x128xf32, #tpu.memory_space<vmem_shared>>
      tpu.enqueue_indirect_dma source(%arg15 : memref<80x128xf32, #tpu.memory_space<vmem>>) target(%dma_start3A_1085 : memref<10240x128xf32, #tpu.memory_space<vmem_shared>>) offsets(%dma_start3A_1082 : memref<80xi32, #tpu.memory_space<vmem>>) semaphore(%arg28 : memref<!tpu.dma_semaphore, #tpu.memory_space<semaphore_mem>>) {add = true}
      %gt3A_1086 = arith.constant 0 : i32
      %gt3A_1087 = arith.cmpi sgt, %add3A_1071, %gt3A_1086 : i32
      %convert_element_type3A_1088 = arith.extui %gt3A_1087 : i1 to i32
      %cond3A_1089 = arith.constant 0 : i32
      %cond3A_1090 = arith.cmpi ne, %convert_element_type3A_1088, %cond3A_1089 : i32
      scf.if %cond3A_1090 {
        %dma_wait3A_1162 = arith.constant 4 : i32
        %dma_wait3A_1163 = arith.constant 0 : i32
        %dma_wait3A_1164 = tpu.memref_slice %arg13[%dma_wait3A_1162, %dma_wait3A_1163] : memref<8x80xi32, #tpu.memory_space<vmem>> -> memref<1x80xi32, #tpu.memory_space<vmem>>
        %dma_wait3A_1165 = tpu.memref_squeeze %dma_wait3A_1164 : memref<1x80xi32, #tpu.memory_space<vmem>> -> memref<80xi32, #tpu.memory_space<vmem>>
        %dma_wait3A_1166 = arith.constant 0 : i32
        %dma_wait3A_1167 = arith.constant 0 : i32
        %dma_wait3A_1168 = tpu.memref_slice %arg18[%dma_wait3A_1166, %dma_wait3A_1167] : memref<10240x128xf32, #tpu.memory_space<vmem_shared>> -> memref<10240x128xf32, #tpu.memory_space<vmem_shared>>
        tpu.wait_indirect_dma semaphore(%arg27 : memref<!tpu.dma_semaphore, #tpu.memory_space<semaphore_mem>>) src(%arg14 : memref<80x128xf32, #tpu.memory_space<vmem>>) dst(%dma_wait3A_1168 : memref<10240x128xf32, #tpu.memory_space<vmem_shared>>)
      } else {
      }
      %add3A_1091 = arith.constant 1 : i32
      %add3A_1092 = arith.addi %add3A_1067, %add3A_1091 : i32
      %lt3A_1093 = arith.constant 16 : i32
      %lt3A_1094 = arith.cmpi slt, %add3A_1092, %lt3A_1093 : i32
      %convert_element_type3A_1095 = arith.extui %lt3A_1094 : i1 to i32
      %cond3A_1096 = arith.constant 0 : i32
      %cond3A_1097 = arith.cmpi ne, %convert_element_type3A_1095, %cond3A_1096 : i32
      scf.if %cond3A_1097 {
        %add3A_1162 = arith.constant 1 : i32
        %add3A_1163 = arith.addi %add3A_1067, %add3A_1162 : i32
        %mul3A_1164 = arith.constant 8 : i32
        %mul3A_1165 = arith.muli %add3A_1163, %mul3A_1164 : i32
        %add3A_1166 = arith.addi %mul3A_2, %mul3A_1165 : i32
        %dma_wait3A_1167 = arith.constant 0 : i32
        %dma_wait3A_1168 = tpu.memref_slice %arg3[%add3A_1166, %dma_wait3A_1167] : memref<4096x80xi32, #tpu.memory_space<hbm>> -> memref<8x80xi32, #tpu.memory_space<hbm>>
        %dma_wait3A_1169 = arith.constant 0 : i32
        %dma_wait3A_1170 = tpu.memref_slice %arg3[%add3A_1166, %dma_wait3A_1169] : memref<4096x80xi32, #tpu.memory_space<hbm>> -> memref<8x80xi32, #tpu.memory_space<hbm>>
        tpu.wait_dma2 semaphore(%arg19 : memref<!tpu.dma_semaphore, #tpu.memory_space<semaphore_mem>>) src(%dma_wait3A_1170 : memref<8x80xi32, #tpu.memory_space<hbm>>) dst(%arg6 : memref<8x80xi32, #tpu.memory_space<vmem>>)
        %mul3A_1171 = arith.constant 8 : i32
        %mul3A_1172 = arith.muli %add3A_1163, %mul3A_1171 : i32
        %add3A_1173 = arith.addi %mul3A_2, %mul3A_1172 : i32
        %dma_wait3A_1174 = arith.constant 0 : i32
        %dma_wait3A_1175 = tpu.memref_slice %arg4[%add3A_1173, %dma_wait3A_1174] : memref<4096x80xi32, #tpu.memory_space<hbm>> -> memref<8x80xi32, #tpu.memory_space<hbm>>
        %dma_wait3A_1176 = arith.constant 0 : i32
        %dma_wait3A_1177 = tpu.memref_slice %arg4[%add3A_1173, %dma_wait3A_1176] : memref<4096x80xi32, #tpu.memory_space<hbm>> -> memref<8x80xi32, #tpu.memory_space<hbm>>
        tpu.wait_dma2 semaphore(%arg19 : memref<!tpu.dma_semaphore, #tpu.memory_space<semaphore_mem>>) src(%dma_wait3A_1177 : memref<8x80xi32, #tpu.memory_space<hbm>>) dst(%arg10 : memref<8x80xi32, #tpu.memory_space<vmem>>)
        %dma_start3A_1178 = arith.constant 0 : i32
        %dma_start3A_1179 = arith.constant 0 : i32
        %dma_start3A_1180 = tpu.memref_slice %arg6[%dma_start3A_1178, %dma_start3A_1179] : memref<8x80xi32, #tpu.memory_space<vmem>> -> memref<1x80xi32, #tpu.memory_space<vmem>>
        %dma_start3A_1181 = tpu.memref_squeeze %dma_start3A_1180 : memref<1x80xi32, #tpu.memory_space<vmem>> -> memref<80xi32, #tpu.memory_space<vmem>>
        %dma_start3A_1182 = arith.constant 0 : i32
        %dma_start3A_1183 = arith.constant 0 : i32
        %dma_start3A_1184 = tpu.memref_slice %arg2[%dma_start3A_1182, %dma_start3A_1183] : memref<10240x128xf32, #tpu.memory_space<hbm>> -> memref<10240x128xf32, #tpu.memory_space<hbm>>
        tpu.enqueue_indirect_dma source(%dma_start3A_1184 : memref<10240x128xf32, #tpu.memory_space<hbm>>) target(%arg14 : memref<80x128xf32, #tpu.memory_space<vmem>>) offsets(%dma_start3A_1181 : memref<80xi32, #tpu.memory_space<vmem>>) semaphore(%arg23 : memref<!tpu.dma_semaphore, #tpu.memory_space<semaphore_mem>>)
      } else {
      }
      %add3A_1098 = arith.constant 3 : i32
      %add3A_1099 = arith.addi %add3A_113, %add3A_1098 : i32
      %mul3A_1100 = arith.constant 8 : i32
      %mul3A_1101 = arith.muli %add3A_1099, %mul3A_1100 : i32
      %add3A_1102 = arith.constant 6 : i32
      %add3A_1103 = arith.addi %mul3A_1101, %add3A_1102 : i32
      %dma_wait3A_1104 = arith.constant 6 : i32
      %dma_wait3A_1105 = arith.constant 0 : i32
      %dma_wait3A_1106 = tpu.memref_slice %arg9[%dma_wait3A_1104, %dma_wait3A_1105] : memref<8x80xi32, #tpu.memory_space<vmem>> -> memref<1x80xi32, #tpu.memory_space<vmem>>
      %dma_wait3A_1107 = tpu.memref_squeeze %dma_wait3A_1106 : memref<1x80xi32, #tpu.memory_space<vmem>> -> memref<80xi32, #tpu.memory_space<vmem>>
      %dma_wait3A_1108 = arith.constant 0 : i32
      %dma_wait3A_1109 = arith.constant 0 : i32
      %dma_wait3A_1110 = tpu.memref_slice %arg2[%dma_wait3A_1108, %dma_wait3A_1109] : memref<10240x128xf32, #tpu.memory_space<hbm>> -> memref<10240x128xf32, #tpu.memory_space<hbm>>
      tpu.wait_indirect_dma semaphore(%arg25 : memref<!tpu.dma_semaphore, #tpu.memory_space<semaphore_mem>>) src(%dma_wait3A_1110 : memref<10240x128xf32, #tpu.memory_space<hbm>>) dst(%arg16 : memref<80x128xf32, #tpu.memory_space<vmem>>)
      %dma_start3A_1111 = arith.constant 6 : i32
      %dma_start3A_1112 = arith.constant 0 : i32
      %dma_start3A_1113 = tpu.memref_slice %arg13[%dma_start3A_1111, %dma_start3A_1112] : memref<8x80xi32, #tpu.memory_space<vmem>> -> memref<1x80xi32, #tpu.memory_space<vmem>>
      %dma_start3A_1114 = tpu.memref_squeeze %dma_start3A_1113 : memref<1x80xi32, #tpu.memory_space<vmem>> -> memref<80xi32, #tpu.memory_space<vmem>>
      %dma_start3A_1115 = arith.constant 0 : i32
      %dma_start3A_1116 = arith.constant 0 : i32
      %dma_start3A_1117 = tpu.memref_slice %arg18[%dma_start3A_1115, %dma_start3A_1116] : memref<10240x128xf32, #tpu.memory_space<vmem_shared>> -> memref<10240x128xf32, #tpu.memory_space<vmem_shared>>
      tpu.enqueue_indirect_dma source(%arg16 : memref<80x128xf32, #tpu.memory_space<vmem>>) target(%dma_start3A_1117 : memref<10240x128xf32, #tpu.memory_space<vmem_shared>>) offsets(%dma_start3A_1114 : memref<80xi32, #tpu.memory_space<vmem>>) semaphore(%arg29 : memref<!tpu.dma_semaphore, #tpu.memory_space<semaphore_mem>>) {add = true}
      %gt3A_1118 = arith.constant 0 : i32
      %gt3A_1119 = arith.cmpi sgt, %add3A_1103, %gt3A_1118 : i32
      %convert_element_type3A_1120 = arith.extui %gt3A_1119 : i1 to i32
      %cond3A_1121 = arith.constant 0 : i32
      %cond3A_1122 = arith.cmpi ne, %convert_element_type3A_1120, %cond3A_1121 : i32
      scf.if %cond3A_1122 {
        %dma_wait3A_1162 = arith.constant 5 : i32
        %dma_wait3A_1163 = arith.constant 0 : i32
        %dma_wait3A_1164 = tpu.memref_slice %arg13[%dma_wait3A_1162, %dma_wait3A_1163] : memref<8x80xi32, #tpu.memory_space<vmem>> -> memref<1x80xi32, #tpu.memory_space<vmem>>
        %dma_wait3A_1165 = tpu.memref_squeeze %dma_wait3A_1164 : memref<1x80xi32, #tpu.memory_space<vmem>> -> memref<80xi32, #tpu.memory_space<vmem>>
        %dma_wait3A_1166 = arith.constant 0 : i32
        %dma_wait3A_1167 = arith.constant 0 : i32
        %dma_wait3A_1168 = tpu.memref_slice %arg18[%dma_wait3A_1166, %dma_wait3A_1167] : memref<10240x128xf32, #tpu.memory_space<vmem_shared>> -> memref<10240x128xf32, #tpu.memory_space<vmem_shared>>
        tpu.wait_indirect_dma semaphore(%arg28 : memref<!tpu.dma_semaphore, #tpu.memory_space<semaphore_mem>>) src(%arg15 : memref<80x128xf32, #tpu.memory_space<vmem>>) dst(%dma_wait3A_1168 : memref<10240x128xf32, #tpu.memory_space<vmem_shared>>)
      } else {
      }
      %add3A_1123 = arith.constant 1 : i32
      %add3A_1124 = arith.addi %add3A_1099, %add3A_1123 : i32
      %lt3A_1125 = arith.constant 16 : i32
      %lt3A_1126 = arith.cmpi slt, %add3A_1124, %lt3A_1125 : i32
      %convert_element_type3A_1127 = arith.extui %lt3A_1126 : i1 to i32
      %cond3A_1128 = arith.constant 0 : i32
      %cond3A_1129 = arith.cmpi ne, %convert_element_type3A_1127, %cond3A_1128 : i32
      scf.if %cond3A_1129 {
        %dma_start3A_1162 = arith.constant 1 : i32
        %dma_start3A_1163 = arith.constant 0 : i32
        %dma_start3A_1164 = tpu.memref_slice %arg6[%dma_start3A_1162, %dma_start3A_1163] : memref<8x80xi32, #tpu.memory_space<vmem>> -> memref<1x80xi32, #tpu.memory_space<vmem>>
        %dma_start3A_1165 = tpu.memref_squeeze %dma_start3A_1164 : memref<1x80xi32, #tpu.memory_space<vmem>> -> memref<80xi32, #tpu.memory_space<vmem>>
        %dma_start3A_1166 = arith.constant 0 : i32
        %dma_start3A_1167 = arith.constant 0 : i32
        %dma_start3A_1168 = tpu.memref_slice %arg2[%dma_start3A_1166, %dma_start3A_1167] : memref<10240x128xf32, #tpu.memory_space<hbm>> -> memref<10240x128xf32, #tpu.memory_space<hbm>>
        tpu.enqueue_indirect_dma source(%dma_start3A_1168 : memref<10240x128xf32, #tpu.memory_space<hbm>>) target(%arg15 : memref<80x128xf32, #tpu.memory_space<vmem>>) offsets(%dma_start3A_1165 : memref<80xi32, #tpu.memory_space<vmem>>) semaphore(%arg24 : memref<!tpu.dma_semaphore, #tpu.memory_space<semaphore_mem>>)
      } else {
      }
      %add3A_1130 = arith.constant 3 : i32
      %add3A_1131 = arith.addi %add3A_113, %add3A_1130 : i32
      %mul3A_1132 = arith.constant 8 : i32
      %mul3A_1133 = arith.muli %add3A_1131, %mul3A_1132 : i32
      %add3A_1134 = arith.constant 7 : i32
      %add3A_1135 = arith.addi %mul3A_1133, %add3A_1134 : i32
      %dma_wait3A_1136 = arith.constant 7 : i32
      %dma_wait3A_1137 = arith.constant 0 : i32
      %dma_wait3A_1138 = tpu.memref_slice %arg9[%dma_wait3A_1136, %dma_wait3A_1137] : memref<8x80xi32, #tpu.memory_space<vmem>> -> memref<1x80xi32, #tpu.memory_space<vmem>>
      %dma_wait3A_1139 = tpu.memref_squeeze %dma_wait3A_1138 : memref<1x80xi32, #tpu.memory_space<vmem>> -> memref<80xi32, #tpu.memory_space<vmem>>
      %dma_wait3A_1140 = arith.constant 0 : i32
      %dma_wait3A_1141 = arith.constant 0 : i32
      %dma_wait3A_1142 = tpu.memref_slice %arg2[%dma_wait3A_1140, %dma_wait3A_1141] : memref<10240x128xf32, #tpu.memory_space<hbm>> -> memref<10240x128xf32, #tpu.memory_space<hbm>>
      tpu.wait_indirect_dma semaphore(%arg26 : memref<!tpu.dma_semaphore, #tpu.memory_space<semaphore_mem>>) src(%dma_wait3A_1142 : memref<10240x128xf32, #tpu.memory_space<hbm>>) dst(%arg17 : memref<80x128xf32, #tpu.memory_space<vmem>>)
      %dma_start3A_1143 = arith.constant 7 : i32
      %dma_start3A_1144 = arith.constant 0 : i32
      %dma_start3A_1145 = tpu.memref_slice %arg13[%dma_start3A_1143, %dma_start3A_1144] : memref<8x80xi32, #tpu.memory_space<vmem>> -> memref<1x80xi32, #tpu.memory_space<vmem>>
      %dma_start3A_1146 = tpu.memref_squeeze %dma_start3A_1145 : memref<1x80xi32, #tpu.memory_space<vmem>> -> memref<80xi32, #tpu.memory_space<vmem>>
      %dma_start3A_1147 = arith.constant 0 : i32
      %dma_start3A_1148 = arith.constant 0 : i32
      %dma_start3A_1149 = tpu.memref_slice %arg18[%dma_start3A_1147, %dma_start3A_1148] : memref<10240x128xf32, #tpu.memory_space<vmem_shared>> -> memref<10240x128xf32, #tpu.memory_space<vmem_shared>>
      tpu.enqueue_indirect_dma source(%arg17 : memref<80x128xf32, #tpu.memory_space<vmem>>) target(%dma_start3A_1149 : memref<10240x128xf32, #tpu.memory_space<vmem_shared>>) offsets(%dma_start3A_1146 : memref<80xi32, #tpu.memory_space<vmem>>) semaphore(%arg30 : memref<!tpu.dma_semaphore, #tpu.memory_space<semaphore_mem>>) {add = true}
      %gt3A_1150 = arith.constant 0 : i32
      %gt3A_1151 = arith.cmpi sgt, %add3A_1135, %gt3A_1150 : i32
      %convert_element_type3A_1152 = arith.extui %gt3A_1151 : i1 to i32
      %cond3A_1153 = arith.constant 0 : i32
      %cond3A_1154 = arith.cmpi ne, %convert_element_type3A_1152, %cond3A_1153 : i32
      scf.if %cond3A_1154 {
        %dma_wait3A_1162 = arith.constant 6 : i32
        %dma_wait3A_1163 = arith.constant 0 : i32
        %dma_wait3A_1164 = tpu.memref_slice %arg13[%dma_wait3A_1162, %dma_wait3A_1163] : memref<8x80xi32, #tpu.memory_space<vmem>> -> memref<1x80xi32, #tpu.memory_space<vmem>>
        %dma_wait3A_1165 = tpu.memref_squeeze %dma_wait3A_1164 : memref<1x80xi32, #tpu.memory_space<vmem>> -> memref<80xi32, #tpu.memory_space<vmem>>
        %dma_wait3A_1166 = arith.constant 0 : i32
        %dma_wait3A_1167 = arith.constant 0 : i32
        %dma_wait3A_1168 = tpu.memref_slice %arg18[%dma_wait3A_1166, %dma_wait3A_1167] : memref<10240x128xf32, #tpu.memory_space<vmem_shared>> -> memref<10240x128xf32, #tpu.memory_space<vmem_shared>>
        tpu.wait_indirect_dma semaphore(%arg29 : memref<!tpu.dma_semaphore, #tpu.memory_space<semaphore_mem>>) src(%arg16 : memref<80x128xf32, #tpu.memory_space<vmem>>) dst(%dma_wait3A_1168 : memref<10240x128xf32, #tpu.memory_space<vmem_shared>>)
      } else {
      }
      %add3A_1155 = arith.constant 1 : i32
      %add3A_1156 = arith.addi %add3A_1131, %add3A_1155 : i32
      %lt3A_1157 = arith.constant 16 : i32
      %lt3A_1158 = arith.cmpi slt, %add3A_1156, %lt3A_1157 : i32
      %convert_element_type3A_1159 = arith.extui %lt3A_1158 : i1 to i32
      %cond3A_1160 = arith.constant 0 : i32
      %cond3A_1161 = arith.cmpi ne, %convert_element_type3A_1159, %cond3A_1160 : i32
      scf.if %cond3A_1161 {
        %dma_start3A_1162 = arith.constant 2 : i32
        %dma_start3A_1163 = arith.constant 0 : i32
        %dma_start3A_1164 = tpu.memref_slice %arg6[%dma_start3A_1162, %dma_start3A_1163] : memref<8x80xi32, #tpu.memory_space<vmem>> -> memref<1x80xi32, #tpu.memory_space<vmem>>
        %dma_start3A_1165 = tpu.memref_squeeze %dma_start3A_1164 : memref<1x80xi32, #tpu.memory_space<vmem>> -> memref<80xi32, #tpu.memory_space<vmem>>
        %dma_start3A_1166 = arith.constant 0 : i32
        %dma_start3A_1167 = arith.constant 0 : i32
        %dma_start3A_1168 = tpu.memref_slice %arg2[%dma_start3A_1166, %dma_start3A_1167] : memref<10240x128xf32, #tpu.memory_space<hbm>> -> memref<10240x128xf32, #tpu.memory_space<hbm>>
        tpu.enqueue_indirect_dma source(%dma_start3A_1168 : memref<10240x128xf32, #tpu.memory_space<hbm>>) target(%arg16 : memref<80x128xf32, #tpu.memory_space<vmem>>) offsets(%dma_start3A_1165 : memref<80xi32, #tpu.memory_space<vmem>>) semaphore(%arg25 : memref<!tpu.dma_semaphore, #tpu.memory_space<semaphore_mem>>)
      } else {
      }
    }
    %scan3A_90 = arith.constant 4 : i32
    %dma_wait3A_91 = arith.constant 7 : i32
    %dma_wait3A_92 = arith.constant 0 : i32
    %dma_wait3A_93 = tpu.memref_slice %arg13[%dma_wait3A_91, %dma_wait3A_92] : memref<8x80xi32, #tpu.memory_space<vmem>> -> memref<1x80xi32, #tpu.memory_space<vmem>>
    %dma_wait3A_94 = tpu.memref_squeeze %dma_wait3A_93 : memref<1x80xi32, #tpu.memory_space<vmem>> -> memref<80xi32, #tpu.memory_space<vmem>>
    %dma_wait3A_95 = arith.constant 0 : i32
    %dma_wait3A_96 = arith.constant 0 : i32
    %dma_wait3A_97 = tpu.memref_slice %arg18[%dma_wait3A_95, %dma_wait3A_96] : memref<10240x128xf32, #tpu.memory_space<vmem_shared>> -> memref<10240x128xf32, #tpu.memory_space<vmem_shared>>
    tpu.wait_indirect_dma semaphore(%arg30 : memref<!tpu.dma_semaphore, #tpu.memory_space<semaphore_mem>>) src(%arg17 : memref<80x128xf32, #tpu.memory_space<vmem>>) dst(%dma_wait3A_97 : memref<10240x128xf32, #tpu.memory_space<vmem_shared>>)
    %barrier3A_98 = arith.constant 0 : index
    tpu.barrier barrier_id(%barrier3A_98)
    %scan3A_99 = arith.constant 0 : i32
    %scan3A_100 = arith.constant 5 : i32
    %scan3A_101 = arith.addi %scan3A_99, %scan3A_100 : i32
    %scan3A_102 = arith.constant 1 : i32
    scf.for %scan3A_109 = %scan3A_99 to %scan3A_101 step %scan3A_102  : i32 {
      %mul3A_110 = arith.constant 128 : i32
      %mul3A_111 = arith.muli %scan3A_109, %mul3A_110 : i32
      %add3A_112 = arith.constant 0 : i32
      %add3A_113 = arith.addi %add3A_112, %mul3A_111 : i32
      %add3A_114 = arith.addi %mul3A_8, %add3A_113 : i32
      %mul3A_115 = arith.constant 10240 : i32
      %mul3A_116 = arith.muli %arg0, %mul3A_115 : i32
      %add3A_117 = arith.addi %mul3A_116, %mul3A_8 : i32
      %add3A_118 = arith.addi %add3A_117, %add3A_113 : i32
      %dma_start3A_119 = arith.constant 0 : i32
      %dma_start3A_120 = tpu.memref_slice %arg5[%add3A_118, %dma_start3A_119] : memref<20480x128xf32, #tpu.memory_space<hbm>> -> memref<128x128xf32, #tpu.memory_space<hbm>>
      %dma_start3A_121 = arith.constant 0 : i32
      %dma_start3A_122 = tpu.memref_slice %arg18[%add3A_114, %dma_start3A_121] : memref<10240x128xf32, #tpu.memory_space<vmem_shared>> -> memref<128x128xf32, #tpu.memory_space<vmem_shared>>
      tpu.enqueue_dma source(%dma_start3A_122 : memref<128x128xf32, #tpu.memory_space<vmem_shared>>) target(%dma_start3A_120 : memref<128x128xf32, #tpu.memory_space<hbm>>) target_semaphore(%arg23 : memref<!tpu.dma_semaphore, #tpu.memory_space<semaphore_mem>>)
    }
    %scan3A_103 = arith.constant 5 : i32
    %scan3A_104 = arith.constant 0 : i32
    %scan3A_105 = arith.constant 5 : i32
    %scan3A_106 = arith.addi %scan3A_104, %scan3A_105 : i32
    %scan3A_107 = arith.constant 1 : i32
    scf.for %scan3A_109 = %scan3A_104 to %scan3A_106 step %scan3A_107  : i32 {
      %mul3A_110 = arith.constant 128 : i32
      %mul3A_111 = arith.muli %scan3A_109, %mul3A_110 : i32
      %add3A_112 = arith.constant 0 : i32
      %add3A_113 = arith.addi %add3A_112, %mul3A_111 : i32
      %add3A_114 = arith.addi %mul3A_8, %add3A_113 : i32
      %mul3A_115 = arith.constant 10240 : i32
      %mul3A_116 = arith.muli %arg0, %mul3A_115 : i32
      %add3A_117 = arith.addi %mul3A_116, %mul3A_8 : i32
      %add3A_118 = arith.addi %add3A_117, %add3A_113 : i32
      %dma_wait3A_119 = arith.constant 0 : i32
      %dma_wait3A_120 = tpu.memref_slice %arg5[%add3A_118, %dma_wait3A_119] : memref<20480x128xf32, #tpu.memory_space<hbm>> -> memref<128x128xf32, #tpu.memory_space<hbm>>
      %dma_wait3A_121 = arith.constant 0 : i32
      %dma_wait3A_122 = tpu.memref_slice %arg18[%add3A_114, %dma_wait3A_121] : memref<10240x128xf32, #tpu.memory_space<vmem_shared>> -> memref<128x128xf32, #tpu.memory_space<vmem_shared>>
      tpu.wait_dma2 semaphore(%arg23 : memref<!tpu.dma_semaphore, #tpu.memory_space<semaphore_mem>>) src(%dma_wait3A_122 : memref<128x128xf32, #tpu.memory_space<vmem_shared>>) dst(%dma_wait3A_120 : memref<128x128xf32, #tpu.memory_space<hbm>>)
    }
    %scan3A_108 = arith.constant 5 : i32
    return
  }
}

#map = affine_map<(d0, d1) -> (0, 0)>
module attributes {stable_mosaic.version = 14 : i64} {
  func.func @k(%arg0: i32, %arg1: i32, %arg2: memref<10240x128xf32, #tpu.memory_space<hbm>>, %arg3: memref<4096x80xi32, #tpu.memory_space<hbm>>, %arg4: memref<4096x80xi32, #tpu.memory_space<hbm>>, %arg5: memref<20480x128xf32, #tpu.memory_space<hbm>>, %arg6: memref<8x80xi32, #tpu.memory_space<vmem>>, %arg7: memref<8x80xi32, #tpu.memory_space<vmem>>, %arg8: memref<8x80xi32, #tpu.memory_space<vmem>>, %arg9: memref<8x80xi32, #tpu.memory_space<vmem>>, %arg10: memref<8x80xi32, #tpu.memory_space<vmem>>, %arg11: memref<8x80xi32, #tpu.memory_space<vmem>>, %arg12: memref<8x80xi32, #tpu.memory_space<vmem>>, %arg13: memref<8x80xi32, #tpu.memory_space<vmem>>, %arg14: memref<80x128xf32, #tpu.memory_space<vmem>>, %arg15: memref<80x128xf32, #tpu.memory_space<vmem>>, %arg16: memref<80x128xf32, #tpu.memory_space<vmem>>, %arg17: memref<80x128xf32, #tpu.memory_space<vmem>>, %arg18: memref<10240x128xf32, #tpu.memory_space<vmem_shared>>, %arg19: memref<!tpu.dma_semaphore, #tpu.memory_space<semaphore_mem>>, %arg20: memref<!tpu.dma_semaphore, #tpu.memory_space<semaphore_mem>>, %arg21: memref<!tpu.dma_semaphore, #tpu.memory_space<semaphore_mem>>, %arg22: memref<!tpu.dma_semaphore, #tpu.memory_space<semaphore_mem>>, %arg23: memref<!tpu.dma_semaphore, #tpu.memory_space<semaphore_mem>>, %arg24: memref<!tpu.dma_semaphore, #tpu.memory_space<semaphore_mem>>, %arg25: memref<!tpu.dma_semaphore, #tpu.memory_space<semaphore_mem>>, %arg26: memref<!tpu.dma_semaphore, #tpu.memory_space<semaphore_mem>>, %arg27: memref<!tpu.dma_semaphore, #tpu.memory_space<semaphore_mem>>, %arg28: memref<!tpu.dma_semaphore, #tpu.memory_space<semaphore_mem>>, %arg29: memref<!tpu.dma_semaphore, #tpu.memory_space<semaphore_mem>>, %arg30: memref<!tpu.dma_semaphore, #tpu.memory_space<semaphore_mem>>) attributes {dimension_semantics = [#tpu.dimension_semantics<core_parallel>, #tpu.dimension_semantics<subcore_parallel>], iteration_bounds = array<i64: 2, 16>, scalar_prefetch = 0 : i64, scratch_operands = 25 : i64, tpu.core_type = #tpu.core_type<sc_vector_subcore>, window_params = [{transform_indices = #map}, {transform_indices = #map}, {transform_indices = #map}, {transform_indices = #map}]} {
    %mul3A = arith.constant 16 : i32
    %mul3A_0 = arith.muli %arg0, %mul3A : i32
    %add3A = arith.addi %mul3A_0, %arg1 : i32
    %mul3A_1 = arith.constant 128 : i32
    %mul3A_2 = arith.muli %add3A, %mul3A_1 : i32
    %scan3A = arith.constant 0 : i32
    %scan3A_3 = arith.constant 80 : i32
    %scan3A_4 = arith.addi %scan3A, %scan3A_3 : i32
    %scan3A_5 = arith.constant 1 : i32
    scf.for %scan3A_109 = %scan3A to %scan3A_4 step %scan3A_5  : i32 {
      %mul3A_110 = arith.constant 1 : i32
      %mul3A_111 = arith.muli %scan3A_109, %mul3A_110 : i32
      %add3A_112 = arith.constant 0 : i32
      %add3A_113 = arith.addi %add3A_112, %mul3A_111 : i32
      %scan3A_114 = arith.constant 0 : i32
      %scan3A_115 = arith.constant 8 : i32
      %scan3A_116 = arith.addi %scan3A_114, %scan3A_115 : i32
      %scan3A_117 = arith.constant 1 : i32
      scf.for %scan3A_119 = %scan3A_114 to %scan3A_116 step %scan3A_117  : i32 {
        %mul3A_120 = arith.constant 16 : i32
        %mul3A_121 = arith.muli %scan3A_119, %mul3A_120 : i32
        %add3A_122 = arith.constant 0 : i32
        %add3A_123 = arith.addi %add3A_122, %mul3A_121 : i32
        %broadcast_in_dim3A = arith.constant 0.000000e+00 : f32
        %broadcast_in_dim3A_124 = vector.broadcast %broadcast_in_dim3A : f32 to vector<16xf32>
        %swap3A = arith.index_cast %add3A_113 : i32 to index
        %swap3A_125 = arith.index_cast %add3A_123 : i32 to index
        %swap3A_126 = tpu.vector_load %arg14[%swap3A, %swap3A_125] {strides = array<i32>} : memref<80x128xf32, #tpu.memory_space<vmem>>, vector<1x16xf32>,
        %swap3A_127 = vector.shape_cast %swap3A_126 : vector<1x16xf32> to vector<16xf32>
        %swap3A_128 = vector.shape_cast %broadcast_in_dim3A_124 : vector<16xf32> to vector<1x16xf32>
        tpu.vector_store %arg14[%swap3A, %swap3A_125], %swap3A_128 {strides = array<i32>} : memref<80x128xf32, #tpu.memory_space<vmem>>, vector<1x16xf32>,
      }
      %scan3A_118 = arith.constant 8 : i32
    }
    %scan3A_6 = arith.constant 80 : i32
    %mul3A_7 = arith.constant 640 : i32
    %mul3A_8 = arith.muli %arg1, %mul3A_7 : i32
    %scan3A_9 = arith.constant 0 : i32
    %scan3A_10 = arith.constant 8 : i32
    %scan3A_11 = arith.addi %scan3A_9, %scan3A_10 : i32
    %scan3A_12 = arith.constant 1 : i32
    scf.for %scan3A_109 = %scan3A_9 to %scan3A_11 step %scan3A_12  : i32 {
      %mul3A_110 = arith.constant 80 : i32
      %mul3A_111 = arith.muli %scan3A_109, %mul3A_110 : i32
      %add3A_112 = arith.constant 0 : i32
      %add3A_113 = arith.addi %add3A_112, %mul3A_111 : i32
      %add3A_114 = arith.addi %mul3A_8, %add3A_113 : i32
      %dma_start3A_115 = arith.constant 0 : i32
      %dma_start3A_116 = tpu.memref_slice %arg18[%add3A_114, %dma_start3A_115] : memref<10240x128xf32, #tpu.memory_space<vmem_shared>> -> memref<80x128xf32, #tpu.memory_space<vmem_shared>>
      %dma_start3A_117 = arith.constant 0 : i32
      %dma_start3A_118 = tpu.memref_slice %arg18[%add3A_114, %dma_start3A_117] : memref<10240x128xf32, #tpu.memory_space<vmem_shared>> -> memref<80x128xf32, #tpu.memory_space<vmem_shared>>
      tpu.enqueue_dma source(%arg14 : memref<80x128xf32, #tpu.memory_space<vmem>>) target(%dma_start3A_118 : memref<80x128xf32, #tpu.memory_space<vmem_shared>>) target_semaphore(%arg23 : memref<!tpu.dma_semaphore, #tpu.memory_space<semaphore_mem>>)
    }
    %scan3A_13 = arith.constant 8 : i32
    %scan3A_14 = arith.constant 0 : i32
    %scan3A_15 = arith.constant 8 : i32
    %scan3A_16 = arith.addi %scan3A_14, %scan3A_15 : i32
    %scan3A_17 = arith.constant 1 : i32
    scf.for %scan3A_109 = %scan3A_14 to %scan3A_16 step %scan3A_17  : i32 {
      %mul3A_110 = arith.constant 80 : i32
      %mul3A_111 = arith.muli %scan3A_109, %mul3A_110 : i32
      %add3A_112 = arith.constant 0 : i32
      %add3A_113 = arith.addi %add3A_112, %mul3A_111 : i32
      %add3A_114 = arith.addi %mul3A_8, %add3A_113 : i32
      %dma_wait3A_115 = arith.constant 0 : i32
      %dma_wait3A_116 = tpu.memref_slice %arg18[%add3A_114, %dma_wait3A_115] : memref<10240x128xf32, #tpu.memory_space<vmem_shared>> -> memref<80x128xf32, #tpu.memory_space<vmem_shared>>
      %dma_wait3A_117 = arith.constant 0 : i32
      %dma_wait3A_118 = tpu.memref_slice %arg18[%add3A_114, %dma_wait3A_117] : memref<10240x128xf32, #tpu.memory_space<vmem_shared>> -> memref<80x128xf32, #tpu.memory_space<vmem_shared>>
      tpu.wait_dma2 semaphore(%arg23 : memref<!tpu.dma_semaphore, #tpu.memory_space<semaphore_mem>>) src(%arg14 : memref<80x128xf32, #tpu.memory_space<vmem>>) dst(%dma_wait3A_118 : memref<80x128xf32, #tpu.memory_space<vmem_shared>>)
    }
    %scan3A_18 = arith.constant 8 : i32
    %barrier3A = arith.constant 0 : index
    tpu.barrier barrier_id(%barrier3A)
    %add3A_19 = arith.constant 0 : i32
    %add3A_20 = arith.addi %mul3A_2, %add3A_19 : i32
    %dma_start3A = arith.constant 0 : i32
    %dma_start3A_21 = tpu.memref_slice %arg3[%add3A_20, %dma_start3A] : memref<4096x80xi32, #tpu.memory_space<hbm>> -> memref<8x80xi32, #tpu.memory_space<hbm>>
    %dma_start3A_22 = arith.constant 0 : i32
    %dma_start3A_23 = tpu.memref_slice %arg3[%add3A_20, %dma_start3A_22] : memref<4096x80xi32, #tpu.memory_space<hbm>> -> memref<8x80xi32, #tpu.memory_space<hbm>>
    tpu.enqueue_dma source(%dma_start3A_23 : memref<8x80xi32, #tpu.memory_space<hbm>>) target(%arg6 : memref<8x80xi32, #tpu.memory_space<vmem>>) target_semaphore(%arg19 : memref<!tpu.dma_semaphore, #tpu.memory_space<semaphore_mem>>)
    %add3A_24 = arith.constant 0 : i32
    %add3A_25 = arith.addi %mul3A_2, %add3A_24 : i32
    %dma_start3A_26 = arith.constant 0 : i32
    %dma_start3A_27 = tpu.memref_slice %arg4[%add3A_25, %dma_start3A_26] : memref<4096x80xi32, #tpu.memory_space<hbm>> -> memref<8x80xi32, #tpu.memory_space<hbm>>
    %dma_start3A_28 = arith.constant 0 : i32
    %dma_start3A_29 = tpu.memref_slice %arg4[%add3A_25, %dma_start3A_28] : memref<4096x80xi32, #tpu.memory_space<hbm>> -> memref<8x80xi32, #tpu.memory_space<hbm>>
    tpu.enqueue_dma source(%dma_start3A_29 : memref<8x80xi32, #tpu.memory_space<hbm>>) target(%arg10 : memref<8x80xi32, #tpu.memory_space<vmem>>) target_semaphore(%arg19 : memref<!tpu.dma_semaphore, #tpu.memory_space<semaphore_mem>>)
    %add3A_30 = arith.constant 8 : i32
    %add3A_31 = arith.addi %mul3A_2, %add3A_30 : i32
    %dma_start3A_32 = arith.constant 0 : i32
    %dma_start3A_33 = tpu.memref_slice %arg3[%add3A_31, %dma_start3A_32] : memref<4096x80xi32, #tpu.memory_space<hbm>> -> memref<8x80xi32, #tpu.memory_space<hbm>>
    %dma_start3A_34 = arith.constant 0 : i32
    %dma_start3A_35 = tpu.memref_slice %arg3[%add3A_31, %dma_start3A_34] : memref<4096x80xi32, #tpu.memory_space<hbm>> -> memref<8x80xi32, #tpu.memory_space<hbm>>
    tpu.enqueue_dma source(%dma_start3A_35 : memref<8x80xi32, #tpu.memory_space<hbm>>) target(%arg7 : memref<8x80xi32, #tpu.memory_space<vmem>>) target_semaphore(%arg20 : memref<!tpu.dma_semaphore, #tpu.memory_space<semaphore_mem>>)
    %add3A_36 = arith.constant 8 : i32
    %add3A_37 = arith.addi %mul3A_2, %add3A_36 : i32
    %dma_start3A_38 = arith.constant 0 : i32
    %dma_start3A_39 = tpu.memref_slice %arg4[%add3A_37, %dma_start3A_38] : memref<4096x80xi32, #tpu.memory_space<hbm>> -> memref<8x80xi32, #tpu.memory_space<hbm>>
    %dma_start3A_40 = arith.constant 0 : i32
    %dma_start3A_41 = tpu.memref_slice %arg4[%add3A_37, %dma_start3A_40] : memref<4096x80xi32, #tpu.memory_space<hbm>> -> memref<8x80xi32, #tpu.memory_space<hbm>>
    tpu.enqueue_dma source(%dma_start3A_41 : memref<8x80xi32, #tpu.memory_space<hbm>>) target(%arg11 : memref<8x80xi32, #tpu.memory_space<vmem>>) target_semaphore(%arg20 : memref<!tpu.dma_semaphore, #tpu.memory_space<semaphore_mem>>)
    %add3A_42 = arith.constant 16 : i32
    %add3A_43 = arith.addi %mul3A_2, %add3A_42 : i32
    %dma_start3A_44 = arith.constant 0 : i32
    %dma_start3A_45 = tpu.memref_slice %arg3[%add3A_43, %dma_start3A_44] : memref<4096x80xi32, #tpu.memory_space<hbm>> -> memref<8x80xi32, #tpu.memory_space<hbm>>
    %dma_start3A_46 = arith.constant 0 : i32
    %dma_start3A_47 = tpu.memref_slice %arg3[%add3A_43, %dma_start3A_46] : memref<4096x80xi32, #tpu.memory_space<hbm>> -> memref<8x80xi32, #tpu.memory_space<hbm>>
    tpu.enqueue_dma source(%dma_start3A_47 : memref<8x80xi32, #tpu.memory_space<hbm>>) target(%arg8 : memref<8x80xi32, #tpu.memory_space<vmem>>) target_semaphore(%arg21 : memref<!tpu.dma_semaphore, #tpu.memory_space<semaphore_mem>>)
    %add3A_48 = arith.constant 16 : i32
    %add3A_49 = arith.addi %mul3A_2, %add3A_48 : i32
    %dma_start3A_50 = arith.constant 0 : i32
    %dma_start3A_51 = tpu.memref_slice %arg4[%add3A_49, %dma_start3A_50] : memref<4096x80xi32, #tpu.memory_space<hbm>> -> memref<8x80xi32, #tpu.memory_space<hbm>>
    %dma_start3A_52 = arith.constant 0 : i32
    %dma_start3A_53 = tpu.memref_slice %arg4[%add3A_49, %dma_start3A_52] : memref<4096x80xi32, #tpu.memory_space<hbm>> -> memref<8x80xi32, #tpu.memory_space<hbm>>
    tpu.enqueue_dma source(%dma_start3A_53 : memref<8x80xi32, #tpu.memory_space<hbm>>) target(%arg12 : memref<8x80xi32, #tpu.memory_space<vmem>>) target_semaphore(%arg21 : memref<!tpu.dma_semaphore, #tpu.memory_space<semaphore_mem>>)
    %add3A_54 = arith.constant 0 : i32
    %add3A_55 = arith.addi %mul3A_2, %add3A_54 : i32
    %dma_wait3A = arith.constant 0 : i32
    %dma_wait3A_56 = tpu.memref_slice %arg3[%add3A_55, %dma_wait3A] : memref<4096x80xi32, #tpu.memory_space<hbm>> -> memref<8x80xi32, #tpu.memory_space<hbm>>
    %dma_wait3A_57 = arith.constant 0 : i32
    %dma_wait3A_58 = tpu.memref_slice %arg3[%add3A_55, %dma_wait3A_57] : memref<4096x80xi32, #tpu.memory_space<hbm>> -> memref<8x80xi32, #tpu.memory_space<hbm>>
    tpu.wait_dma2 semaphore(%arg19 : memref<!tpu.dma_semaphore, #tpu.memory_space<semaphore_mem>>) src(%dma_wait3A_58 : memref<8x80xi32, #tpu.memory_space<hbm>>) dst(%arg6 : memref<8x80xi32, #tpu.memory_space<vmem>>)
    %add3A_59 = arith.constant 0 : i32
    %add3A_60 = arith.addi %mul3A_2, %add3A_59 : i32
    %dma_wait3A_61 = arith.constant 0 : i32
    %dma_wait3A_62 = tpu.memref_slice %arg4[%add3A_60, %dma_wait3A_61] : memref<4096x80xi32, #tpu.memory_space<hbm>> -> memref<8x80xi32, #tpu.memory_space<hbm>>
    %dma_wait3A_63 = arith.constant 0 : i32
    %dma_wait3A_64 = tpu.memref_slice %arg4[%add3A_60, %dma_wait3A_63] : memref<4096x80xi32, #tpu.memory_space<hbm>> -> memref<8x80xi32, #tpu.memory_space<hbm>>
    tpu.wait_dma2 semaphore(%arg19 : memref<!tpu.dma_semaphore, #tpu.memory_space<semaphore_mem>>) src(%dma_wait3A_64 : memref<8x80xi32, #tpu.memory_space<hbm>>) dst(%arg10 : memref<8x80xi32, #tpu.memory_space<vmem>>)
    %dma_start3A_65 = arith.constant 0 : i32
    %dma_start3A_66 = arith.constant 0 : i32
    %dma_start3A_67 = tpu.memref_slice %arg6[%dma_start3A_65, %dma_start3A_66] : memref<8x80xi32, #tpu.memory_space<vmem>> -> memref<1x80xi32, #tpu.memory_space<vmem>>
    %dma_start3A_68 = tpu.memref_squeeze %dma_start3A_67 : memref<1x80xi32, #tpu.memory_space<vmem>> -> memref<80xi32, #tpu.memory_space<vmem>>
    %dma_start3A_69 = arith.constant 0 : i32
    %dma_start3A_70 = arith.constant 0 : i32
    %dma_start3A_71 = tpu.memref_slice %arg2[%dma_start3A_69, %dma_start3A_70] : memref<10240x128xf32, #tpu.memory_space<hbm>> -> memref<10240x128xf32, #tpu.memory_space<hbm>>
    tpu.enqueue_indirect_dma source(%dma_start3A_71 : memref<10240x128xf32, #tpu.memory_space<hbm>>) target(%arg14 : memref<80x128xf32, #tpu.memory_space<vmem>>) offsets(%dma_start3A_68 : memref<80xi32, #tpu.memory_space<vmem>>) semaphore(%arg23 : memref<!tpu.dma_semaphore, #tpu.memory_space<semaphore_mem>>)
    %dma_start3A_72 = arith.constant 1 : i32
    %dma_start3A_73 = arith.constant 0 : i32
    %dma_start3A_74 = tpu.memref_slice %arg6[%dma_start3A_72, %dma_start3A_73] : memref<8x80xi32, #tpu.memory_space<vmem>> -> memref<1x80xi32, #tpu.memory_space<vmem>>
    %dma_start3A_75 = tpu.memref_squeeze %dma_start3A_74 : memref<1x80xi32, #tpu.memory_space<vmem>> -> memref<80xi32, #tpu.memory_space<vmem>>
    %dma_start3A_76 = arith.constant 0 : i32
    %dma_start3A_77 = arith.constant 0 : i32
    %dma_start3A_78 = tpu.memref_slice %arg2[%dma_start3A_76, %dma_start3A_77] : memref<10240x128xf32, #tpu.memory_space<hbm>> -> memref<10240x128xf32, #tpu.memory_space<hbm>>
    tpu.enqueue_indirect_dma source(%dma_start3A_78 : memref<10240x128xf32, #tpu.memory_space<hbm>>) target(%arg15 : memref<80x128xf32, #tpu.memory_space<vmem>>) offsets(%dma_start3A_75 : memref<80xi32, #tpu.memory_space<vmem>>) semaphore(%arg24 : memref<!tpu.dma_semaphore, #tpu.memory_space<semaphore_mem>>)
    %dma_start3A_79 = arith.constant 2 : i32
    %dma_start3A_80 = arith.constant 0 : i32
    %dma_start3A_81 = tpu.memref_slice %arg6[%dma_start3A_79, %dma_start3A_80] : memref<8x80xi32, #tpu.memory_space<vmem>> -> memref<1x80xi32, #tpu.memory_space<vmem>>
    %dma_start3A_82 = tpu.memref_squeeze %dma_start3A_81 : memref<1x80xi32, #tpu.memory_space<vmem>> -> memref<80xi32, #tpu.memory_space<vmem>>
    %dma_start3A_83 = arith.constant 0 : i32
    %dma_start3A_84 = arith.constant 0 : i32
    %dma_start3A_85 = tpu.memref_slice %arg2[%dma_start3A_83, %dma_start3A_84] : memref<10240x128xf32, #tpu.memory_space<hbm>> -> memref<10240x128xf32, #tpu.memory_space<hbm>>
    tpu.enqueue_indirect_dma source(%dma_start3A_85 : memref<10240x128xf32, #tpu.memory_space<hbm>>) target(%arg16 : memref<80x128xf32, #tpu.memory_space<vmem>>) offsets(%dma_start3A_82 : memref<80xi32, #tpu.memory_space<vmem>>) semaphore(%arg25 : memref<!tpu.dma_semaphore, #tpu.memory_space<semaphore_mem>>)
    %scan3A_86 = arith.constant 0 : i32
    %scan3A_87 = arith.constant 4 : i32
    %scan3A_88 = arith.addi %scan3A_86, %scan3A_87 : i32
    %scan3A_89 = arith.constant 1 : i32
    scf.for %scan3A_109 = %scan3A_86 to %scan3A_88 step %scan3A_89  : i32 {
      %mul3A_110 = arith.constant 4 : i32
      %mul3A_111 = arith.muli %scan3A_109, %mul3A_110 : i32
      %add3A_112 = arith.constant 0 : i32
      %add3A_113 = arith.addi %add3A_112, %mul3A_111 : i32
      %add3A_114 = arith.constant 0 : i32
      %add3A_115 = arith.addi %add3A_113, %add3A_114 : i32
      %mul3A_116 = arith.constant 8 : i32
      %mul3A_117 = arith.muli %add3A_115, %mul3A_116 : i32
      %add3A_118 = arith.constant 0 : i32
      %add3A_119 = arith.addi %mul3A_117, %add3A_118 : i32
      %dma_wait3A_120 = arith.constant 0 : i32
      %dma_wait3A_121 = arith.constant 0 : i32
      %dma_wait3A_122 = tpu.memref_slice %arg6[%dma_wait3A_120, %dma_wait3A_121] : memref<8x80xi32, #tpu.memory_space<vmem>> -> memref<1x80xi32, #tpu.memory_space<vmem>>
      %dma_wait3A_123 = tpu.memref_squeeze %dma_wait3A_122 : memref<1x80xi32, #tpu.memory_space<vmem>> -> memref<80xi32, #tpu.memory_space<vmem>>
      %dma_wait3A_124 = arith.constant 0 : i32
      %dma_wait3A_125 = arith.constant 0 : i32
      %dma_wait3A_126 = tpu.memref_slice %arg2[%dma_wait3A_124, %dma_wait3A_125] : memref<10240x128xf32, #tpu.memory_space<hbm>> -> memref<10240x128xf32, #tpu.memory_space<hbm>>
      tpu.wait_indirect_dma semaphore(%arg23 : memref<!tpu.dma_semaphore, #tpu.memory_space<semaphore_mem>>) src(%dma_wait3A_126 : memref<10240x128xf32, #tpu.memory_space<hbm>>) dst(%arg14 : memref<80x128xf32, #tpu.memory_space<vmem>>)
      %dma_start3A_127 = arith.constant 0 : i32
      %dma_start3A_128 = arith.constant 0 : i32
      %dma_start3A_129 = tpu.memref_slice %arg10[%dma_start3A_127, %dma_start3A_128] : memref<8x80xi32, #tpu.memory_space<vmem>> -> memref<1x80xi32, #tpu.memory_space<vmem>>
      %dma_start3A_130 = tpu.memref_squeeze %dma_start3A_129 : memref<1x80xi32, #tpu.memory_space<vmem>> -> memref<80xi32, #tpu.memory_space<vmem>>
      %dma_start3A_131 = arith.constant 0 : i32
      %dma_start3A_132 = arith.constant 0 : i32
      %dma_start3A_133 = tpu.memref_slice %arg18[%dma_start3A_131, %dma_start3A_132] : memref<10240x128xf32, #tpu.memory_space<vmem_shared>> -> memref<10240x128xf32, #tpu.memory_space<vmem_shared>>
      tpu.enqueue_indirect_dma source(%arg14 : memref<80x128xf32, #tpu.memory_space<vmem>>) target(%dma_start3A_133 : memref<10240x128xf32, #tpu.memory_space<vmem_shared>>) offsets(%dma_start3A_130 : memref<80xi32, #tpu.memory_space<vmem>>) semaphore(%arg27 : memref<!tpu.dma_semaphore, #tpu.memory_space<semaphore_mem>>) {add = true}
      %gt3A = arith.constant 0 : i32
      %gt3A_134 = arith.cmpi sgt, %add3A_119, %gt3A : i32
      %convert_element_type3A = arith.extui %gt3A_134 : i1 to i32
      %cond3A = arith.constant 0 : i32
      %cond3A_135 = arith.cmpi ne, %convert_element_type3A, %cond3A : i32
      scf.if %cond3A_135 {
        %dma_wait3A_1162 = arith.constant 7 : i32
        %dma_wait3A_1163 = arith.constant 0 : i32
        %dma_wait3A_1164 = tpu.memref_slice %arg13[%dma_wait3A_1162, %dma_wait3A_1163] : memref<8x80xi32, #tpu.memory_space<vmem>> -> memref<1x80xi32, #tpu.memory_space<vmem>>
        %dma_wait3A_1165 = tpu.memref_squeeze %dma_wait3A_1164 : memref<1x80xi32, #tpu.memory_space<vmem>> -> memref<80xi32, #tpu.memory_space<vmem>>
        %dma_wait3A_1166 = arith.constant 0 : i32
        %dma_wait3A_1167 = arith.constant 0 : i32
        %dma_wait3A_1168 = tpu.memref_slice %arg18[%dma_wait3A_1166, %dma_wait3A_1167] : memref<10240x128xf32, #tpu.memory_space<vmem_shared>> -> memref<10240x128xf32, #tpu.memory_space<vmem_shared>>
        tpu.wait_indirect_dma semaphore(%arg30 : memref<!tpu.dma_semaphore, #tpu.memory_space<semaphore_mem>>) src(%arg17 : memref<80x128xf32, #tpu.memory_space<vmem>>) dst(%dma_wait3A_1168 : memref<10240x128xf32, #tpu.memory_space<vmem_shared>>)
      } else {
      }
      %dma_start3A_136 = arith.constant 3 : i32
      %dma_start3A_137 = arith.constant 0 : i32
      %dma_start3A_138 = tpu.memref_slice %arg6[%dma_start3A_136, %dma_start3A_137] : memref<8x80xi32, #tpu.memory_space<vmem>> -> memref<1x80xi32, #tpu.memory_space<vmem>>
      %dma_start3A_139 = tpu.memref_squeeze %dma_start3A_138 : memref<1x80xi32, #tpu.memory_space<vmem>> -> memref<80xi32, #tpu.memory_space<vmem>>
      %dma_start3A_140 = arith.constant 0 : i32
      %dma_start3A_141 = arith.constant 0 : i32
      %dma_start3A_142 = tpu.memref_slice %arg2[%dma_start3A_140, %dma_start3A_141] : memref<10240x128xf32, #tpu.memory_space<hbm>> -> memref<10240x128xf32, #tpu.memory_space<hbm>>
      tpu.enqueue_indirect_dma source(%dma_start3A_142 : memref<10240x128xf32, #tpu.memory_space<hbm>>) target(%arg17 : memref<80x128xf32, #tpu.memory_space<vmem>>) offsets(%dma_start3A_139 : memref<80xi32, #tpu.memory_space<vmem>>) semaphore(%arg26 : memref<!tpu.dma_semaphore, #tpu.memory_space<semaphore_mem>>)
      %add3A_143 = arith.constant 0 : i32
      %add3A_144 = arith.addi %add3A_113, %add3A_143 : i32
      %mul3A_145 = arith.constant 8 : i32
      %mul3A_146 = arith.muli %add3A_144, %mul3A_145 : i32
      %add3A_147 = arith.constant 1 : i32
      %add3A_148 = arith.addi %mul3A_146, %add3A_147 : i32
      %dma_wait3A_149 = arith.constant 1 : i32
      %dma_wait3A_150 = arith.constant 0 : i32
      %dma_wait3A_151 = tpu.memref_slice %arg6[%dma_wait3A_149, %dma_wait3A_150] : memref<8x80xi32, #tpu.memory_space<vmem>> -> memref<1x80xi32, #tpu.memory_space<vmem>>
      %dma_wait3A_152 = tpu.memref_squeeze %dma_wait3A_151 : memref<1x80xi32, #tpu.memory_space<vmem>> -> memref<80xi32, #tpu.memory_space<vmem>>
      %dma_wait3A_153 = arith.constant 0 : i32
      %dma_wait3A_154 = arith.constant 0 : i32
      %dma_wait3A_155 = tpu.memref_slice %arg2[%dma_wait3A_153, %dma_wait3A_154] : memref<10240x128xf32, #tpu.memory_space<hbm>> -> memref<10240x128xf32, #tpu.memory_space<hbm>>
      tpu.wait_indirect_dma semaphore(%arg24 : memref<!tpu.dma_semaphore, #tpu.memory_space<semaphore_mem>>) src(%dma_wait3A_155 : memref<10240x128xf32, #tpu.memory_space<hbm>>) dst(%arg15 : memref<80x128xf32, #tpu.memory_space<vmem>>)
      %dma_start3A_156 = arith.constant 1 : i32
      %dma_start3A_157 = arith.constant 0 : i32
      %dma_start3A_158 = tpu.memref_slice %arg10[%dma_start3A_156, %dma_start3A_157] : memref<8x80xi32, #tpu.memory_space<vmem>> -> memref<1x80xi32, #tpu.memory_space<vmem>>
      %dma_start3A_159 = tpu.memref_squeeze %dma_start3A_158 : memref<1x80xi32, #tpu.memory_space<vmem>> -> memref<80xi32, #tpu.memory_space<vmem>>
      %dma_start3A_160 = arith.constant 0 : i32
      %dma_start3A_161 = arith.constant 0 : i32
      %dma_start3A_162 = tpu.memref_slice %arg18[%dma_start3A_160, %dma_start3A_161] : memref<10240x128xf32, #tpu.memory_space<vmem_shared>> -> memref<10240x128xf32, #tpu.memory_space<vmem_shared>>
      tpu.enqueue_indirect_dma source(%arg15 : memref<80x128xf32, #tpu.memory_space<vmem>>) target(%dma_start3A_162 : memref<10240x128xf32, #tpu.memory_space<vmem_shared>>) offsets(%dma_start3A_159 : memref<80xi32, #tpu.memory_space<vmem>>) semaphore(%arg28 : memref<!tpu.dma_semaphore, #tpu.memory_space<semaphore_mem>>) {add = true}
      %gt3A_163 = arith.constant 0 : i32
      %gt3A_164 = arith.cmpi sgt, %add3A_148, %gt3A_163 : i32
      %convert_element_type3A_165 = arith.extui %gt3A_164 : i1 to i32
      %cond3A_166 = arith.constant 0 : i32
      %cond3A_167 = arith.cmpi ne, %convert_element_type3A_165, %cond3A_166 : i32
      scf.if %cond3A_167 {
        %dma_wait3A_1162 = arith.constant 0 : i32
        %dma_wait3A_1163 = arith.constant 0 : i32
        %dma_wait3A_1164 = tpu.memref_slice %arg10[%dma_wait3A_1162, %dma_wait3A_1163] : memref<8x80xi32, #tpu.memory_space<vmem>> -> memref<1x80xi32, #tpu.memory_space<vmem>>
        %dma_wait3A_1165 = tpu.memref_squeeze %dma_wait3A_1164 : memref<1x80xi32, #tpu.memory_space<vmem>> -> memref<80xi32, #tpu.memory_space<vmem>>
        %dma_wait3A_1166 = arith.constant 0 : i32
        %dma_wait3A_1167 = arith.constant 0 : i32
        %dma_wait3A_1168 = tpu.memref_slice %arg18[%dma_wait3A_1166, %dma_wait3A_1167] : memref<10240x128xf32, #tpu.memory_space<vmem_shared>> -> memref<10240x128xf32, #tpu.memory_space<vmem_shared>>
        tpu.wait_indirect_dma semaphore(%arg27 : memref<!tpu.dma_semaphore, #tpu.memory_space<semaphore_mem>>) src(%arg14 : memref<80x128xf32, #tpu.memory_space<vmem>>) dst(%dma_wait3A_1168 : memref<10240x128xf32, #tpu.memory_space<vmem_shared>>)
      } else {
      }
      %dma_start3A_168 = arith.constant 4 : i32
      %dma_start3A_169 = arith.constant 0 : i32
      %dma_start3A_170 = tpu.memref_slice %arg6[%dma_start3A_168, %dma_start3A_169] : memref<8x80xi32, #tpu.memory_space<vmem>> -> memref<1x80xi32, #tpu.memory_space<vmem>>
      %dma_start3A_171 = tpu.memref_squeeze %dma_start3A_170 : memref<1x80xi32, #tpu.memory_space<vmem>> -> memref<80xi32, #tpu.memory_space<vmem>>
      %dma_start3A_172 = arith.constant 0 : i32
      %dma_start3A_173 = arith.constant 0 : i32
      %dma_start3A_174 = tpu.memref_slice %arg2[%dma_start3A_172, %dma_start3A_173] : memref<10240x128xf32, #tpu.memory_space<hbm>> -> memref<10240x128xf32, #tpu.memory_space<hbm>>
      tpu.enqueue_indirect_dma source(%dma_start3A_174 : memref<10240x128xf32, #tpu.memory_space<hbm>>) target(%arg14 : memref<80x128xf32, #tpu.memory_space<vmem>>) offsets(%dma_start3A_171 : memref<80xi32, #tpu.memory_space<vmem>>) semaphore(%arg23 : memref<!tpu.dma_semaphore, #tpu.memory_space<semaphore_mem>>)
      %add3A_175 = arith.constant 0 : i32
      %add3A_176 = arith.addi %add3A_113, %add3A_175 : i32
      %mul3A_177 = arith.constant 8 : i32
      %mul3A_178 = arith.muli %add3A_176, %mul3A_177 : i32
      %add3A_179 = arith.constant 2 : i32
      %add3A_180 = arith.addi %mul3A_178, %add3A_179 : i32
      %dma_wait3A_181 = arith.constant 2 : i32
      %dma_wait3A_182 = arith.constant 0 : i32
      %dma_wait3A_183 = tpu.memref_slice %arg6[%dma_wait3A_181, %dma_wait3A_182] : memref<8x80xi32, #tpu.memory_space<vmem>> -> memref<1x80xi32, #tpu.memory_space<vmem>>
      %dma_wait3A_184 = tpu.memref_squeeze %dma_wait3A_183 : memref<1x80xi32, #tpu.memory_space<vmem>> -> memref<80xi32, #tpu.memory_space<vmem>>
      %dma_wait3A_185 = arith.constant 0 : i32
      %dma_wait3A_186 = arith.constant 0 : i32
      %dma_wait3A_187 = tpu.memref_slice %arg2[%dma_wait3A_185, %dma_wait3A_186] : memref<10240x128xf32, #tpu.memory_space<hbm>> -> memref<10240x128xf32, #tpu.memory_space<hbm>>
      tpu.wait_indirect_dma semaphore(%arg25 : memref<!tpu.dma_semaphore, #tpu.memory_space<semaphore_mem>>) src(%dma_wait3A_187 : memref<10240x128xf32, #tpu.memory_space<hbm>>) dst(%arg16 : memref<80x128xf32, #tpu.memory_space<vmem>>)
      %dma_start3A_188 = arith.constant 2 : i32
      %dma_start3A_189 = arith.constant 0 : i32
      %dma_start3A_190 = tpu.memref_slice %arg10[%dma_start3A_188, %dma_start3A_189] : memref<8x80xi32, #tpu.memory_space<vmem>> -> memref<1x80xi32, #tpu.memory_space<vmem>>
      %dma_start3A_191 = tpu.memref_squeeze %dma_start3A_190 : memref<1x80xi32, #tpu.memory_space<vmem>> -> memref<80xi32, #tpu.memory_space<vmem>>
      %dma_start3A_192 = arith.constant 0 : i32
      %dma_start3A_193 = arith.constant 0 : i32
      %dma_start3A_194 = tpu.memref_slice %arg18[%dma_start3A_192, %dma_start3A_193] : memref<10240x128xf32, #tpu.memory_space<vmem_shared>> -> memref<10240x128xf32, #tpu.memory_space<vmem_shared>>
      tpu.enqueue_indirect_dma source(%arg16 : memref<80x128xf32, #tpu.memory_space<vmem>>) target(%dma_start3A_194 : memref<10240x128xf32, #tpu.memory_space<vmem_shared>>) offsets(%dma_start3A_191 : memref<80xi32, #tpu.memory_space<vmem>>) semaphore(%arg29 : memref<!tpu.dma_semaphore, #tpu.memory_space<semaphore_mem>>) {add = true}
      %gt3A_195 = arith.constant 0 : i32
      %gt3A_196 = arith.cmpi sgt, %add3A_180, %gt3A_195 : i32
      %convert_element_type3A_197 = arith.extui %gt3A_196 : i1 to i32
      %cond3A_198 = arith.constant 0 : i32
      %cond3A_199 = arith.cmpi ne, %convert_element_type3A_197, %cond3A_198 : i32
      scf.if %cond3A_199 {
        %dma_wait3A_1162 = arith.constant 1 : i32
        %dma_wait3A_1163 = arith.constant 0 : i32
        %dma_wait3A_1164 = tpu.memref_slice %arg10[%dma_wait3A_1162, %dma_wait3A_1163] : memref<8x80xi32, #tpu.memory_space<vmem>> -> memref<1x80xi32, #tpu.memory_space<vmem>>
        %dma_wait3A_1165 = tpu.memref_squeeze %dma_wait3A_1164 : memref<1x80xi32, #tpu.memory_space<vmem>> -> memref<80xi32, #tpu.memory_space<vmem>>
        %dma_wait3A_1166 = arith.constant 0 : i32
        %dma_wait3A_1167 = arith.constant 0 : i32
        %dma_wait3A_1168 = tpu.memref_slice %arg18[%dma_wait3A_1166, %dma_wait3A_1167] : memref<10240x128xf32, #tpu.memory_space<vmem_shared>> -> memref<10240x128xf32, #tpu.memory_space<vmem_shared>>
        tpu.wait_indirect_dma semaphore(%arg28 : memref<!tpu.dma_semaphore, #tpu.memory_space<semaphore_mem>>) src(%arg15 : memref<80x128xf32, #tpu.memory_space<vmem>>) dst(%dma_wait3A_1168 : memref<10240x128xf32, #tpu.memory_space<vmem_shared>>)
      } else {
      }
      %add3A_200 = arith.constant 3 : i32
      %add3A_201 = arith.addi %add3A_176, %add3A_200 : i32
      %lt3A = arith.constant 16 : i32
      %lt3A_202 = arith.cmpi slt, %add3A_201, %lt3A : i32
      %convert_element_type3A_203 = arith.extui %lt3A_202 : i1 to i32
      %cond3A_204 = arith.constant 0 : i32
      %cond3A_205 = arith.cmpi ne, %convert_element_type3A_203, %cond3A_204 : i32
      scf.if %cond3A_205 {
        %add3A_1162 = arith.constant 3 : i32
        %add3A_1163 = arith.addi %add3A_176, %add3A_1162 : i32
        %mul3A_1164 = arith.constant 8 : i32
        %mul3A_1165 = arith.muli %add3A_1163, %mul3A_1164 : i32
        %add3A_1166 = arith.addi %mul3A_2, %mul3A_1165 : i32
        %dma_start3A_1167 = arith.constant 0 : i32
        %dma_start3A_1168 = tpu.memref_slice %arg3[%add3A_1166, %dma_start3A_1167] : memref<4096x80xi32, #tpu.memory_space<hbm>> -> memref<8x80xi32, #tpu.memory_space<hbm>>
        %dma_start3A_1169 = arith.constant 0 : i32
        %dma_start3A_1170 = tpu.memref_slice %arg3[%add3A_1166, %dma_start3A_1169] : memref<4096x80xi32, #tpu.memory_space<hbm>> -> memref<8x80xi32, #tpu.memory_space<hbm>>
        tpu.enqueue_dma source(%dma_start3A_1170 : memref<8x80xi32, #tpu.memory_space<hbm>>) target(%arg9 : memref<8x80xi32, #tpu.memory_space<vmem>>) target_semaphore(%arg22 : memref<!tpu.dma_semaphore, #tpu.memory_space<semaphore_mem>>)
        %mul3A_1171 = arith.constant 8 : i32
        %mul3A_1172 = arith.muli %add3A_1163, %mul3A_1171 : i32
        %add3A_1173 = arith.addi %mul3A_2, %mul3A_1172 : i32
        %dma_start3A_1174 = arith.constant 0 : i32
        %dma_start3A_1175 = tpu.memref_slice %arg4[%add3A_1173, %dma_start3A_1174] : memref<4096x80xi32, #tpu.memory_space<hbm>> -> memref<8x80xi32, #tpu.memory_space<hbm>>
        %dma_start3A_1176 = arith.constant 0 : i32
        %dma_start3A_1177 = tpu.memref_slice %arg4[%add3A_1173, %dma_start3A_1176] : memref<4096x80xi32, #tpu.memory_space<hbm>> -> memref<8x80xi32, #tpu.memory_space<hbm>>
        tpu.enqueue_dma source(%dma_start3A_1177 : memref<8x80xi32, #tpu.memory_space<hbm>>) target(%arg13 : memref<8x80xi32, #tpu.memory_space<vmem>>) target_semaphore(%arg22 : memref<!tpu.dma_semaphore, #tpu.memory_space<semaphore_mem>>)
      } else {
      }
      %dma_start3A_206 = arith.constant 5 : i32
      %dma_start3A_207 = arith.constant 0 : i32
      %dma_start3A_208 = tpu.memref_slice %arg6[%dma_start3A_206, %dma_start3A_207] : memref<8x80xi32, #tpu.memory_space<vmem>> -> memref<1x80xi32, #tpu.memory_space<vmem>>
      %dma_start3A_209 = tpu.memref_squeeze %dma_start3A_208 : memref<1x80xi32, #tpu.memory_space<vmem>> -> memref<80xi32, #tpu.memory_space<vmem>>
      %dma_start3A_210 = arith.constant 0 : i32
      %dma_start3A_211 = arith.constant 0 : i32
      %dma_start3A_212 = tpu.memref_slice %arg2[%dma_start3A_210, %dma_start3A_211] : memref<10240x128xf32, #tpu.memory_space<hbm>> -> memref<10240x128xf32, #tpu.memory_space<hbm>>
      tpu.enqueue_indirect_dma source(%dma_start3A_212 : memref<10240x128xf32, #tpu.memory_space<hbm>>) target(%arg15 : memref<80x128xf32, #tpu.memory_space<vmem>>) offsets(%dma_start3A_209 : memref<80xi32, #tpu.memory_space<vmem>>) semaphore(%arg24 : memref<!tpu.dma_semaphore, #tpu.memory_space<semaphore_mem>>)
      %add3A_213 = arith.constant 0 : i32
      %add3A_214 = arith.addi %add3A_113, %add3A_213 : i32
      %mul3A_215 = arith.constant 8 : i32
      %mul3A_216 = arith.muli %add3A_214, %mul3A_215 : i32
      %add3A_217 = arith.constant 3 : i32
      %add3A_218 = arith.addi %mul3A_216, %add3A_217 : i32
      %dma_wait3A_219 = arith.constant 3 : i32
      %dma_wait3A_220 = arith.constant 0 : i32
      %dma_wait3A_221 = tpu.memref_slice %arg6[%dma_wait3A_219, %dma_wait3A_220] : memref<8x80xi32, #tpu.memory_space<vmem>> -> memref<1x80xi32, #tpu.memory_space<vmem>>
      %dma_wait3A_222 = tpu.memref_squeeze %dma_wait3A_221 : memref<1x80xi32, #tpu.memory_space<vmem>> -> memref<80xi32, #tpu.memory_space<vmem>>
      %dma_wait3A_223 = arith.constant 0 : i32
      %dma_wait3A_224 = arith.constant 0 : i32
      %dma_wait3A_225 = tpu.memref_slice %arg2[%dma_wait3A_223, %dma_wait3A_224] : memref<10240x128xf32, #tpu.memory_space<hbm>> -> memref<10240x128xf32, #tpu.memory_space<hbm>>
      tpu.wait_indirect_dma semaphore(%arg26 : memref<!tpu.dma_semaphore, #tpu.memory_space<semaphore_mem>>) src(%dma_wait3A_225 : memref<10240x128xf32, #tpu.memory_space<hbm>>) dst(%arg17 : memref<80x128xf32, #tpu.memory_space<vmem>>)
      %dma_start3A_226 = arith.constant 3 : i32
      %dma_start3A_227 = arith.constant 0 : i32
      %dma_start3A_228 = tpu.memref_slice %arg10[%dma_start3A_226, %dma_start3A_227] : memref<8x80xi32, #tpu.memory_space<vmem>> -> memref<1x80xi32, #tpu.memory_space<vmem>>
      %dma_start3A_229 = tpu.memref_squeeze %dma_start3A_228 : memref<1x80xi32, #tpu.memory_space<vmem>> -> memref<80xi32, #tpu.memory_space<vmem>>
      %dma_start3A_230 = arith.constant 0 : i32
      %dma_start3A_231 = arith.constant 0 : i32
      %dma_start3A_232 = tpu.memref_slice %arg18[%dma_start3A_230, %dma_start3A_231] : memref<10240x128xf32, #tpu.memory_space<vmem_shared>> -> memref<10240x128xf32, #tpu.memory_space<vmem_shared>>
      tpu.enqueue_indirect_dma source(%arg17 : memref<80x128xf32, #tpu.memory_space<vmem>>) target(%dma_start3A_232 : memref<10240x128xf32, #tpu.memory_space<vmem_shared>>) offsets(%dma_start3A_229 : memref<80xi32, #tpu.memory_space<vmem>>) semaphore(%arg30 : memref<!tpu.dma_semaphore, #tpu.memory_space<semaphore_mem>>) {add = true}
      %gt3A_233 = arith.constant 0 : i32
      %gt3A_234 = arith.cmpi sgt, %add3A_218, %gt3A_233 : i32
      %convert_element_type3A_235 = arith.extui %gt3A_234 : i1 to i32
      %cond3A_236 = arith.constant 0 : i32
      %cond3A_237 = arith.cmpi ne, %convert_element_type3A_235, %cond3A_236 : i32
      scf.if %cond3A_237 {
        %dma_wait3A_1162 = arith.constant 2 : i32
        %dma_wait3A_1163 = arith.constant 0 : i32
        %dma_wait3A_1164 = tpu.memref_slice %arg10[%dma_wait3A_1162, %dma_wait3A_1163] : memref<8x80xi32, #tpu.memory_space<vmem>> -> memref<1x80xi32, #tpu.memory_space<vmem>>
        %dma_wait3A_1165 = tpu.memref_squeeze %dma_wait3A_1164 : memref<1x80xi32, #tpu.memory_space<vmem>> -> memref<80xi32, #tpu.memory_space<vmem>>
        %dma_wait3A_1166 = arith.constant 0 : i32
        %dma_wait3A_1167 = arith.constant 0 : i32
        %dma_wait3A_1168 = tpu.memref_slice %arg18[%dma_wait3A_1166, %dma_wait3A_1167] : memref<10240x128xf32, #tpu.memory_space<vmem_shared>> -> memref<10240x128xf32, #tpu.memory_space<vmem_shared>>
        tpu.wait_indirect_dma semaphore(%arg29 : memref<!tpu.dma_semaphore, #tpu.memory_space<semaphore_mem>>) src(%arg16 : memref<80x128xf32, #tpu.memory_space<vmem>>) dst(%dma_wait3A_1168 : memref<10240x128xf32, #tpu.memory_space<vmem_shared>>)
      } else {
      }
      %dma_start3A_238 = arith.constant 6 : i32
      %dma_start3A_239 = arith.constant 0 : i32
      %dma_start3A_240 = tpu.memref_slice %arg6[%dma_start3A_238, %dma_start3A_239] : memref<8x80xi32, #tpu.memory_space<vmem>> -> memref<1x80xi32, #tpu.memory_space<vmem>>
      %dma_start3A_241 = tpu.memref_squeeze %dma_start3A_240 : memref<1x80xi32, #tpu.memory_space<vmem>> -> memref<80xi32, #tpu.memory_space<vmem>>
      %dma_start3A_242 = arith.constant 0 : i32
      %dma_start3A_243 = arith.constant 0 : i32
      %dma_start3A_244 = tpu.memref_slice %arg2[%dma_start3A_242, %dma_start3A_243] : memref<10240x128xf32, #tpu.memory_space<hbm>> -> memref<10240x128xf32, #tpu.memory_space<hbm>>
      tpu.enqueue_indirect_dma source(%dma_start3A_244 : memref<10240x128xf32, #tpu.memory_space<hbm>>) target(%arg16 : memref<80x128xf32, #tpu.memory_space<vmem>>) offsets(%dma_start3A_241 : memref<80xi32, #tpu.memory_space<vmem>>) semaphore(%arg25 : memref<!tpu.dma_semaphore, #tpu.memory_space<semaphore_mem>>)
      %add3A_245 = arith.constant 0 : i32
      %add3A_246 = arith.addi %add3A_113, %add3A_245 : i32
      %mul3A_247 = arith.constant 8 : i32
      %mul3A_248 = arith.muli %add3A_246, %mul3A_247 : i32
      %add3A_249 = arith.constant 4 : i32
      %add3A_250 = arith.addi %mul3A_248, %add3A_249 : i32
      %dma_wait3A_251 = arith.constant 4 : i32
      %dma_wait3A_252 = arith.constant 0 : i32
      %dma_wait3A_253 = tpu.memref_slice %arg6[%dma_wait3A_251, %dma_wait3A_252] : memref<8x80xi32, #tpu.memory_space<vmem>> -> memref<1x80xi32, #tpu.memory_space<vmem>>
      %dma_wait3A_254 = tpu.memref_squeeze %dma_wait3A_253 : memref<1x80xi32, #tpu.memory_space<vmem>> -> memref<80xi32, #tpu.memory_space<vmem>>
      %dma_wait3A_255 = arith.constant 0 : i32
      %dma_wait3A_256 = arith.constant 0 : i32
      %dma_wait3A_257 = tpu.memref_slice %arg2[%dma_wait3A_255, %dma_wait3A_256] : memref<10240x128xf32, #tpu.memory_space<hbm>> -> memref<10240x128xf32, #tpu.memory_space<hbm>>
      tpu.wait_indirect_dma semaphore(%arg23 : memref<!tpu.dma_semaphore, #tpu.memory_space<semaphore_mem>>) src(%dma_wait3A_257 : memref<10240x128xf32, #tpu.memory_space<hbm>>) dst(%arg14 : memref<80x128xf32, #tpu.memory_space<vmem>>)
      %dma_start3A_258 = arith.constant 4 : i32
      %dma_start3A_259 = arith.constant 0 : i32
      %dma_start3A_260 = tpu.memref_slice %arg10[%dma_start3A_258, %dma_start3A_259] : memref<8x80xi32, #tpu.memory_space<vmem>> -> memref<1x80xi32, #tpu.memory_space<vmem>>
      %dma_start3A_261 = tpu.memref_squeeze %dma_start3A_260 : memref<1x80xi32, #tpu.memory_space<vmem>> -> memref<80xi32, #tpu.memory_space<vmem>>
      %dma_start3A_262 = arith.constant 0 : i32
      %dma_start3A_263 = arith.constant 0 : i32
      %dma_start3A_264 = tpu.memref_slice %arg18[%dma_start3A_262, %dma_start3A_263] : memref<10240x128xf32, #tpu.memory_space<vmem_shared>> -> memref<10240x128xf32, #tpu.memory_space<vmem_shared>>
      tpu.enqueue_indirect_dma source(%arg14 : memref<80x128xf32, #tpu.memory_space<vmem>>) target(%dma_start3A_264 : memref<10240x128xf32, #tpu.memory_space<vmem_shared>>) offsets(%dma_start3A_261 : memref<80xi32, #tpu.memory_space<vmem>>) semaphore(%arg27 : memref<!tpu.dma_semaphore, #tpu.memory_space<semaphore_mem>>) {add = true}
      %gt3A_265 = arith.constant 0 : i32
      %gt3A_266 = arith.cmpi sgt, %add3A_250, %gt3A_265 : i32
      %convert_element_type3A_267 = arith.extui %gt3A_266 : i1 to i32
      %cond3A_268 = arith.constant 0 : i32
      %cond3A_269 = arith.cmpi ne, %convert_element_type3A_267, %cond3A_268 : i32
      scf.if %cond3A_269 {
        %dma_wait3A_1162 = arith.constant 3 : i32
        %dma_wait3A_1163 = arith.constant 0 : i32
        %dma_wait3A_1164 = tpu.memref_slice %arg10[%dma_wait3A_1162, %dma_wait3A_1163] : memref<8x80xi32, #tpu.memory_space<vmem>> -> memref<1x80xi32, #tpu.memory_space<vmem>>
        %dma_wait3A_1165 = tpu.memref_squeeze %dma_wait3A_1164 : memref<1x80xi32, #tpu.memory_space<vmem>> -> memref<80xi32, #tpu.memory_space<vmem>>
        %dma_wait3A_1166 = arith.constant 0 : i32
        %dma_wait3A_1167 = arith.constant 0 : i32
        %dma_wait3A_1168 = tpu.memref_slice %arg18[%dma_wait3A_1166, %dma_wait3A_1167] : memref<10240x128xf32, #tpu.memory_space<vmem_shared>> -> memref<10240x128xf32, #tpu.memory_space<vmem_shared>>
        tpu.wait_indirect_dma semaphore(%arg30 : memref<!tpu.dma_semaphore, #tpu.memory_space<semaphore_mem>>) src(%arg17 : memref<80x128xf32, #tpu.memory_space<vmem>>) dst(%dma_wait3A_1168 : memref<10240x128xf32, #tpu.memory_space<vmem_shared>>)
      } else {
      }
      %dma_start3A_270 = arith.constant 7 : i32
      %dma_start3A_271 = arith.constant 0 : i32
      %dma_start3A_272 = tpu.memref_slice %arg6[%dma_start3A_270, %dma_start3A_271] : memref<8x80xi32, #tpu.memory_space<vmem>> -> memref<1x80xi32, #tpu.memory_space<vmem>>
      %dma_start3A_273 = tpu.memref_squeeze %dma_start3A_272 : memref<1x80xi32, #tpu.memory_space<vmem>> -> memref<80xi32, #tpu.memory_space<vmem>>
      %dma_start3A_274 = arith.constant 0 : i32
      %dma_start3A_275 = arith.constant 0 : i32
      %dma_start3A_276 = tpu.memref_slice %arg2[%dma_start3A_274, %dma_start3A_275] : memref<10240x128xf32, #tpu.memory_space<hbm>> -> memref<10240x128xf32, #tpu.memory_space<hbm>>
      tpu.enqueue_indirect_dma source(%dma_start3A_276 : memref<10240x128xf32, #tpu.memory_space<hbm>>) target(%arg17 : memref<80x128xf32, #tpu.memory_space<vmem>>) offsets(%dma_start3A_273 : memref<80xi32, #tpu.memory_space<vmem>>) semaphore(%arg26 : memref<!tpu.dma_semaphore, #tpu.memory_space<semaphore_mem>>)
      %add3A_277 = arith.constant 0 : i32
      %add3A_278 = arith.addi %add3A_113, %add3A_277 : i32
      %mul3A_279 = arith.constant 8 : i32
      %mul3A_280 = arith.muli %add3A_278, %mul3A_279 : i32
      %add3A_281 = arith.constant 5 : i32
      %add3A_282 = arith.addi %mul3A_280, %add3A_281 : i32
      %dma_wait3A_283 = arith.constant 5 : i32
      %dma_wait3A_284 = arith.constant 0 : i32
      %dma_wait3A_285 = tpu.memref_slice %arg6[%dma_wait3A_283, %dma_wait3A_284] : memref<8x80xi32, #tpu.memory_space<vmem>> -> memref<1x80xi32, #tpu.memory_space<vmem>>
      %dma_wait3A_286 = tpu.memref_squeeze %dma_wait3A_285 : memref<1x80xi32, #tpu.memory_space<vmem>> -> memref<80xi32, #tpu.memory_space<vmem>>
      %dma_wait3A_287 = arith.constant 0 : i32
      %dma_wait3A_288 = arith.constant 0 : i32
      %dma_wait3A_289 = tpu.memref_slice %arg2[%dma_wait3A_287, %dma_wait3A_288] : memref<10240x128xf32, #tpu.memory_space<hbm>> -> memref<10240x128xf32, #tpu.memory_space<hbm>>
      tpu.wait_indirect_dma semaphore(%arg24 : memref<!tpu.dma_semaphore, #tpu.memory_space<semaphore_mem>>) src(%dma_wait3A_289 : memref<10240x128xf32, #tpu.memory_space<hbm>>) dst(%arg15 : memref<80x128xf32, #tpu.memory_space<vmem>>)
      %dma_start3A_290 = arith.constant 5 : i32
      %dma_start3A_291 = arith.constant 0 : i32
      %dma_start3A_292 = tpu.memref_slice %arg10[%dma_start3A_290, %dma_start3A_291] : memref<8x80xi32, #tpu.memory_space<vmem>> -> memref<1x80xi32, #tpu.memory_space<vmem>>
      %dma_start3A_293 = tpu.memref_squeeze %dma_start3A_292 : memref<1x80xi32, #tpu.memory_space<vmem>> -> memref<80xi32, #tpu.memory_space<vmem>>
      %dma_start3A_294 = arith.constant 0 : i32
      %dma_start3A_295 = arith.constant 0 : i32
      %dma_start3A_296 = tpu.memref_slice %arg18[%dma_start3A_294, %dma_start3A_295] : memref<10240x128xf32, #tpu.memory_space<vmem_shared>> -> memref<10240x128xf32, #tpu.memory_space<vmem_shared>>
      tpu.enqueue_indirect_dma source(%arg15 : memref<80x128xf32, #tpu.memory_space<vmem>>) target(%dma_start3A_296 : memref<10240x128xf32, #tpu.memory_space<vmem_shared>>) offsets(%dma_start3A_293 : memref<80xi32, #tpu.memory_space<vmem>>) semaphore(%arg28 : memref<!tpu.dma_semaphore, #tpu.memory_space<semaphore_mem>>) {add = true}
      %gt3A_297 = arith.constant 0 : i32
      %gt3A_298 = arith.cmpi sgt, %add3A_282, %gt3A_297 : i32
      %convert_element_type3A_299 = arith.extui %gt3A_298 : i1 to i32
      %cond3A_300 = arith.constant 0 : i32
      %cond3A_301 = arith.cmpi ne, %convert_element_type3A_299, %cond3A_300 : i32
      scf.if %cond3A_301 {
        %dma_wait3A_1162 = arith.constant 4 : i32
        %dma_wait3A_1163 = arith.constant 0 : i32
        %dma_wait3A_1164 = tpu.memref_slice %arg10[%dma_wait3A_1162, %dma_wait3A_1163] : memref<8x80xi32, #tpu.memory_space<vmem>> -> memref<1x80xi32, #tpu.memory_space<vmem>>
        %dma_wait3A_1165 = tpu.memref_squeeze %dma_wait3A_1164 : memref<1x80xi32, #tpu.memory_space<vmem>> -> memref<80xi32, #tpu.memory_space<vmem>>
        %dma_wait3A_1166 = arith.constant 0 : i32
        %dma_wait3A_1167 = arith.constant 0 : i32
        %dma_wait3A_1168 = tpu.memref_slice %arg18[%dma_wait3A_1166, %dma_wait3A_1167] : memref<10240x128xf32, #tpu.memory_space<vmem_shared>> -> memref<10240x128xf32, #tpu.memory_space<vmem_shared>>
        tpu.wait_indirect_dma semaphore(%arg27 : memref<!tpu.dma_semaphore, #tpu.memory_space<semaphore_mem>>) src(%arg14 : memref<80x128xf32, #tpu.memory_space<vmem>>) dst(%dma_wait3A_1168 : memref<10240x128xf32, #tpu.memory_space<vmem_shared>>)
      } else {
      }
      %add3A_302 = arith.constant 1 : i32
      %add3A_303 = arith.addi %add3A_278, %add3A_302 : i32
      %lt3A_304 = arith.constant 16 : i32
      %lt3A_305 = arith.cmpi slt, %add3A_303, %lt3A_304 : i32
      %convert_element_type3A_306 = arith.extui %lt3A_305 : i1 to i32
      %cond3A_307 = arith.constant 0 : i32
      %cond3A_308 = arith.cmpi ne, %convert_element_type3A_306, %cond3A_307 : i32
      scf.if %cond3A_308 {
        %add3A_1162 = arith.constant 1 : i32
        %add3A_1163 = arith.addi %add3A_278, %add3A_1162 : i32
        %mul3A_1164 = arith.constant 8 : i32
        %mul3A_1165 = arith.muli %add3A_1163, %mul3A_1164 : i32
        %add3A_1166 = arith.addi %mul3A_2, %mul3A_1165 : i32
        %dma_wait3A_1167 = arith.constant 0 : i32
        %dma_wait3A_1168 = tpu.memref_slice %arg3[%add3A_1166, %dma_wait3A_1167] : memref<4096x80xi32, #tpu.memory_space<hbm>> -> memref<8x80xi32, #tpu.memory_space<hbm>>
        %dma_wait3A_1169 = arith.constant 0 : i32
        %dma_wait3A_1170 = tpu.memref_slice %arg3[%add3A_1166, %dma_wait3A_1169] : memref<4096x80xi32, #tpu.memory_space<hbm>> -> memref<8x80xi32, #tpu.memory_space<hbm>>
        tpu.wait_dma2 semaphore(%arg20 : memref<!tpu.dma_semaphore, #tpu.memory_space<semaphore_mem>>) src(%dma_wait3A_1170 : memref<8x80xi32, #tpu.memory_space<hbm>>) dst(%arg7 : memref<8x80xi32, #tpu.memory_space<vmem>>)
        %mul3A_1171 = arith.constant 8 : i32
        %mul3A_1172 = arith.muli %add3A_1163, %mul3A_1171 : i32
        %add3A_1173 = arith.addi %mul3A_2, %mul3A_1172 : i32
        %dma_wait3A_1174 = arith.constant 0 : i32
        %dma_wait3A_1175 = tpu.memref_slice %arg4[%add3A_1173, %dma_wait3A_1174] : memref<4096x80xi32, #tpu.memory_space<hbm>> -> memref<8x80xi32, #tpu.memory_space<hbm>>
        %dma_wait3A_1176 = arith.constant 0 : i32
        %dma_wait3A_1177 = tpu.memref_slice %arg4[%add3A_1173, %dma_wait3A_1176] : memref<4096x80xi32, #tpu.memory_space<hbm>> -> memref<8x80xi32, #tpu.memory_space<hbm>>
        tpu.wait_dma2 semaphore(%arg20 : memref<!tpu.dma_semaphore, #tpu.memory_space<semaphore_mem>>) src(%dma_wait3A_1177 : memref<8x80xi32, #tpu.memory_space<hbm>>) dst(%arg11 : memref<8x80xi32, #tpu.memory_space<vmem>>)
        %dma_start3A_1178 = arith.constant 0 : i32
        %dma_start3A_1179 = arith.constant 0 : i32
        %dma_start3A_1180 = tpu.memref_slice %arg7[%dma_start3A_1178, %dma_start3A_1179] : memref<8x80xi32, #tpu.memory_space<vmem>> -> memref<1x80xi32, #tpu.memory_space<vmem>>
        %dma_start3A_1181 = tpu.memref_squeeze %dma_start3A_1180 : memref<1x80xi32, #tpu.memory_space<vmem>> -> memref<80xi32, #tpu.memory_space<vmem>>
        %dma_start3A_1182 = arith.constant 0 : i32
        %dma_start3A_1183 = arith.constant 0 : i32
        %dma_start3A_1184 = tpu.memref_slice %arg2[%dma_start3A_1182, %dma_start3A_1183] : memref<10240x128xf32, #tpu.memory_space<hbm>> -> memref<10240x128xf32, #tpu.memory_space<hbm>>
        tpu.enqueue_indirect_dma source(%dma_start3A_1184 : memref<10240x128xf32, #tpu.memory_space<hbm>>) target(%arg14 : memref<80x128xf32, #tpu.memory_space<vmem>>) offsets(%dma_start3A_1181 : memref<80xi32, #tpu.memory_space<vmem>>) semaphore(%arg23 : memref<!tpu.dma_semaphore, #tpu.memory_space<semaphore_mem>>)
      } else {
      }
      %add3A_309 = arith.constant 0 : i32
      %add3A_310 = arith.addi %add3A_113, %add3A_309 : i32
      %mul3A_311 = arith.constant 8 : i32
      %mul3A_312 = arith.muli %add3A_310, %mul3A_311 : i32
      %add3A_313 = arith.constant 6 : i32
      %add3A_314 = arith.addi %mul3A_312, %add3A_313 : i32
      %dma_wait3A_315 = arith.constant 6 : i32
      %dma_wait3A_316 = arith.constant 0 : i32
      %dma_wait3A_317 = tpu.memref_slice %arg6[%dma_wait3A_315, %dma_wait3A_316] : memref<8x80xi32, #tpu.memory_space<vmem>> -> memref<1x80xi32, #tpu.memory_space<vmem>>
      %dma_wait3A_318 = tpu.memref_squeeze %dma_wait3A_317 : memref<1x80xi32, #tpu.memory_space<vmem>> -> memref<80xi32, #tpu.memory_space<vmem>>
      %dma_wait3A_319 = arith.constant 0 : i32
      %dma_wait3A_320 = arith.constant 0 : i32
      %dma_wait3A_321 = tpu.memref_slice %arg2[%dma_wait3A_319, %dma_wait3A_320] : memref<10240x128xf32, #tpu.memory_space<hbm>> -> memref<10240x128xf32, #tpu.memory_space<hbm>>
      tpu.wait_indirect_dma semaphore(%arg25 : memref<!tpu.dma_semaphore, #tpu.memory_space<semaphore_mem>>) src(%dma_wait3A_321 : memref<10240x128xf32, #tpu.memory_space<hbm>>) dst(%arg16 : memref<80x128xf32, #tpu.memory_space<vmem>>)
      %dma_start3A_322 = arith.constant 6 : i32
      %dma_start3A_323 = arith.constant 0 : i32
      %dma_start3A_324 = tpu.memref_slice %arg10[%dma_start3A_322, %dma_start3A_323] : memref<8x80xi32, #tpu.memory_space<vmem>> -> memref<1x80xi32, #tpu.memory_space<vmem>>
      %dma_start3A_325 = tpu.memref_squeeze %dma_start3A_324 : memref<1x80xi32, #tpu.memory_space<vmem>> -> memref<80xi32, #tpu.memory_space<vmem>>
      %dma_start3A_326 = arith.constant 0 : i32
      %dma_start3A_327 = arith.constant 0 : i32
      %dma_start3A_328 = tpu.memref_slice %arg18[%dma_start3A_326, %dma_start3A_327] : memref<10240x128xf32, #tpu.memory_space<vmem_shared>> -> memref<10240x128xf32, #tpu.memory_space<vmem_shared>>
      tpu.enqueue_indirect_dma source(%arg16 : memref<80x128xf32, #tpu.memory_space<vmem>>) target(%dma_start3A_328 : memref<10240x128xf32, #tpu.memory_space<vmem_shared>>) offsets(%dma_start3A_325 : memref<80xi32, #tpu.memory_space<vmem>>) semaphore(%arg29 : memref<!tpu.dma_semaphore, #tpu.memory_space<semaphore_mem>>) {add = true}
      %gt3A_329 = arith.constant 0 : i32
      %gt3A_330 = arith.cmpi sgt, %add3A_314, %gt3A_329 : i32
      %convert_element_type3A_331 = arith.extui %gt3A_330 : i1 to i32
      %cond3A_332 = arith.constant 0 : i32
      %cond3A_333 = arith.cmpi ne, %convert_element_type3A_331, %cond3A_332 : i32
      scf.if %cond3A_333 {
        %dma_wait3A_1162 = arith.constant 5 : i32
        %dma_wait3A_1163 = arith.constant 0 : i32
        %dma_wait3A_1164 = tpu.memref_slice %arg10[%dma_wait3A_1162, %dma_wait3A_1163] : memref<8x80xi32, #tpu.memory_space<vmem>> -> memref<1x80xi32, #tpu.memory_space<vmem>>
        %dma_wait3A_1165 = tpu.memref_squeeze %dma_wait3A_1164 : memref<1x80xi32, #tpu.memory_space<vmem>> -> memref<80xi32, #tpu.memory_space<vmem>>
        %dma_wait3A_1166 = arith.constant 0 : i32
        %dma_wait3A_1167 = arith.constant 0 : i32
        %dma_wait3A_1168 = tpu.memref_slice %arg18[%dma_wait3A_1166, %dma_wait3A_1167] : memref<10240x128xf32, #tpu.memory_space<vmem_shared>> -> memref<10240x128xf32, #tpu.memory_space<vmem_shared>>
        tpu.wait_indirect_dma semaphore(%arg28 : memref<!tpu.dma_semaphore, #tpu.memory_space<semaphore_mem>>) src(%arg15 : memref<80x128xf32, #tpu.memory_space<vmem>>) dst(%dma_wait3A_1168 : memref<10240x128xf32, #tpu.memory_space<vmem_shared>>)
      } else {
      }
      %add3A_334 = arith.constant 1 : i32
      %add3A_335 = arith.addi %add3A_310, %add3A_334 : i32
      %lt3A_336 = arith.constant 16 : i32
      %lt3A_337 = arith.cmpi slt, %add3A_335, %lt3A_336 : i32
      %convert_element_type3A_338 = arith.extui %lt3A_337 : i1 to i32
      %cond3A_339 = arith.constant 0 : i32
      %cond3A_340 = arith.cmpi ne, %convert_element_type3A_338, %cond3A_339 : i32
      scf.if %cond3A_340 {
        %dma_start3A_1162 = arith.constant 1 : i32
        %dma_start3A_1163 = arith.constant 0 : i32
        %dma_start3A_1164 = tpu.memref_slice %arg7[%dma_start3A_1162, %dma_start3A_1163] : memref<8x80xi32, #tpu.memory_space<vmem>> -> memref<1x80xi32, #tpu.memory_space<vmem>>
        %dma_start3A_1165 = tpu.memref_squeeze %dma_start3A_1164 : memref<1x80xi32, #tpu.memory_space<vmem>> -> memref<80xi32, #tpu.memory_space<vmem>>
        %dma_start3A_1166 = arith.constant 0 : i32
        %dma_start3A_1167 = arith.constant 0 : i32
        %dma_start3A_1168 = tpu.memref_slice %arg2[%dma_start3A_1166, %dma_start3A_1167] : memref<10240x128xf32, #tpu.memory_space<hbm>> -> memref<10240x128xf32, #tpu.memory_space<hbm>>
        tpu.enqueue_indirect_dma source(%dma_start3A_1168 : memref<10240x128xf32, #tpu.memory_space<hbm>>) target(%arg15 : memref<80x128xf32, #tpu.memory_space<vmem>>) offsets(%dma_start3A_1165 : memref<80xi32, #tpu.memory_space<vmem>>) semaphore(%arg24 : memref<!tpu.dma_semaphore, #tpu.memory_space<semaphore_mem>>)
      } else {
      }
      %add3A_341 = arith.constant 0 : i32
      %add3A_342 = arith.addi %add3A_113, %add3A_341 : i32
      %mul3A_343 = arith.constant 8 : i32
      %mul3A_344 = arith.muli %add3A_342, %mul3A_343 : i32
      %add3A_345 = arith.constant 7 : i32
      %add3A_346 = arith.addi %mul3A_344, %add3A_345 : i32
      %dma_wait3A_347 = arith.constant 7 : i32
      %dma_wait3A_348 = arith.constant 0 : i32
      %dma_wait3A_349 = tpu.memref_slice %arg6[%dma_wait3A_347, %dma_wait3A_348] : memref<8x80xi32, #tpu.memory_space<vmem>> -> memref<1x80xi32, #tpu.memory_space<vmem>>
      %dma_wait3A_350 = tpu.memref_squeeze %dma_wait3A_349 : memref<1x80xi32, #tpu.memory_space<vmem>> -> memref<80xi32, #tpu.memory_space<vmem>>
      %dma_wait3A_351 = arith.constant 0 : i32
      %dma_wait3A_352 = arith.constant 0 : i32
      %dma_wait3A_353 = tpu.memref_slice %arg2[%dma_wait3A_351, %dma_wait3A_352] : memref<10240x128xf32, #tpu.memory_space<hbm>> -> memref<10240x128xf32, #tpu.memory_space<hbm>>
      tpu.wait_indirect_dma semaphore(%arg26 : memref<!tpu.dma_semaphore, #tpu.memory_space<semaphore_mem>>) src(%dma_wait3A_353 : memref<10240x128xf32, #tpu.memory_space<hbm>>) dst(%arg17 : memref<80x128xf32, #tpu.memory_space<vmem>>)
      %dma_start3A_354 = arith.constant 7 : i32
      %dma_start3A_355 = arith.constant 0 : i32
      %dma_start3A_356 = tpu.memref_slice %arg10[%dma_start3A_354, %dma_start3A_355] : memref<8x80xi32, #tpu.memory_space<vmem>> -> memref<1x80xi32, #tpu.memory_space<vmem>>
      %dma_start3A_357 = tpu.memref_squeeze %dma_start3A_356 : memref<1x80xi32, #tpu.memory_space<vmem>> -> memref<80xi32, #tpu.memory_space<vmem>>
      %dma_start3A_358 = arith.constant 0 : i32
      %dma_start3A_359 = arith.constant 0 : i32
      %dma_start3A_360 = tpu.memref_slice %arg18[%dma_start3A_358, %dma_start3A_359] : memref<10240x128xf32, #tpu.memory_space<vmem_shared>> -> memref<10240x128xf32, #tpu.memory_space<vmem_shared>>
      tpu.enqueue_indirect_dma source(%arg17 : memref<80x128xf32, #tpu.memory_space<vmem>>) target(%dma_start3A_360 : memref<10240x128xf32, #tpu.memory_space<vmem_shared>>) offsets(%dma_start3A_357 : memref<80xi32, #tpu.memory_space<vmem>>) semaphore(%arg30 : memref<!tpu.dma_semaphore, #tpu.memory_space<semaphore_mem>>) {add = true}
      %gt3A_361 = arith.constant 0 : i32
      %gt3A_362 = arith.cmpi sgt, %add3A_346, %gt3A_361 : i32
      %convert_element_type3A_363 = arith.extui %gt3A_362 : i1 to i32
      %cond3A_364 = arith.constant 0 : i32
      %cond3A_365 = arith.cmpi ne, %convert_element_type3A_363, %cond3A_364 : i32
      scf.if %cond3A_365 {
        %dma_wait3A_1162 = arith.constant 6 : i32
        %dma_wait3A_1163 = arith.constant 0 : i32
        %dma_wait3A_1164 = tpu.memref_slice %arg10[%dma_wait3A_1162, %dma_wait3A_1163] : memref<8x80xi32, #tpu.memory_space<vmem>> -> memref<1x80xi32, #tpu.memory_space<vmem>>
        %dma_wait3A_1165 = tpu.memref_squeeze %dma_wait3A_1164 : memref<1x80xi32, #tpu.memory_space<vmem>> -> memref<80xi32, #tpu.memory_space<vmem>>
        %dma_wait3A_1166 = arith.constant 0 : i32
        %dma_wait3A_1167 = arith.constant 0 : i32
        %dma_wait3A_1168 = tpu.memref_slice %arg18[%dma_wait3A_1166, %dma_wait3A_1167] : memref<10240x128xf32, #tpu.memory_space<vmem_shared>> -> memref<10240x128xf32, #tpu.memory_space<vmem_shared>>
        tpu.wait_indirect_dma semaphore(%arg29 : memref<!tpu.dma_semaphore, #tpu.memory_space<semaphore_mem>>) src(%arg16 : memref<80x128xf32, #tpu.memory_space<vmem>>) dst(%dma_wait3A_1168 : memref<10240x128xf32, #tpu.memory_space<vmem_shared>>)
      } else {
      }
      %add3A_366 = arith.constant 1 : i32
      %add3A_367 = arith.addi %add3A_342, %add3A_366 : i32
      %lt3A_368 = arith.constant 16 : i32
      %lt3A_369 = arith.cmpi slt, %add3A_367, %lt3A_368 : i32
      %convert_element_type3A_370 = arith.extui %lt3A_369 : i1 to i32
      %cond3A_371 = arith.constant 0 : i32
      %cond3A_372 = arith.cmpi ne, %convert_element_type3A_370, %cond3A_371 : i32
      scf.if %cond3A_372 {
        %dma_start3A_1162 = arith.constant 2 : i32
        %dma_start3A_1163 = arith.constant 0 : i32
        %dma_start3A_1164 = tpu.memref_slice %arg7[%dma_start3A_1162, %dma_start3A_1163] : memref<8x80xi32, #tpu.memory_space<vmem>> -> memref<1x80xi32, #tpu.memory_space<vmem>>
        %dma_start3A_1165 = tpu.memref_squeeze %dma_start3A_1164 : memref<1x80xi32, #tpu.memory_space<vmem>> -> memref<80xi32, #tpu.memory_space<vmem>>
        %dma_start3A_1166 = arith.constant 0 : i32
        %dma_start3A_1167 = arith.constant 0 : i32
        %dma_start3A_1168 = tpu.memref_slice %arg2[%dma_start3A_1166, %dma_start3A_1167] : memref<10240x128xf32, #tpu.memory_space<hbm>> -> memref<10240x128xf32, #tpu.memory_space<hbm>>
        tpu.enqueue_indirect_dma source(%dma_start3A_1168 : memref<10240x128xf32, #tpu.memory_space<hbm>>) target(%arg16 : memref<80x128xf32, #tpu.memory_space<vmem>>) offsets(%dma_start3A_1165 : memref<80xi32, #tpu.memory_space<vmem>>) semaphore(%arg25 : memref<!tpu.dma_semaphore, #tpu.memory_space<semaphore_mem>>)
      } else {
      }
      %add3A_373 = arith.constant 1 : i32
      %add3A_374 = arith.addi %add3A_113, %add3A_373 : i32
      %mul3A_375 = arith.constant 8 : i32
      %mul3A_376 = arith.muli %add3A_374, %mul3A_375 : i32
      %add3A_377 = arith.constant 0 : i32
      %add3A_378 = arith.addi %mul3A_376, %add3A_377 : i32
      %dma_wait3A_379 = arith.constant 0 : i32
      %dma_wait3A_380 = arith.constant 0 : i32
      %dma_wait3A_381 = tpu.memref_slice %arg7[%dma_wait3A_379, %dma_wait3A_380] : memref<8x80xi32, #tpu.memory_space<vmem>> -> memref<1x80xi32, #tpu.memory_space<vmem>>
      %dma_wait3A_382 = tpu.memref_squeeze %dma_wait3A_381 : memref<1x80xi32, #tpu.memory_space<vmem>> -> memref<80xi32, #tpu.memory_space<vmem>>
      %dma_wait3A_383 = arith.constant 0 : i32
      %dma_wait3A_384 = arith.constant 0 : i32
      %dma_wait3A_385 = tpu.memref_slice %arg2[%dma_wait3A_383, %dma_wait3A_384] : memref<10240x128xf32, #tpu.memory_space<hbm>> -> memref<10240x128xf32, #tpu.memory_space<hbm>>
      tpu.wait_indirect_dma semaphore(%arg23 : memref<!tpu.dma_semaphore, #tpu.memory_space<semaphore_mem>>) src(%dma_wait3A_385 : memref<10240x128xf32, #tpu.memory_space<hbm>>) dst(%arg14 : memref<80x128xf32, #tpu.memory_space<vmem>>)
      %dma_start3A_386 = arith.constant 0 : i32
      %dma_start3A_387 = arith.constant 0 : i32
      %dma_start3A_388 = tpu.memref_slice %arg11[%dma_start3A_386, %dma_start3A_387] : memref<8x80xi32, #tpu.memory_space<vmem>> -> memref<1x80xi32, #tpu.memory_space<vmem>>
      %dma_start3A_389 = tpu.memref_squeeze %dma_start3A_388 : memref<1x80xi32, #tpu.memory_space<vmem>> -> memref<80xi32, #tpu.memory_space<vmem>>
      %dma_start3A_390 = arith.constant 0 : i32
      %dma_start3A_391 = arith.constant 0 : i32
      %dma_start3A_392 = tpu.memref_slice %arg18[%dma_start3A_390, %dma_start3A_391] : memref<10240x128xf32, #tpu.memory_space<vmem_shared>> -> memref<10240x128xf32, #tpu.memory_space<vmem_shared>>
      tpu.enqueue_indirect_dma source(%arg14 : memref<80x128xf32, #tpu.memory_space<vmem>>) target(%dma_start3A_392 : memref<10240x128xf32, #tpu.memory_space<vmem_shared>>) offsets(%dma_start3A_389 : memref<80xi32, #tpu.memory_space<vmem>>) semaphore(%arg27 : memref<!tpu.dma_semaphore, #tpu.memory_space<semaphore_mem>>) {add = true}
      %gt3A_393 = arith.constant 0 : i32
      %gt3A_394 = arith.cmpi sgt, %add3A_378, %gt3A_393 : i32
      %convert_element_type3A_395 = arith.extui %gt3A_394 : i1 to i32
      %cond3A_396 = arith.constant 0 : i32
      %cond3A_397 = arith.cmpi ne, %convert_element_type3A_395, %cond3A_396 : i32
      scf.if %cond3A_397 {
        %dma_wait3A_1162 = arith.constant 7 : i32
        %dma_wait3A_1163 = arith.constant 0 : i32
        %dma_wait3A_1164 = tpu.memref_slice %arg10[%dma_wait3A_1162, %dma_wait3A_1163] : memref<8x80xi32, #tpu.memory_space<vmem>> -> memref<1x80xi32, #tpu.memory_space<vmem>>
        %dma_wait3A_1165 = tpu.memref_squeeze %dma_wait3A_1164 : memref<1x80xi32, #tpu.memory_space<vmem>> -> memref<80xi32, #tpu.memory_space<vmem>>
        %dma_wait3A_1166 = arith.constant 0 : i32
        %dma_wait3A_1167 = arith.constant 0 : i32
        %dma_wait3A_1168 = tpu.memref_slice %arg18[%dma_wait3A_1166, %dma_wait3A_1167] : memref<10240x128xf32, #tpu.memory_space<vmem_shared>> -> memref<10240x128xf32, #tpu.memory_space<vmem_shared>>
        tpu.wait_indirect_dma semaphore(%arg30 : memref<!tpu.dma_semaphore, #tpu.memory_space<semaphore_mem>>) src(%arg17 : memref<80x128xf32, #tpu.memory_space<vmem>>) dst(%dma_wait3A_1168 : memref<10240x128xf32, #tpu.memory_space<vmem_shared>>)
      } else {
      }
      %dma_start3A_398 = arith.constant 3 : i32
      %dma_start3A_399 = arith.constant 0 : i32
      %dma_start3A_400 = tpu.memref_slice %arg7[%dma_start3A_398, %dma_start3A_399] : memref<8x80xi32, #tpu.memory_space<vmem>> -> memref<1x80xi32, #tpu.memory_space<vmem>>
      %dma_start3A_401 = tpu.memref_squeeze %dma_start3A_400 : memref<1x80xi32, #tpu.memory_space<vmem>> -> memref<80xi32, #tpu.memory_space<vmem>>
      %dma_start3A_402 = arith.constant 0 : i32
      %dma_start3A_403 = arith.constant 0 : i32
      %dma_start3A_404 = tpu.memref_slice %arg2[%dma_start3A_402, %dma_start3A_403] : memref<10240x128xf32, #tpu.memory_space<hbm>> -> memref<10240x128xf32, #tpu.memory_space<hbm>>
      tpu.enqueue_indirect_dma source(%dma_start3A_404 : memref<10240x128xf32, #tpu.memory_space<hbm>>) target(%arg17 : memref<80x128xf32, #tpu.memory_space<vmem>>) offsets(%dma_start3A_401 : memref<80xi32, #tpu.memory_space<vmem>>) semaphore(%arg26 : memref<!tpu.dma_semaphore, #tpu.memory_space<semaphore_mem>>)
      %add3A_405 = arith.constant 1 : i32
      %add3A_406 = arith.addi %add3A_113, %add3A_405 : i32
      %mul3A_407 = arith.constant 8 : i32
      %mul3A_408 = arith.muli %add3A_406, %mul3A_407 : i32
      %add3A_409 = arith.constant 1 : i32
      %add3A_410 = arith.addi %mul3A_408, %add3A_409 : i32
      %dma_wait3A_411 = arith.constant 1 : i32
      %dma_wait3A_412 = arith.constant 0 : i32
      %dma_wait3A_413 = tpu.memref_slice %arg7[%dma_wait3A_411, %dma_wait3A_412] : memref<8x80xi32, #tpu.memory_space<vmem>> -> memref<1x80xi32, #tpu.memory_space<vmem>>
      %dma_wait3A_414 = tpu.memref_squeeze %dma_wait3A_413 : memref<1x80xi32, #tpu.memory_space<vmem>> -> memref<80xi32, #tpu.memory_space<vmem>>
      %dma_wait3A_415 = arith.constant 0 : i32
      %dma_wait3A_416 = arith.constant 0 : i32
      %dma_wait3A_417 = tpu.memref_slice %arg2[%dma_wait3A_415, %dma_wait3A_416] : memref<10240x128xf32, #tpu.memory_space<hbm>> -> memref<10240x128xf32, #tpu.memory_space<hbm>>
      tpu.wait_indirect_dma semaphore(%arg24 : memref<!tpu.dma_semaphore, #tpu.memory_space<semaphore_mem>>) src(%dma_wait3A_417 : memref<10240x128xf32, #tpu.memory_space<hbm>>) dst(%arg15 : memref<80x128xf32, #tpu.memory_space<vmem>>)
      %dma_start3A_418 = arith.constant 1 : i32
      %dma_start3A_419 = arith.constant 0 : i32
      %dma_start3A_420 = tpu.memref_slice %arg11[%dma_start3A_418, %dma_start3A_419] : memref<8x80xi32, #tpu.memory_space<vmem>> -> memref<1x80xi32, #tpu.memory_space<vmem>>
      %dma_start3A_421 = tpu.memref_squeeze %dma_start3A_420 : memref<1x80xi32, #tpu.memory_space<vmem>> -> memref<80xi32, #tpu.memory_space<vmem>>
      %dma_start3A_422 = arith.constant 0 : i32
      %dma_start3A_423 = arith.constant 0 : i32
      %dma_start3A_424 = tpu.memref_slice %arg18[%dma_start3A_422, %dma_start3A_423] : memref<10240x128xf32, #tpu.memory_space<vmem_shared>> -> memref<10240x128xf32, #tpu.memory_space<vmem_shared>>
      tpu.enqueue_indirect_dma source(%arg15 : memref<80x128xf32, #tpu.memory_space<vmem>>) target(%dma_start3A_424 : memref<10240x128xf32, #tpu.memory_space<vmem_shared>>) offsets(%dma_start3A_421 : memref<80xi32, #tpu.memory_space<vmem>>) semaphore(%arg28 : memref<!tpu.dma_semaphore, #tpu.memory_space<semaphore_mem>>) {add = true}
      %gt3A_425 = arith.constant 0 : i32
      %gt3A_426 = arith.cmpi sgt, %add3A_410, %gt3A_425 : i32
      %convert_element_type3A_427 = arith.extui %gt3A_426 : i1 to i32
      %cond3A_428 = arith.constant 0 : i32
      %cond3A_429 = arith.cmpi ne, %convert_element_type3A_427, %cond3A_428 : i32
      scf.if %cond3A_429 {
        %dma_wait3A_1162 = arith.constant 0 : i32
        %dma_wait3A_1163 = arith.constant 0 : i32
        %dma_wait3A_1164 = tpu.memref_slice %arg11[%dma_wait3A_1162, %dma_wait3A_1163] : memref<8x80xi32, #tpu.memory_space<vmem>> -> memref<1x80xi32, #tpu.memory_space<vmem>>
        %dma_wait3A_1165 = tpu.memref_squeeze %dma_wait3A_1164 : memref<1x80xi32, #tpu.memory_space<vmem>> -> memref<80xi32, #tpu.memory_space<vmem>>
        %dma_wait3A_1166 = arith.constant 0 : i32
        %dma_wait3A_1167 = arith.constant 0 : i32
        %dma_wait3A_1168 = tpu.memref_slice %arg18[%dma_wait3A_1166, %dma_wait3A_1167] : memref<10240x128xf32, #tpu.memory_space<vmem_shared>> -> memref<10240x128xf32, #tpu.memory_space<vmem_shared>>
        tpu.wait_indirect_dma semaphore(%arg27 : memref<!tpu.dma_semaphore, #tpu.memory_space<semaphore_mem>>) src(%arg14 : memref<80x128xf32, #tpu.memory_space<vmem>>) dst(%dma_wait3A_1168 : memref<10240x128xf32, #tpu.memory_space<vmem_shared>>)
      } else {
      }
      %dma_start3A_430 = arith.constant 4 : i32
      %dma_start3A_431 = arith.constant 0 : i32
      %dma_start3A_432 = tpu.memref_slice %arg7[%dma_start3A_430, %dma_start3A_431] : memref<8x80xi32, #tpu.memory_space<vmem>> -> memref<1x80xi32, #tpu.memory_space<vmem>>
      %dma_start3A_433 = tpu.memref_squeeze %dma_start3A_432 : memref<1x80xi32, #tpu.memory_space<vmem>> -> memref<80xi32, #tpu.memory_space<vmem>>
      %dma_start3A_434 = arith.constant 0 : i32
      %dma_start3A_435 = arith.constant 0 : i32
      %dma_start3A_436 = tpu.memref_slice %arg2[%dma_start3A_434, %dma_start3A_435] : memref<10240x128xf32, #tpu.memory_space<hbm>> -> memref<10240x128xf32, #tpu.memory_space<hbm>>
      tpu.enqueue_indirect_dma source(%dma_start3A_436 : memref<10240x128xf32, #tpu.memory_space<hbm>>) target(%arg14 : memref<80x128xf32, #tpu.memory_space<vmem>>) offsets(%dma_start3A_433 : memref<80xi32, #tpu.memory_space<vmem>>) semaphore(%arg23 : memref<!tpu.dma_semaphore, #tpu.memory_space<semaphore_mem>>)
      %add3A_437 = arith.constant 1 : i32
      %add3A_438 = arith.addi %add3A_113, %add3A_437 : i32
      %mul3A_439 = arith.constant 8 : i32
      %mul3A_440 = arith.muli %add3A_438, %mul3A_439 : i32
      %add3A_441 = arith.constant 2 : i32
      %add3A_442 = arith.addi %mul3A_440, %add3A_441 : i32
      %dma_wait3A_443 = arith.constant 2 : i32
      %dma_wait3A_444 = arith.constant 0 : i32
      %dma_wait3A_445 = tpu.memref_slice %arg7[%dma_wait3A_443, %dma_wait3A_444] : memref<8x80xi32, #tpu.memory_space<vmem>> -> memref<1x80xi32, #tpu.memory_space<vmem>>
      %dma_wait3A_446 = tpu.memref_squeeze %dma_wait3A_445 : memref<1x80xi32, #tpu.memory_space<vmem>> -> memref<80xi32, #tpu.memory_space<vmem>>
      %dma_wait3A_447 = arith.constant 0 : i32
      %dma_wait3A_448 = arith.constant 0 : i32
      %dma_wait3A_449 = tpu.memref_slice %arg2[%dma_wait3A_447, %dma_wait3A_448] : memref<10240x128xf32, #tpu.memory_space<hbm>> -> memref<10240x128xf32, #tpu.memory_space<hbm>>
      tpu.wait_indirect_dma semaphore(%arg25 : memref<!tpu.dma_semaphore, #tpu.memory_space<semaphore_mem>>) src(%dma_wait3A_449 : memref<10240x128xf32, #tpu.memory_space<hbm>>) dst(%arg16 : memref<80x128xf32, #tpu.memory_space<vmem>>)
      %dma_start3A_450 = arith.constant 2 : i32
      %dma_start3A_451 = arith.constant 0 : i32
      %dma_start3A_452 = tpu.memref_slice %arg11[%dma_start3A_450, %dma_start3A_451] : memref<8x80xi32, #tpu.memory_space<vmem>> -> memref<1x80xi32, #tpu.memory_space<vmem>>
      %dma_start3A_453 = tpu.memref_squeeze %dma_start3A_452 : memref<1x80xi32, #tpu.memory_space<vmem>> -> memref<80xi32, #tpu.memory_space<vmem>>
      %dma_start3A_454 = arith.constant 0 : i32
      %dma_start3A_455 = arith.constant 0 : i32
      %dma_start3A_456 = tpu.memref_slice %arg18[%dma_start3A_454, %dma_start3A_455] : memref<10240x128xf32, #tpu.memory_space<vmem_shared>> -> memref<10240x128xf32, #tpu.memory_space<vmem_shared>>
      tpu.enqueue_indirect_dma source(%arg16 : memref<80x128xf32, #tpu.memory_space<vmem>>) target(%dma_start3A_456 : memref<10240x128xf32, #tpu.memory_space<vmem_shared>>) offsets(%dma_start3A_453 : memref<80xi32, #tpu.memory_space<vmem>>) semaphore(%arg29 : memref<!tpu.dma_semaphore, #tpu.memory_space<semaphore_mem>>) {add = true}
      %gt3A_457 = arith.constant 0 : i32
      %gt3A_458 = arith.cmpi sgt, %add3A_442, %gt3A_457 : i32
      %convert_element_type3A_459 = arith.extui %gt3A_458 : i1 to i32
      %cond3A_460 = arith.constant 0 : i32
      %cond3A_461 = arith.cmpi ne, %convert_element_type3A_459, %cond3A_460 : i32
      scf.if %cond3A_461 {
        %dma_wait3A_1162 = arith.constant 1 : i32
        %dma_wait3A_1163 = arith.constant 0 : i32
        %dma_wait3A_1164 = tpu.memref_slice %arg11[%dma_wait3A_1162, %dma_wait3A_1163] : memref<8x80xi32, #tpu.memory_space<vmem>> -> memref<1x80xi32, #tpu.memory_space<vmem>>
        %dma_wait3A_1165 = tpu.memref_squeeze %dma_wait3A_1164 : memref<1x80xi32, #tpu.memory_space<vmem>> -> memref<80xi32, #tpu.memory_space<vmem>>
        %dma_wait3A_1166 = arith.constant 0 : i32
        %dma_wait3A_1167 = arith.constant 0 : i32
        %dma_wait3A_1168 = tpu.memref_slice %arg18[%dma_wait3A_1166, %dma_wait3A_1167] : memref<10240x128xf32, #tpu.memory_space<vmem_shared>> -> memref<10240x128xf32, #tpu.memory_space<vmem_shared>>
        tpu.wait_indirect_dma semaphore(%arg28 : memref<!tpu.dma_semaphore, #tpu.memory_space<semaphore_mem>>) src(%arg15 : memref<80x128xf32, #tpu.memory_space<vmem>>) dst(%dma_wait3A_1168 : memref<10240x128xf32, #tpu.memory_space<vmem_shared>>)
      } else {
      }
      %add3A_462 = arith.constant 3 : i32
      %add3A_463 = arith.addi %add3A_438, %add3A_462 : i32
      %lt3A_464 = arith.constant 16 : i32
      %lt3A_465 = arith.cmpi slt, %add3A_463, %lt3A_464 : i32
      %convert_element_type3A_466 = arith.extui %lt3A_465 : i1 to i32
      %cond3A_467 = arith.constant 0 : i32
      %cond3A_468 = arith.cmpi ne, %convert_element_type3A_466, %cond3A_467 : i32
      scf.if %cond3A_468 {
        %add3A_1162 = arith.constant 3 : i32
        %add3A_1163 = arith.addi %add3A_438, %add3A_1162 : i32
        %mul3A_1164 = arith.constant 8 : i32
        %mul3A_1165 = arith.muli %add3A_1163, %mul3A_1164 : i32
        %add3A_1166 = arith.addi %mul3A_2, %mul3A_1165 : i32
        %dma_start3A_1167 = arith.constant 0 : i32
        %dma_start3A_1168 = tpu.memref_slice %arg3[%add3A_1166, %dma_start3A_1167] : memref<4096x80xi32, #tpu.memory_space<hbm>> -> memref<8x80xi32, #tpu.memory_space<hbm>>
        %dma_start3A_1169 = arith.constant 0 : i32
        %dma_start3A_1170 = tpu.memref_slice %arg3[%add3A_1166, %dma_start3A_1169] : memref<4096x80xi32, #tpu.memory_space<hbm>> -> memref<8x80xi32, #tpu.memory_space<hbm>>
        tpu.enqueue_dma source(%dma_start3A_1170 : memref<8x80xi32, #tpu.memory_space<hbm>>) target(%arg6 : memref<8x80xi32, #tpu.memory_space<vmem>>) target_semaphore(%arg19 : memref<!tpu.dma_semaphore, #tpu.memory_space<semaphore_mem>>)
        %mul3A_1171 = arith.constant 8 : i32
        %mul3A_1172 = arith.muli %add3A_1163, %mul3A_1171 : i32
        %add3A_1173 = arith.addi %mul3A_2, %mul3A_1172 : i32
        %dma_start3A_1174 = arith.constant 0 : i32
        %dma_start3A_1175 = tpu.memref_slice %arg4[%add3A_1173, %dma_start3A_1174] : memref<4096x80xi32, #tpu.memory_space<hbm>> -> memref<8x80xi32, #tpu.memory_space<hbm>>
        %dma_start3A_1176 = arith.constant 0 : i32
        %dma_start3A_1177 = tpu.memref_slice %arg4[%add3A_1173, %dma_start3A_1176] : memref<4096x80xi32, #tpu.memory_space<hbm>> -> memref<8x80xi32, #tpu.memory_space<hbm>>
        tpu.enqueue_dma source(%dma_start3A_1177 : memref<8x80xi32, #tpu.memory_space<hbm>>) target(%arg10 : memref<8x80xi32, #tpu.memory_space<vmem>>) target_semaphore(%arg19 : memref<!tpu.dma_semaphore, #tpu.memory_space<semaphore_mem>>)
      } else {
      }
      %dma_start3A_469 = arith.constant 5 : i32
      %dma_start3A_470 = arith.constant 0 : i32
      %dma_start3A_471 = tpu.memref_slice %arg7[%dma_start3A_469, %dma_start3A_470] : memref<8x80xi32, #tpu.memory_space<vmem>> -> memref<1x80xi32, #tpu.memory_space<vmem>>
      %dma_start3A_472 = tpu.memref_squeeze %dma_start3A_471 : memref<1x80xi32, #tpu.memory_space<vmem>> -> memref<80xi32, #tpu.memory_space<vmem>>
      %dma_start3A_473 = arith.constant 0 : i32
      %dma_start3A_474 = arith.constant 0 : i32
      %dma_start3A_475 = tpu.memref_slice %arg2[%dma_start3A_473, %dma_start3A_474] : memref<10240x128xf32, #tpu.memory_space<hbm>> -> memref<10240x128xf32, #tpu.memory_space<hbm>>
      tpu.enqueue_indirect_dma source(%dma_start3A_475 : memref<10240x128xf32, #tpu.memory_space<hbm>>) target(%arg15 : memref<80x128xf32, #tpu.memory_space<vmem>>) offsets(%dma_start3A_472 : memref<80xi32, #tpu.memory_space<vmem>>) semaphore(%arg24 : memref<!tpu.dma_semaphore, #tpu.memory_space<semaphore_mem>>)
      %add3A_476 = arith.constant 1 : i32
      %add3A_477 = arith.addi %add3A_113, %add3A_476 : i32
      %mul3A_478 = arith.constant 8 : i32
      %mul3A_479 = arith.muli %add3A_477, %mul3A_478 : i32
      %add3A_480 = arith.constant 3 : i32
      %add3A_481 = arith.addi %mul3A_479, %add3A_480 : i32
      %dma_wait3A_482 = arith.constant 3 : i32
      %dma_wait3A_483 = arith.constant 0 : i32
      %dma_wait3A_484 = tpu.memref_slice %arg7[%dma_wait3A_482, %dma_wait3A_483] : memref<8x80xi32, #tpu.memory_space<vmem>> -> memref<1x80xi32, #tpu.memory_space<vmem>>
      %dma_wait3A_485 = tpu.memref_squeeze %dma_wait3A_484 : memref<1x80xi32, #tpu.memory_space<vmem>> -> memref<80xi32, #tpu.memory_space<vmem>>
      %dma_wait3A_486 = arith.constant 0 : i32
      %dma_wait3A_487 = arith.constant 0 : i32
      %dma_wait3A_488 = tpu.memref_slice %arg2[%dma_wait3A_486, %dma_wait3A_487] : memref<10240x128xf32, #tpu.memory_space<hbm>> -> memref<10240x128xf32, #tpu.memory_space<hbm>>
      tpu.wait_indirect_dma semaphore(%arg26 : memref<!tpu.dma_semaphore, #tpu.memory_space<semaphore_mem>>) src(%dma_wait3A_488 : memref<10240x128xf32, #tpu.memory_space<hbm>>) dst(%arg17 : memref<80x128xf32, #tpu.memory_space<vmem>>)
      %dma_start3A_489 = arith.constant 3 : i32
      %dma_start3A_490 = arith.constant 0 : i32
      %dma_start3A_491 = tpu.memref_slice %arg11[%dma_start3A_489, %dma_start3A_490] : memref<8x80xi32, #tpu.memory_space<vmem>> -> memref<1x80xi32, #tpu.memory_space<vmem>>
      %dma_start3A_492 = tpu.memref_squeeze %dma_start3A_491 : memref<1x80xi32, #tpu.memory_space<vmem>> -> memref<80xi32, #tpu.memory_space<vmem>>
      %dma_start3A_493 = arith.constant 0 : i32
      %dma_start3A_494 = arith.constant 0 : i32
      %dma_start3A_495 = tpu.memref_slice %arg18[%dma_start3A_493, %dma_start3A_494] : memref<10240x128xf32, #tpu.memory_space<vmem_shared>> -> memref<10240x128xf32, #tpu.memory_space<vmem_shared>>
      tpu.enqueue_indirect_dma source(%arg17 : memref<80x128xf32, #tpu.memory_space<vmem>>) target(%dma_start3A_495 : memref<10240x128xf32, #tpu.memory_space<vmem_shared>>) offsets(%dma_start3A_492 : memref<80xi32, #tpu.memory_space<vmem>>) semaphore(%arg30 : memref<!tpu.dma_semaphore, #tpu.memory_space<semaphore_mem>>) {add = true}
      %gt3A_496 = arith.constant 0 : i32
      %gt3A_497 = arith.cmpi sgt, %add3A_481, %gt3A_496 : i32
      %convert_element_type3A_498 = arith.extui %gt3A_497 : i1 to i32
      %cond3A_499 = arith.constant 0 : i32
      %cond3A_500 = arith.cmpi ne, %convert_element_type3A_498, %cond3A_499 : i32
      scf.if %cond3A_500 {
        %dma_wait3A_1162 = arith.constant 2 : i32
        %dma_wait3A_1163 = arith.constant 0 : i32
        %dma_wait3A_1164 = tpu.memref_slice %arg11[%dma_wait3A_1162, %dma_wait3A_1163] : memref<8x80xi32, #tpu.memory_space<vmem>> -> memref<1x80xi32, #tpu.memory_space<vmem>>
        %dma_wait3A_1165 = tpu.memref_squeeze %dma_wait3A_1164 : memref<1x80xi32, #tpu.memory_space<vmem>> -> memref<80xi32, #tpu.memory_space<vmem>>
        %dma_wait3A_1166 = arith.constant 0 : i32
        %dma_wait3A_1167 = arith.constant 0 : i32
        %dma_wait3A_1168 = tpu.memref_slice %arg18[%dma_wait3A_1166, %dma_wait3A_1167] : memref<10240x128xf32, #tpu.memory_space<vmem_shared>> -> memref<10240x128xf32, #tpu.memory_space<vmem_shared>>
        tpu.wait_indirect_dma semaphore(%arg29 : memref<!tpu.dma_semaphore, #tpu.memory_space<semaphore_mem>>) src(%arg16 : memref<80x128xf32, #tpu.memory_space<vmem>>) dst(%dma_wait3A_1168 : memref<10240x128xf32, #tpu.memory_space<vmem_shared>>)
      } else {
      }
      %dma_start3A_501 = arith.constant 6 : i32
      %dma_start3A_502 = arith.constant 0 : i32
      %dma_start3A_503 = tpu.memref_slice %arg7[%dma_start3A_501, %dma_start3A_502] : memref<8x80xi32, #tpu.memory_space<vmem>> -> memref<1x80xi32, #tpu.memory_space<vmem>>
      %dma_start3A_504 = tpu.memref_squeeze %dma_start3A_503 : memref<1x80xi32, #tpu.memory_space<vmem>> -> memref<80xi32, #tpu.memory_space<vmem>>
      %dma_start3A_505 = arith.constant 0 : i32
      %dma_start3A_506 = arith.constant 0 : i32
      %dma_start3A_507 = tpu.memref_slice %arg2[%dma_start3A_505, %dma_start3A_506] : memref<10240x128xf32, #tpu.memory_space<hbm>> -> memref<10240x128xf32, #tpu.memory_space<hbm>>
      tpu.enqueue_indirect_dma source(%dma_start3A_507 : memref<10240x128xf32, #tpu.memory_space<hbm>>) target(%arg16 : memref<80x128xf32, #tpu.memory_space<vmem>>) offsets(%dma_start3A_504 : memref<80xi32, #tpu.memory_space<vmem>>) semaphore(%arg25 : memref<!tpu.dma_semaphore, #tpu.memory_space<semaphore_mem>>)
      %add3A_508 = arith.constant 1 : i32
      %add3A_509 = arith.addi %add3A_113, %add3A_508 : i32
      %mul3A_510 = arith.constant 8 : i32
      %mul3A_511 = arith.muli %add3A_509, %mul3A_510 : i32
      %add3A_512 = arith.constant 4 : i32
      %add3A_513 = arith.addi %mul3A_511, %add3A_512 : i32
      %dma_wait3A_514 = arith.constant 4 : i32
      %dma_wait3A_515 = arith.constant 0 : i32
      %dma_wait3A_516 = tpu.memref_slice %arg7[%dma_wait3A_514, %dma_wait3A_515] : memref<8x80xi32, #tpu.memory_space<vmem>> -> memref<1x80xi32, #tpu.memory_space<vmem>>
      %dma_wait3A_517 = tpu.memref_squeeze %dma_wait3A_516 : memref<1x80xi32, #tpu.memory_space<vmem>> -> memref<80xi32, #tpu.memory_space<vmem>>
      %dma_wait3A_518 = arith.constant 0 : i32
      %dma_wait3A_519 = arith.constant 0 : i32
      %dma_wait3A_520 = tpu.memref_slice %arg2[%dma_wait3A_518, %dma_wait3A_519] : memref<10240x128xf32, #tpu.memory_space<hbm>> -> memref<10240x128xf32, #tpu.memory_space<hbm>>
      tpu.wait_indirect_dma semaphore(%arg23 : memref<!tpu.dma_semaphore, #tpu.memory_space<semaphore_mem>>) src(%dma_wait3A_520 : memref<10240x128xf32, #tpu.memory_space<hbm>>) dst(%arg14 : memref<80x128xf32, #tpu.memory_space<vmem>>)
      %dma_start3A_521 = arith.constant 4 : i32
      %dma_start3A_522 = arith.constant 0 : i32
      %dma_start3A_523 = tpu.memref_slice %arg11[%dma_start3A_521, %dma_start3A_522] : memref<8x80xi32, #tpu.memory_space<vmem>> -> memref<1x80xi32, #tpu.memory_space<vmem>>
      %dma_start3A_524 = tpu.memref_squeeze %dma_start3A_523 : memref<1x80xi32, #tpu.memory_space<vmem>> -> memref<80xi32, #tpu.memory_space<vmem>>
      %dma_start3A_525 = arith.constant 0 : i32
      %dma_start3A_526 = arith.constant 0 : i32
      %dma_start3A_527 = tpu.memref_slice %arg18[%dma_start3A_525, %dma_start3A_526] : memref<10240x128xf32, #tpu.memory_space<vmem_shared>> -> memref<10240x128xf32, #tpu.memory_space<vmem_shared>>
      tpu.enqueue_indirect_dma source(%arg14 : memref<80x128xf32, #tpu.memory_space<vmem>>) target(%dma_start3A_527 : memref<10240x128xf32, #tpu.memory_space<vmem_shared>>) offsets(%dma_start3A_524 : memref<80xi32, #tpu.memory_space<vmem>>) semaphore(%arg27 : memref<!tpu.dma_semaphore, #tpu.memory_space<semaphore_mem>>) {add = true}
      %gt3A_528 = arith.constant 0 : i32
      %gt3A_529 = arith.cmpi sgt, %add3A_513, %gt3A_528 : i32
      %convert_element_type3A_530 = arith.extui %gt3A_529 : i1 to i32
      %cond3A_531 = arith.constant 0 : i32
      %cond3A_532 = arith.cmpi ne, %convert_element_type3A_530, %cond3A_531 : i32
      scf.if %cond3A_532 {
        %dma_wait3A_1162 = arith.constant 3 : i32
        %dma_wait3A_1163 = arith.constant 0 : i32
        %dma_wait3A_1164 = tpu.memref_slice %arg11[%dma_wait3A_1162, %dma_wait3A_1163] : memref<8x80xi32, #tpu.memory_space<vmem>> -> memref<1x80xi32, #tpu.memory_space<vmem>>
        %dma_wait3A_1165 = tpu.memref_squeeze %dma_wait3A_1164 : memref<1x80xi32, #tpu.memory_space<vmem>> -> memref<80xi32, #tpu.memory_space<vmem>>
        %dma_wait3A_1166 = arith.constant 0 : i32
        %dma_wait3A_1167 = arith.constant 0 : i32
        %dma_wait3A_1168 = tpu.memref_slice %arg18[%dma_wait3A_1166, %dma_wait3A_1167] : memref<10240x128xf32, #tpu.memory_space<vmem_shared>> -> memref<10240x128xf32, #tpu.memory_space<vmem_shared>>
        tpu.wait_indirect_dma semaphore(%arg30 : memref<!tpu.dma_semaphore, #tpu.memory_space<semaphore_mem>>) src(%arg17 : memref<80x128xf32, #tpu.memory_space<vmem>>) dst(%dma_wait3A_1168 : memref<10240x128xf32, #tpu.memory_space<vmem_shared>>)
      } else {
      }
      %dma_start3A_533 = arith.constant 7 : i32
      %dma_start3A_534 = arith.constant 0 : i32
      %dma_start3A_535 = tpu.memref_slice %arg7[%dma_start3A_533, %dma_start3A_534] : memref<8x80xi32, #tpu.memory_space<vmem>> -> memref<1x80xi32, #tpu.memory_space<vmem>>
      %dma_start3A_536 = tpu.memref_squeeze %dma_start3A_535 : memref<1x80xi32, #tpu.memory_space<vmem>> -> memref<80xi32, #tpu.memory_space<vmem>>
      %dma_start3A_537 = arith.constant 0 : i32
      %dma_start3A_538 = arith.constant 0 : i32
      %dma_start3A_539 = tpu.memref_slice %arg2[%dma_start3A_537, %dma_start3A_538] : memref<10240x128xf32, #tpu.memory_space<hbm>> -> memref<10240x128xf32, #tpu.memory_space<hbm>>
      tpu.enqueue_indirect_dma source(%dma_start3A_539 : memref<10240x128xf32, #tpu.memory_space<hbm>>) target(%arg17 : memref<80x128xf32, #tpu.memory_space<vmem>>) offsets(%dma_start3A_536 : memref<80xi32, #tpu.memory_space<vmem>>) semaphore(%arg26 : memref<!tpu.dma_semaphore, #tpu.memory_space<semaphore_mem>>)
      %add3A_540 = arith.constant 1 : i32
      %add3A_541 = arith.addi %add3A_113, %add3A_540 : i32
      %mul3A_542 = arith.constant 8 : i32
      %mul3A_543 = arith.muli %add3A_541, %mul3A_542 : i32
      %add3A_544 = arith.constant 5 : i32
      %add3A_545 = arith.addi %mul3A_543, %add3A_544 : i32
      %dma_wait3A_546 = arith.constant 5 : i32
      %dma_wait3A_547 = arith.constant 0 : i32
      %dma_wait3A_548 = tpu.memref_slice %arg7[%dma_wait3A_546, %dma_wait3A_547] : memref<8x80xi32, #tpu.memory_space<vmem>> -> memref<1x80xi32, #tpu.memory_space<vmem>>
      %dma_wait3A_549 = tpu.memref_squeeze %dma_wait3A_548 : memref<1x80xi32, #tpu.memory_space<vmem>> -> memref<80xi32, #tpu.memory_space<vmem>>
      %dma_wait3A_550 = arith.constant 0 : i32
      %dma_wait3A_551 = arith.constant 0 : i32
      %dma_wait3A_552 = tpu.memref_slice %arg2[%dma_wait3A_550, %dma_wait3A_551] : memref<10240x128xf32, #tpu.memory_space<hbm>> -> memref<10240x128xf32, #tpu.memory_space<hbm>>
      tpu.wait_indirect_dma semaphore(%arg24 : memref<!tpu.dma_semaphore, #tpu.memory_space<semaphore_mem>>) src(%dma_wait3A_552 : memref<10240x128xf32, #tpu.memory_space<hbm>>) dst(%arg15 : memref<80x128xf32, #tpu.memory_space<vmem>>)
      %dma_start3A_553 = arith.constant 5 : i32
      %dma_start3A_554 = arith.constant 0 : i32
      %dma_start3A_555 = tpu.memref_slice %arg11[%dma_start3A_553, %dma_start3A_554] : memref<8x80xi32, #tpu.memory_space<vmem>> -> memref<1x80xi32, #tpu.memory_space<vmem>>
      %dma_start3A_556 = tpu.memref_squeeze %dma_start3A_555 : memref<1x80xi32, #tpu.memory_space<vmem>> -> memref<80xi32, #tpu.memory_space<vmem>>
      %dma_start3A_557 = arith.constant 0 : i32
      %dma_start3A_558 = arith.constant 0 : i32
      %dma_start3A_559 = tpu.memref_slice %arg18[%dma_start3A_557, %dma_start3A_558] : memref<10240x128xf32, #tpu.memory_space<vmem_shared>> -> memref<10240x128xf32, #tpu.memory_space<vmem_shared>>
      tpu.enqueue_indirect_dma source(%arg15 : memref<80x128xf32, #tpu.memory_space<vmem>>) target(%dma_start3A_559 : memref<10240x128xf32, #tpu.memory_space<vmem_shared>>) offsets(%dma_start3A_556 : memref<80xi32, #tpu.memory_space<vmem>>) semaphore(%arg28 : memref<!tpu.dma_semaphore, #tpu.memory_space<semaphore_mem>>) {add = true}
      %gt3A_560 = arith.constant 0 : i32
      %gt3A_561 = arith.cmpi sgt, %add3A_545, %gt3A_560 : i32
      %convert_element_type3A_562 = arith.extui %gt3A_561 : i1 to i32
      %cond3A_563 = arith.constant 0 : i32
      %cond3A_564 = arith.cmpi ne, %convert_element_type3A_562, %cond3A_563 : i32
      scf.if %cond3A_564 {
        %dma_wait3A_1162 = arith.constant 4 : i32
        %dma_wait3A_1163 = arith.constant 0 : i32
        %dma_wait3A_1164 = tpu.memref_slice %arg11[%dma_wait3A_1162, %dma_wait3A_1163] : memref<8x80xi32, #tpu.memory_space<vmem>> -> memref<1x80xi32, #tpu.memory_space<vmem>>
        %dma_wait3A_1165 = tpu.memref_squeeze %dma_wait3A_1164 : memref<1x80xi32, #tpu.memory_space<vmem>> -> memref<80xi32, #tpu.memory_space<vmem>>
        %dma_wait3A_1166 = arith.constant 0 : i32
        %dma_wait3A_1167 = arith.constant 0 : i32
        %dma_wait3A_1168 = tpu.memref_slice %arg18[%dma_wait3A_1166, %dma_wait3A_1167] : memref<10240x128xf32, #tpu.memory_space<vmem_shared>> -> memref<10240x128xf32, #tpu.memory_space<vmem_shared>>
        tpu.wait_indirect_dma semaphore(%arg27 : memref<!tpu.dma_semaphore, #tpu.memory_space<semaphore_mem>>) src(%arg14 : memref<80x128xf32, #tpu.memory_space<vmem>>) dst(%dma_wait3A_1168 : memref<10240x128xf32, #tpu.memory_space<vmem_shared>>)
      } else {
      }
      %add3A_565 = arith.constant 1 : i32
      %add3A_566 = arith.addi %add3A_541, %add3A_565 : i32
      %lt3A_567 = arith.constant 16 : i32
      %lt3A_568 = arith.cmpi slt, %add3A_566, %lt3A_567 : i32
      %convert_element_type3A_569 = arith.extui %lt3A_568 : i1 to i32
      %cond3A_570 = arith.constant 0 : i32
      %cond3A_571 = arith.cmpi ne, %convert_element_type3A_569, %cond3A_570 : i32
      scf.if %cond3A_571 {
        %add3A_1162 = arith.constant 1 : i32
        %add3A_1163 = arith.addi %add3A_541, %add3A_1162 : i32
        %mul3A_1164 = arith.constant 8 : i32
        %mul3A_1165 = arith.muli %add3A_1163, %mul3A_1164 : i32
        %add3A_1166 = arith.addi %mul3A_2, %mul3A_1165 : i32
        %dma_wait3A_1167 = arith.constant 0 : i32
        %dma_wait3A_1168 = tpu.memref_slice %arg3[%add3A_1166, %dma_wait3A_1167] : memref<4096x80xi32, #tpu.memory_space<hbm>> -> memref<8x80xi32, #tpu.memory_space<hbm>>
        %dma_wait3A_1169 = arith.constant 0 : i32
        %dma_wait3A_1170 = tpu.memref_slice %arg3[%add3A_1166, %dma_wait3A_1169] : memref<4096x80xi32, #tpu.memory_space<hbm>> -> memref<8x80xi32, #tpu.memory_space<hbm>>
        tpu.wait_dma2 semaphore(%arg21 : memref<!tpu.dma_semaphore, #tpu.memory_space<semaphore_mem>>) src(%dma_wait3A_1170 : memref<8x80xi32, #tpu.memory_space<hbm>>) dst(%arg8 : memref<8x80xi32, #tpu.memory_space<vmem>>)
        %mul3A_1171 = arith.constant 8 : i32
        %mul3A_1172 = arith.muli %add3A_1163, %mul3A_1171 : i32
        %add3A_1173 = arith.addi %mul3A_2, %mul3A_1172 : i32
        %dma_wait3A_1174 = arith.constant 0 : i32
        %dma_wait3A_1175 = tpu.memref_slice %arg4[%add3A_1173, %dma_wait3A_1174] : memref<4096x80xi32, #tpu.memory_space<hbm>> -> memref<8x80xi32, #tpu.memory_space<hbm>>
        %dma_wait3A_1176 = arith.constant 0 : i32
        %dma_wait3A_1177 = tpu.memref_slice %arg4[%add3A_1173, %dma_wait3A_1176] : memref<4096x80xi32, #tpu.memory_space<hbm>> -> memref<8x80xi32, #tpu.memory_space<hbm>>
        tpu.wait_dma2 semaphore(%arg21 : memref<!tpu.dma_semaphore, #tpu.memory_space<semaphore_mem>>) src(%dma_wait3A_1177 : memref<8x80xi32, #tpu.memory_space<hbm>>) dst(%arg12 : memref<8x80xi32, #tpu.memory_space<vmem>>)
        %dma_start3A_1178 = arith.constant 0 : i32
        %dma_start3A_1179 = arith.constant 0 : i32
        %dma_start3A_1180 = tpu.memref_slice %arg8[%dma_start3A_1178, %dma_start3A_1179] : memref<8x80xi32, #tpu.memory_space<vmem>> -> memref<1x80xi32, #tpu.memory_space<vmem>>
        %dma_start3A_1181 = tpu.memref_squeeze %dma_start3A_1180 : memref<1x80xi32, #tpu.memory_space<vmem>> -> memref<80xi32, #tpu.memory_space<vmem>>
        %dma_start3A_1182 = arith.constant 0 : i32
        %dma_start3A_1183 = arith.constant 0 : i32
        %dma_start3A_1184 = tpu.memref_slice %arg2[%dma_start3A_1182, %dma_start3A_1183] : memref<10240x128xf32, #tpu.memory_space<hbm>> -> memref<10240x128xf32, #tpu.memory_space<hbm>>
        tpu.enqueue_indirect_dma source(%dma_start3A_1184 : memref<10240x128xf32, #tpu.memory_space<hbm>>) target(%arg14 : memref<80x128xf32, #tpu.memory_space<vmem>>) offsets(%dma_start3A_1181 : memref<80xi32, #tpu.memory_space<vmem>>) semaphore(%arg23 : memref<!tpu.dma_semaphore, #tpu.memory_space<semaphore_mem>>)
      } else {
      }
      %add3A_572 = arith.constant 1 : i32
      %add3A_573 = arith.addi %add3A_113, %add3A_572 : i32
      %mul3A_574 = arith.constant 8 : i32
      %mul3A_575 = arith.muli %add3A_573, %mul3A_574 : i32
      %add3A_576 = arith.constant 6 : i32
      %add3A_577 = arith.addi %mul3A_575, %add3A_576 : i32
      %dma_wait3A_578 = arith.constant 6 : i32
      %dma_wait3A_579 = arith.constant 0 : i32
      %dma_wait3A_580 = tpu.memref_slice %arg7[%dma_wait3A_578, %dma_wait3A_579] : memref<8x80xi32, #tpu.memory_space<vmem>> -> memref<1x80xi32, #tpu.memory_space<vmem>>
      %dma_wait3A_581 = tpu.memref_squeeze %dma_wait3A_580 : memref<1x80xi32, #tpu.memory_space<vmem>> -> memref<80xi32, #tpu.memory_space<vmem>>
      %dma_wait3A_582 = arith.constant 0 : i32
      %dma_wait3A_583 = arith.constant 0 : i32
      %dma_wait3A_584 = tpu.memref_slice %arg2[%dma_wait3A_582, %dma_wait3A_583] : memref<10240x128xf32, #tpu.memory_space<hbm>> -> memref<10240x128xf32, #tpu.memory_space<hbm>>
      tpu.wait_indirect_dma semaphore(%arg25 : memref<!tpu.dma_semaphore, #tpu.memory_space<semaphore_mem>>) src(%dma_wait3A_584 : memref<10240x128xf32, #tpu.memory_space<hbm>>) dst(%arg16 : memref<80x128xf32, #tpu.memory_space<vmem>>)
      %dma_start3A_585 = arith.constant 6 : i32
      %dma_start3A_586 = arith.constant 0 : i32
      %dma_start3A_587 = tpu.memref_slice %arg11[%dma_start3A_585, %dma_start3A_586] : memref<8x80xi32, #tpu.memory_space<vmem>> -> memref<1x80xi32, #tpu.memory_space<vmem>>
      %dma_start3A_588 = tpu.memref_squeeze %dma_start3A_587 : memref<1x80xi32, #tpu.memory_space<vmem>> -> memref<80xi32, #tpu.memory_space<vmem>>
      %dma_start3A_589 = arith.constant 0 : i32
      %dma_start3A_590 = arith.constant 0 : i32
      %dma_start3A_591 = tpu.memref_slice %arg18[%dma_start3A_589, %dma_start3A_590] : memref<10240x128xf32, #tpu.memory_space<vmem_shared>> -> memref<10240x128xf32, #tpu.memory_space<vmem_shared>>
      tpu.enqueue_indirect_dma source(%arg16 : memref<80x128xf32, #tpu.memory_space<vmem>>) target(%dma_start3A_591 : memref<10240x128xf32, #tpu.memory_space<vmem_shared>>) offsets(%dma_start3A_588 : memref<80xi32, #tpu.memory_space<vmem>>) semaphore(%arg29 : memref<!tpu.dma_semaphore, #tpu.memory_space<semaphore_mem>>) {add = true}
      %gt3A_592 = arith.constant 0 : i32
      %gt3A_593 = arith.cmpi sgt, %add3A_577, %gt3A_592 : i32
      %convert_element_type3A_594 = arith.extui %gt3A_593 : i1 to i32
      %cond3A_595 = arith.constant 0 : i32
      %cond3A_596 = arith.cmpi ne, %convert_element_type3A_594, %cond3A_595 : i32
      scf.if %cond3A_596 {
        %dma_wait3A_1162 = arith.constant 5 : i32
        %dma_wait3A_1163 = arith.constant 0 : i32
        %dma_wait3A_1164 = tpu.memref_slice %arg11[%dma_wait3A_1162, %dma_wait3A_1163] : memref<8x80xi32, #tpu.memory_space<vmem>> -> memref<1x80xi32, #tpu.memory_space<vmem>>
        %dma_wait3A_1165 = tpu.memref_squeeze %dma_wait3A_1164 : memref<1x80xi32, #tpu.memory_space<vmem>> -> memref<80xi32, #tpu.memory_space<vmem>>
        %dma_wait3A_1166 = arith.constant 0 : i32
        %dma_wait3A_1167 = arith.constant 0 : i32
        %dma_wait3A_1168 = tpu.memref_slice %arg18[%dma_wait3A_1166, %dma_wait3A_1167] : memref<10240x128xf32, #tpu.memory_space<vmem_shared>> -> memref<10240x128xf32, #tpu.memory_space<vmem_shared>>
        tpu.wait_indirect_dma semaphore(%arg28 : memref<!tpu.dma_semaphore, #tpu.memory_space<semaphore_mem>>) src(%arg15 : memref<80x128xf32, #tpu.memory_space<vmem>>) dst(%dma_wait3A_1168 : memref<10240x128xf32, #tpu.memory_space<vmem_shared>>)
      } else {
      }
      %add3A_597 = arith.constant 1 : i32
      %add3A_598 = arith.addi %add3A_573, %add3A_597 : i32
      %lt3A_599 = arith.constant 16 : i32
      %lt3A_600 = arith.cmpi slt, %add3A_598, %lt3A_599 : i32
      %convert_element_type3A_601 = arith.extui %lt3A_600 : i1 to i32
      %cond3A_602 = arith.constant 0 : i32
      %cond3A_603 = arith.cmpi ne, %convert_element_type3A_601, %cond3A_602 : i32
      scf.if %cond3A_603 {
        %dma_start3A_1162 = arith.constant 1 : i32
        %dma_start3A_1163 = arith.constant 0 : i32
        %dma_start3A_1164 = tpu.memref_slice %arg8[%dma_start3A_1162, %dma_start3A_1163] : memref<8x80xi32, #tpu.memory_space<vmem>> -> memref<1x80xi32, #tpu.memory_space<vmem>>
        %dma_start3A_1165 = tpu.memref_squeeze %dma_start3A_1164 : memref<1x80xi32, #tpu.memory_space<vmem>> -> memref<80xi32, #tpu.memory_space<vmem>>
        %dma_start3A_1166 = arith.constant 0 : i32
        %dma_start3A_1167 = arith.constant 0 : i32
        %dma_start3A_1168 = tpu.memref_slice %arg2[%dma_start3A_1166, %dma_start3A_1167] : memref<10240x128xf32, #tpu.memory_space<hbm>> -> memref<10240x128xf32, #tpu.memory_space<hbm>>
        tpu.enqueue_indirect_dma source(%dma_start3A_1168 : memref<10240x128xf32, #tpu.memory_space<hbm>>) target(%arg15 : memref<80x128xf32, #tpu.memory_space<vmem>>) offsets(%dma_start3A_1165 : memref<80xi32, #tpu.memory_space<vmem>>) semaphore(%arg24 : memref<!tpu.dma_semaphore, #tpu.memory_space<semaphore_mem>>)
      } else {
      }
      %add3A_604 = arith.constant 1 : i32
      %add3A_605 = arith.addi %add3A_113, %add3A_604 : i32
      %mul3A_606 = arith.constant 8 : i32
      %mul3A_607 = arith.muli %add3A_605, %mul3A_606 : i32
      %add3A_608 = arith.constant 7 : i32
      %add3A_609 = arith.addi %mul3A_607, %add3A_608 : i32
      %dma_wait3A_610 = arith.constant 7 : i32
      %dma_wait3A_611 = arith.constant 0 : i32
      %dma_wait3A_612 = tpu.memref_slice %arg7[%dma_wait3A_610, %dma_wait3A_611] : memref<8x80xi32, #tpu.memory_space<vmem>> -> memref<1x80xi32, #tpu.memory_space<vmem>>
      %dma_wait3A_613 = tpu.memref_squeeze %dma_wait3A_612 : memref<1x80xi32, #tpu.memory_space<vmem>> -> memref<80xi32, #tpu.memory_space<vmem>>
      %dma_wait3A_614 = arith.constant 0 : i32
      %dma_wait3A_615 = arith.constant 0 : i32
      %dma_wait3A_616 = tpu.memref_slice %arg2[%dma_wait3A_614, %dma_wait3A_615] : memref<10240x128xf32, #tpu.memory_space<hbm>> -> memref<10240x128xf32, #tpu.memory_space<hbm>>
      tpu.wait_indirect_dma semaphore(%arg26 : memref<!tpu.dma_semaphore, #tpu.memory_space<semaphore_mem>>) src(%dma_wait3A_616 : memref<10240x128xf32, #tpu.memory_space<hbm>>) dst(%arg17 : memref<80x128xf32, #tpu.memory_space<vmem>>)
      %dma_start3A_617 = arith.constant 7 : i32
      %dma_start3A_618 = arith.constant 0 : i32
      %dma_start3A_619 = tpu.memref_slice %arg11[%dma_start3A_617, %dma_start3A_618] : memref<8x80xi32, #tpu.memory_space<vmem>> -> memref<1x80xi32, #tpu.memory_space<vmem>>
      %dma_start3A_620 = tpu.memref_squeeze %dma_start3A_619 : memref<1x80xi32, #tpu.memory_space<vmem>> -> memref<80xi32, #tpu.memory_space<vmem>>
      %dma_start3A_621 = arith.constant 0 : i32
      %dma_start3A_622 = arith.constant 0 : i32
      %dma_start3A_623 = tpu.memref_slice %arg18[%dma_start3A_621, %dma_start3A_622] : memref<10240x128xf32, #tpu.memory_space<vmem_shared>> -> memref<10240x128xf32, #tpu.memory_space<vmem_shared>>
      tpu.enqueue_indirect_dma source(%arg17 : memref<80x128xf32, #tpu.memory_space<vmem>>) target(%dma_start3A_623 : memref<10240x128xf32, #tpu.memory_space<vmem_shared>>) offsets(%dma_start3A_620 : memref<80xi32, #tpu.memory_space<vmem>>) semaphore(%arg30 : memref<!tpu.dma_semaphore, #tpu.memory_space<semaphore_mem>>) {add = true}
      %gt3A_624 = arith.constant 0 : i32
      %gt3A_625 = arith.cmpi sgt, %add3A_609, %gt3A_624 : i32
      %convert_element_type3A_626 = arith.extui %gt3A_625 : i1 to i32
      %cond3A_627 = arith.constant 0 : i32
      %cond3A_628 = arith.cmpi ne, %convert_element_type3A_626, %cond3A_627 : i32
      scf.if %cond3A_628 {
        %dma_wait3A_1162 = arith.constant 6 : i32
        %dma_wait3A_1163 = arith.constant 0 : i32
        %dma_wait3A_1164 = tpu.memref_slice %arg11[%dma_wait3A_1162, %dma_wait3A_1163] : memref<8x80xi32, #tpu.memory_space<vmem>> -> memref<1x80xi32, #tpu.memory_space<vmem>>
        %dma_wait3A_1165 = tpu.memref_squeeze %dma_wait3A_1164 : memref<1x80xi32, #tpu.memory_space<vmem>> -> memref<80xi32, #tpu.memory_space<vmem>>
        %dma_wait3A_1166 = arith.constant 0 : i32
        %dma_wait3A_1167 = arith.constant 0 : i32
        %dma_wait3A_1168 = tpu.memref_slice %arg18[%dma_wait3A_1166, %dma_wait3A_1167] : memref<10240x128xf32, #tpu.memory_space<vmem_shared>> -> memref<10240x128xf32, #tpu.memory_space<vmem_shared>>
        tpu.wait_indirect_dma semaphore(%arg29 : memref<!tpu.dma_semaphore, #tpu.memory_space<semaphore_mem>>) src(%arg16 : memref<80x128xf32, #tpu.memory_space<vmem>>) dst(%dma_wait3A_1168 : memref<10240x128xf32, #tpu.memory_space<vmem_shared>>)
      } else {
      }
      %add3A_629 = arith.constant 1 : i32
      %add3A_630 = arith.addi %add3A_605, %add3A_629 : i32
      %lt3A_631 = arith.constant 16 : i32
      %lt3A_632 = arith.cmpi slt, %add3A_630, %lt3A_631 : i32
      %convert_element_type3A_633 = arith.extui %lt3A_632 : i1 to i32
      %cond3A_634 = arith.constant 0 : i32
      %cond3A_635 = arith.cmpi ne, %convert_element_type3A_633, %cond3A_634 : i32
      scf.if %cond3A_635 {
        %dma_start3A_1162 = arith.constant 2 : i32
        %dma_start3A_1163 = arith.constant 0 : i32
        %dma_start3A_1164 = tpu.memref_slice %arg8[%dma_start3A_1162, %dma_start3A_1163] : memref<8x80xi32, #tpu.memory_space<vmem>> -> memref<1x80xi32, #tpu.memory_space<vmem>>
        %dma_start3A_1165 = tpu.memref_squeeze %dma_start3A_1164 : memref<1x80xi32, #tpu.memory_space<vmem>> -> memref<80xi32, #tpu.memory_space<vmem>>
        %dma_start3A_1166 = arith.constant 0 : i32
        %dma_start3A_1167 = arith.constant 0 : i32
        %dma_start3A_1168 = tpu.memref_slice %arg2[%dma_start3A_1166, %dma_start3A_1167] : memref<10240x128xf32, #tpu.memory_space<hbm>> -> memref<10240x128xf32, #tpu.memory_space<hbm>>
        tpu.enqueue_indirect_dma source(%dma_start3A_1168 : memref<10240x128xf32, #tpu.memory_space<hbm>>) target(%arg16 : memref<80x128xf32, #tpu.memory_space<vmem>>) offsets(%dma_start3A_1165 : memref<80xi32, #tpu.memory_space<vmem>>) semaphore(%arg25 : memref<!tpu.dma_semaphore, #tpu.memory_space<semaphore_mem>>)
      } else {
      }
      %add3A_636 = arith.constant 2 : i32
      %add3A_637 = arith.addi %add3A_113, %add3A_636 : i32
      %mul3A_638 = arith.constant 8 : i32
      %mul3A_639 = arith.muli %add3A_637, %mul3A_638 : i32
      %add3A_640 = arith.constant 0 : i32
      %add3A_641 = arith.addi %mul3A_639, %add3A_640 : i32
      %dma_wait3A_642 = arith.constant 0 : i32
      %dma_wait3A_643 = arith.constant 0 : i32
      %dma_wait3A_644 = tpu.memref_slice %arg8[%dma_wait3A_642, %dma_wait3A_643] : memref<8x80xi32, #tpu.memory_space<vmem>> -> memref<1x80xi32, #tpu.memory_space<vmem>>
      %dma_wait3A_645 = tpu.memref_squeeze %dma_wait3A_644 : memref<1x80xi32, #tpu.memory_space<vmem>> -> memref<80xi32, #tpu.memory_space<vmem>>
      %dma_wait3A_646 = arith.constant 0 : i32
      %dma_wait3A_647 = arith.constant 0 : i32
      %dma_wait3A_648 = tpu.memref_slice %arg2[%dma_wait3A_646, %dma_wait3A_647] : memref<10240x128xf32, #tpu.memory_space<hbm>> -> memref<10240x128xf32, #tpu.memory_space<hbm>>
      tpu.wait_indirect_dma semaphore(%arg23 : memref<!tpu.dma_semaphore, #tpu.memory_space<semaphore_mem>>) src(%dma_wait3A_648 : memref<10240x128xf32, #tpu.memory_space<hbm>>) dst(%arg14 : memref<80x128xf32, #tpu.memory_space<vmem>>)
      %dma_start3A_649 = arith.constant 0 : i32
      %dma_start3A_650 = arith.constant 0 : i32
      %dma_start3A_651 = tpu.memref_slice %arg12[%dma_start3A_649, %dma_start3A_650] : memref<8x80xi32, #tpu.memory_space<vmem>> -> memref<1x80xi32, #tpu.memory_space<vmem>>
      %dma_start3A_652 = tpu.memref_squeeze %dma_start3A_651 : memref<1x80xi32, #tpu.memory_space<vmem>> -> memref<80xi32, #tpu.memory_space<vmem>>
      %dma_start3A_653 = arith.constant 0 : i32
      %dma_start3A_654 = arith.constant 0 : i32
      %dma_start3A_655 = tpu.memref_slice %arg18[%dma_start3A_653, %dma_start3A_654] : memref<10240x128xf32, #tpu.memory_space<vmem_shared>> -> memref<10240x128xf32, #tpu.memory_space<vmem_shared>>
      tpu.enqueue_indirect_dma source(%arg14 : memref<80x128xf32, #tpu.memory_space<vmem>>) target(%dma_start3A_655 : memref<10240x128xf32, #tpu.memory_space<vmem_shared>>) offsets(%dma_start3A_652 : memref<80xi32, #tpu.memory_space<vmem>>) semaphore(%arg27 : memref<!tpu.dma_semaphore, #tpu.memory_space<semaphore_mem>>) {add = true}
      %gt3A_656 = arith.constant 0 : i32
      %gt3A_657 = arith.cmpi sgt, %add3A_641, %gt3A_656 : i32
      %convert_element_type3A_658 = arith.extui %gt3A_657 : i1 to i32
      %cond3A_659 = arith.constant 0 : i32
      %cond3A_660 = arith.cmpi ne, %convert_element_type3A_658, %cond3A_659 : i32
      scf.if %cond3A_660 {
        %dma_wait3A_1162 = arith.constant 7 : i32
        %dma_wait3A_1163 = arith.constant 0 : i32
        %dma_wait3A_1164 = tpu.memref_slice %arg11[%dma_wait3A_1162, %dma_wait3A_1163] : memref<8x80xi32, #tpu.memory_space<vmem>> -> memref<1x80xi32, #tpu.memory_space<vmem>>
        %dma_wait3A_1165 = tpu.memref_squeeze %dma_wait3A_1164 : memref<1x80xi32, #tpu.memory_space<vmem>> -> memref<80xi32, #tpu.memory_space<vmem>>
        %dma_wait3A_1166 = arith.constant 0 : i32
        %dma_wait3A_1167 = arith.constant 0 : i32
        %dma_wait3A_1168 = tpu.memref_slice %arg18[%dma_wait3A_1166, %dma_wait3A_1167] : memref<10240x128xf32, #tpu.memory_space<vmem_shared>> -> memref<10240x128xf32, #tpu.memory_space<vmem_shared>>
        tpu.wait_indirect_dma semaphore(%arg30 : memref<!tpu.dma_semaphore, #tpu.memory_space<semaphore_mem>>) src(%arg17 : memref<80x128xf32, #tpu.memory_space<vmem>>) dst(%dma_wait3A_1168 : memref<10240x128xf32, #tpu.memory_space<vmem_shared>>)
      } else {
      }
      %dma_start3A_661 = arith.constant 3 : i32
      %dma_start3A_662 = arith.constant 0 : i32
      %dma_start3A_663 = tpu.memref_slice %arg8[%dma_start3A_661, %dma_start3A_662] : memref<8x80xi32, #tpu.memory_space<vmem>> -> memref<1x80xi32, #tpu.memory_space<vmem>>
      %dma_start3A_664 = tpu.memref_squeeze %dma_start3A_663 : memref<1x80xi32, #tpu.memory_space<vmem>> -> memref<80xi32, #tpu.memory_space<vmem>>
      %dma_start3A_665 = arith.constant 0 : i32
      %dma_start3A_666 = arith.constant 0 : i32
      %dma_start3A_667 = tpu.memref_slice %arg2[%dma_start3A_665, %dma_start3A_666] : memref<10240x128xf32, #tpu.memory_space<hbm>> -> memref<10240x128xf32, #tpu.memory_space<hbm>>
      tpu.enqueue_indirect_dma source(%dma_start3A_667 : memref<10240x128xf32, #tpu.memory_space<hbm>>) target(%arg17 : memref<80x128xf32, #tpu.memory_space<vmem>>) offsets(%dma_start3A_664 : memref<80xi32, #tpu.memory_space<vmem>>) semaphore(%arg26 : memref<!tpu.dma_semaphore, #tpu.memory_space<semaphore_mem>>)
      %add3A_668 = arith.constant 2 : i32
      %add3A_669 = arith.addi %add3A_113, %add3A_668 : i32
      %mul3A_670 = arith.constant 8 : i32
      %mul3A_671 = arith.muli %add3A_669, %mul3A_670 : i32
      %add3A_672 = arith.constant 1 : i32
      %add3A_673 = arith.addi %mul3A_671, %add3A_672 : i32
      %dma_wait3A_674 = arith.constant 1 : i32
      %dma_wait3A_675 = arith.constant 0 : i32
      %dma_wait3A_676 = tpu.memref_slice %arg8[%dma_wait3A_674, %dma_wait3A_675] : memref<8x80xi32, #tpu.memory_space<vmem>> -> memref<1x80xi32, #tpu.memory_space<vmem>>
      %dma_wait3A_677 = tpu.memref_squeeze %dma_wait3A_676 : memref<1x80xi32, #tpu.memory_space<vmem>> -> memref<80xi32, #tpu.memory_space<vmem>>
      %dma_wait3A_678 = arith.constant 0 : i32
      %dma_wait3A_679 = arith.constant 0 : i32
      %dma_wait3A_680 = tpu.memref_slice %arg2[%dma_wait3A_678, %dma_wait3A_679] : memref<10240x128xf32, #tpu.memory_space<hbm>> -> memref<10240x128xf32, #tpu.memory_space<hbm>>
      tpu.wait_indirect_dma semaphore(%arg24 : memref<!tpu.dma_semaphore, #tpu.memory_space<semaphore_mem>>) src(%dma_wait3A_680 : memref<10240x128xf32, #tpu.memory_space<hbm>>) dst(%arg15 : memref<80x128xf32, #tpu.memory_space<vmem>>)
      %dma_start3A_681 = arith.constant 1 : i32
      %dma_start3A_682 = arith.constant 0 : i32
      %dma_start3A_683 = tpu.memref_slice %arg12[%dma_start3A_681, %dma_start3A_682] : memref<8x80xi32, #tpu.memory_space<vmem>> -> memref<1x80xi32, #tpu.memory_space<vmem>>
      %dma_start3A_684 = tpu.memref_squeeze %dma_start3A_683 : memref<1x80xi32, #tpu.memory_space<vmem>> -> memref<80xi32, #tpu.memory_space<vmem>>
      %dma_start3A_685 = arith.constant 0 : i32
      %dma_start3A_686 = arith.constant 0 : i32
      %dma_start3A_687 = tpu.memref_slice %arg18[%dma_start3A_685, %dma_start3A_686] : memref<10240x128xf32, #tpu.memory_space<vmem_shared>> -> memref<10240x128xf32, #tpu.memory_space<vmem_shared>>
      tpu.enqueue_indirect_dma source(%arg15 : memref<80x128xf32, #tpu.memory_space<vmem>>) target(%dma_start3A_687 : memref<10240x128xf32, #tpu.memory_space<vmem_shared>>) offsets(%dma_start3A_684 : memref<80xi32, #tpu.memory_space<vmem>>) semaphore(%arg28 : memref<!tpu.dma_semaphore, #tpu.memory_space<semaphore_mem>>) {add = true}
      %gt3A_688 = arith.constant 0 : i32
      %gt3A_689 = arith.cmpi sgt, %add3A_673, %gt3A_688 : i32
      %convert_element_type3A_690 = arith.extui %gt3A_689 : i1 to i32
      %cond3A_691 = arith.constant 0 : i32
      %cond3A_692 = arith.cmpi ne, %convert_element_type3A_690, %cond3A_691 : i32
      scf.if %cond3A_692 {
        %dma_wait3A_1162 = arith.constant 0 : i32
        %dma_wait3A_1163 = arith.constant 0 : i32
        %dma_wait3A_1164 = tpu.memref_slice %arg12[%dma_wait3A_1162, %dma_wait3A_1163] : memref<8x80xi32, #tpu.memory_space<vmem>> -> memref<1x80xi32, #tpu.memory_space<vmem>>
        %dma_wait3A_1165 = tpu.memref_squeeze %dma_wait3A_1164 : memref<1x80xi32, #tpu.memory_space<vmem>> -> memref<80xi32, #tpu.memory_space<vmem>>
        %dma_wait3A_1166 = arith.constant 0 : i32
        %dma_wait3A_1167 = arith.constant 0 : i32
        %dma_wait3A_1168 = tpu.memref_slice %arg18[%dma_wait3A_1166, %dma_wait3A_1167] : memref<10240x128xf32, #tpu.memory_space<vmem_shared>> -> memref<10240x128xf32, #tpu.memory_space<vmem_shared>>
        tpu.wait_indirect_dma semaphore(%arg27 : memref<!tpu.dma_semaphore, #tpu.memory_space<semaphore_mem>>) src(%arg14 : memref<80x128xf32, #tpu.memory_space<vmem>>) dst(%dma_wait3A_1168 : memref<10240x128xf32, #tpu.memory_space<vmem_shared>>)
      } else {
      }
      %dma_start3A_693 = arith.constant 4 : i32
      %dma_start3A_694 = arith.constant 0 : i32
      %dma_start3A_695 = tpu.memref_slice %arg8[%dma_start3A_693, %dma_start3A_694] : memref<8x80xi32, #tpu.memory_space<vmem>> -> memref<1x80xi32, #tpu.memory_space<vmem>>
      %dma_start3A_696 = tpu.memref_squeeze %dma_start3A_695 : memref<1x80xi32, #tpu.memory_space<vmem>> -> memref<80xi32, #tpu.memory_space<vmem>>
      %dma_start3A_697 = arith.constant 0 : i32
      %dma_start3A_698 = arith.constant 0 : i32
      %dma_start3A_699 = tpu.memref_slice %arg2[%dma_start3A_697, %dma_start3A_698] : memref<10240x128xf32, #tpu.memory_space<hbm>> -> memref<10240x128xf32, #tpu.memory_space<hbm>>
      tpu.enqueue_indirect_dma source(%dma_start3A_699 : memref<10240x128xf32, #tpu.memory_space<hbm>>) target(%arg14 : memref<80x128xf32, #tpu.memory_space<vmem>>) offsets(%dma_start3A_696 : memref<80xi32, #tpu.memory_space<vmem>>) semaphore(%arg23 : memref<!tpu.dma_semaphore, #tpu.memory_space<semaphore_mem>>)
      %add3A_700 = arith.constant 2 : i32
      %add3A_701 = arith.addi %add3A_113, %add3A_700 : i32
      %mul3A_702 = arith.constant 8 : i32
      %mul3A_703 = arith.muli %add3A_701, %mul3A_702 : i32
      %add3A_704 = arith.constant 2 : i32
      %add3A_705 = arith.addi %mul3A_703, %add3A_704 : i32
      %dma_wait3A_706 = arith.constant 2 : i32
      %dma_wait3A_707 = arith.constant 0 : i32
      %dma_wait3A_708 = tpu.memref_slice %arg8[%dma_wait3A_706, %dma_wait3A_707] : memref<8x80xi32, #tpu.memory_space<vmem>> -> memref<1x80xi32, #tpu.memory_space<vmem>>
      %dma_wait3A_709 = tpu.memref_squeeze %dma_wait3A_708 : memref<1x80xi32, #tpu.memory_space<vmem>> -> memref<80xi32, #tpu.memory_space<vmem>>
      %dma_wait3A_710 = arith.constant 0 : i32
      %dma_wait3A_711 = arith.constant 0 : i32
      %dma_wait3A_712 = tpu.memref_slice %arg2[%dma_wait3A_710, %dma_wait3A_711] : memref<10240x128xf32, #tpu.memory_space<hbm>> -> memref<10240x128xf32, #tpu.memory_space<hbm>>
      tpu.wait_indirect_dma semaphore(%arg25 : memref<!tpu.dma_semaphore, #tpu.memory_space<semaphore_mem>>) src(%dma_wait3A_712 : memref<10240x128xf32, #tpu.memory_space<hbm>>) dst(%arg16 : memref<80x128xf32, #tpu.memory_space<vmem>>)
      %dma_start3A_713 = arith.constant 2 : i32
      %dma_start3A_714 = arith.constant 0 : i32
      %dma_start3A_715 = tpu.memref_slice %arg12[%dma_start3A_713, %dma_start3A_714] : memref<8x80xi32, #tpu.memory_space<vmem>> -> memref<1x80xi32, #tpu.memory_space<vmem>>
      %dma_start3A_716 = tpu.memref_squeeze %dma_start3A_715 : memref<1x80xi32, #tpu.memory_space<vmem>> -> memref<80xi32, #tpu.memory_space<vmem>>
      %dma_start3A_717 = arith.constant 0 : i32
      %dma_start3A_718 = arith.constant 0 : i32
      %dma_start3A_719 = tpu.memref_slice %arg18[%dma_start3A_717, %dma_start3A_718] : memref<10240x128xf32, #tpu.memory_space<vmem_shared>> -> memref<10240x128xf32, #tpu.memory_space<vmem_shared>>
      tpu.enqueue_indirect_dma source(%arg16 : memref<80x128xf32, #tpu.memory_space<vmem>>) target(%dma_start3A_719 : memref<10240x128xf32, #tpu.memory_space<vmem_shared>>) offsets(%dma_start3A_716 : memref<80xi32, #tpu.memory_space<vmem>>) semaphore(%arg29 : memref<!tpu.dma_semaphore, #tpu.memory_space<semaphore_mem>>) {add = true}
      %gt3A_720 = arith.constant 0 : i32
      %gt3A_721 = arith.cmpi sgt, %add3A_705, %gt3A_720 : i32
      %convert_element_type3A_722 = arith.extui %gt3A_721 : i1 to i32
      %cond3A_723 = arith.constant 0 : i32
      %cond3A_724 = arith.cmpi ne, %convert_element_type3A_722, %cond3A_723 : i32
      scf.if %cond3A_724 {
        %dma_wait3A_1162 = arith.constant 1 : i32
        %dma_wait3A_1163 = arith.constant 0 : i32
        %dma_wait3A_1164 = tpu.memref_slice %arg12[%dma_wait3A_1162, %dma_wait3A_1163] : memref<8x80xi32, #tpu.memory_space<vmem>> -> memref<1x80xi32, #tpu.memory_space<vmem>>
        %dma_wait3A_1165 = tpu.memref_squeeze %dma_wait3A_1164 : memref<1x80xi32, #tpu.memory_space<vmem>> -> memref<80xi32, #tpu.memory_space<vmem>>
        %dma_wait3A_1166 = arith.constant 0 : i32
        %dma_wait3A_1167 = arith.constant 0 : i32
        %dma_wait3A_1168 = tpu.memref_slice %arg18[%dma_wait3A_1166, %dma_wait3A_1167] : memref<10240x128xf32, #tpu.memory_space<vmem_shared>> -> memref<10240x128xf32, #tpu.memory_space<vmem_shared>>
        tpu.wait_indirect_dma semaphore(%arg28 : memref<!tpu.dma_semaphore, #tpu.memory_space<semaphore_mem>>) src(%arg15 : memref<80x128xf32, #tpu.memory_space<vmem>>) dst(%dma_wait3A_1168 : memref<10240x128xf32, #tpu.memory_space<vmem_shared>>)
      } else {
      }
      %add3A_725 = arith.constant 3 : i32
      %add3A_726 = arith.addi %add3A_701, %add3A_725 : i32
      %lt3A_727 = arith.constant 16 : i32
      %lt3A_728 = arith.cmpi slt, %add3A_726, %lt3A_727 : i32
      %convert_element_type3A_729 = arith.extui %lt3A_728 : i1 to i32
      %cond3A_730 = arith.constant 0 : i32
      %cond3A_731 = arith.cmpi ne, %convert_element_type3A_729, %cond3A_730 : i32
      scf.if %cond3A_731 {
        %add3A_1162 = arith.constant 3 : i32
        %add3A_1163 = arith.addi %add3A_701, %add3A_1162 : i32
        %mul3A_1164 = arith.constant 8 : i32
        %mul3A_1165 = arith.muli %add3A_1163, %mul3A_1164 : i32
        %add3A_1166 = arith.addi %mul3A_2, %mul3A_1165 : i32
        %dma_start3A_1167 = arith.constant 0 : i32
        %dma_start3A_1168 = tpu.memref_slice %arg3[%add3A_1166, %dma_start3A_1167] : memref<4096x80xi32, #tpu.memory_space<hbm>> -> memref<8x80xi32, #tpu.memory_space<hbm>>
        %dma_start3A_1169 = arith.constant 0 : i32
        %dma_start3A_1170 = tpu.memref_slice %arg3[%add3A_1166, %dma_start3A_1169] : memref<4096x80xi32, #tpu.memory_space<hbm>> -> memref<8x80xi32, #tpu.memory_space<hbm>>
        tpu.enqueue_dma source(%dma_start3A_1170 : memref<8x80xi32, #tpu.memory_space<hbm>>) target(%arg7 : memref<8x80xi32, #tpu.memory_space<vmem>>) target_semaphore(%arg20 : memref<!tpu.dma_semaphore, #tpu.memory_space<semaphore_mem>>)
        %mul3A_1171 = arith.constant 8 : i32
        %mul3A_1172 = arith.muli %add3A_1163, %mul3A_1171 : i32
        %add3A_1173 = arith.addi %mul3A_2, %mul3A_1172 : i32
        %dma_start3A_1174 = arith.constant 0 : i32
        %dma_start3A_1175 = tpu.memref_slice %arg4[%add3A_1173, %dma_start3A_1174] : memref<4096x80xi32, #tpu.memory_space<hbm>> -> memref<8x80xi32, #tpu.memory_space<hbm>>
        %dma_start3A_1176 = arith.constant 0 : i32
        %dma_start3A_1177 = tpu.memref_slice %arg4[%add3A_1173, %dma_start3A_1176] : memref<4096x80xi32, #tpu.memory_space<hbm>> -> memref<8x80xi32, #tpu.memory_space<hbm>>
        tpu.enqueue_dma source(%dma_start3A_1177 : memref<8x80xi32, #tpu.memory_space<hbm>>) target(%arg11 : memref<8x80xi32, #tpu.memory_space<vmem>>) target_semaphore(%arg20 : memref<!tpu.dma_semaphore, #tpu.memory_space<semaphore_mem>>)
      } else {
      }
      %dma_start3A_732 = arith.constant 5 : i32
      %dma_start3A_733 = arith.constant 0 : i32
      %dma_start3A_734 = tpu.memref_slice %arg8[%dma_start3A_732, %dma_start3A_733] : memref<8x80xi32, #tpu.memory_space<vmem>> -> memref<1x80xi32, #tpu.memory_space<vmem>>
      %dma_start3A_735 = tpu.memref_squeeze %dma_start3A_734 : memref<1x80xi32, #tpu.memory_space<vmem>> -> memref<80xi32, #tpu.memory_space<vmem>>
      %dma_start3A_736 = arith.constant 0 : i32
      %dma_start3A_737 = arith.constant 0 : i32
      %dma_start3A_738 = tpu.memref_slice %arg2[%dma_start3A_736, %dma_start3A_737] : memref<10240x128xf32, #tpu.memory_space<hbm>> -> memref<10240x128xf32, #tpu.memory_space<hbm>>
      tpu.enqueue_indirect_dma source(%dma_start3A_738 : memref<10240x128xf32, #tpu.memory_space<hbm>>) target(%arg15 : memref<80x128xf32, #tpu.memory_space<vmem>>) offsets(%dma_start3A_735 : memref<80xi32, #tpu.memory_space<vmem>>) semaphore(%arg24 : memref<!tpu.dma_semaphore, #tpu.memory_space<semaphore_mem>>)
      %add3A_739 = arith.constant 2 : i32
      %add3A_740 = arith.addi %add3A_113, %add3A_739 : i32
      %mul3A_741 = arith.constant 8 : i32
      %mul3A_742 = arith.muli %add3A_740, %mul3A_741 : i32
      %add3A_743 = arith.constant 3 : i32
      %add3A_744 = arith.addi %mul3A_742, %add3A_743 : i32
      %dma_wait3A_745 = arith.constant 3 : i32
      %dma_wait3A_746 = arith.constant 0 : i32
      %dma_wait3A_747 = tpu.memref_slice %arg8[%dma_wait3A_745, %dma_wait3A_746] : memref<8x80xi32, #tpu.memory_space<vmem>> -> memref<1x80xi32, #tpu.memory_space<vmem>>
      %dma_wait3A_748 = tpu.memref_squeeze %dma_wait3A_747 : memref<1x80xi32, #tpu.memory_space<vmem>> -> memref<80xi32, #tpu.memory_space<vmem>>
      %dma_wait3A_749 = arith.constant 0 : i32
      %dma_wait3A_750 = arith.constant 0 : i32
      %dma_wait3A_751 = tpu.memref_slice %arg2[%dma_wait3A_749, %dma_wait3A_750] : memref<10240x128xf32, #tpu.memory_space<hbm>> -> memref<10240x128xf32, #tpu.memory_space<hbm>>
      tpu.wait_indirect_dma semaphore(%arg26 : memref<!tpu.dma_semaphore, #tpu.memory_space<semaphore_mem>>) src(%dma_wait3A_751 : memref<10240x128xf32, #tpu.memory_space<hbm>>) dst(%arg17 : memref<80x128xf32, #tpu.memory_space<vmem>>)
      %dma_start3A_752 = arith.constant 3 : i32
      %dma_start3A_753 = arith.constant 0 : i32
      %dma_start3A_754 = tpu.memref_slice %arg12[%dma_start3A_752, %dma_start3A_753] : memref<8x80xi32, #tpu.memory_space<vmem>> -> memref<1x80xi32, #tpu.memory_space<vmem>>
      %dma_start3A_755 = tpu.memref_squeeze %dma_start3A_754 : memref<1x80xi32, #tpu.memory_space<vmem>> -> memref<80xi32, #tpu.memory_space<vmem>>
      %dma_start3A_756 = arith.constant 0 : i32
      %dma_start3A_757 = arith.constant 0 : i32
      %dma_start3A_758 = tpu.memref_slice %arg18[%dma_start3A_756, %dma_start3A_757] : memref<10240x128xf32, #tpu.memory_space<vmem_shared>> -> memref<10240x128xf32, #tpu.memory_space<vmem_shared>>
      tpu.enqueue_indirect_dma source(%arg17 : memref<80x128xf32, #tpu.memory_space<vmem>>) target(%dma_start3A_758 : memref<10240x128xf32, #tpu.memory_space<vmem_shared>>) offsets(%dma_start3A_755 : memref<80xi32, #tpu.memory_space<vmem>>) semaphore(%arg30 : memref<!tpu.dma_semaphore, #tpu.memory_space<semaphore_mem>>) {add = true}
      %gt3A_759 = arith.constant 0 : i32
      %gt3A_760 = arith.cmpi sgt, %add3A_744, %gt3A_759 : i32
      %convert_element_type3A_761 = arith.extui %gt3A_760 : i1 to i32
      %cond3A_762 = arith.constant 0 : i32
      %cond3A_763 = arith.cmpi ne, %convert_element_type3A_761, %cond3A_762 : i32
      scf.if %cond3A_763 {
        %dma_wait3A_1162 = arith.constant 2 : i32
        %dma_wait3A_1163 = arith.constant 0 : i32
        %dma_wait3A_1164 = tpu.memref_slice %arg12[%dma_wait3A_1162, %dma_wait3A_1163] : memref<8x80xi32, #tpu.memory_space<vmem>> -> memref<1x80xi32, #tpu.memory_space<vmem>>
        %dma_wait3A_1165 = tpu.memref_squeeze %dma_wait3A_1164 : memref<1x80xi32, #tpu.memory_space<vmem>> -> memref<80xi32, #tpu.memory_space<vmem>>
        %dma_wait3A_1166 = arith.constant 0 : i32
        %dma_wait3A_1167 = arith.constant 0 : i32
        %dma_wait3A_1168 = tpu.memref_slice %arg18[%dma_wait3A_1166, %dma_wait3A_1167] : memref<10240x128xf32, #tpu.memory_space<vmem_shared>> -> memref<10240x128xf32, #tpu.memory_space<vmem_shared>>
        tpu.wait_indirect_dma semaphore(%arg29 : memref<!tpu.dma_semaphore, #tpu.memory_space<semaphore_mem>>) src(%arg16 : memref<80x128xf32, #tpu.memory_space<vmem>>) dst(%dma_wait3A_1168 : memref<10240x128xf32, #tpu.memory_space<vmem_shared>>)
      } else {
      }
      %dma_start3A_764 = arith.constant 6 : i32
      %dma_start3A_765 = arith.constant 0 : i32
      %dma_start3A_766 = tpu.memref_slice %arg8[%dma_start3A_764, %dma_start3A_765] : memref<8x80xi32, #tpu.memory_space<vmem>> -> memref<1x80xi32, #tpu.memory_space<vmem>>
      %dma_start3A_767 = tpu.memref_squeeze %dma_start3A_766 : memref<1x80xi32, #tpu.memory_space<vmem>> -> memref<80xi32, #tpu.memory_space<vmem>>
      %dma_start3A_768 = arith.constant 0 : i32
      %dma_start3A_769 = arith.constant 0 : i32
      %dma_start3A_770 = tpu.memref_slice %arg2[%dma_start3A_768, %dma_start3A_769] : memref<10240x128xf32, #tpu.memory_space<hbm>> -> memref<10240x128xf32, #tpu.memory_space<hbm>>
      tpu.enqueue_indirect_dma source(%dma_start3A_770 : memref<10240x128xf32, #tpu.memory_space<hbm>>) target(%arg16 : memref<80x128xf32, #tpu.memory_space<vmem>>) offsets(%dma_start3A_767 : memref<80xi32, #tpu.memory_space<vmem>>) semaphore(%arg25 : memref<!tpu.dma_semaphore, #tpu.memory_space<semaphore_mem>>)
      %add3A_771 = arith.constant 2 : i32
      %add3A_772 = arith.addi %add3A_113, %add3A_771 : i32
      %mul3A_773 = arith.constant 8 : i32
      %mul3A_774 = arith.muli %add3A_772, %mul3A_773 : i32
      %add3A_775 = arith.constant 4 : i32
      %add3A_776 = arith.addi %mul3A_774, %add3A_775 : i32
      %dma_wait3A_777 = arith.constant 4 : i32
      %dma_wait3A_778 = arith.constant 0 : i32
      %dma_wait3A_779 = tpu.memref_slice %arg8[%dma_wait3A_777, %dma_wait3A_778] : memref<8x80xi32, #tpu.memory_space<vmem>> -> memref<1x80xi32, #tpu.memory_space<vmem>>
      %dma_wait3A_780 = tpu.memref_squeeze %dma_wait3A_779 : memref<1x80xi32, #tpu.memory_space<vmem>> -> memref<80xi32, #tpu.memory_space<vmem>>
      %dma_wait3A_781 = arith.constant 0 : i32
      %dma_wait3A_782 = arith.constant 0 : i32
      %dma_wait3A_783 = tpu.memref_slice %arg2[%dma_wait3A_781, %dma_wait3A_782] : memref<10240x128xf32, #tpu.memory_space<hbm>> -> memref<10240x128xf32, #tpu.memory_space<hbm>>
      tpu.wait_indirect_dma semaphore(%arg23 : memref<!tpu.dma_semaphore, #tpu.memory_space<semaphore_mem>>) src(%dma_wait3A_783 : memref<10240x128xf32, #tpu.memory_space<hbm>>) dst(%arg14 : memref<80x128xf32, #tpu.memory_space<vmem>>)
      %dma_start3A_784 = arith.constant 4 : i32
      %dma_start3A_785 = arith.constant 0 : i32
      %dma_start3A_786 = tpu.memref_slice %arg12[%dma_start3A_784, %dma_start3A_785] : memref<8x80xi32, #tpu.memory_space<vmem>> -> memref<1x80xi32, #tpu.memory_space<vmem>>
      %dma_start3A_787 = tpu.memref_squeeze %dma_start3A_786 : memref<1x80xi32, #tpu.memory_space<vmem>> -> memref<80xi32, #tpu.memory_space<vmem>>
      %dma_start3A_788 = arith.constant 0 : i32
      %dma_start3A_789 = arith.constant 0 : i32
      %dma_start3A_790 = tpu.memref_slice %arg18[%dma_start3A_788, %dma_start3A_789] : memref<10240x128xf32, #tpu.memory_space<vmem_shared>> -> memref<10240x128xf32, #tpu.memory_space<vmem_shared>>
      tpu.enqueue_indirect_dma source(%arg14 : memref<80x128xf32, #tpu.memory_space<vmem>>) target(%dma_start3A_790 : memref<10240x128xf32, #tpu.memory_space<vmem_shared>>) offsets(%dma_start3A_787 : memref<80xi32, #tpu.memory_space<vmem>>) semaphore(%arg27 : memref<!tpu.dma_semaphore, #tpu.memory_space<semaphore_mem>>) {add = true}
      %gt3A_791 = arith.constant 0 : i32
      %gt3A_792 = arith.cmpi sgt, %add3A_776, %gt3A_791 : i32
      %convert_element_type3A_793 = arith.extui %gt3A_792 : i1 to i32
      %cond3A_794 = arith.constant 0 : i32
      %cond3A_795 = arith.cmpi ne, %convert_element_type3A_793, %cond3A_794 : i32
      scf.if %cond3A_795 {
        %dma_wait3A_1162 = arith.constant 3 : i32
        %dma_wait3A_1163 = arith.constant 0 : i32
        %dma_wait3A_1164 = tpu.memref_slice %arg12[%dma_wait3A_1162, %dma_wait3A_1163] : memref<8x80xi32, #tpu.memory_space<vmem>> -> memref<1x80xi32, #tpu.memory_space<vmem>>
        %dma_wait3A_1165 = tpu.memref_squeeze %dma_wait3A_1164 : memref<1x80xi32, #tpu.memory_space<vmem>> -> memref<80xi32, #tpu.memory_space<vmem>>
        %dma_wait3A_1166 = arith.constant 0 : i32
        %dma_wait3A_1167 = arith.constant 0 : i32
        %dma_wait3A_1168 = tpu.memref_slice %arg18[%dma_wait3A_1166, %dma_wait3A_1167] : memref<10240x128xf32, #tpu.memory_space<vmem_shared>> -> memref<10240x128xf32, #tpu.memory_space<vmem_shared>>
        tpu.wait_indirect_dma semaphore(%arg30 : memref<!tpu.dma_semaphore, #tpu.memory_space<semaphore_mem>>) src(%arg17 : memref<80x128xf32, #tpu.memory_space<vmem>>) dst(%dma_wait3A_1168 : memref<10240x128xf32, #tpu.memory_space<vmem_shared>>)
      } else {
      }
      %dma_start3A_796 = arith.constant 7 : i32
      %dma_start3A_797 = arith.constant 0 : i32
      %dma_start3A_798 = tpu.memref_slice %arg8[%dma_start3A_796, %dma_start3A_797] : memref<8x80xi32, #tpu.memory_space<vmem>> -> memref<1x80xi32, #tpu.memory_space<vmem>>
      %dma_start3A_799 = tpu.memref_squeeze %dma_start3A_798 : memref<1x80xi32, #tpu.memory_space<vmem>> -> memref<80xi32, #tpu.memory_space<vmem>>
      %dma_start3A_800 = arith.constant 0 : i32
      %dma_start3A_801 = arith.constant 0 : i32
      %dma_start3A_802 = tpu.memref_slice %arg2[%dma_start3A_800, %dma_start3A_801] : memref<10240x128xf32, #tpu.memory_space<hbm>> -> memref<10240x128xf32, #tpu.memory_space<hbm>>
      tpu.enqueue_indirect_dma source(%dma_start3A_802 : memref<10240x128xf32, #tpu.memory_space<hbm>>) target(%arg17 : memref<80x128xf32, #tpu.memory_space<vmem>>) offsets(%dma_start3A_799 : memref<80xi32, #tpu.memory_space<vmem>>) semaphore(%arg26 : memref<!tpu.dma_semaphore, #tpu.memory_space<semaphore_mem>>)
      %add3A_803 = arith.constant 2 : i32
      %add3A_804 = arith.addi %add3A_113, %add3A_803 : i32
      %mul3A_805 = arith.constant 8 : i32
      %mul3A_806 = arith.muli %add3A_804, %mul3A_805 : i32
      %add3A_807 = arith.constant 5 : i32
      %add3A_808 = arith.addi %mul3A_806, %add3A_807 : i32
      %dma_wait3A_809 = arith.constant 5 : i32
      %dma_wait3A_810 = arith.constant 0 : i32
      %dma_wait3A_811 = tpu.memref_slice %arg8[%dma_wait3A_809, %dma_wait3A_810] : memref<8x80xi32, #tpu.memory_space<vmem>> -> memref<1x80xi32, #tpu.memory_space<vmem>>
      %dma_wait3A_812 = tpu.memref_squeeze %dma_wait3A_811 : memref<1x80xi32, #tpu.memory_space<vmem>> -> memref<80xi32, #tpu.memory_space<vmem>>
      %dma_wait3A_813 = arith.constant 0 : i32
      %dma_wait3A_814 = arith.constant 0 : i32
      %dma_wait3A_815 = tpu.memref_slice %arg2[%dma_wait3A_813, %dma_wait3A_814] : memref<10240x128xf32, #tpu.memory_space<hbm>> -> memref<10240x128xf32, #tpu.memory_space<hbm>>
      tpu.wait_indirect_dma semaphore(%arg24 : memref<!tpu.dma_semaphore, #tpu.memory_space<semaphore_mem>>) src(%dma_wait3A_815 : memref<10240x128xf32, #tpu.memory_space<hbm>>) dst(%arg15 : memref<80x128xf32, #tpu.memory_space<vmem>>)
      %dma_start3A_816 = arith.constant 5 : i32
      %dma_start3A_817 = arith.constant 0 : i32
      %dma_start3A_818 = tpu.memref_slice %arg12[%dma_start3A_816, %dma_start3A_817] : memref<8x80xi32, #tpu.memory_space<vmem>> -> memref<1x80xi32, #tpu.memory_space<vmem>>
      %dma_start3A_819 = tpu.memref_squeeze %dma_start3A_818 : memref<1x80xi32, #tpu.memory_space<vmem>> -> memref<80xi32, #tpu.memory_space<vmem>>
      %dma_start3A_820 = arith.constant 0 : i32
      %dma_start3A_821 = arith.constant 0 : i32
      %dma_start3A_822 = tpu.memref_slice %arg18[%dma_start3A_820, %dma_start3A_821] : memref<10240x128xf32, #tpu.memory_space<vmem_shared>> -> memref<10240x128xf32, #tpu.memory_space<vmem_shared>>
      tpu.enqueue_indirect_dma source(%arg15 : memref<80x128xf32, #tpu.memory_space<vmem>>) target(%dma_start3A_822 : memref<10240x128xf32, #tpu.memory_space<vmem_shared>>) offsets(%dma_start3A_819 : memref<80xi32, #tpu.memory_space<vmem>>) semaphore(%arg28 : memref<!tpu.dma_semaphore, #tpu.memory_space<semaphore_mem>>) {add = true}
      %gt3A_823 = arith.constant 0 : i32
      %gt3A_824 = arith.cmpi sgt, %add3A_808, %gt3A_823 : i32
      %convert_element_type3A_825 = arith.extui %gt3A_824 : i1 to i32
      %cond3A_826 = arith.constant 0 : i32
      %cond3A_827 = arith.cmpi ne, %convert_element_type3A_825, %cond3A_826 : i32
      scf.if %cond3A_827 {
        %dma_wait3A_1162 = arith.constant 4 : i32
        %dma_wait3A_1163 = arith.constant 0 : i32
        %dma_wait3A_1164 = tpu.memref_slice %arg12[%dma_wait3A_1162, %dma_wait3A_1163] : memref<8x80xi32, #tpu.memory_space<vmem>> -> memref<1x80xi32, #tpu.memory_space<vmem>>
        %dma_wait3A_1165 = tpu.memref_squeeze %dma_wait3A_1164 : memref<1x80xi32, #tpu.memory_space<vmem>> -> memref<80xi32, #tpu.memory_space<vmem>>
        %dma_wait3A_1166 = arith.constant 0 : i32
        %dma_wait3A_1167 = arith.constant 0 : i32
        %dma_wait3A_1168 = tpu.memref_slice %arg18[%dma_wait3A_1166, %dma_wait3A_1167] : memref<10240x128xf32, #tpu.memory_space<vmem_shared>> -> memref<10240x128xf32, #tpu.memory_space<vmem_shared>>
        tpu.wait_indirect_dma semaphore(%arg27 : memref<!tpu.dma_semaphore, #tpu.memory_space<semaphore_mem>>) src(%arg14 : memref<80x128xf32, #tpu.memory_space<vmem>>) dst(%dma_wait3A_1168 : memref<10240x128xf32, #tpu.memory_space<vmem_shared>>)
      } else {
      }
      %add3A_828 = arith.constant 1 : i32
      %add3A_829 = arith.addi %add3A_804, %add3A_828 : i32
      %lt3A_830 = arith.constant 16 : i32
      %lt3A_831 = arith.cmpi slt, %add3A_829, %lt3A_830 : i32
      %convert_element_type3A_832 = arith.extui %lt3A_831 : i1 to i32
      %cond3A_833 = arith.constant 0 : i32
      %cond3A_834 = arith.cmpi ne, %convert_element_type3A_832, %cond3A_833 : i32
      scf.if %cond3A_834 {
        %add3A_1162 = arith.constant 1 : i32
        %add3A_1163 = arith.addi %add3A_804, %add3A_1162 : i32
        %mul3A_1164 = arith.constant 8 : i32
        %mul3A_1165 = arith.muli %add3A_1163, %mul3A_1164 : i32
        %add3A_1166 = arith.addi %mul3A_2, %mul3A_1165 : i32
        %dma_wait3A_1167 = arith.constant 0 : i32
        %dma_wait3A_1168 = tpu.memref_slice %arg3[%add3A_1166, %dma_wait3A_1167] : memref<4096x80xi32, #tpu.memory_space<hbm>> -> memref<8x80xi32, #tpu.memory_space<hbm>>
        %dma_wait3A_1169 = arith.constant 0 : i32
        %dma_wait3A_1170 = tpu.memref_slice %arg3[%add3A_1166, %dma_wait3A_1169] : memref<4096x80xi32, #tpu.memory_space<hbm>> -> memref<8x80xi32, #tpu.memory_space<hbm>>
        tpu.wait_dma2 semaphore(%arg22 : memref<!tpu.dma_semaphore, #tpu.memory_space<semaphore_mem>>) src(%dma_wait3A_1170 : memref<8x80xi32, #tpu.memory_space<hbm>>) dst(%arg9 : memref<8x80xi32, #tpu.memory_space<vmem>>)
        %mul3A_1171 = arith.constant 8 : i32
        %mul3A_1172 = arith.muli %add3A_1163, %mul3A_1171 : i32
        %add3A_1173 = arith.addi %mul3A_2, %mul3A_1172 : i32
        %dma_wait3A_1174 = arith.constant 0 : i32
        %dma_wait3A_1175 = tpu.memref_slice %arg4[%add3A_1173, %dma_wait3A_1174] : memref<4096x80xi32, #tpu.memory_space<hbm>> -> memref<8x80xi32, #tpu.memory_space<hbm>>
        %dma_wait3A_1176 = arith.constant 0 : i32
        %dma_wait3A_1177 = tpu.memref_slice %arg4[%add3A_1173, %dma_wait3A_1176] : memref<4096x80xi32, #tpu.memory_space<hbm>> -> memref<8x80xi32, #tpu.memory_space<hbm>>
        tpu.wait_dma2 semaphore(%arg22 : memref<!tpu.dma_semaphore, #tpu.memory_space<semaphore_mem>>) src(%dma_wait3A_1177 : memref<8x80xi32, #tpu.memory_space<hbm>>) dst(%arg13 : memref<8x80xi32, #tpu.memory_space<vmem>>)
        %dma_start3A_1178 = arith.constant 0 : i32
        %dma_start3A_1179 = arith.constant 0 : i32
        %dma_start3A_1180 = tpu.memref_slice %arg9[%dma_start3A_1178, %dma_start3A_1179] : memref<8x80xi32, #tpu.memory_space<vmem>> -> memref<1x80xi32, #tpu.memory_space<vmem>>
        %dma_start3A_1181 = tpu.memref_squeeze %dma_start3A_1180 : memref<1x80xi32, #tpu.memory_space<vmem>> -> memref<80xi32, #tpu.memory_space<vmem>>
        %dma_start3A_1182 = arith.constant 0 : i32
        %dma_start3A_1183 = arith.constant 0 : i32
        %dma_start3A_1184 = tpu.memref_slice %arg2[%dma_start3A_1182, %dma_start3A_1183] : memref<10240x128xf32, #tpu.memory_space<hbm>> -> memref<10240x128xf32, #tpu.memory_space<hbm>>
        tpu.enqueue_indirect_dma source(%dma_start3A_1184 : memref<10240x128xf32, #tpu.memory_space<hbm>>) target(%arg14 : memref<80x128xf32, #tpu.memory_space<vmem>>) offsets(%dma_start3A_1181 : memref<80xi32, #tpu.memory_space<vmem>>) semaphore(%arg23 : memref<!tpu.dma_semaphore, #tpu.memory_space<semaphore_mem>>)
      } else {
      }
      %add3A_835 = arith.constant 2 : i32
      %add3A_836 = arith.addi %add3A_113, %add3A_835 : i32
      %mul3A_837 = arith.constant 8 : i32
      %mul3A_838 = arith.muli %add3A_836, %mul3A_837 : i32
      %add3A_839 = arith.constant 6 : i32
      %add3A_840 = arith.addi %mul3A_838, %add3A_839 : i32
      %dma_wait3A_841 = arith.constant 6 : i32
      %dma_wait3A_842 = arith.constant 0 : i32
      %dma_wait3A_843 = tpu.memref_slice %arg8[%dma_wait3A_841, %dma_wait3A_842] : memref<8x80xi32, #tpu.memory_space<vmem>> -> memref<1x80xi32, #tpu.memory_space<vmem>>
      %dma_wait3A_844 = tpu.memref_squeeze %dma_wait3A_843 : memref<1x80xi32, #tpu.memory_space<vmem>> -> memref<80xi32, #tpu.memory_space<vmem>>
      %dma_wait3A_845 = arith.constant 0 : i32
      %dma_wait3A_846 = arith.constant 0 : i32
      %dma_wait3A_847 = tpu.memref_slice %arg2[%dma_wait3A_845, %dma_wait3A_846] : memref<10240x128xf32, #tpu.memory_space<hbm>> -> memref<10240x128xf32, #tpu.memory_space<hbm>>
      tpu.wait_indirect_dma semaphore(%arg25 : memref<!tpu.dma_semaphore, #tpu.memory_space<semaphore_mem>>) src(%dma_wait3A_847 : memref<10240x128xf32, #tpu.memory_space<hbm>>) dst(%arg16 : memref<80x128xf32, #tpu.memory_space<vmem>>)
      %dma_start3A_848 = arith.constant 6 : i32
      %dma_start3A_849 = arith.constant 0 : i32
      %dma_start3A_850 = tpu.memref_slice %arg12[%dma_start3A_848, %dma_start3A_849] : memref<8x80xi32, #tpu.memory_space<vmem>> -> memref<1x80xi32, #tpu.memory_space<vmem>>
      %dma_start3A_851 = tpu.memref_squeeze %dma_start3A_850 : memref<1x80xi32, #tpu.memory_space<vmem>> -> memref<80xi32, #tpu.memory_space<vmem>>
      %dma_start3A_852 = arith.constant 0 : i32
      %dma_start3A_853 = arith.constant 0 : i32
      %dma_start3A_854 = tpu.memref_slice %arg18[%dma_start3A_852, %dma_start3A_853] : memref<10240x128xf32, #tpu.memory_space<vmem_shared>> -> memref<10240x128xf32, #tpu.memory_space<vmem_shared>>
      tpu.enqueue_indirect_dma source(%arg16 : memref<80x128xf32, #tpu.memory_space<vmem>>) target(%dma_start3A_854 : memref<10240x128xf32, #tpu.memory_space<vmem_shared>>) offsets(%dma_start3A_851 : memref<80xi32, #tpu.memory_space<vmem>>) semaphore(%arg29 : memref<!tpu.dma_semaphore, #tpu.memory_space<semaphore_mem>>) {add = true}
      %gt3A_855 = arith.constant 0 : i32
      %gt3A_856 = arith.cmpi sgt, %add3A_840, %gt3A_855 : i32
      %convert_element_type3A_857 = arith.extui %gt3A_856 : i1 to i32
      %cond3A_858 = arith.constant 0 : i32
      %cond3A_859 = arith.cmpi ne, %convert_element_type3A_857, %cond3A_858 : i32
      scf.if %cond3A_859 {
        %dma_wait3A_1162 = arith.constant 5 : i32
        %dma_wait3A_1163 = arith.constant 0 : i32
        %dma_wait3A_1164 = tpu.memref_slice %arg12[%dma_wait3A_1162, %dma_wait3A_1163] : memref<8x80xi32, #tpu.memory_space<vmem>> -> memref<1x80xi32, #tpu.memory_space<vmem>>
        %dma_wait3A_1165 = tpu.memref_squeeze %dma_wait3A_1164 : memref<1x80xi32, #tpu.memory_space<vmem>> -> memref<80xi32, #tpu.memory_space<vmem>>
        %dma_wait3A_1166 = arith.constant 0 : i32
        %dma_wait3A_1167 = arith.constant 0 : i32
        %dma_wait3A_1168 = tpu.memref_slice %arg18[%dma_wait3A_1166, %dma_wait3A_1167] : memref<10240x128xf32, #tpu.memory_space<vmem_shared>> -> memref<10240x128xf32, #tpu.memory_space<vmem_shared>>
        tpu.wait_indirect_dma semaphore(%arg28 : memref<!tpu.dma_semaphore, #tpu.memory_space<semaphore_mem>>) src(%arg15 : memref<80x128xf32, #tpu.memory_space<vmem>>) dst(%dma_wait3A_1168 : memref<10240x128xf32, #tpu.memory_space<vmem_shared>>)
      } else {
      }
      %add3A_860 = arith.constant 1 : i32
      %add3A_861 = arith.addi %add3A_836, %add3A_860 : i32
      %lt3A_862 = arith.constant 16 : i32
      %lt3A_863 = arith.cmpi slt, %add3A_861, %lt3A_862 : i32
      %convert_element_type3A_864 = arith.extui %lt3A_863 : i1 to i32
      %cond3A_865 = arith.constant 0 : i32
      %cond3A_866 = arith.cmpi ne, %convert_element_type3A_864, %cond3A_865 : i32
      scf.if %cond3A_866 {
        %dma_start3A_1162 = arith.constant 1 : i32
        %dma_start3A_1163 = arith.constant 0 : i32
        %dma_start3A_1164 = tpu.memref_slice %arg9[%dma_start3A_1162, %dma_start3A_1163] : memref<8x80xi32, #tpu.memory_space<vmem>> -> memref<1x80xi32, #tpu.memory_space<vmem>>
        %dma_start3A_1165 = tpu.memref_squeeze %dma_start3A_1164 : memref<1x80xi32, #tpu.memory_space<vmem>> -> memref<80xi32, #tpu.memory_space<vmem>>
        %dma_start3A_1166 = arith.constant 0 : i32
        %dma_start3A_1167 = arith.constant 0 : i32
        %dma_start3A_1168 = tpu.memref_slice %arg2[%dma_start3A_1166, %dma_start3A_1167] : memref<10240x128xf32, #tpu.memory_space<hbm>> -> memref<10240x128xf32, #tpu.memory_space<hbm>>
        tpu.enqueue_indirect_dma source(%dma_start3A_1168 : memref<10240x128xf32, #tpu.memory_space<hbm>>) target(%arg15 : memref<80x128xf32, #tpu.memory_space<vmem>>) offsets(%dma_start3A_1165 : memref<80xi32, #tpu.memory_space<vmem>>) semaphore(%arg24 : memref<!tpu.dma_semaphore, #tpu.memory_space<semaphore_mem>>)
      } else {
      }
      %add3A_867 = arith.constant 2 : i32
      %add3A_868 = arith.addi %add3A_113, %add3A_867 : i32
      %mul3A_869 = arith.constant 8 : i32
      %mul3A_870 = arith.muli %add3A_868, %mul3A_869 : i32
      %add3A_871 = arith.constant 7 : i32
      %add3A_872 = arith.addi %mul3A_870, %add3A_871 : i32
      %dma_wait3A_873 = arith.constant 7 : i32
      %dma_wait3A_874 = arith.constant 0 : i32
      %dma_wait3A_875 = tpu.memref_slice %arg8[%dma_wait3A_873, %dma_wait3A_874] : memref<8x80xi32, #tpu.memory_space<vmem>> -> memref<1x80xi32, #tpu.memory_space<vmem>>
      %dma_wait3A_876 = tpu.memref_squeeze %dma_wait3A_875 : memref<1x80xi32, #tpu.memory_space<vmem>> -> memref<80xi32, #tpu.memory_space<vmem>>
      %dma_wait3A_877 = arith.constant 0 : i32
      %dma_wait3A_878 = arith.constant 0 : i32
      %dma_wait3A_879 = tpu.memref_slice %arg2[%dma_wait3A_877, %dma_wait3A_878] : memref<10240x128xf32, #tpu.memory_space<hbm>> -> memref<10240x128xf32, #tpu.memory_space<hbm>>
      tpu.wait_indirect_dma semaphore(%arg26 : memref<!tpu.dma_semaphore, #tpu.memory_space<semaphore_mem>>) src(%dma_wait3A_879 : memref<10240x128xf32, #tpu.memory_space<hbm>>) dst(%arg17 : memref<80x128xf32, #tpu.memory_space<vmem>>)
      %dma_start3A_880 = arith.constant 7 : i32
      %dma_start3A_881 = arith.constant 0 : i32
      %dma_start3A_882 = tpu.memref_slice %arg12[%dma_start3A_880, %dma_start3A_881] : memref<8x80xi32, #tpu.memory_space<vmem>> -> memref<1x80xi32, #tpu.memory_space<vmem>>
      %dma_start3A_883 = tpu.memref_squeeze %dma_start3A_882 : memref<1x80xi32, #tpu.memory_space<vmem>> -> memref<80xi32, #tpu.memory_space<vmem>>
      %dma_start3A_884 = arith.constant 0 : i32
      %dma_start3A_885 = arith.constant 0 : i32
      %dma_start3A_886 = tpu.memref_slice %arg18[%dma_start3A_884, %dma_start3A_885] : memref<10240x128xf32, #tpu.memory_space<vmem_shared>> -> memref<10240x128xf32, #tpu.memory_space<vmem_shared>>
      tpu.enqueue_indirect_dma source(%arg17 : memref<80x128xf32, #tpu.memory_space<vmem>>) target(%dma_start3A_886 : memref<10240x128xf32, #tpu.memory_space<vmem_shared>>) offsets(%dma_start3A_883 : memref<80xi32, #tpu.memory_space<vmem>>) semaphore(%arg30 : memref<!tpu.dma_semaphore, #tpu.memory_space<semaphore_mem>>) {add = true}
      %gt3A_887 = arith.constant 0 : i32
      %gt3A_888 = arith.cmpi sgt, %add3A_872, %gt3A_887 : i32
      %convert_element_type3A_889 = arith.extui %gt3A_888 : i1 to i32
      %cond3A_890 = arith.constant 0 : i32
      %cond3A_891 = arith.cmpi ne, %convert_element_type3A_889, %cond3A_890 : i32
      scf.if %cond3A_891 {
        %dma_wait3A_1162 = arith.constant 6 : i32
        %dma_wait3A_1163 = arith.constant 0 : i32
        %dma_wait3A_1164 = tpu.memref_slice %arg12[%dma_wait3A_1162, %dma_wait3A_1163] : memref<8x80xi32, #tpu.memory_space<vmem>> -> memref<1x80xi32, #tpu.memory_space<vmem>>
        %dma_wait3A_1165 = tpu.memref_squeeze %dma_wait3A_1164 : memref<1x80xi32, #tpu.memory_space<vmem>> -> memref<80xi32, #tpu.memory_space<vmem>>
        %dma_wait3A_1166 = arith.constant 0 : i32
        %dma_wait3A_1167 = arith.constant 0 : i32
        %dma_wait3A_1168 = tpu.memref_slice %arg18[%dma_wait3A_1166, %dma_wait3A_1167] : memref<10240x128xf32, #tpu.memory_space<vmem_shared>> -> memref<10240x128xf32, #tpu.memory_space<vmem_shared>>
        tpu.wait_indirect_dma semaphore(%arg29 : memref<!tpu.dma_semaphore, #tpu.memory_space<semaphore_mem>>) src(%arg16 : memref<80x128xf32, #tpu.memory_space<vmem>>) dst(%dma_wait3A_1168 : memref<10240x128xf32, #tpu.memory_space<vmem_shared>>)
      } else {
      }
      %add3A_892 = arith.constant 1 : i32
      %add3A_893 = arith.addi %add3A_868, %add3A_892 : i32
      %lt3A_894 = arith.constant 16 : i32
      %lt3A_895 = arith.cmpi slt, %add3A_893, %lt3A_894 : i32
      %convert_element_type3A_896 = arith.extui %lt3A_895 : i1 to i32
      %cond3A_897 = arith.constant 0 : i32
      %cond3A_898 = arith.cmpi ne, %convert_element_type3A_896, %cond3A_897 : i32
      scf.if %cond3A_898 {
        %dma_start3A_1162 = arith.constant 2 : i32
        %dma_start3A_1163 = arith.constant 0 : i32
        %dma_start3A_1164 = tpu.memref_slice %arg9[%dma_start3A_1162, %dma_start3A_1163] : memref<8x80xi32, #tpu.memory_space<vmem>> -> memref<1x80xi32, #tpu.memory_space<vmem>>
        %dma_start3A_1165 = tpu.memref_squeeze %dma_start3A_1164 : memref<1x80xi32, #tpu.memory_space<vmem>> -> memref<80xi32, #tpu.memory_space<vmem>>
        %dma_start3A_1166 = arith.constant 0 : i32
        %dma_start3A_1167 = arith.constant 0 : i32
        %dma_start3A_1168 = tpu.memref_slice %arg2[%dma_start3A_1166, %dma_start3A_1167] : memref<10240x128xf32, #tpu.memory_space<hbm>> -> memref<10240x128xf32, #tpu.memory_space<hbm>>
        tpu.enqueue_indirect_dma source(%dma_start3A_1168 : memref<10240x128xf32, #tpu.memory_space<hbm>>) target(%arg16 : memref<80x128xf32, #tpu.memory_space<vmem>>) offsets(%dma_start3A_1165 : memref<80xi32, #tpu.memory_space<vmem>>) semaphore(%arg25 : memref<!tpu.dma_semaphore, #tpu.memory_space<semaphore_mem>>)
      } else {
      }
      %add3A_899 = arith.constant 3 : i32
      %add3A_900 = arith.addi %add3A_113, %add3A_899 : i32
      %mul3A_901 = arith.constant 8 : i32
      %mul3A_902 = arith.muli %add3A_900, %mul3A_901 : i32
      %add3A_903 = arith.constant 0 : i32
      %add3A_904 = arith.addi %mul3A_902, %add3A_903 : i32
      %dma_wait3A_905 = arith.constant 0 : i32
      %dma_wait3A_906 = arith.constant 0 : i32
      %dma_wait3A_907 = tpu.memref_slice %arg9[%dma_wait3A_905, %dma_wait3A_906] : memref<8x80xi32, #tpu.memory_space<vmem>> -> memref<1x80xi32, #tpu.memory_space<vmem>>
      %dma_wait3A_908 = tpu.memref_squeeze %dma_wait3A_907 : memref<1x80xi32, #tpu.memory_space<vmem>> -> memref<80xi32, #tpu.memory_space<vmem>>
      %dma_wait3A_909 = arith.constant 0 : i32
      %dma_wait3A_910 = arith.constant 0 : i32
      %dma_wait3A_911 = tpu.memref_slice %arg2[%dma_wait3A_909, %dma_wait3A_910] : memref<10240x128xf32, #tpu.memory_space<hbm>> -> memref<10240x128xf32, #tpu.memory_space<hbm>>
      tpu.wait_indirect_dma semaphore(%arg23 : memref<!tpu.dma_semaphore, #tpu.memory_space<semaphore_mem>>) src(%dma_wait3A_911 : memref<10240x128xf32, #tpu.memory_space<hbm>>) dst(%arg14 : memref<80x128xf32, #tpu.memory_space<vmem>>)
      %dma_start3A_912 = arith.constant 0 : i32
      %dma_start3A_913 = arith.constant 0 : i32
      %dma_start3A_914 = tpu.memref_slice %arg13[%dma_start3A_912, %dma_start3A_913] : memref<8x80xi32, #tpu.memory_space<vmem>> -> memref<1x80xi32, #tpu.memory_space<vmem>>
      %dma_start3A_915 = tpu.memref_squeeze %dma_start3A_914 : memref<1x80xi32, #tpu.memory_space<vmem>> -> memref<80xi32, #tpu.memory_space<vmem>>
      %dma_start3A_916 = arith.constant 0 : i32
      %dma_start3A_917 = arith.constant 0 : i32
      %dma_start3A_918 = tpu.memref_slice %arg18[%dma_start3A_916, %dma_start3A_917] : memref<10240x128xf32, #tpu.memory_space<vmem_shared>> -> memref<10240x128xf32, #tpu.memory_space<vmem_shared>>
      tpu.enqueue_indirect_dma source(%arg14 : memref<80x128xf32, #tpu.memory_space<vmem>>) target(%dma_start3A_918 : memref<10240x128xf32, #tpu.memory_space<vmem_shared>>) offsets(%dma_start3A_915 : memref<80xi32, #tpu.memory_space<vmem>>) semaphore(%arg27 : memref<!tpu.dma_semaphore, #tpu.memory_space<semaphore_mem>>) {add = true}
      %gt3A_919 = arith.constant 0 : i32
      %gt3A_920 = arith.cmpi sgt, %add3A_904, %gt3A_919 : i32
      %convert_element_type3A_921 = arith.extui %gt3A_920 : i1 to i32
      %cond3A_922 = arith.constant 0 : i32
      %cond3A_923 = arith.cmpi ne, %convert_element_type3A_921, %cond3A_922 : i32
      scf.if %cond3A_923 {
        %dma_wait3A_1162 = arith.constant 7 : i32
        %dma_wait3A_1163 = arith.constant 0 : i32
        %dma_wait3A_1164 = tpu.memref_slice %arg12[%dma_wait3A_1162, %dma_wait3A_1163] : memref<8x80xi32, #tpu.memory_space<vmem>> -> memref<1x80xi32, #tpu.memory_space<vmem>>
        %dma_wait3A_1165 = tpu.memref_squeeze %dma_wait3A_1164 : memref<1x80xi32, #tpu.memory_space<vmem>> -> memref<80xi32, #tpu.memory_space<vmem>>
        %dma_wait3A_1166 = arith.constant 0 : i32
        %dma_wait3A_1167 = arith.constant 0 : i32
        %dma_wait3A_1168 = tpu.memref_slice %arg18[%dma_wait3A_1166, %dma_wait3A_1167] : memref<10240x128xf32, #tpu.memory_space<vmem_shared>> -> memref<10240x128xf32, #tpu.memory_space<vmem_shared>>
        tpu.wait_indirect_dma semaphore(%arg30 : memref<!tpu.dma_semaphore, #tpu.memory_space<semaphore_mem>>) src(%arg17 : memref<80x128xf32, #tpu.memory_space<vmem>>) dst(%dma_wait3A_1168 : memref<10240x128xf32, #tpu.memory_space<vmem_shared>>)
      } else {
      }
      %dma_start3A_924 = arith.constant 3 : i32
      %dma_start3A_925 = arith.constant 0 : i32
      %dma_start3A_926 = tpu.memref_slice %arg9[%dma_start3A_924, %dma_start3A_925] : memref<8x80xi32, #tpu.memory_space<vmem>> -> memref<1x80xi32, #tpu.memory_space<vmem>>
      %dma_start3A_927 = tpu.memref_squeeze %dma_start3A_926 : memref<1x80xi32, #tpu.memory_space<vmem>> -> memref<80xi32, #tpu.memory_space<vmem>>
      %dma_start3A_928 = arith.constant 0 : i32
      %dma_start3A_929 = arith.constant 0 : i32
      %dma_start3A_930 = tpu.memref_slice %arg2[%dma_start3A_928, %dma_start3A_929] : memref<10240x128xf32, #tpu.memory_space<hbm>> -> memref<10240x128xf32, #tpu.memory_space<hbm>>
      tpu.enqueue_indirect_dma source(%dma_start3A_930 : memref<10240x128xf32, #tpu.memory_space<hbm>>) target(%arg17 : memref<80x128xf32, #tpu.memory_space<vmem>>) offsets(%dma_start3A_927 : memref<80xi32, #tpu.memory_space<vmem>>) semaphore(%arg26 : memref<!tpu.dma_semaphore, #tpu.memory_space<semaphore_mem>>)
      %add3A_931 = arith.constant 3 : i32
      %add3A_932 = arith.addi %add3A_113, %add3A_931 : i32
      %mul3A_933 = arith.constant 8 : i32
      %mul3A_934 = arith.muli %add3A_932, %mul3A_933 : i32
      %add3A_935 = arith.constant 1 : i32
      %add3A_936 = arith.addi %mul3A_934, %add3A_935 : i32
      %dma_wait3A_937 = arith.constant 1 : i32
      %dma_wait3A_938 = arith.constant 0 : i32
      %dma_wait3A_939 = tpu.memref_slice %arg9[%dma_wait3A_937, %dma_wait3A_938] : memref<8x80xi32, #tpu.memory_space<vmem>> -> memref<1x80xi32, #tpu.memory_space<vmem>>
      %dma_wait3A_940 = tpu.memref_squeeze %dma_wait3A_939 : memref<1x80xi32, #tpu.memory_space<vmem>> -> memref<80xi32, #tpu.memory_space<vmem>>
      %dma_wait3A_941 = arith.constant 0 : i32
      %dma_wait3A_942 = arith.constant 0 : i32
      %dma_wait3A_943 = tpu.memref_slice %arg2[%dma_wait3A_941, %dma_wait3A_942] : memref<10240x128xf32, #tpu.memory_space<hbm>> -> memref<10240x128xf32, #tpu.memory_space<hbm>>
      tpu.wait_indirect_dma semaphore(%arg24 : memref<!tpu.dma_semaphore, #tpu.memory_space<semaphore_mem>>) src(%dma_wait3A_943 : memref<10240x128xf32, #tpu.memory_space<hbm>>) dst(%arg15 : memref<80x128xf32, #tpu.memory_space<vmem>>)
      %dma_start3A_944 = arith.constant 1 : i32
      %dma_start3A_945 = arith.constant 0 : i32
      %dma_start3A_946 = tpu.memref_slice %arg13[%dma_start3A_944, %dma_start3A_945] : memref<8x80xi32, #tpu.memory_space<vmem>> -> memref<1x80xi32, #tpu.memory_space<vmem>>
      %dma_start3A_947 = tpu.memref_squeeze %dma_start3A_946 : memref<1x80xi32, #tpu.memory_space<vmem>> -> memref<80xi32, #tpu.memory_space<vmem>>
      %dma_start3A_948 = arith.constant 0 : i32
      %dma_start3A_949 = arith.constant 0 : i32
      %dma_start3A_950 = tpu.memref_slice %arg18[%dma_start3A_948, %dma_start3A_949] : memref<10240x128xf32, #tpu.memory_space<vmem_shared>> -> memref<10240x128xf32, #tpu.memory_space<vmem_shared>>
      tpu.enqueue_indirect_dma source(%arg15 : memref<80x128xf32, #tpu.memory_space<vmem>>) target(%dma_start3A_950 : memref<10240x128xf32, #tpu.memory_space<vmem_shared>>) offsets(%dma_start3A_947 : memref<80xi32, #tpu.memory_space<vmem>>) semaphore(%arg28 : memref<!tpu.dma_semaphore, #tpu.memory_space<semaphore_mem>>) {add = true}
      %gt3A_951 = arith.constant 0 : i32
      %gt3A_952 = arith.cmpi sgt, %add3A_936, %gt3A_951 : i32
      %convert_element_type3A_953 = arith.extui %gt3A_952 : i1 to i32
      %cond3A_954 = arith.constant 0 : i32
      %cond3A_955 = arith.cmpi ne, %convert_element_type3A_953, %cond3A_954 : i32
      scf.if %cond3A_955 {
        %dma_wait3A_1162 = arith.constant 0 : i32
        %dma_wait3A_1163 = arith.constant 0 : i32
        %dma_wait3A_1164 = tpu.memref_slice %arg13[%dma_wait3A_1162, %dma_wait3A_1163] : memref<8x80xi32, #tpu.memory_space<vmem>> -> memref<1x80xi32, #tpu.memory_space<vmem>>
        %dma_wait3A_1165 = tpu.memref_squeeze %dma_wait3A_1164 : memref<1x80xi32, #tpu.memory_space<vmem>> -> memref<80xi32, #tpu.memory_space<vmem>>
        %dma_wait3A_1166 = arith.constant 0 : i32
        %dma_wait3A_1167 = arith.constant 0 : i32
        %dma_wait3A_1168 = tpu.memref_slice %arg18[%dma_wait3A_1166, %dma_wait3A_1167] : memref<10240x128xf32, #tpu.memory_space<vmem_shared>> -> memref<10240x128xf32, #tpu.memory_space<vmem_shared>>
        tpu.wait_indirect_dma semaphore(%arg27 : memref<!tpu.dma_semaphore, #tpu.memory_space<semaphore_mem>>) src(%arg14 : memref<80x128xf32, #tpu.memory_space<vmem>>) dst(%dma_wait3A_1168 : memref<10240x128xf32, #tpu.memory_space<vmem_shared>>)
      } else {
      }
      %dma_start3A_956 = arith.constant 4 : i32
      %dma_start3A_957 = arith.constant 0 : i32
      %dma_start3A_958 = tpu.memref_slice %arg9[%dma_start3A_956, %dma_start3A_957] : memref<8x80xi32, #tpu.memory_space<vmem>> -> memref<1x80xi32, #tpu.memory_space<vmem>>
      %dma_start3A_959 = tpu.memref_squeeze %dma_start3A_958 : memref<1x80xi32, #tpu.memory_space<vmem>> -> memref<80xi32, #tpu.memory_space<vmem>>
      %dma_start3A_960 = arith.constant 0 : i32
      %dma_start3A_961 = arith.constant 0 : i32
      %dma_start3A_962 = tpu.memref_slice %arg2[%dma_start3A_960, %dma_start3A_961] : memref<10240x128xf32, #tpu.memory_space<hbm>> -> memref<10240x128xf32, #tpu.memory_space<hbm>>
      tpu.enqueue_indirect_dma source(%dma_start3A_962 : memref<10240x128xf32, #tpu.memory_space<hbm>>) target(%arg14 : memref<80x128xf32, #tpu.memory_space<vmem>>) offsets(%dma_start3A_959 : memref<80xi32, #tpu.memory_space<vmem>>) semaphore(%arg23 : memref<!tpu.dma_semaphore, #tpu.memory_space<semaphore_mem>>)
      %add3A_963 = arith.constant 3 : i32
      %add3A_964 = arith.addi %add3A_113, %add3A_963 : i32
      %mul3A_965 = arith.constant 8 : i32
      %mul3A_966 = arith.muli %add3A_964, %mul3A_965 : i32
      %add3A_967 = arith.constant 2 : i32
      %add3A_968 = arith.addi %mul3A_966, %add3A_967 : i32
      %dma_wait3A_969 = arith.constant 2 : i32
      %dma_wait3A_970 = arith.constant 0 : i32
      %dma_wait3A_971 = tpu.memref_slice %arg9[%dma_wait3A_969, %dma_wait3A_970] : memref<8x80xi32, #tpu.memory_space<vmem>> -> memref<1x80xi32, #tpu.memory_space<vmem>>
      %dma_wait3A_972 = tpu.memref_squeeze %dma_wait3A_971 : memref<1x80xi32, #tpu.memory_space<vmem>> -> memref<80xi32, #tpu.memory_space<vmem>>
      %dma_wait3A_973 = arith.constant 0 : i32
      %dma_wait3A_974 = arith.constant 0 : i32
      %dma_wait3A_975 = tpu.memref_slice %arg2[%dma_wait3A_973, %dma_wait3A_974] : memref<10240x128xf32, #tpu.memory_space<hbm>> -> memref<10240x128xf32, #tpu.memory_space<hbm>>
      tpu.wait_indirect_dma semaphore(%arg25 : memref<!tpu.dma_semaphore, #tpu.memory_space<semaphore_mem>>) src(%dma_wait3A_975 : memref<10240x128xf32, #tpu.memory_space<hbm>>) dst(%arg16 : memref<80x128xf32, #tpu.memory_space<vmem>>)
      %dma_start3A_976 = arith.constant 2 : i32
      %dma_start3A_977 = arith.constant 0 : i32
      %dma_start3A_978 = tpu.memref_slice %arg13[%dma_start3A_976, %dma_start3A_977] : memref<8x80xi32, #tpu.memory_space<vmem>> -> memref<1x80xi32, #tpu.memory_space<vmem>>
      %dma_start3A_979 = tpu.memref_squeeze %dma_start3A_978 : memref<1x80xi32, #tpu.memory_space<vmem>> -> memref<80xi32, #tpu.memory_space<vmem>>
      %dma_start3A_980 = arith.constant 0 : i32
      %dma_start3A_981 = arith.constant 0 : i32
      %dma_start3A_982 = tpu.memref_slice %arg18[%dma_start3A_980, %dma_start3A_981] : memref<10240x128xf32, #tpu.memory_space<vmem_shared>> -> memref<10240x128xf32, #tpu.memory_space<vmem_shared>>
      tpu.enqueue_indirect_dma source(%arg16 : memref<80x128xf32, #tpu.memory_space<vmem>>) target(%dma_start3A_982 : memref<10240x128xf32, #tpu.memory_space<vmem_shared>>) offsets(%dma_start3A_979 : memref<80xi32, #tpu.memory_space<vmem>>) semaphore(%arg29 : memref<!tpu.dma_semaphore, #tpu.memory_space<semaphore_mem>>) {add = true}
      %gt3A_983 = arith.constant 0 : i32
      %gt3A_984 = arith.cmpi sgt, %add3A_968, %gt3A_983 : i32
      %convert_element_type3A_985 = arith.extui %gt3A_984 : i1 to i32
      %cond3A_986 = arith.constant 0 : i32
      %cond3A_987 = arith.cmpi ne, %convert_element_type3A_985, %cond3A_986 : i32
      scf.if %cond3A_987 {
        %dma_wait3A_1162 = arith.constant 1 : i32
        %dma_wait3A_1163 = arith.constant 0 : i32
        %dma_wait3A_1164 = tpu.memref_slice %arg13[%dma_wait3A_1162, %dma_wait3A_1163] : memref<8x80xi32, #tpu.memory_space<vmem>> -> memref<1x80xi32, #tpu.memory_space<vmem>>
        %dma_wait3A_1165 = tpu.memref_squeeze %dma_wait3A_1164 : memref<1x80xi32, #tpu.memory_space<vmem>> -> memref<80xi32, #tpu.memory_space<vmem>>
        %dma_wait3A_1166 = arith.constant 0 : i32
        %dma_wait3A_1167 = arith.constant 0 : i32
        %dma_wait3A_1168 = tpu.memref_slice %arg18[%dma_wait3A_1166, %dma_wait3A_1167] : memref<10240x128xf32, #tpu.memory_space<vmem_shared>> -> memref<10240x128xf32, #tpu.memory_space<vmem_shared>>
        tpu.wait_indirect_dma semaphore(%arg28 : memref<!tpu.dma_semaphore, #tpu.memory_space<semaphore_mem>>) src(%arg15 : memref<80x128xf32, #tpu.memory_space<vmem>>) dst(%dma_wait3A_1168 : memref<10240x128xf32, #tpu.memory_space<vmem_shared>>)
      } else {
      }
      %add3A_988 = arith.constant 3 : i32
      %add3A_989 = arith.addi %add3A_964, %add3A_988 : i32
      %lt3A_990 = arith.constant 16 : i32
      %lt3A_991 = arith.cmpi slt, %add3A_989, %lt3A_990 : i32
      %convert_element_type3A_992 = arith.extui %lt3A_991 : i1 to i32
      %cond3A_993 = arith.constant 0 : i32
      %cond3A_994 = arith.cmpi ne, %convert_element_type3A_992, %cond3A_993 : i32
      scf.if %cond3A_994 {
        %add3A_1162 = arith.constant 3 : i32
        %add3A_1163 = arith.addi %add3A_964, %add3A_1162 : i32
        %mul3A_1164 = arith.constant 8 : i32
        %mul3A_1165 = arith.muli %add3A_1163, %mul3A_1164 : i32
        %add3A_1166 = arith.addi %mul3A_2, %mul3A_1165 : i32
        %dma_start3A_1167 = arith.constant 0 : i32
        %dma_start3A_1168 = tpu.memref_slice %arg3[%add3A_1166, %dma_start3A_1167] : memref<4096x80xi32, #tpu.memory_space<hbm>> -> memref<8x80xi32, #tpu.memory_space<hbm>>
        %dma_start3A_1169 = arith.constant 0 : i32
        %dma_start3A_1170 = tpu.memref_slice %arg3[%add3A_1166, %dma_start3A_1169] : memref<4096x80xi32, #tpu.memory_space<hbm>> -> memref<8x80xi32, #tpu.memory_space<hbm>>
        tpu.enqueue_dma source(%dma_start3A_1170 : memref<8x80xi32, #tpu.memory_space<hbm>>) target(%arg8 : memref<8x80xi32, #tpu.memory_space<vmem>>) target_semaphore(%arg21 : memref<!tpu.dma_semaphore, #tpu.memory_space<semaphore_mem>>)
        %mul3A_1171 = arith.constant 8 : i32
        %mul3A_1172 = arith.muli %add3A_1163, %mul3A_1171 : i32
        %add3A_1173 = arith.addi %mul3A_2, %mul3A_1172 : i32
        %dma_start3A_1174 = arith.constant 0 : i32
        %dma_start3A_1175 = tpu.memref_slice %arg4[%add3A_1173, %dma_start3A_1174] : memref<4096x80xi32, #tpu.memory_space<hbm>> -> memref<8x80xi32, #tpu.memory_space<hbm>>
        %dma_start3A_1176 = arith.constant 0 : i32
        %dma_start3A_1177 = tpu.memref_slice %arg4[%add3A_1173, %dma_start3A_1176] : memref<4096x80xi32, #tpu.memory_space<hbm>> -> memref<8x80xi32, #tpu.memory_space<hbm>>
        tpu.enqueue_dma source(%dma_start3A_1177 : memref<8x80xi32, #tpu.memory_space<hbm>>) target(%arg12 : memref<8x80xi32, #tpu.memory_space<vmem>>) target_semaphore(%arg21 : memref<!tpu.dma_semaphore, #tpu.memory_space<semaphore_mem>>)
      } else {
      }
      %dma_start3A_995 = arith.constant 5 : i32
      %dma_start3A_996 = arith.constant 0 : i32
      %dma_start3A_997 = tpu.memref_slice %arg9[%dma_start3A_995, %dma_start3A_996] : memref<8x80xi32, #tpu.memory_space<vmem>> -> memref<1x80xi32, #tpu.memory_space<vmem>>
      %dma_start3A_998 = tpu.memref_squeeze %dma_start3A_997 : memref<1x80xi32, #tpu.memory_space<vmem>> -> memref<80xi32, #tpu.memory_space<vmem>>
      %dma_start3A_999 = arith.constant 0 : i32
      %dma_start3A_1000 = arith.constant 0 : i32
      %dma_start3A_1001 = tpu.memref_slice %arg2[%dma_start3A_999, %dma_start3A_1000] : memref<10240x128xf32, #tpu.memory_space<hbm>> -> memref<10240x128xf32, #tpu.memory_space<hbm>>
      tpu.enqueue_indirect_dma source(%dma_start3A_1001 : memref<10240x128xf32, #tpu.memory_space<hbm>>) target(%arg15 : memref<80x128xf32, #tpu.memory_space<vmem>>) offsets(%dma_start3A_998 : memref<80xi32, #tpu.memory_space<vmem>>) semaphore(%arg24 : memref<!tpu.dma_semaphore, #tpu.memory_space<semaphore_mem>>)
      %add3A_1002 = arith.constant 3 : i32
      %add3A_1003 = arith.addi %add3A_113, %add3A_1002 : i32
      %mul3A_1004 = arith.constant 8 : i32
      %mul3A_1005 = arith.muli %add3A_1003, %mul3A_1004 : i32
      %add3A_1006 = arith.constant 3 : i32
      %add3A_1007 = arith.addi %mul3A_1005, %add3A_1006 : i32
      %dma_wait3A_1008 = arith.constant 3 : i32
      %dma_wait3A_1009 = arith.constant 0 : i32
      %dma_wait3A_1010 = tpu.memref_slice %arg9[%dma_wait3A_1008, %dma_wait3A_1009] : memref<8x80xi32, #tpu.memory_space<vmem>> -> memref<1x80xi32, #tpu.memory_space<vmem>>
      %dma_wait3A_1011 = tpu.memref_squeeze %dma_wait3A_1010 : memref<1x80xi32, #tpu.memory_space<vmem>> -> memref<80xi32, #tpu.memory_space<vmem>>
      %dma_wait3A_1012 = arith.constant 0 : i32
      %dma_wait3A_1013 = arith.constant 0 : i32
      %dma_wait3A_1014 = tpu.memref_slice %arg2[%dma_wait3A_1012, %dma_wait3A_1013] : memref<10240x128xf32, #tpu.memory_space<hbm>> -> memref<10240x128xf32, #tpu.memory_space<hbm>>
      tpu.wait_indirect_dma semaphore(%arg26 : memref<!tpu.dma_semaphore, #tpu.memory_space<semaphore_mem>>) src(%dma_wait3A_1014 : memref<10240x128xf32, #tpu.memory_space<hbm>>) dst(%arg17 : memref<80x128xf32, #tpu.memory_space<vmem>>)
      %dma_start3A_1015 = arith.constant 3 : i32
      %dma_start3A_1016 = arith.constant 0 : i32
      %dma_start3A_1017 = tpu.memref_slice %arg13[%dma_start3A_1015, %dma_start3A_1016] : memref<8x80xi32, #tpu.memory_space<vmem>> -> memref<1x80xi32, #tpu.memory_space<vmem>>
      %dma_start3A_1018 = tpu.memref_squeeze %dma_start3A_1017 : memref<1x80xi32, #tpu.memory_space<vmem>> -> memref<80xi32, #tpu.memory_space<vmem>>
      %dma_start3A_1019 = arith.constant 0 : i32
      %dma_start3A_1020 = arith.constant 0 : i32
      %dma_start3A_1021 = tpu.memref_slice %arg18[%dma_start3A_1019, %dma_start3A_1020] : memref<10240x128xf32, #tpu.memory_space<vmem_shared>> -> memref<10240x128xf32, #tpu.memory_space<vmem_shared>>
      tpu.enqueue_indirect_dma source(%arg17 : memref<80x128xf32, #tpu.memory_space<vmem>>) target(%dma_start3A_1021 : memref<10240x128xf32, #tpu.memory_space<vmem_shared>>) offsets(%dma_start3A_1018 : memref<80xi32, #tpu.memory_space<vmem>>) semaphore(%arg30 : memref<!tpu.dma_semaphore, #tpu.memory_space<semaphore_mem>>) {add = true}
      %gt3A_1022 = arith.constant 0 : i32
      %gt3A_1023 = arith.cmpi sgt, %add3A_1007, %gt3A_1022 : i32
      %convert_element_type3A_1024 = arith.extui %gt3A_1023 : i1 to i32
      %cond3A_1025 = arith.constant 0 : i32
      %cond3A_1026 = arith.cmpi ne, %convert_element_type3A_1024, %cond3A_1025 : i32
      scf.if %cond3A_1026 {
        %dma_wait3A_1162 = arith.constant 2 : i32
        %dma_wait3A_1163 = arith.constant 0 : i32
        %dma_wait3A_1164 = tpu.memref_slice %arg13[%dma_wait3A_1162, %dma_wait3A_1163] : memref<8x80xi32, #tpu.memory_space<vmem>> -> memref<1x80xi32, #tpu.memory_space<vmem>>
        %dma_wait3A_1165 = tpu.memref_squeeze %dma_wait3A_1164 : memref<1x80xi32, #tpu.memory_space<vmem>> -> memref<80xi32, #tpu.memory_space<vmem>>
        %dma_wait3A_1166 = arith.constant 0 : i32
        %dma_wait3A_1167 = arith.constant 0 : i32
        %dma_wait3A_1168 = tpu.memref_slice %arg18[%dma_wait3A_1166, %dma_wait3A_1167] : memref<10240x128xf32, #tpu.memory_space<vmem_shared>> -> memref<10240x128xf32, #tpu.memory_space<vmem_shared>>
        tpu.wait_indirect_dma semaphore(%arg29 : memref<!tpu.dma_semaphore, #tpu.memory_space<semaphore_mem>>) src(%arg16 : memref<80x128xf32, #tpu.memory_space<vmem>>) dst(%dma_wait3A_1168 : memref<10240x128xf32, #tpu.memory_space<vmem_shared>>)
      } else {
      }
      %dma_start3A_1027 = arith.constant 6 : i32
      %dma_start3A_1028 = arith.constant 0 : i32
      %dma_start3A_1029 = tpu.memref_slice %arg9[%dma_start3A_1027, %dma_start3A_1028] : memref<8x80xi32, #tpu.memory_space<vmem>> -> memref<1x80xi32, #tpu.memory_space<vmem>>
      %dma_start3A_1030 = tpu.memref_squeeze %dma_start3A_1029 : memref<1x80xi32, #tpu.memory_space<vmem>> -> memref<80xi32, #tpu.memory_space<vmem>>
      %dma_start3A_1031 = arith.constant 0 : i32
      %dma_start3A_1032 = arith.constant 0 : i32
      %dma_start3A_1033 = tpu.memref_slice %arg2[%dma_start3A_1031, %dma_start3A_1032] : memref<10240x128xf32, #tpu.memory_space<hbm>> -> memref<10240x128xf32, #tpu.memory_space<hbm>>
      tpu.enqueue_indirect_dma source(%dma_start3A_1033 : memref<10240x128xf32, #tpu.memory_space<hbm>>) target(%arg16 : memref<80x128xf32, #tpu.memory_space<vmem>>) offsets(%dma_start3A_1030 : memref<80xi32, #tpu.memory_space<vmem>>) semaphore(%arg25 : memref<!tpu.dma_semaphore, #tpu.memory_space<semaphore_mem>>)
      %add3A_1034 = arith.constant 3 : i32
      %add3A_1035 = arith.addi %add3A_113, %add3A_1034 : i32
      %mul3A_1036 = arith.constant 8 : i32
      %mul3A_1037 = arith.muli %add3A_1035, %mul3A_1036 : i32
      %add3A_1038 = arith.constant 4 : i32
      %add3A_1039 = arith.addi %mul3A_1037, %add3A_1038 : i32
      %dma_wait3A_1040 = arith.constant 4 : i32
      %dma_wait3A_1041 = arith.constant 0 : i32
      %dma_wait3A_1042 = tpu.memref_slice %arg9[%dma_wait3A_1040, %dma_wait3A_1041] : memref<8x80xi32, #tpu.memory_space<vmem>> -> memref<1x80xi32, #tpu.memory_space<vmem>>
      %dma_wait3A_1043 = tpu.memref_squeeze %dma_wait3A_1042 : memref<1x80xi32, #tpu.memory_space<vmem>> -> memref<80xi32, #tpu.memory_space<vmem>>
      %dma_wait3A_1044 = arith.constant 0 : i32
      %dma_wait3A_1045 = arith.constant 0 : i32
      %dma_wait3A_1046 = tpu.memref_slice %arg2[%dma_wait3A_1044, %dma_wait3A_1045] : memref<10240x128xf32, #tpu.memory_space<hbm>> -> memref<10240x128xf32, #tpu.memory_space<hbm>>
      tpu.wait_indirect_dma semaphore(%arg23 : memref<!tpu.dma_semaphore, #tpu.memory_space<semaphore_mem>>) src(%dma_wait3A_1046 : memref<10240x128xf32, #tpu.memory_space<hbm>>) dst(%arg14 : memref<80x128xf32, #tpu.memory_space<vmem>>)
      %dma_start3A_1047 = arith.constant 4 : i32
      %dma_start3A_1048 = arith.constant 0 : i32
      %dma_start3A_1049 = tpu.memref_slice %arg13[%dma_start3A_1047, %dma_start3A_1048] : memref<8x80xi32, #tpu.memory_space<vmem>> -> memref<1x80xi32, #tpu.memory_space<vmem>>
      %dma_start3A_1050 = tpu.memref_squeeze %dma_start3A_1049 : memref<1x80xi32, #tpu.memory_space<vmem>> -> memref<80xi32, #tpu.memory_space<vmem>>
      %dma_start3A_1051 = arith.constant 0 : i32
      %dma_start3A_1052 = arith.constant 0 : i32
      %dma_start3A_1053 = tpu.memref_slice %arg18[%dma_start3A_1051, %dma_start3A_1052] : memref<10240x128xf32, #tpu.memory_space<vmem_shared>> -> memref<10240x128xf32, #tpu.memory_space<vmem_shared>>
      tpu.enqueue_indirect_dma source(%arg14 : memref<80x128xf32, #tpu.memory_space<vmem>>) target(%dma_start3A_1053 : memref<10240x128xf32, #tpu.memory_space<vmem_shared>>) offsets(%dma_start3A_1050 : memref<80xi32, #tpu.memory_space<vmem>>) semaphore(%arg27 : memref<!tpu.dma_semaphore, #tpu.memory_space<semaphore_mem>>) {add = true}
      %gt3A_1054 = arith.constant 0 : i32
      %gt3A_1055 = arith.cmpi sgt, %add3A_1039, %gt3A_1054 : i32
      %convert_element_type3A_1056 = arith.extui %gt3A_1055 : i1 to i32
      %cond3A_1057 = arith.constant 0 : i32
      %cond3A_1058 = arith.cmpi ne, %convert_element_type3A_1056, %cond3A_1057 : i32
      scf.if %cond3A_1058 {
        %dma_wait3A_1162 = arith.constant 3 : i32
        %dma_wait3A_1163 = arith.constant 0 : i32
        %dma_wait3A_1164 = tpu.memref_slice %arg13[%dma_wait3A_1162, %dma_wait3A_1163] : memref<8x80xi32, #tpu.memory_space<vmem>> -> memref<1x80xi32, #tpu.memory_space<vmem>>
        %dma_wait3A_1165 = tpu.memref_squeeze %dma_wait3A_1164 : memref<1x80xi32, #tpu.memory_space<vmem>> -> memref<80xi32, #tpu.memory_space<vmem>>
        %dma_wait3A_1166 = arith.constant 0 : i32
        %dma_wait3A_1167 = arith.constant 0 : i32
        %dma_wait3A_1168 = tpu.memref_slice %arg18[%dma_wait3A_1166, %dma_wait3A_1167] : memref<10240x128xf32, #tpu.memory_space<vmem_shared>> -> memref<10240x128xf32, #tpu.memory_space<vmem_shared>>
        tpu.wait_indirect_dma semaphore(%arg30 : memref<!tpu.dma_semaphore, #tpu.memory_space<semaphore_mem>>) src(%arg17 : memref<80x128xf32, #tpu.memory_space<vmem>>) dst(%dma_wait3A_1168 : memref<10240x128xf32, #tpu.memory_space<vmem_shared>>)
      } else {
      }
      %dma_start3A_1059 = arith.constant 7 : i32
      %dma_start3A_1060 = arith.constant 0 : i32
      %dma_start3A_1061 = tpu.memref_slice %arg9[%dma_start3A_1059, %dma_start3A_1060] : memref<8x80xi32, #tpu.memory_space<vmem>> -> memref<1x80xi32, #tpu.memory_space<vmem>>
      %dma_start3A_1062 = tpu.memref_squeeze %dma_start3A_1061 : memref<1x80xi32, #tpu.memory_space<vmem>> -> memref<80xi32, #tpu.memory_space<vmem>>
      %dma_start3A_1063 = arith.constant 0 : i32
      %dma_start3A_1064 = arith.constant 0 : i32
      %dma_start3A_1065 = tpu.memref_slice %arg2[%dma_start3A_1063, %dma_start3A_1064] : memref<10240x128xf32, #tpu.memory_space<hbm>> -> memref<10240x128xf32, #tpu.memory_space<hbm>>
      tpu.enqueue_indirect_dma source(%dma_start3A_1065 : memref<10240x128xf32, #tpu.memory_space<hbm>>) target(%arg17 : memref<80x128xf32, #tpu.memory_space<vmem>>) offsets(%dma_start3A_1062 : memref<80xi32, #tpu.memory_space<vmem>>) semaphore(%arg26 : memref<!tpu.dma_semaphore, #tpu.memory_space<semaphore_mem>>)
      %add3A_1066 = arith.constant 3 : i32
      %add3A_1067 = arith.addi %add3A_113, %add3A_1066 : i32
      %mul3A_1068 = arith.constant 8 : i32
      %mul3A_1069 = arith.muli %add3A_1067, %mul3A_1068 : i32
      %add3A_1070 = arith.constant 5 : i32
      %add3A_1071 = arith.addi %mul3A_1069, %add3A_1070 : i32
      %dma_wait3A_1072 = arith.constant 5 : i32
      %dma_wait3A_1073 = arith.constant 0 : i32
      %dma_wait3A_1074 = tpu.memref_slice %arg9[%dma_wait3A_1072, %dma_wait3A_1073] : memref<8x80xi32, #tpu.memory_space<vmem>> -> memref<1x80xi32, #tpu.memory_space<vmem>>
      %dma_wait3A_1075 = tpu.memref_squeeze %dma_wait3A_1074 : memref<1x80xi32, #tpu.memory_space<vmem>> -> memref<80xi32, #tpu.memory_space<vmem>>
      %dma_wait3A_1076 = arith.constant 0 : i32
      %dma_wait3A_1077 = arith.constant 0 : i32
      %dma_wait3A_1078 = tpu.memref_slice %arg2[%dma_wait3A_1076, %dma_wait3A_1077] : memref<10240x128xf32, #tpu.memory_space<hbm>> -> memref<10240x128xf32, #tpu.memory_space<hbm>>
      tpu.wait_indirect_dma semaphore(%arg24 : memref<!tpu.dma_semaphore, #tpu.memory_space<semaphore_mem>>) src(%dma_wait3A_1078 : memref<10240x128xf32, #tpu.memory_space<hbm>>) dst(%arg15 : memref<80x128xf32, #tpu.memory_space<vmem>>)
      %dma_start3A_1079 = arith.constant 5 : i32
      %dma_start3A_1080 = arith.constant 0 : i32
      %dma_start3A_1081 = tpu.memref_slice %arg13[%dma_start3A_1079, %dma_start3A_1080] : memref<8x80xi32, #tpu.memory_space<vmem>> -> memref<1x80xi32, #tpu.memory_space<vmem>>
      %dma_start3A_1082 = tpu.memref_squeeze %dma_start3A_1081 : memref<1x80xi32, #tpu.memory_space<vmem>> -> memref<80xi32, #tpu.memory_space<vmem>>
      %dma_start3A_1083 = arith.constant 0 : i32
      %dma_start3A_1084 = arith.constant 0 : i32
      %dma_start3A_1085 = tpu.memref_slice %arg18[%dma_start3A_1083, %dma_start3A_1084] : memref<10240x128xf32, #tpu.memory_space<vmem_shared>> -> memref<10240x128xf32, #tpu.memory_space<vmem_shared>>
      tpu.enqueue_indirect_dma source(%arg15 : memref<80x128xf32, #tpu.memory_space<vmem>>) target(%dma_start3A_1085 : memref<10240x128xf32, #tpu.memory_space<vmem_shared>>) offsets(%dma_start3A_1082 : memref<80xi32, #tpu.memory_space<vmem>>) semaphore(%arg28 : memref<!tpu.dma_semaphore, #tpu.memory_space<semaphore_mem>>) {add = true}
      %gt3A_1086 = arith.constant 0 : i32
      %gt3A_1087 = arith.cmpi sgt, %add3A_1071, %gt3A_1086 : i32
      %convert_element_type3A_1088 = arith.extui %gt3A_1087 : i1 to i32
      %cond3A_1089 = arith.constant 0 : i32
      %cond3A_1090 = arith.cmpi ne, %convert_element_type3A_1088, %cond3A_1089 : i32
      scf.if %cond3A_1090 {
        %dma_wait3A_1162 = arith.constant 4 : i32
        %dma_wait3A_1163 = arith.constant 0 : i32
        %dma_wait3A_1164 = tpu.memref_slice %arg13[%dma_wait3A_1162, %dma_wait3A_1163] : memref<8x80xi32, #tpu.memory_space<vmem>> -> memref<1x80xi32, #tpu.memory_space<vmem>>
        %dma_wait3A_1165 = tpu.memref_squeeze %dma_wait3A_1164 : memref<1x80xi32, #tpu.memory_space<vmem>> -> memref<80xi32, #tpu.memory_space<vmem>>
        %dma_wait3A_1166 = arith.constant 0 : i32
        %dma_wait3A_1167 = arith.constant 0 : i32
        %dma_wait3A_1168 = tpu.memref_slice %arg18[%dma_wait3A_1166, %dma_wait3A_1167] : memref<10240x128xf32, #tpu.memory_space<vmem_shared>> -> memref<10240x128xf32, #tpu.memory_space<vmem_shared>>
        tpu.wait_indirect_dma semaphore(%arg27 : memref<!tpu.dma_semaphore, #tpu.memory_space<semaphore_mem>>) src(%arg14 : memref<80x128xf32, #tpu.memory_space<vmem>>) dst(%dma_wait3A_1168 : memref<10240x128xf32, #tpu.memory_space<vmem_shared>>)
      } else {
      }
      %add3A_1091 = arith.constant 1 : i32
      %add3A_1092 = arith.addi %add3A_1067, %add3A_1091 : i32
      %lt3A_1093 = arith.constant 16 : i32
      %lt3A_1094 = arith.cmpi slt, %add3A_1092, %lt3A_1093 : i32
      %convert_element_type3A_1095 = arith.extui %lt3A_1094 : i1 to i32
      %cond3A_1096 = arith.constant 0 : i32
      %cond3A_1097 = arith.cmpi ne, %convert_element_type3A_1095, %cond3A_1096 : i32
      scf.if %cond3A_1097 {
        %add3A_1162 = arith.constant 1 : i32
        %add3A_1163 = arith.addi %add3A_1067, %add3A_1162 : i32
        %mul3A_1164 = arith.constant 8 : i32
        %mul3A_1165 = arith.muli %add3A_1163, %mul3A_1164 : i32
        %add3A_1166 = arith.addi %mul3A_2, %mul3A_1165 : i32
        %dma_wait3A_1167 = arith.constant 0 : i32
        %dma_wait3A_1168 = tpu.memref_slice %arg3[%add3A_1166, %dma_wait3A_1167] : memref<4096x80xi32, #tpu.memory_space<hbm>> -> memref<8x80xi32, #tpu.memory_space<hbm>>
        %dma_wait3A_1169 = arith.constant 0 : i32
        %dma_wait3A_1170 = tpu.memref_slice %arg3[%add3A_1166, %dma_wait3A_1169] : memref<4096x80xi32, #tpu.memory_space<hbm>> -> memref<8x80xi32, #tpu.memory_space<hbm>>
        tpu.wait_dma2 semaphore(%arg19 : memref<!tpu.dma_semaphore, #tpu.memory_space<semaphore_mem>>) src(%dma_wait3A_1170 : memref<8x80xi32, #tpu.memory_space<hbm>>) dst(%arg6 : memref<8x80xi32, #tpu.memory_space<vmem>>)
        %mul3A_1171 = arith.constant 8 : i32
        %mul3A_1172 = arith.muli %add3A_1163, %mul3A_1171 : i32
        %add3A_1173 = arith.addi %mul3A_2, %mul3A_1172 : i32
        %dma_wait3A_1174 = arith.constant 0 : i32
        %dma_wait3A_1175 = tpu.memref_slice %arg4[%add3A_1173, %dma_wait3A_1174] : memref<4096x80xi32, #tpu.memory_space<hbm>> -> memref<8x80xi32, #tpu.memory_space<hbm>>
        %dma_wait3A_1176 = arith.constant 0 : i32
        %dma_wait3A_1177 = tpu.memref_slice %arg4[%add3A_1173, %dma_wait3A_1176] : memref<4096x80xi32, #tpu.memory_space<hbm>> -> memref<8x80xi32, #tpu.memory_space<hbm>>
        tpu.wait_dma2 semaphore(%arg19 : memref<!tpu.dma_semaphore, #tpu.memory_space<semaphore_mem>>) src(%dma_wait3A_1177 : memref<8x80xi32, #tpu.memory_space<hbm>>) dst(%arg10 : memref<8x80xi32, #tpu.memory_space<vmem>>)
        %dma_start3A_1178 = arith.constant 0 : i32
        %dma_start3A_1179 = arith.constant 0 : i32
        %dma_start3A_1180 = tpu.memref_slice %arg6[%dma_start3A_1178, %dma_start3A_1179] : memref<8x80xi32, #tpu.memory_space<vmem>> -> memref<1x80xi32, #tpu.memory_space<vmem>>
        %dma_start3A_1181 = tpu.memref_squeeze %dma_start3A_1180 : memref<1x80xi32, #tpu.memory_space<vmem>> -> memref<80xi32, #tpu.memory_space<vmem>>
        %dma_start3A_1182 = arith.constant 0 : i32
        %dma_start3A_1183 = arith.constant 0 : i32
        %dma_start3A_1184 = tpu.memref_slice %arg2[%dma_start3A_1182, %dma_start3A_1183] : memref<10240x128xf32, #tpu.memory_space<hbm>> -> memref<10240x128xf32, #tpu.memory_space<hbm>>
        tpu.enqueue_indirect_dma source(%dma_start3A_1184 : memref<10240x128xf32, #tpu.memory_space<hbm>>) target(%arg14 : memref<80x128xf32, #tpu.memory_space<vmem>>) offsets(%dma_start3A_1181 : memref<80xi32, #tpu.memory_space<vmem>>) semaphore(%arg23 : memref<!tpu.dma_semaphore, #tpu.memory_space<semaphore_mem>>)
      } else {
      }
      %add3A_1098 = arith.constant 3 : i32
      %add3A_1099 = arith.addi %add3A_113, %add3A_1098 : i32
      %mul3A_1100 = arith.constant 8 : i32
      %mul3A_1101 = arith.muli %add3A_1099, %mul3A_1100 : i32
      %add3A_1102 = arith.constant 6 : i32
      %add3A_1103 = arith.addi %mul3A_1101, %add3A_1102 : i32
      %dma_wait3A_1104 = arith.constant 6 : i32
      %dma_wait3A_1105 = arith.constant 0 : i32
      %dma_wait3A_1106 = tpu.memref_slice %arg9[%dma_wait3A_1104, %dma_wait3A_1105] : memref<8x80xi32, #tpu.memory_space<vmem>> -> memref<1x80xi32, #tpu.memory_space<vmem>>
      %dma_wait3A_1107 = tpu.memref_squeeze %dma_wait3A_1106 : memref<1x80xi32, #tpu.memory_space<vmem>> -> memref<80xi32, #tpu.memory_space<vmem>>
      %dma_wait3A_1108 = arith.constant 0 : i32
      %dma_wait3A_1109 = arith.constant 0 : i32
      %dma_wait3A_1110 = tpu.memref_slice %arg2[%dma_wait3A_1108, %dma_wait3A_1109] : memref<10240x128xf32, #tpu.memory_space<hbm>> -> memref<10240x128xf32, #tpu.memory_space<hbm>>
      tpu.wait_indirect_dma semaphore(%arg25 : memref<!tpu.dma_semaphore, #tpu.memory_space<semaphore_mem>>) src(%dma_wait3A_1110 : memref<10240x128xf32, #tpu.memory_space<hbm>>) dst(%arg16 : memref<80x128xf32, #tpu.memory_space<vmem>>)
      %dma_start3A_1111 = arith.constant 6 : i32
      %dma_start3A_1112 = arith.constant 0 : i32
      %dma_start3A_1113 = tpu.memref_slice %arg13[%dma_start3A_1111, %dma_start3A_1112] : memref<8x80xi32, #tpu.memory_space<vmem>> -> memref<1x80xi32, #tpu.memory_space<vmem>>
      %dma_start3A_1114 = tpu.memref_squeeze %dma_start3A_1113 : memref<1x80xi32, #tpu.memory_space<vmem>> -> memref<80xi32, #tpu.memory_space<vmem>>
      %dma_start3A_1115 = arith.constant 0 : i32
      %dma_start3A_1116 = arith.constant 0 : i32
      %dma_start3A_1117 = tpu.memref_slice %arg18[%dma_start3A_1115, %dma_start3A_1116] : memref<10240x128xf32, #tpu.memory_space<vmem_shared>> -> memref<10240x128xf32, #tpu.memory_space<vmem_shared>>
      tpu.enqueue_indirect_dma source(%arg16 : memref<80x128xf32, #tpu.memory_space<vmem>>) target(%dma_start3A_1117 : memref<10240x128xf32, #tpu.memory_space<vmem_shared>>) offsets(%dma_start3A_1114 : memref<80xi32, #tpu.memory_space<vmem>>) semaphore(%arg29 : memref<!tpu.dma_semaphore, #tpu.memory_space<semaphore_mem>>) {add = true}
      %gt3A_1118 = arith.constant 0 : i32
      %gt3A_1119 = arith.cmpi sgt, %add3A_1103, %gt3A_1118 : i32
      %convert_element_type3A_1120 = arith.extui %gt3A_1119 : i1 to i32
      %cond3A_1121 = arith.constant 0 : i32
      %cond3A_1122 = arith.cmpi ne, %convert_element_type3A_1120, %cond3A_1121 : i32
      scf.if %cond3A_1122 {
        %dma_wait3A_1162 = arith.constant 5 : i32
        %dma_wait3A_1163 = arith.constant 0 : i32
        %dma_wait3A_1164 = tpu.memref_slice %arg13[%dma_wait3A_1162, %dma_wait3A_1163] : memref<8x80xi32, #tpu.memory_space<vmem>> -> memref<1x80xi32, #tpu.memory_space<vmem>>
        %dma_wait3A_1165 = tpu.memref_squeeze %dma_wait3A_1164 : memref<1x80xi32, #tpu.memory_space<vmem>> -> memref<80xi32, #tpu.memory_space<vmem>>
        %dma_wait3A_1166 = arith.constant 0 : i32
        %dma_wait3A_1167 = arith.constant 0 : i32
        %dma_wait3A_1168 = tpu.memref_slice %arg18[%dma_wait3A_1166, %dma_wait3A_1167] : memref<10240x128xf32, #tpu.memory_space<vmem_shared>> -> memref<10240x128xf32, #tpu.memory_space<vmem_shared>>
        tpu.wait_indirect_dma semaphore(%arg28 : memref<!tpu.dma_semaphore, #tpu.memory_space<semaphore_mem>>) src(%arg15 : memref<80x128xf32, #tpu.memory_space<vmem>>) dst(%dma_wait3A_1168 : memref<10240x128xf32, #tpu.memory_space<vmem_shared>>)
      } else {
      }
      %add3A_1123 = arith.constant 1 : i32
      %add3A_1124 = arith.addi %add3A_1099, %add3A_1123 : i32
      %lt3A_1125 = arith.constant 16 : i32
      %lt3A_1126 = arith.cmpi slt, %add3A_1124, %lt3A_1125 : i32
      %convert_element_type3A_1127 = arith.extui %lt3A_1126 : i1 to i32
      %cond3A_1128 = arith.constant 0 : i32
      %cond3A_1129 = arith.cmpi ne, %convert_element_type3A_1127, %cond3A_1128 : i32
      scf.if %cond3A_1129 {
        %dma_start3A_1162 = arith.constant 1 : i32
        %dma_start3A_1163 = arith.constant 0 : i32
        %dma_start3A_1164 = tpu.memref_slice %arg6[%dma_start3A_1162, %dma_start3A_1163] : memref<8x80xi32, #tpu.memory_space<vmem>> -> memref<1x80xi32, #tpu.memory_space<vmem>>
        %dma_start3A_1165 = tpu.memref_squeeze %dma_start3A_1164 : memref<1x80xi32, #tpu.memory_space<vmem>> -> memref<80xi32, #tpu.memory_space<vmem>>
        %dma_start3A_1166 = arith.constant 0 : i32
        %dma_start3A_1167 = arith.constant 0 : i32
        %dma_start3A_1168 = tpu.memref_slice %arg2[%dma_start3A_1166, %dma_start3A_1167] : memref<10240x128xf32, #tpu.memory_space<hbm>> -> memref<10240x128xf32, #tpu.memory_space<hbm>>
        tpu.enqueue_indirect_dma source(%dma_start3A_1168 : memref<10240x128xf32, #tpu.memory_space<hbm>>) target(%arg15 : memref<80x128xf32, #tpu.memory_space<vmem>>) offsets(%dma_start3A_1165 : memref<80xi32, #tpu.memory_space<vmem>>) semaphore(%arg24 : memref<!tpu.dma_semaphore, #tpu.memory_space<semaphore_mem>>)
      } else {
      }
      %add3A_1130 = arith.constant 3 : i32
      %add3A_1131 = arith.addi %add3A_113, %add3A_1130 : i32
      %mul3A_1132 = arith.constant 8 : i32
      %mul3A_1133 = arith.muli %add3A_1131, %mul3A_1132 : i32
      %add3A_1134 = arith.constant 7 : i32
      %add3A_1135 = arith.addi %mul3A_1133, %add3A_1134 : i32
      %dma_wait3A_1136 = arith.constant 7 : i32
      %dma_wait3A_1137 = arith.constant 0 : i32
      %dma_wait3A_1138 = tpu.memref_slice %arg9[%dma_wait3A_1136, %dma_wait3A_1137] : memref<8x80xi32, #tpu.memory_space<vmem>> -> memref<1x80xi32, #tpu.memory_space<vmem>>
      %dma_wait3A_1139 = tpu.memref_squeeze %dma_wait3A_1138 : memref<1x80xi32, #tpu.memory_space<vmem>> -> memref<80xi32, #tpu.memory_space<vmem>>
      %dma_wait3A_1140 = arith.constant 0 : i32
      %dma_wait3A_1141 = arith.constant 0 : i32
      %dma_wait3A_1142 = tpu.memref_slice %arg2[%dma_wait3A_1140, %dma_wait3A_1141] : memref<10240x128xf32, #tpu.memory_space<hbm>> -> memref<10240x128xf32, #tpu.memory_space<hbm>>
      tpu.wait_indirect_dma semaphore(%arg26 : memref<!tpu.dma_semaphore, #tpu.memory_space<semaphore_mem>>) src(%dma_wait3A_1142 : memref<10240x128xf32, #tpu.memory_space<hbm>>) dst(%arg17 : memref<80x128xf32, #tpu.memory_space<vmem>>)
      %dma_start3A_1143 = arith.constant 7 : i32
      %dma_start3A_1144 = arith.constant 0 : i32
      %dma_start3A_1145 = tpu.memref_slice %arg13[%dma_start3A_1143, %dma_start3A_1144] : memref<8x80xi32, #tpu.memory_space<vmem>> -> memref<1x80xi32, #tpu.memory_space<vmem>>
      %dma_start3A_1146 = tpu.memref_squeeze %dma_start3A_1145 : memref<1x80xi32, #tpu.memory_space<vmem>> -> memref<80xi32, #tpu.memory_space<vmem>>
      %dma_start3A_1147 = arith.constant 0 : i32
      %dma_start3A_1148 = arith.constant 0 : i32
      %dma_start3A_1149 = tpu.memref_slice %arg18[%dma_start3A_1147, %dma_start3A_1148] : memref<10240x128xf32, #tpu.memory_space<vmem_shared>> -> memref<10240x128xf32, #tpu.memory_space<vmem_shared>>
      tpu.enqueue_indirect_dma source(%arg17 : memref<80x128xf32, #tpu.memory_space<vmem>>) target(%dma_start3A_1149 : memref<10240x128xf32, #tpu.memory_space<vmem_shared>>) offsets(%dma_start3A_1146 : memref<80xi32, #tpu.memory_space<vmem>>) semaphore(%arg30 : memref<!tpu.dma_semaphore, #tpu.memory_space<semaphore_mem>>) {add = true}
      %gt3A_1150 = arith.constant 0 : i32
      %gt3A_1151 = arith.cmpi sgt, %add3A_1135, %gt3A_1150 : i32
      %convert_element_type3A_1152 = arith.extui %gt3A_1151 : i1 to i32
      %cond3A_1153 = arith.constant 0 : i32
      %cond3A_1154 = arith.cmpi ne, %convert_element_type3A_1152, %cond3A_1153 : i32
      scf.if %cond3A_1154 {
        %dma_wait3A_1162 = arith.constant 6 : i32
        %dma_wait3A_1163 = arith.constant 0 : i32
        %dma_wait3A_1164 = tpu.memref_slice %arg13[%dma_wait3A_1162, %dma_wait3A_1163] : memref<8x80xi32, #tpu.memory_space<vmem>> -> memref<1x80xi32, #tpu.memory_space<vmem>>
        %dma_wait3A_1165 = tpu.memref_squeeze %dma_wait3A_1164 : memref<1x80xi32, #tpu.memory_space<vmem>> -> memref<80xi32, #tpu.memory_space<vmem>>
        %dma_wait3A_1166 = arith.constant 0 : i32
        %dma_wait3A_1167 = arith.constant 0 : i32
        %dma_wait3A_1168 = tpu.memref_slice %arg18[%dma_wait3A_1166, %dma_wait3A_1167] : memref<10240x128xf32, #tpu.memory_space<vmem_shared>> -> memref<10240x128xf32, #tpu.memory_space<vmem_shared>>
        tpu.wait_indirect_dma semaphore(%arg29 : memref<!tpu.dma_semaphore, #tpu.memory_space<semaphore_mem>>) src(%arg16 : memref<80x128xf32, #tpu.memory_space<vmem>>) dst(%dma_wait3A_1168 : memref<10240x128xf32, #tpu.memory_space<vmem_shared>>)
      } else {
      }
      %add3A_1155 = arith.constant 1 : i32
      %add3A_1156 = arith.addi %add3A_1131, %add3A_1155 : i32
      %lt3A_1157 = arith.constant 16 : i32
      %lt3A_1158 = arith.cmpi slt, %add3A_1156, %lt3A_1157 : i32
      %convert_element_type3A_1159 = arith.extui %lt3A_1158 : i1 to i32
      %cond3A_1160 = arith.constant 0 : i32
      %cond3A_1161 = arith.cmpi ne, %convert_element_type3A_1159, %cond3A_1160 : i32
      scf.if %cond3A_1161 {
        %dma_start3A_1162 = arith.constant 2 : i32
        %dma_start3A_1163 = arith.constant 0 : i32
        %dma_start3A_1164 = tpu.memref_slice %arg6[%dma_start3A_1162, %dma_start3A_1163] : memref<8x80xi32, #tpu.memory_space<vmem>> -> memref<1x80xi32, #tpu.memory_space<vmem>>
        %dma_start3A_1165 = tpu.memref_squeeze %dma_start3A_1164 : memref<1x80xi32, #tpu.memory_space<vmem>> -> memref<80xi32, #tpu.memory_space<vmem>>
        %dma_start3A_1166 = arith.constant 0 : i32
        %dma_start3A_1167 = arith.constant 0 : i32
        %dma_start3A_1168 = tpu.memref_slice %arg2[%dma_start3A_1166, %dma_start3A_1167] : memref<10240x128xf32, #tpu.memory_space<hbm>> -> memref<10240x128xf32, #tpu.memory_space<hbm>>
        tpu.enqueue_indirect_dma source(%dma_start3A_1168 : memref<10240x128xf32, #tpu.memory_space<hbm>>) target(%arg16 : memref<80x128xf32, #tpu.memory_space<vmem>>) offsets(%dma_start3A_1165 : memref<80xi32, #tpu.memory_space<vmem>>) semaphore(%arg25 : memref<!tpu.dma_semaphore, #tpu.memory_space<semaphore_mem>>)
      } else {
      }
    }
    %scan3A_90 = arith.constant 4 : i32
    %dma_wait3A_91 = arith.constant 7 : i32
    %dma_wait3A_92 = arith.constant 0 : i32
    %dma_wait3A_93 = tpu.memref_slice %arg13[%dma_wait3A_91, %dma_wait3A_92] : memref<8x80xi32, #tpu.memory_space<vmem>> -> memref<1x80xi32, #tpu.memory_space<vmem>>
    %dma_wait3A_94 = tpu.memref_squeeze %dma_wait3A_93 : memref<1x80xi32, #tpu.memory_space<vmem>> -> memref<80xi32, #tpu.memory_space<vmem>>
    %dma_wait3A_95 = arith.constant 0 : i32
    %dma_wait3A_96 = arith.constant 0 : i32
    %dma_wait3A_97 = tpu.memref_slice %arg18[%dma_wait3A_95, %dma_wait3A_96] : memref<10240x128xf32, #tpu.memory_space<vmem_shared>> -> memref<10240x128xf32, #tpu.memory_space<vmem_shared>>
    tpu.wait_indirect_dma semaphore(%arg30 : memref<!tpu.dma_semaphore, #tpu.memory_space<semaphore_mem>>) src(%arg17 : memref<80x128xf32, #tpu.memory_space<vmem>>) dst(%dma_wait3A_97 : memref<10240x128xf32, #tpu.memory_space<vmem_shared>>)
    %barrier3A_98 = arith.constant 0 : index
    tpu.barrier barrier_id(%barrier3A_98)
    %scan3A_99 = arith.constant 0 : i32
    %scan3A_100 = arith.constant 5 : i32
    %scan3A_101 = arith.addi %scan3A_99, %scan3A_100 : i32
    %scan3A_102 = arith.constant 1 : i32
    scf.for %scan3A_109 = %scan3A_99 to %scan3A_101 step %scan3A_102  : i32 {
      %mul3A_110 = arith.constant 128 : i32
      %mul3A_111 = arith.muli %scan3A_109, %mul3A_110 : i32
      %add3A_112 = arith.constant 0 : i32
      %add3A_113 = arith.addi %add3A_112, %mul3A_111 : i32
      %add3A_114 = arith.addi %mul3A_8, %add3A_113 : i32
      %mul3A_115 = arith.constant 10240 : i32
      %mul3A_116 = arith.muli %arg0, %mul3A_115 : i32
      %add3A_117 = arith.addi %mul3A_116, %mul3A_8 : i32
      %add3A_118 = arith.addi %add3A_117, %add3A_113 : i32
      %dma_start3A_119 = arith.constant 0 : i32
      %dma_start3A_120 = tpu.memref_slice %arg5[%add3A_118, %dma_start3A_119] : memref<20480x128xf32, #tpu.memory_space<hbm>> -> memref<128x128xf32, #tpu.memory_space<hbm>>
      %dma_start3A_121 = arith.constant 0 : i32
      %dma_start3A_122 = tpu.memref_slice %arg18[%add3A_114, %dma_start3A_121] : memref<10240x128xf32, #tpu.memory_space<vmem_shared>> -> memref<128x128xf32, #tpu.memory_space<vmem_shared>>
      tpu.enqueue_dma source(%dma_start3A_122 : memref<128x128xf32, #tpu.memory_space<vmem_shared>>) target(%dma_start3A_120 : memref<128x128xf32, #tpu.memory_space<hbm>>) target_semaphore(%arg23 : memref<!tpu.dma_semaphore, #tpu.memory_space<semaphore_mem>>)
    }
    %scan3A_103 = arith.constant 5 : i32
    %scan3A_104 = arith.constant 0 : i32
    %scan3A_105 = arith.constant 5 : i32
    %scan3A_106 = arith.addi %scan3A_104, %scan3A_105 : i32
    %scan3A_107 = arith.constant 1 : i32
    scf.for %scan3A_109 = %scan3A_104 to %scan3A_106 step %scan3A_107  : i32 {
      %mul3A_110 = arith.constant 128 : i32
      %mul3A_111 = arith.muli %scan3A_109, %mul3A_110 : i32
      %add3A_112 = arith.constant 0 : i32
      %add3A_113 = arith.addi %add3A_112, %mul3A_111 : i32
      %add3A_114 = arith.addi %mul3A_8, %add3A_113 : i32
      %mul3A_115 = arith.constant 10240 : i32
      %mul3A_116 = arith.muli %arg0, %mul3A_115 : i32
      %add3A_117 = arith.addi %mul3A_116, %mul3A_8 : i32
      %add3A_118 = arith.addi %add3A_117, %add3A_113 : i32
      %dma_wait3A_119 = arith.constant 0 : i32
      %dma_wait3A_120 = tpu.memref_slice %arg5[%add3A_118, %dma_wait3A_119] : memref<20480x128xf32, #tpu.memory_space<hbm>> -> memref<128x128xf32, #tpu.memory_space<hbm>>
      %dma_wait3A_121 = arith.constant 0 : i32
      %dma_wait3A_122 = tpu.memref_slice %arg18[%add3A_114, %dma_wait3A_121] : memref<10240x128xf32, #tpu.memory_space<vmem_shared>> -> memref<128x128xf32, #tpu.memory_space<vmem_shared>>
      tpu.wait_dma2 semaphore(%arg23 : memref<!tpu.dma_semaphore, #tpu.memory_space<semaphore_mem>>) src(%dma_wait3A_122 : memref<128x128xf32, #tpu.memory_space<vmem_shared>>) dst(%dma_wait3A_120 : memref<128x128xf32, #tpu.memory_space<hbm>>)
    }
    %scan3A_108 = arith.constant 5 : i32
    return
  }
}

module attributes {stable_mosaic.version = 14 : i64} {
  func.func @body(%arg0: i32, %arg1: memref<1024x128xf32, #tpu.memory_space<vmem>>, %arg2: memref<128x128xf32, #tpu.memory_space<vmem>>, %arg3: memref<1024x128xf32, #tpu.memory_space<vmem>>) attributes {dimension_semantics = [#tpu.dimension_semantics<arbitrary>], iteration_bounds = array<i64: 10>, scalar_prefetch = 0 : i64, scratch_operands = 0 : i64, tpu.core_type = #tpu.core_type<tc>, window_params = [{transform_indices = @transform_0, window_bounds = array<i64: 1024, 128>}, {pipeline_mode = #tpu.pipeline_mode<synchronous>, transform_indices = @transform_1, window_bounds = array<i64: 128, 128>}, {transform_indices = @transform_2, window_bounds = array<i64: 1024, 128>}]} {
    %get3A = arith.constant 0 : index
    %get3A_0 = arith.constant 0 : index
    %get3A_1 = vector.load %arg1[%get3A, %get3A_0] : memref<1024x128xf32, #tpu.memory_space<vmem>>, vector<1024x128xf32>
    %get3A_2 = arith.constant 0 : index
    %get3A_3 = arith.constant 0 : index
    %get3A_4 = vector.load %arg2[%get3A_2, %get3A_3] : memref<128x128xf32, #tpu.memory_space<vmem>>, vector<128x128xf32>
    %dot_general3A = arith.constant dense<0.000000e+00> : vector<1024x128xf32>
    %dot_general3A_5 = tpu.matmul %get3A_1, %get3A_4, %dot_general3A {dimension_numbers = #tpu.dot_dimension_numbers<[1], [0], [0], [1], [0, 0, 1, 1], [], []>, transpose_lhs_hint = false} : vector<1024x128xf32>, vector<128x128xf32>, vector<1024x128xf32> -> vector<1024x128xf32>
    %swap3A = arith.constant 0 : index
    %swap3A_6 = arith.constant 0 : index
    %swap3A_7 = vector.load %arg3[%swap3A, %swap3A_6] : memref<1024x128xf32, #tpu.memory_space<vmem>>, vector<1024x128xf32>
    tpu.vector_store %arg3[%swap3A, %swap3A_6], %dot_general3A_5 {strides = array<i32>} : memref<1024x128xf32, #tpu.memory_space<vmem>>, vector<1024x128xf32>,
    return
  }
  func.func @transform_0(%arg0: i32) -> (i32, i32) {
    %c0_i32 = arith.constant 0 : i32
    %c0_i32_0 = arith.constant 0 : i32
    return %arg0, %c0_i32 : i32, i32
  }
  func.func @transform_1(%arg0: i32) -> (i32, i32) {
    %c0_i32 = arith.constant 0 : i32
    %c0_i32_0 = arith.constant 0 : i32
    %c0_i32_1 = arith.constant 0 : i32
    return %c0_i32, %c0_i32_0 : i32, i32
  }
  func.func @transform_2(%arg0: i32) -> (i32, i32) {
    %c0_i32 = arith.constant 0 : i32
    %c0_i32_0 = arith.constant 0 : i32
    return %arg0, %c0_i32 : i32, i32
  }
}

module attributes {stable_mosaic.version = 14 : i64} {
  func.func @body(%arg0: i32, %arg1: memref<1024x128xf32, #tpu.memory_space<vmem>>, %arg2: memref<1024x2xf32, #tpu.memory_space<vmem>>, %arg3: memref<1024x128xf32, #tpu.memory_space<vmem>>, %arg4: memref<1024x1xf32, #tpu.memory_space<vmem>>) attributes {dimension_semantics = [#tpu.dimension_semantics<arbitrary>], iteration_bounds = array<i64: 10>, scalar_prefetch = 0 : i64, scratch_operands = 0 : i64, tpu.core_type = #tpu.core_type<tc>, window_params = [{transform_indices = @transform_0, window_bounds = array<i64: 1024, 128>}, {transform_indices = @transform_1, window_bounds = array<i64: 1024, 2>}, {transform_indices = @transform_2, window_bounds = array<i64: 1024, 128>}, {transform_indices = @transform_3, window_bounds = array<i64: 1024, 1>}]} {
    %get3A = arith.constant 0 : index
    %get3A_0 = arith.constant 0 : index
    %get3A_1 = vector.load %arg2[%get3A, %get3A_0] : memref<1024x2xf32, #tpu.memory_space<vmem>>, vector<1024x1xf32>
    %add3A = arith.constant 1.000000e+00 : f32
    %add3A_2 = vector.broadcast %add3A : f32 to vector<1024x1xf32>
    %add3A_3 = arith.addf %add3A_2, %get3A_1 : vector<1024x1xf32>
    %get3A_4 = arith.constant 0 : index
    %get3A_5 = arith.constant 1 : index
    %get3A_6 = vector.load %arg2[%get3A_4, %get3A_5] : memref<1024x2xf32, #tpu.memory_space<vmem>>, vector<1024x1xf32>
    %add3A_7 = arith.addf %add3A_3, %get3A_6 : vector<1024x1xf32>
    %rsqrt3A = math.rsqrt %add3A_7 : vector<1024x1xf32>
    %swap3A = arith.constant 0 : index
    %swap3A_8 = arith.constant 0 : index
    %swap3A_9 = vector.load %arg4[%swap3A, %swap3A_8] : memref<1024x1xf32, #tpu.memory_space<vmem>>, vector<1024x1xf32>
    tpu.vector_store %arg4[%swap3A, %swap3A_8], %rsqrt3A {strides = array<i32>} : memref<1024x1xf32, #tpu.memory_space<vmem>>, vector<1024x1xf32>,
    %get3A_10 = arith.constant 0 : index
    %get3A_11 = arith.constant 0 : index
    %get3A_12 = vector.load %arg1[%get3A_10, %get3A_11] : memref<1024x128xf32, #tpu.memory_space<vmem>>, vector<1024x128xf32>
    %mul3A = vector.broadcast %rsqrt3A : vector<1024x1xf32> to vector<1024x128xf32>
    %mul3A_13 = arith.mulf %get3A_12, %mul3A : vector<1024x128xf32>
    %swap3A_14 = arith.constant 0 : index
    %swap3A_15 = arith.constant 0 : index
    %swap3A_16 = vector.load %arg3[%swap3A_14, %swap3A_15] : memref<1024x128xf32, #tpu.memory_space<vmem>>, vector<1024x128xf32>
    tpu.vector_store %arg3[%swap3A_14, %swap3A_15], %mul3A_13 {strides = array<i32>} : memref<1024x128xf32, #tpu.memory_space<vmem>>, vector<1024x128xf32>,
    return
  }
  func.func @transform_0(%arg0: i32) -> (i32, i32) {
    %c0_i32 = arith.constant 0 : i32
    %c0_i32_0 = arith.constant 0 : i32
    return %arg0, %c0_i32 : i32, i32
  }
  func.func @transform_1(%arg0: i32) -> (i32, i32) {
    %c0_i32 = arith.constant 0 : i32
    %c0_i32_0 = arith.constant 0 : i32
    return %arg0, %c0_i32 : i32, i32
  }
  func.func @transform_2(%arg0: i32) -> (i32, i32) {
    %c0_i32 = arith.constant 0 : i32
    %c0_i32_0 = arith.constant 0 : i32
    return %arg0, %c0_i32 : i32, i32
  }
  func.func @transform_3(%arg0: i32) -> (i32, i32) {
    %c0_i32 = arith.constant 0 : i32
    %c0_i32_0 = arith.constant 0 : i32
    return %arg0, %c0_i32 : i32, i32
  }
}

module attributes {stable_mosaic.version = 14 : i64} {
  func.func @body(%arg0: i32, %arg1: memref<1024x128xf32, #tpu.memory_space<vmem>>, %arg2: memref<1024x128xf32, #tpu.memory_space<vmem>>, %arg3: memref<1024x128xf32, #tpu.memory_space<vmem>>, %arg4: memref<1024x1xf32, #tpu.memory_space<vmem>>, %arg5: memref<1x128xf32, #tpu.memory_space<vmem>>, %arg6: memref<128x128xf32, #tpu.memory_space<vmem>>, %arg7: memref<1024x128xf32, #tpu.memory_space<vmem>>) attributes {dimension_semantics = [#tpu.dimension_semantics<arbitrary>], iteration_bounds = array<i64: 10>, scalar_prefetch = 0 : i64, scratch_operands = 0 : i64, tpu.core_type = #tpu.core_type<tc>, window_params = [{transform_indices = @transform_0, window_bounds = array<i64: 1024, 128>}, {transform_indices = @transform_1, window_bounds = array<i64: 1024, 128>}, {transform_indices = @transform_2, window_bounds = array<i64: 1024, 128>}, {transform_indices = @transform_3, window_bounds = array<i64: 1024, 1>}, {pipeline_mode = #tpu.pipeline_mode<synchronous>, transform_indices = @transform_4, window_bounds = array<i64: 1, 128>}, {pipeline_mode = #tpu.pipeline_mode<synchronous>, transform_indices = @transform_5, window_bounds = array<i64: 128, 128>}, {transform_indices = @transform_6, window_bounds = array<i64: 1024, 128>}]} {
    %get3A = arith.constant 0 : index
    %get3A_0 = arith.constant 0 : index
    %get3A_1 = vector.load %arg4[%get3A, %get3A_0] : memref<1024x1xf32, #tpu.memory_space<vmem>>, vector<1024x1xf32>
    %get3A_2 = arith.constant 0 : index
    %get3A_3 = arith.constant 0 : index
    %get3A_4 = vector.load %arg1[%get3A_2, %get3A_3] : memref<1024x128xf32, #tpu.memory_space<vmem>>, vector<1024x128xf32>
    %get3A_5 = arith.constant 0 : index
    %get3A_6 = arith.constant 0 : index
    %get3A_7 = vector.load %arg2[%get3A_5, %get3A_6] : memref<1024x128xf32, #tpu.memory_space<vmem>>, vector<1024x128xf32>
    %add3A = arith.addf %get3A_4, %get3A_7 : vector<1024x128xf32>
    %get3A_8 = arith.constant 0 : index
    %get3A_9 = arith.constant 0 : index
    %get3A_10 = vector.load %arg3[%get3A_8, %get3A_9] : memref<1024x128xf32, #tpu.memory_space<vmem>>, vector<1024x128xf32>
    %add3A_11 = arith.addf %add3A, %get3A_10 : vector<1024x128xf32>
    %mul3A = vector.broadcast %get3A_1 : vector<1024x1xf32> to vector<1024x128xf32>
    %mul3A_12 = arith.mulf %add3A_11, %mul3A : vector<1024x128xf32>
    %get3A_13 = arith.constant 0 : index
    %get3A_14 = arith.constant 0 : index
    %get3A_15 = vector.load %arg5[%get3A_13, %get3A_14] : memref<1x128xf32, #tpu.memory_space<vmem>>, vector<1x128xf32>
    %add3A_16 = vector.broadcast %get3A_15 : vector<1x128xf32> to vector<1024x128xf32>
    %add3A_17 = arith.addf %mul3A_12, %add3A_16 : vector<1024x128xf32>
    %max3A = arith.constant 0.000000e+00 : f32
    %max3A_18 = vector.broadcast %max3A : f32 to vector<1024x128xf32>
    %max3A_19 = arith.maximumf %add3A_17, %max3A_18 : vector<1024x128xf32>
    %get3A_20 = arith.constant 0 : index
    %get3A_21 = arith.constant 0 : index
    %get3A_22 = vector.load %arg6[%get3A_20, %get3A_21] : memref<128x128xf32, #tpu.memory_space<vmem>>, vector<128x128xf32>
    %dot_general3A = arith.constant dense<0.000000e+00> : vector<1024x128xf32>
    %dot_general3A_23 = tpu.matmul %max3A_19, %get3A_22, %dot_general3A {dimension_numbers = #tpu.dot_dimension_numbers<[1], [0], [0], [1], [0, 0, 1, 1], [], []>, transpose_lhs_hint = false} : vector<1024x128xf32>, vector<128x128xf32>, vector<1024x128xf32> -> vector<1024x128xf32>
    %mul3A_24 = vector.broadcast %get3A_1 : vector<1024x1xf32> to vector<1024x128xf32>
    %mul3A_25 = arith.mulf %dot_general3A_23, %mul3A_24 : vector<1024x128xf32>
    %swap3A = arith.constant 0 : index
    %swap3A_26 = arith.constant 0 : index
    %swap3A_27 = vector.load %arg7[%swap3A, %swap3A_26] : memref<1024x128xf32, #tpu.memory_space<vmem>>, vector<1024x128xf32>
    tpu.vector_store %arg7[%swap3A, %swap3A_26], %mul3A_25 {strides = array<i32>} : memref<1024x128xf32, #tpu.memory_space<vmem>>, vector<1024x128xf32>,
    return
  }
  func.func @transform_0(%arg0: i32) -> (i32, i32) {
    %c0_i32 = arith.constant 0 : i32
    %c0_i32_0 = arith.constant 0 : i32
    return %arg0, %c0_i32 : i32, i32
  }
  func.func @transform_1(%arg0: i32) -> (i32, i32) {
    %add3A = arith.constant 10 : i32
    %add3A_0 = arith.addi %add3A, %arg0 : i32
    %c0_i32 = arith.constant 0 : i32
    %c0_i32_1 = arith.constant 0 : i32
    return %add3A_0, %c0_i32 : i32, i32
  }
  func.func @transform_2(%arg0: i32) -> (i32, i32) {
    %c0_i32 = arith.constant 0 : i32
    %c0_i32_0 = arith.constant 0 : i32
    return %arg0, %c0_i32 : i32, i32
  }
  func.func @transform_3(%arg0: i32) -> (i32, i32) {
    %c0_i32 = arith.constant 0 : i32
    %c0_i32_0 = arith.constant 0 : i32
    return %arg0, %c0_i32 : i32, i32
  }
  func.func @transform_4(%arg0: i32) -> (i32, i32) {
    %c0_i32 = arith.constant 0 : i32
    %c0_i32_0 = arith.constant 0 : i32
    %c0_i32_1 = arith.constant 0 : i32
    return %c0_i32, %c0_i32_0 : i32, i32
  }
  func.func @transform_5(%arg0: i32) -> (i32, i32) {
    %c0_i32 = arith.constant 0 : i32
    %c0_i32_0 = arith.constant 0 : i32
    %c0_i32_1 = arith.constant 0 : i32
    return %c0_i32, %c0_i32_0 : i32, i32
  }
  func.func @transform_6(%arg0: i32) -> (i32, i32) {
    %c0_i32 = arith.constant 0 : i32
    %c0_i32_0 = arith.constant 0 : i32
    return %arg0, %c0_i32 : i32, i32
  }
}

module attributes {stable_mosaic.version = 14 : i64} {
  func.func @body(%arg0: i32, %arg1: memref<1024x128xf32, #tpu.memory_space<vmem>>, %arg2: memref<1024x128xf32, #tpu.memory_space<vmem>>, %arg3: memref<1024x128xf32, #tpu.memory_space<vmem>>, %arg4: memref<1024x1xf32, #tpu.memory_space<vmem>>, %arg5: memref<1x128xf32, #tpu.memory_space<vmem>>, %arg6: memref<1024x1xi32, #tpu.memory_space<vmem>>, %arg7: memref<64x128xf32, #tpu.memory_space<vmem>>) attributes {dimension_semantics = [#tpu.dimension_semantics<arbitrary>], iteration_bounds = array<i64: 10>, scalar_prefetch = 0 : i64, scratch_operands = 0 : i64, tpu.core_type = #tpu.core_type<tc>, window_params = [{transform_indices = @transform_0, window_bounds = array<i64: 1024, 128>}, {transform_indices = @transform_1, window_bounds = array<i64: 1024, 128>}, {transform_indices = @transform_2, window_bounds = array<i64: 1024, 128>}, {transform_indices = @transform_3, window_bounds = array<i64: 1024, 1>}, {pipeline_mode = #tpu.pipeline_mode<synchronous>, transform_indices = @transform_4, window_bounds = array<i64: 1, 128>}, {transform_indices = @transform_5, window_bounds = array<i64: 1024, 1>}, {pipeline_mode = #tpu.pipeline_mode<synchronous>, transform_indices = @transform_6, window_bounds = array<i64: 64, 128>}]} {
    %eq3A = arith.constant 0 : i32
    %eq3A_0 = arith.cmpi eq, %arg0, %eq3A : i32
    %convert_element_type3A = arith.extui %eq3A_0 : i1 to i32
    %cond3A = arith.constant 0 : i32
    %cond3A_1 = arith.cmpi ne, %convert_element_type3A, %cond3A : i32
    scf.if %cond3A_1 {
      %broadcast_in_dim3A = arith.constant 0xFF800000 : f32
      %broadcast_in_dim3A_42 = vector.broadcast %broadcast_in_dim3A : f32 to vector<64x128xf32>
      %swap3A = arith.constant 0 : index
      %swap3A_43 = arith.constant 0 : index
      %swap3A_44 = vector.load %arg7[%swap3A, %swap3A_43] : memref<64x128xf32, #tpu.memory_space<vmem>>, vector<64x128xf32>
      tpu.vector_store %arg7[%swap3A, %swap3A_43], %broadcast_in_dim3A_42 {strides = array<i32>} : memref<64x128xf32, #tpu.memory_space<vmem>>, vector<64x128xf32>,
    } else {
    }
    %get3A = arith.constant 0 : index
    %get3A_2 = arith.constant 0 : index
    %get3A_3 = vector.load %arg1[%get3A, %get3A_2] : memref<1024x128xf32, #tpu.memory_space<vmem>>, vector<1024x128xf32>
    %get3A_4 = arith.constant 0 : index
    %get3A_5 = arith.constant 0 : index
    %get3A_6 = vector.load %arg2[%get3A_4, %get3A_5] : memref<1024x128xf32, #tpu.memory_space<vmem>>, vector<1024x128xf32>
    %add3A = arith.addf %get3A_3, %get3A_6 : vector<1024x128xf32>
    %get3A_7 = arith.constant 0 : index
    %get3A_8 = arith.constant 0 : index
    %get3A_9 = vector.load %arg3[%get3A_7, %get3A_8] : memref<1024x128xf32, #tpu.memory_space<vmem>>, vector<1024x128xf32>
    %add3A_10 = arith.addf %add3A, %get3A_9 : vector<1024x128xf32>
    %get3A_11 = arith.constant 0 : index
    %get3A_12 = arith.constant 0 : index
    %get3A_13 = vector.load %arg4[%get3A_11, %get3A_12] : memref<1024x1xf32, #tpu.memory_space<vmem>>, vector<1024x1xf32>
    %mul3A = vector.broadcast %get3A_13 : vector<1024x1xf32> to vector<1024x128xf32>
    %mul3A_14 = arith.mulf %add3A_10, %mul3A : vector<1024x128xf32>
    %get3A_15 = arith.constant 0 : index
    %get3A_16 = arith.constant 0 : index
    %get3A_17 = vector.load %arg5[%get3A_15, %get3A_16] : memref<1x128xf32, #tpu.memory_space<vmem>>, vector<1x128xf32>
    %add3A_18 = vector.broadcast %get3A_17 : vector<1x128xf32> to vector<1024x128xf32>
    %add3A_19 = arith.addf %mul3A_14, %add3A_18 : vector<1024x128xf32>
    %get3A_20 = arith.constant 0 : index
    %get3A_21 = arith.constant 0 : index
    %get3A_22 = vector.load %arg6[%get3A_20, %get3A_21] : memref<1024x1xi32, #tpu.memory_space<vmem>>, vector<1024x1xi32>
    %reduce_min3A = vector.shape_cast %get3A_22 : vector<1024x1xi32> to vector<1x1024x1xi32>
    %reduce_min3A_23 = arith.constant dense<2147483647> : vector<1xi32>
    %reduce_min3A_24 = vector.multi_reduction <minsi>, %reduce_min3A, %reduce_min3A_23 [1, 2] : vector<1x1024x1xi32> to vector<1xi32>
    %reduce_min3A_25 = vector.shape_cast %reduce_min3A_24 : vector<1xi32> to vector<1x1x1xi32>
    %reduce_min3A_26 = vector.extract %reduce_min3A_25[0, 0, 0] : i32 from vector<1x1x1xi32>
    %max3A = arith.constant 0 : i32
    %max3A_27 = arith.maxsi %reduce_min3A_26, %max3A : i32
    %reduce_max3A = vector.shape_cast %get3A_22 : vector<1024x1xi32> to vector<1x1024x1xi32>
    %reduce_max3A_28 = arith.constant dense<-2147483648> : vector<1xi32>
    %reduce_max3A_29 = vector.multi_reduction <maxsi>, %reduce_max3A, %reduce_max3A_28 [1, 2] : vector<1x1024x1xi32> to vector<1xi32>
    %reduce_max3A_30 = vector.shape_cast %reduce_max3A_29 : vector<1xi32> to vector<1x1x1xi32>
    %reduce_max3A_31 = vector.extract %reduce_max3A_30[0, 0, 0] : i32 from vector<1x1x1xi32>
    %add3A_32 = arith.constant 1 : i32
    %add3A_33 = arith.addi %reduce_max3A_31, %add3A_32 : i32
    %while3A = arith.constant 0 : i32
    %while3A_34 = arith.subi %add3A_33, %max3A_27 : i32
    %while3A_35 = arith.addi %max3A_27, %while3A_34 : i32
    %while3A_36 = arith.constant 1 : i32
    %while3A_37 = arith.divsi %while3A_34, %while3A_36 : i32
    %while3A_38 = arith.muli %while3A_37, %while3A_36 : i32
    %while3A_39 = arith.addi %max3A_27, %while3A_38 : i32
    %while3A_40 = arith.constant 1 : i32
    scf.for %while3A_42 = %max3A_27 to %while3A_39 step %while3A_40  : i32 {
      %eq3A_43 = vector.broadcast %while3A_42 : i32 to vector<1024x1xi32>
      %eq3A_44 = arith.cmpi eq, %get3A_22, %eq3A_43 : vector<1024x1xi32>
      %jit3A = arith.constant 0xFF800000 : f32
      %broadcast_in_dim3A = vector.shape_cast %eq3A_44 : vector<1024x1xi1> to vector<1024x1xi1>
      %broadcast_in_dim3A_45 = vector.broadcast %broadcast_in_dim3A : vector<1024x1xi1> to vector<1024x128xi1>
      %broadcast_in_dim3A_46 = vector.broadcast %jit3A : f32 to vector<1024x128xf32>
      %select_n3A = arith.select %broadcast_in_dim3A_45, %add3A_19, %broadcast_in_dim3A_46 : vector<1024x128xi1>, vector<1024x128xf32>
      %reduce_max3A_47 = arith.constant dense<0xFF800000> : vector<128xf32>
      %reduce_max3A_48 = vector.multi_reduction <maximumf>, %select_n3A, %reduce_max3A_47 [0] : vector<1024x128xf32> to vector<128xf32>
      %broadcast_in_dim3A_49 = vector.shape_cast %reduce_max3A_48 : vector<128xf32> to vector<1x128xf32>
      %get3A_50 = arith.index_cast %while3A_42 : i32 to index
      %get3A_51 = arith.constant 0 : index
      %get3A_52 = vector.load %arg7[%get3A_50, %get3A_51] : memref<64x128xf32, #tpu.memory_space<vmem>>, vector<1x128xf32>
      %max3A_53 = arith.maximumf %get3A_52, %broadcast_in_dim3A_49 : vector<1x128xf32>
      %swap3A = arith.index_cast %while3A_42 : i32 to index
      %swap3A_54 = arith.constant 0 : index
      %swap3A_55 = vector.load %arg7[%swap3A, %swap3A_54] : memref<64x128xf32, #tpu.memory_space<vmem>>, vector<1x128xf32>
      tpu.vector_store %arg7[%swap3A, %swap3A_54], %max3A_53 {strides = array<i32>} : memref<64x128xf32, #tpu.memory_space<vmem>>, vector<1x128xf32>,
    }
    %while3A_41 = arith.constant 1 : i32
    scf.for %while3A_42 = %while3A_39 to %while3A_35 step %while3A_41  : i32 {
      %eq3A_43 = vector.broadcast %while3A_42 : i32 to vector<1024x1xi32>
      %eq3A_44 = arith.cmpi eq, %get3A_22, %eq3A_43 : vector<1024x1xi32>
      %jit3A = arith.constant 0xFF800000 : f32
      %broadcast_in_dim3A = vector.shape_cast %eq3A_44 : vector<1024x1xi1> to vector<1024x1xi1>
      %broadcast_in_dim3A_45 = vector.broadcast %broadcast_in_dim3A : vector<1024x1xi1> to vector<1024x128xi1>
      %broadcast_in_dim3A_46 = vector.broadcast %jit3A : f32 to vector<1024x128xf32>
      %select_n3A = arith.select %broadcast_in_dim3A_45, %add3A_19, %broadcast_in_dim3A_46 : vector<1024x128xi1>, vector<1024x128xf32>
      %reduce_max3A_47 = arith.constant dense<0xFF800000> : vector<128xf32>
      %reduce_max3A_48 = vector.multi_reduction <maximumf>, %select_n3A, %reduce_max3A_47 [0] : vector<1024x128xf32> to vector<128xf32>
      %broadcast_in_dim3A_49 = vector.shape_cast %reduce_max3A_48 : vector<128xf32> to vector<1x128xf32>
      %get3A_50 = arith.index_cast %while3A_42 : i32 to index
      %get3A_51 = arith.constant 0 : index
      %get3A_52 = vector.load %arg7[%get3A_50, %get3A_51] : memref<64x128xf32, #tpu.memory_space<vmem>>, vector<1x128xf32>
      %max3A_53 = arith.maximumf %get3A_52, %broadcast_in_dim3A_49 : vector<1x128xf32>
      %swap3A = arith.index_cast %while3A_42 : i32 to index
      %swap3A_54 = arith.constant 0 : index
      %swap3A_55 = vector.load %arg7[%swap3A, %swap3A_54] : memref<64x128xf32, #tpu.memory_space<vmem>>, vector<1x128xf32>
      tpu.vector_store %arg7[%swap3A, %swap3A_54], %max3A_53 {strides = array<i32>} : memref<64x128xf32, #tpu.memory_space<vmem>>, vector<1x128xf32>,
    }
    return
  }
  func.func @transform_0(%arg0: i32) -> (i32, i32) {
    %c0_i32 = arith.constant 0 : i32
    %c0_i32_0 = arith.constant 0 : i32
    return %arg0, %c0_i32 : i32, i32
  }
  func.func @transform_1(%arg0: i32) -> (i32, i32) {
    %add3A = arith.constant 10 : i32
    %add3A_0 = arith.addi %add3A, %arg0 : i32
    %c0_i32 = arith.constant 0 : i32
    %c0_i32_1 = arith.constant 0 : i32
    return %add3A_0, %c0_i32 : i32, i32
  }
  func.func @transform_2(%arg0: i32) -> (i32, i32) {
    %c0_i32 = arith.constant 0 : i32
    %c0_i32_0 = arith.constant 0 : i32
    return %arg0, %c0_i32 : i32, i32
  }
  func.func @transform_3(%arg0: i32) -> (i32, i32) {
    %c0_i32 = arith.constant 0 : i32
    %c0_i32_0 = arith.constant 0 : i32
    return %arg0, %c0_i32 : i32, i32
  }
  func.func @transform_4(%arg0: i32) -> (i32, i32) {
    %c0_i32 = arith.constant 0 : i32
    %c0_i32_0 = arith.constant 0 : i32
    %c0_i32_1 = arith.constant 0 : i32
    return %c0_i32, %c0_i32_0 : i32, i32
  }
  func.func @transform_5(%arg0: i32) -> (i32, i32) {
    %c0_i32 = arith.constant 0 : i32
    %c0_i32_0 = arith.constant 0 : i32
    return %arg0, %c0_i32 : i32, i32
  }
  func.func @transform_6(%arg0: i32) -> (i32, i32) {
    %c0_i32 = arith.constant 0 : i32
    %c0_i32_0 = arith.constant 0 : i32
    %c0_i32_1 = arith.constant 0 : i32
    return %c0_i32, %c0_i32_0 : i32, i32
  }
}

module attributes {stable_mosaic.version = 14 : i64} {
  func.func @body(%arg0: i32, %arg1: memref<64x128xf32, #tpu.memory_space<vmem>>, %arg2: memref<128x1024xf32, #tpu.memory_space<vmem>>, %arg3: memref<1x1024xf32, #tpu.memory_space<vmem>>, %arg4: memref<64x1024xf32, #tpu.memory_space<vmem>>) attributes {dimension_semantics = [#tpu.dimension_semantics<arbitrary>], iteration_bounds = array<i64: 10>, scalar_prefetch = 0 : i64, scratch_operands = 0 : i64, tpu.core_type = #tpu.core_type<tc>, window_params = [{pipeline_mode = #tpu.pipeline_mode<synchronous>, transform_indices = @transform_0, window_bounds = array<i64: 64, 128>}, {transform_indices = @transform_1, window_bounds = array<i64: 128, 1024>}, {transform_indices = @transform_2, window_bounds = array<i64: 1, 1024>}, {transform_indices = @transform_3, window_bounds = array<i64: 64, 1024>}]} {
    %get3A = arith.constant 0 : index
    %get3A_0 = arith.constant 0 : index
    %get3A_1 = vector.load %arg1[%get3A, %get3A_0] : memref<64x128xf32, #tpu.memory_space<vmem>>, vector<64x128xf32>
    %get3A_2 = arith.constant 0 : index
    %get3A_3 = arith.constant 0 : index
    %get3A_4 = vector.load %arg2[%get3A_2, %get3A_3] : memref<128x1024xf32, #tpu.memory_space<vmem>>, vector<128x1024xf32>
    %dot_general3A = arith.constant dense<0.000000e+00> : vector<64x1024xf32>
    %dot_general3A_5 = tpu.matmul %get3A_1, %get3A_4, %dot_general3A {dimension_numbers = #tpu.dot_dimension_numbers<[1], [0], [0], [1], [0, 0, 1, 1], [], []>, transpose_lhs_hint = false} : vector<64x128xf32>, vector<128x1024xf32>, vector<64x1024xf32> -> vector<64x1024xf32>
    %get3A_6 = arith.constant 0 : index
    %get3A_7 = arith.constant 0 : index
    %get3A_8 = vector.load %arg3[%get3A_6, %get3A_7] : memref<1x1024xf32, #tpu.memory_space<vmem>>, vector<1x1024xf32>
    %add3A = vector.broadcast %get3A_8 : vector<1x1024xf32> to vector<64x1024xf32>
    %add3A_9 = arith.addf %dot_general3A_5, %add3A : vector<64x1024xf32>
    %swap3A = arith.constant 0 : index
    %swap3A_10 = arith.constant 0 : index
    %swap3A_11 = vector.load %arg4[%swap3A, %swap3A_10] : memref<64x1024xf32, #tpu.memory_space<vmem>>, vector<64x1024xf32>
    tpu.vector_store %arg4[%swap3A, %swap3A_10], %add3A_9 {strides = array<i32>} : memref<64x1024xf32, #tpu.memory_space<vmem>>, vector<64x1024xf32>,
    return
  }
  func.func @transform_0(%arg0: i32) -> (i32, i32) {
    %c0_i32 = arith.constant 0 : i32
    %c0_i32_0 = arith.constant 0 : i32
    %c0_i32_1 = arith.constant 0 : i32
    return %c0_i32, %c0_i32_0 : i32, i32
  }
  func.func @transform_1(%arg0: i32) -> (i32, i32) {
    %c0_i32 = arith.constant 0 : i32
    %c0_i32_0 = arith.constant 0 : i32
    return %c0_i32, %arg0 : i32, i32
  }
  func.func @transform_2(%arg0: i32) -> (i32, i32) {
    %c0_i32 = arith.constant 0 : i32
    %c0_i32_0 = arith.constant 0 : i32
    return %c0_i32, %arg0 : i32, i32
  }
  func.func @transform_3(%arg0: i32) -> (i32, i32) {
    %c0_i32 = arith.constant 0 : i32
    %c0_i32_0 = arith.constant 0 : i32
    return %c0_i32, %arg0 : i32, i32
  }
}

</mosaic_0001>

<sc_bundles>
// kernel: kernel.10.cloned.1.call-start
scs
__scs_entry_jumppad:
0x0: {  	(pc) =	sbr.rel $0x88, $3  }
0x1: {  	(tag) =	ssettag $0x0;
	lr =	simm.s32 $0x1  }
0x2: {  	[smem:$0x3F98] =	sst lr;
	_ =	strace $0xD0000000  }
0x3: {  	_ = 	snop  }
0x4: {  	_ = 	snop  }
0x5: {  	_ = 	snop  }
0x6: {  	_ = 	snop  }
0x7: {  	_ = 	snop  }
__scs_overlays_trampoline_lowered:
0x8: {  	[smem:$0x3FA7] =	sst s0  }
0x9: {  	[smem:$0x3FA8] =	sst s1  }
0xa: {  	[smem:$0x3FA9] =	sst s2  }
0xb: {  	[smem:$0x3FAA] =	sst s3  }
0xc: {  	[smem:$0x3FAB] =	sst s4  }
0xd: {  	[smem:$0x3FAC] =	sst s5  }
0xe: {  	[smem:$0x3FAD] =	sst s6  }
0xf: {  	[smem:$0x3FAE] =	sst s7  }
0x10: {  	[smem:$0x3FAF] =	sst s8  }
0x11: {  	[smem:$0x3FB0] =	sst s9;
	s0 =	simm.s32 @!p0 $0x0  }
0x12: {  	s1 =	sld [smem:$0x3F96];
	s0 =	simm.s32 @p0 $0x1  }
0x13: {  	[smem:$0x3FB1] =	sst s0;
	s0 =	simm.s32 @!p1 $0x0  }
0x14: {  	s2 =	sld [smem:$0x3F95];
	s0 =	simm.s32 @p1 $0x1  }
0x15: {  	[smem:$0x3FB2] =	sst s0;
	s0 =	simm.s32 @!p2 $0x0  }
0x16: {  	s3 =	sld [smem:$0x3FDB];
	s0 =	simm.s32 @p2 $0x1  }
0x17: {  	s4 =	simm.s32 $0x1BF5;
	[smem:$0x3FB4] =	sst s0  }
0x18: {  	s0 =	sld [smem:$0x3F97];
	_ =	swait.ge [sflag:s4], $0x0  }
0x19: {  	s7 =	sld [smem:$0x3F98]  }
0x1a: {  	s8 =	sadd.s32 $0xFFFFE003, lr  }
0x1b: {  	s9 =	sadd.s32 $0xFFFFFEF7, lr;
	s5 =	simm.s32 $0xFFFFFFFF;
	p2 =	slt.u32 s8, $0xFFFFF086  }
0x1c: {  	p1 =	slt.u32 s9, $0xF7A;
	s5 =	simm.s32 @!p2 $0x0  }
0x1d: {  	s5 =	simm.s32 @p1 $0x1;
	p0 =	seq.s32 s7, s2  }
0x1e: {  	s7 =	smul.u32 @!p0 $0xF7A, s2;
	p2 =	seq.s32 @!p0 s5, $0x0  }
0x1f: {  	s9 =	smul.u32 $0xF7A, s1;
	s8 =	simm.s32 @!p0 $0x1BF5;
	p2 =	por !p2, p0  }
0x20: {  	[sflag:s8] =	ssyncset.s32 @!p0 $0xFFFFF086;
	s6 =	sadd.s32 @!p0 s3, s7;
	s7 =	simm.s32 @!p0 $0x108  }
0x21: {  	s3 =	sadd.s32 s3, s9;
	s6 =	sadd.s32 @!p0 $0x88, s6;
	s7 =	simm.s32 @p2 $0x1082  }
0x22: {  	[simem:s7], [sflag:s8] =	dma.local @!p0 [hbm:s6], $0xF7A  }
0x23: {  	s9 =	sor.u32 $0xD0000000, s2;
	s6 =	simm.s32 $0x108;
	_ =	swait.ge @!p0 [sflag:s8], $0x0  }
0x24: {  	s3 =	sadd.s32 $0x88, s3;
	s6 =	simm.s32 @!p1 $0x1082;
	[sflag:s4] =	ssyncset.s32 $0xFFFFF086  }
0x25: {  	[simem:s6], [sflag:s4] =	dma.local [hbm:s3], $0xF7A  }
0x26: {  	[smem:$0x3F98] =	sst s1;
	(tag) =	ssettag s2;
	_ =	strace s9  }
0x27: {  	s1 =	sld [smem:$0x3FA8]  }
0x28: {  	s2 =	sld [smem:$0x3FA9]  }
0x29: {  	s4 =	sld [smem:$0x3FAB]  }
0x2a: {  	p0 =	seq.s32 s5, $0x0;
	s5 =	sld [smem:$0x3FAC]  }
0x2b: {  	s6 =	sld [smem:$0x3FAD]  }
0x2c: {  	s7 =	sld [smem:$0x3FAE]  }
0x2d: {  	s3 =	simm.s32 $0x108;
	s8 =	sld [smem:$0x3FAF]  }
0x2e: {  	s3 =	simm.s32 @!p0 $0x1082;
	s9 =	sld [smem:$0x3FB0]  }
0x2f: {  	lr =	sadd.s32 s0, s3;
	s0 =	sld [smem:$0x3FA7]  }
0x30: {  	s3 =	sld [smem:$0x3FAA]  }
0x31: {  	[smem:$0x3FB3] =	sst s10  }
0x32: {  	s10 =	sld [smem:$0x3FB1];
	_ =	sdelay $0x3  }
0x33: {  	p0 =	seq.s32 s10, $0x1;
	s10 =	sld [smem:$0x3FB3];
	_ =	sdelay $0x3  }
0x34: {  	[smem:$0x3FB3] =	sst s10  }
0x35: {  	s10 =	sld [smem:$0x3FB2];
	_ =	sdelay $0x3  }
0x36: {  	p1 =	seq.s32 s10, $0x1;
	s10 =	sld [smem:$0x3FB3];
	_ =	sdelay $0x3  }
0x37: {  	[smem:$0x3FB3] =	sst s10  }
0x38: {  	s10 =	sld [smem:$0x3FB4]  }
0x39: {  	_ = 	snop;
	(pc) =	sbr.ind lr, $3  }
0x3a: {  	_ = 	snop  }
0x3b: {  	_ = 	snop  }
0x3c: {  	p2 =	seq.s32 s10, $0x1;
	s10 =	sld [smem:$0x3FB3]  }
0x3d: {  	_ =	shalt  }
0x3e: {  	_ =	shalt  }
0x3f: {  	_ =	shalt  }
0x40: {  	_ =	shalt  }
0x41: {  	_ =	shalt  }
0x42: {  	_ =	shalt  }
0x43: {  	_ =	shalt  }
0x44: {  	_ =	shalt  }
0x45: {  	_ =	shalt  }
0x46: {  	_ =	shalt  }
0x47: {  	_ =	shalt  }
0x48: {  	_ =	shalt  }
0x49: {  	_ =	shalt  }
0x4a: {  	_ =	shalt  }
0x4b: {  	_ =	shalt  }
0x4c: {  	_ =	shalt  }
0x4d: {  	_ =	shalt  }
0x4e: {  	_ =	shalt  }
0x4f: {  	_ =	shalt  }
0x50: {  	_ =	shalt  }
0x51: {  	_ =	shalt  }
0x52: {  	_ =	shalt  }
0x53: {  	_ =	shalt  }
0x54: {  	_ =	shalt  }
0x55: {  	_ =	shalt  }
0x56: {  	_ =	shalt  }
0x57: {  	_ =	shalt  }
0x58: {  	_ =	shalt  }
0x59: {  	_ =	shalt  }
0x5a: {  	_ =	shalt  }
0x5b: {  	_ =	shalt  }
0x5c: {  	_ =	shalt  }
0x5d: {  	_ =	shalt  }
0x5e: {  	_ =	shalt  }
0x5f: {  	_ =	shalt  }
0x60: {  	_ =	shalt  }
0x61: {  	_ =	shalt  }
0x62: {  	_ =	shalt  }
0x63: {  	_ =	shalt  }
0x64: {  	_ =	shalt  }
0x65: {  	_ =	shalt  }
0x66: {  	_ =	shalt  }
0x67: {  	_ =	shalt  }
0x68: {  	_ =	shalt  }
0x69: {  	_ =	shalt  }
0x6a: {  	_ =	shalt  }
0x6b: {  	_ =	shalt  }
0x6c: {  	_ =	shalt  }
0x6d: {  	_ =	shalt  }
0x6e: {  	_ =	shalt  }
0x6f: {  	_ =	shalt  }
0x70: {  	_ =	shalt  }
0x71: {  	_ =	shalt  }
0x72: {  	_ =	shalt  }
0x73: {  	_ =	shalt  }
0x74: {  	_ =	shalt  }
0x75: {  	_ =	shalt  }
0x76: {  	_ =	shalt  }
0x77: {  	_ =	shalt  }
0x78: {  	_ =	shalt  }
0x79: {  	_ =	shalt  }
0x7a: {  	_ =	shalt  }
0x7b: {  	_ =	shalt  }
0x7c: {  	_ =	shalt  }
0x7d: {  	_ =	shalt  }
0x7e: {  	_ =	shalt  }
0x7f: {  	_ =	shalt  }
0x80: {  	_ =	shalt  }
0x81: {  	_ =	shalt  }
0x82: {  	_ =	shalt  }
0x83: {  	_ =	shalt  }
0x84: {  	_ =	shalt  }
0x85: {  	_ =	shalt  }
0x86: {  	_ =	shalt  }
0x87: {  	_ =	shalt  }
.Lfunc_end0:
.L_simem_size_0:
called_computation_lowered:
.L_overlay_start_0:
0x88: {  	s2 =	sld [smem:$0x3FD9]  }
0x89: {  	s3 =	sld [smem:$0x3FFE];
	_ =	sdelay $0x1  }
0x8a: {  	s1 =	srdreg.scid  }
0x8b: {  	s0 =	sand.u32 $0x1, s1  }
0x8c: {  	s16 =	sshll.u32 s0, $0xA;
	s2 =	sadd.s32 s3, s2  }
0x8d: {  	s2 =	sadd.s32 s2, s16  }
0x8e: {  	[smem:$0x3FBF] =	sst s2  }
0x8f: {  	_ = 	snop  }
0x90: {  	(tm) =	ssettm $0x1  }
0x91: {  	s17 =	sld [smem:$0x3FFB];
	_ =	sdelay $0x3  }
0x92: {  	_ =	strace s17  }
0x93: {  	s2 =	sld [smem:$0x3FFC];
	_ =	sdelay $0x3  }
0x94: {  	_ =	strace s2  }
0x95: {  	s2 =	sld [smem:$0x3FFD];
	_ =	sdelay $0x3  }
0x96: {  	_ =	strace s2  }
0x97: {  	_ =	strace $0x8FFFFFFF  }
0x98: {  	s18 =	sld [smem:$0x3FDB];
	_ =	sdelay $0x1  }
0x99: {  	s19 =	simm.s32 $_scs_section_size  }
0x9a: {  	s4 =	simm.s32 $_size__tile_overlayer_lowered;
	s5 =	simm.s32 $_tile_overlayer_lowered  }
0x9b: {  	s22 =	simm.s32 $0x1BFF;
	s21 =	sshll.u32 s5, $0x1;
	s2 =	sadd.s32 s19, s18  }
0x9c: {  	s6 =	simm.s32 $0x0;
	s20 =	sshll.u32 s4, $0x1;
	s4 =	sadd.s32 s21, s2  }
0x9d: {  	[timem:s6], [sflag:s22] =	dma.local [hbm:s4], s20  }
0x9e: {  	_ =	swait.ge [sflag:s22], s20  }
0x9f: {  	s3 =	ssub.s32 $0x0, s20;
	[sflag:s22] =	ssyncset.done $0x0  }
0xa0: {  	[sflag:s22] =	ssyncadd.s32 s3;
	_ =	sdelay $0x1  }
0xa1: {  	s23 =	simm.s32 $0x1B8B  }
0xa2: {  	_ =	swait.ge [sflag:s23], $0x1  }
0xa3: {  	[sflag:s23] =	ssyncset.done $0x0  }
0xa4: {  	s25 =	simm.s32 $0x1B8E;
	s24 =	sld [smem:$0x3FFE];
	[sflag:s23] =	ssyncadd.s32 $0xFFFFFFFF  }
0xa5: {  	s26 =	simm.s32 $execute0_lowered;
	[smem:$0x3FD2] =	sst s25  }
0xa6: {  	s4 =	sshll.u32 s26, $0x1;
	_ =	strace $0x80000046;
	[dreg:$0x1] =	wrdreg $0xFFFFFFFF  }
0xa7: {  	s28 =	simm.s32 $_size_execute0_lowered;
	s2 =	sadd.s32 s2, s4;
	[dreg:$0x0] =	wrdreg $0x0  }
0xa8: {  	s4 =	sshll.u32 s28, $0x1;
	[dreg:$0x2] =	wrdreg s2  }
0xa9: {  	[dreg:$0x3] =	wrdreg s4  }
0xaa: {  	[dreg:$0x4] =	wrdreg $0xC0  }
0xab: {  	_ =	task [dreg:s6], $0x5FFFF  }
0xac: {  	[dreg:$0x1] =	wrdreg $0xFFFFFFFF  }
0xad: {  	[dreg:$0x0] =	wrdreg $0x60  }
0xae: {  	[dreg:$0x2] =	wrdreg s24  }
0xaf: {  	[dreg:$0x3] =	wrdreg $0x2B000  }
0xb0: {  	[dreg:$0x4] =	wrdreg $0x9  }
0xb1: {  	_ =	task.clear_ibuf [dreg:s6], $0x5FFFF;
	_ =	strace $0x90000046  }
0xb2: {  	s29 =	simm.s32 $0x9;
	_ =	strace $0x80000048  }
0xb3: {  	_ =	swait.ge [sflag:s29], $0x1  }
0xb4: {  	[sflag:s29] =	ssyncadd.s32 $0xFFFFFFFF  }
0xb5: {  	_ =	strace $0x90000048  }
0xb6: {  	_ =	sfence  }
0xb7: {  	s30 =	sld [smem:$0x0];
	_ =	sdelay $0x2  }
0xb8: {  	s31 =	sshll.u32 s1, $0xD;
	s1 =	sshrl.u32 s1, $0x2  }
0xb9: {  	s3 =	sand.u32 $0x4000, s31;
	s1 =	sadd.s32 s1, s30  }
0xba: {  	s0 =	sor.u32 s3, s0;
	s1 =	sshll.u32 s1, $0x11  }
0xbb: {  	s0 =	sor.u32 s1, s0  }
0xbc: {  	s0 =	sadd.s32 $0x8F2B, s0  }
0xbd: {  	[sflag:s0] =	ssyncadd.remote.s32 $0x1  }
0xbe: {  	_ =	sfence.sel $0xFFFF  }
0xbf: {  	[dreg:$0x0] =	wrdreg $0xFFFFFFFF;
	(pc) =	sbr.abs _section_cstart, $3  }
0xc0: {  	[dreg:$0x1] =	wrdreg $0xFFFFFFFF  }
0xc1: {  	_ =	task.clear_ibuf [dreg:s6], $0x2FFFF;
	_ =	strace $0x9FFFFFFF  }
0xc2: {  	(tm) =	ssettm $0x7FFFFFFF  }
0xc3: {  	_ =	shalt  }
tec
execute0_lowered:
.L_overlay_start_1:
0x0: {  	(tag) =	ssettag $0x1  }
0x1: {  	s4 =	rddreg [dreg:$0x0]  }
0x2: {  	s2 =	rddreg [dreg:$0x1];
	s3 =	srdreg.scid  }
0x3: {  	s1 =	stileid.u32;
	s0 =	rddreg [dreg:$0x2];
	s10 =	simm.s32 $0x7D  }
0x4: {  	s11 =	simm.s32 $0x2800;
	s14 =	simm.s32 $0x0;
	s5 =	sand.u32 $0x1, s3  }
0x5: {  	s6 =	smul.u32 $0x280, s1;
	s3 =	simm.s32 $0x0;
	s12 =	sshll.u32 s1, $0x6  }
0x6: {  	s7 =	sshll.u32 s5, $0x4;
	s8 =	smul.u32 $0x2800, s5;
	[smem:$0x7FF] =	sst s3  }
0x7: {  	s5 =	ssub.s32 $0x2, s5;
	s12 =	sor.u32 $0x1C01, s12;
	s7 =	sor.u32 s1, s7  }
0x8: {  	s9 =	sshrl.u32 s5, $0x1;
	s7 =	smul.u32 $0x500, s7;
	s8 =	sadd.s32 s6, s8  }
0x9: {  	_ =	strace $0x80000047;
	s9 =	ssub.s32 s5, s9;
	s8 =	sshrl.u32 s8, $0x3  }
0xa: {  	s7 =	sadd.s32 s7, s4;
	s8 =	sadd.s32 s8, s4;
	s4 =	sadd.s32 s6, s2  }
0xb: {  	s5 =	sadd.s32 $0x3800, s7;
	s6 =	sadd.s32 $0xD800, s8;
	s7 =	smax.u32 s9, $0x1  }
0xc: {  	v0 =	vimm.f32 $1.000000000e+00;
	v1 =	vimm.f32 $0.0e+00;
	s8 =	simm.s32 $0x2880;
	s9 =	simm.s32 $0x1;
	s13 =	sshrl.u32 s4, $0x3  }
.LBB2_1:
0xd: {  	[tilespmem:$0x2800] =	vst v0  }
0xe: {  	[tilespmem:$0x2810] =	vst v0  }
0xf: {  	[tilespmem:$0x2820] =	vst v0  }
0x10: {  	[tilespmem:$0x2830] =	vst v0  }
0x11: {  	[tilespmem:$0x2840] =	vst v0  }
0x12: {  	[tilespmem:$0x2850] =	vst v0  }
0x13: {  	[tilespmem:$0x2860] =	vst v0  }
0x14: {  	[tilespmem:$0x2870] =	vst v0  }
0x15: {  	[tilespmem:$0x2880] =	vst v1  }
0x16: {  	[tilespmem:$0x2890] =	vst v1  }
0x17: {  	[tilespmem:$0x28A0] =	vst v1  }
0x18: {  	[tilespmem:$0x28B0] =	vst v1  }
0x19: {  	[tilespmem:$0x28C0] =	vst v1  }
0x1a: {  	[tilespmem:$0x28D0] =	vst v1  }
0x1b: {  	[tilespmem:$0x28E0] =	vst v1  }
0x1c: {  	[tilespmem:$0x28F0] =	vst v1  }
0x1d: {  	[tilespmem:$0x2900] =	vst v1  }
0x1e: {  	[tilespmem:$0x2910] =	vst v1  }
0x1f: {  	[tilespmem:$0x2920] =	vst v1  }
0x20: {  	[tilespmem:$0x2930] =	vst v1  }
0x21: {  	[tilespmem:$0x2940] =	vst v1  }
0x22: {  	[tilespmem:$0x2950] =	vst v1  }
0x23: {  	[tilespmem:$0x2960] =	vst v1  }
0x24: {  	[tilespmem:$0x2970] =	vst v1  }
0x25: {  	[tilespmem:$0x2980] =	vst v1  }
0x26: {  	[tilespmem:$0x2990] =	vst v1  }
0x27: {  	[tilespmem:$0x29A0] =	vst v1  }
0x28: {  	[tilespmem:$0x29B0] =	vst v1  }
0x29: {  	[tilespmem:$0x29C0] =	vst v1  }
0x2a: {  	[tilespmem:$0x29D0] =	vst v1  }
0x2b: {  	[tilespmem:$0x29E0] =	vst v1  }
0x2c: {  	[tilespmem:$0x29F0] =	vst v1  }
0x2d: {  	[tilespmem:$0x2A00] =	vst v1  }
0x2e: {  	[tilespmem:$0x2A10] =	vst v1  }
0x2f: {  	[tilespmem:$0x2A20] =	vst v1  }
0x30: {  	[tilespmem:$0x2A30] =	vst v1  }
0x31: {  	[tilespmem:$0x2A40] =	vst v1  }
0x32: {  	[tilespmem:$0x2A50] =	vst v1  }
0x33: {  	[tilespmem:$0x2A60] =	vst v1  }
0x34: {  	[tilespmem:$0x2A70] =	vst v1  }
0x35: {  	[tilespmem:$0x2A80] =	vst v1  }
0x36: {  	[tilespmem:$0x2A90] =	vst v1  }
0x37: {  	[tilespmem:$0x2AA0] =	vst v1  }
0x38: {  	[tilespmem:$0x2AB0] =	vst v1  }
0x39: {  	[tilespmem:$0x2AC0] =	vst v1  }
0x3a: {  	[tilespmem:$0x2AD0] =	vst v1  }
0x3b: {  	[tilespmem:$0x2AE0] =	vst v1  }
0x3c: {  	[tilespmem:$0x2AF0] =	vst v1  }
0x3d: {  	[spmem:s4] =	stream.linear.scatter [tilespmem:s8], [sflag:$0x1], $0x280, $0x38;
	[tilespmem:$0x2D80] =	vst v63  }
0x3e: {  	_ =	swait.ge [sflag:s9], $0x280  }
0x3f: {  	[sflag:s9] =	ssyncset.done $0x0  }
0x40: {  	[sflag:s9] =	ssyncadd.s32 $0xFFFFFD80  }
0x41: {  	[tilespmem:s3], [sflag:$0x1] =	stream.linear.gather [hbm4b:s5+s3], $0x2800, $0x38;
	[tilespmem:$0x2D80] =	vst v63  }
0x42: {  	_ =	swait.ge [sflag:s9], $0x2800  }
0x43: {  	[sflag:s9] =	ssyncset.done $0x0  }
0x44: {  	[sflag:s9] =	ssyncadd.s32 $0xFFFFD800  }
0x45: {  	s15 =	simm.s32 $0x0;
	[bflag:$0x0] =	sbarrier.arrive $0xFFFF  }
0x46: {  	[spmem:s2] =	stream.indirect.scatter.add.f32 [tilespmem:s11], [sflag:$0x1], $0x1, s15, s10, $0xb8;
	[tilespmem:$0x2D80] =	vst v63  }
0x47: {  	_ =	swait.ge [sflag:s9], $0x7D  }
0x48: {  	s15 =	simm.s32 $0x200;
	[sflag:s9] =	ssyncset.done $0x0  }
.LBB2_2:
0x49: {  	s16 =	sshra.s32 s15, $0x2;
	[sflag:s9] =	ssyncadd.s32 $0xFFFFFF83;
	p0 =	sne.s32 s15, $0x9E00  }
0x4a: {  	[spmem:s2] =	stream.indirect.scatter.add.f32 [tilespmem:s11], [sflag:$0x1], $0x1, s16, s10, $0xb8;
	[tilespmem:$0x2D80] =	vst v63  }
.Ltmp0:
0x4b: {  	_ = 	snop;
	(pc) =	sbr.rel @p0 .LBB2_2-.Ltmp0, $4  }
0x4c: {  	_ = 	snop  }
0x4d: {  	s15 =	sadd.s32 $0x200, s15  }
0x4e: {  	_ =	swait.ge [sflag:s9], $0x7D  }
0x4f: {  	[sflag:s9] =	ssyncset.done $0x0  }
0x50: {  	s14 =	sadd.s32 $0x1, s14  }
0x51: {  	[sflag:s9] =	ssyncadd.s32 $0xFFFFFF83;
	p0 =	sne.s32 s14, s7  }
.Ltmp1:
0x52: {  	[bflag:$0x0] =	sbarrier.arrive $0xFFFF;
	(pc) =	sbr.rel @p0 .LBB2_1-.Ltmp1, $4  }
0x53: {  	[hbm:s6], [sflag:s12] =	dma.local [spmem:s13], $0x50  }
0x54: {  	_ =	swait.ge [sflag:s9], $0x50  }
0x55: {  	[sflag:s9] =	ssyncset.done $0x0  }
0x56: {  	[sflag:s9] =	ssyncadd.s32 $0xFFFFFFB0  }
0x57: {  	_ =	sfence.sel $0x180000  }
0x58: {  	[bflag:$0x0] =	sbarrier.arrive $0xFFFF  }
0x59: {  	p0 =	sne.s32 s1, $0x0;
	_ =	strace $0x90000047  }
0x5a: {  	s0 =	sadd.s32 @!p0 $0x100000, s0;
	[bflag:$0x2] =	sbarrier.arrive $0xFFFF  }
0x5b: {  	[sflag:s0] =	ssyncadd.tile.s32 @!p0 $0x1;
	_ =	shalt  }
.Lfunc_end2:
_tile_overlayer_lowered:
.L_overlay_start_2:
0x5c: {  	(tag) =	ssettag $0x2  }
0x5d: {  	s0 =	rddreg [dreg:$0x0];
	s2 =	stileid.u32  }
0x5e: {  	s1 =	rddreg [dreg:$0x1];
	p0 =	sne.s32 s2, $0x0  }
0x5f: {  	s3 =	rddreg [dreg:$0x2];
	[bflag:$0x3] =	sbarrier.arrive $0xFFFF;
	s2 =	simm.s32 @!p0 $0x1C01  }
0x60: {  	[timem:s3], [sflag:s2] =	dma.local @!p0 [hbm:s0], s1  }
0x61: {  	s0 =	simm.s32 @!p0 $0x1  }
0x62: {  	_ =	swait.ge @!p0 [sflag:s0], s1  }
0x63: {  	s1 =	ssub.s32 @!p0 $0x0, s1;
	[sflag:s0] =	ssyncset.done @!p0 $0x0  }
0x64: {  	[sflag:s0] =	ssyncadd.s32 @!p0 s1  }
0x65: {  	[bflag:$0x3] =	sbarrier.arrive $0xFFFF  }
0x66: {  	_ =	shalt  }

// kernel: kernel.13.cloned.1.call-start
scs
__scs_entry_jumppad:
0x0: {  	(pc) =	sbr.rel $0x88, $3  }
0x1: {  	(tag) =	ssettag $0x0;
	lr =	simm.s32 $0x1  }
0x2: {  	[smem:$0x3F98] =	sst lr;
	_ =	strace $0xD0000000  }
0x3: {  	_ = 	snop  }
0x4: {  	_ = 	snop  }
0x5: {  	_ = 	snop  }
0x6: {  	_ = 	snop  }
0x7: {  	_ = 	snop  }
__scs_overlays_trampoline_lowered:
0x8: {  	[smem:$0x3FA7] =	sst s0  }
0x9: {  	[smem:$0x3FA8] =	sst s1  }
0xa: {  	[smem:$0x3FA9] =	sst s2  }
0xb: {  	[smem:$0x3FAA] =	sst s3  }
0xc: {  	[smem:$0x3FAB] =	sst s4  }
0xd: {  	[smem:$0x3FAC] =	sst s5  }
0xe: {  	[smem:$0x3FAD] =	sst s6  }
0xf: {  	[smem:$0x3FAE] =	sst s7  }
0x10: {  	[smem:$0x3FAF] =	sst s8  }
0x11: {  	[smem:$0x3FB0] =	sst s9;
	s0 =	simm.s32 @!p0 $0x0  }
0x12: {  	s1 =	sld [smem:$0x3F96];
	s0 =	simm.s32 @p0 $0x1  }
0x13: {  	[smem:$0x3FB1] =	sst s0;
	s0 =	simm.s32 @!p1 $0x0  }
0x14: {  	s2 =	sld [smem:$0x3F95];
	s0 =	simm.s32 @p1 $0x1  }
0x15: {  	[smem:$0x3FB2] =	sst s0;
	s0 =	simm.s32 @!p2 $0x0  }
0x16: {  	s3 =	sld [smem:$0x3FDB];
	s0 =	simm.s32 @p2 $0x1  }
0x17: {  	s4 =	simm.s32 $0x1BF5;
	[smem:$0x3FB4] =	sst s0  }
0x18: {  	s0 =	sld [smem:$0x3F97];
	_ =	swait.ge [sflag:s4], $0x0  }
0x19: {  	s7 =	sld [smem:$0x3F98]  }
0x1a: {  	s8 =	sadd.s32 $0xFFFFE003, lr  }
0x1b: {  	s9 =	sadd.s32 $0xFFFFFEF7, lr;
	s5 =	simm.s32 $0xFFFFFFFF;
	p2 =	slt.u32 s8, $0xFFFFF086  }
0x1c: {  	p1 =	slt.u32 s9, $0xF7A;
	s5 =	simm.s32 @!p2 $0x0  }
0x1d: {  	s5 =	simm.s32 @p1 $0x1;
	p0 =	seq.s32 s7, s2  }
0x1e: {  	s7 =	smul.u32 @!p0 $0xF7A, s2;
	p2 =	seq.s32 @!p0 s5, $0x0  }
0x1f: {  	s9 =	smul.u32 $0xF7A, s1;
	s8 =	simm.s32 @!p0 $0x1BF5;
	p2 =	por !p2, p0  }
0x20: {  	[sflag:s8] =	ssyncset.s32 @!p0 $0xFFFFF086;
	s6 =	sadd.s32 @!p0 s3, s7;
	s7 =	simm.s32 @!p0 $0x108  }
0x21: {  	s3 =	sadd.s32 s3, s9;
	s6 =	sadd.s32 @!p0 $0x88, s6;
	s7 =	simm.s32 @p2 $0x1082  }
0x22: {  	[simem:s7], [sflag:s8] =	dma.local @!p0 [hbm:s6], $0xF7A  }
0x23: {  	s9 =	sor.u32 $0xD0000000, s2;
	s6 =	simm.s32 $0x108;
	_ =	swait.ge @!p0 [sflag:s8], $0x0  }
0x24: {  	s3 =	sadd.s32 $0x88, s3;
	s6 =	simm.s32 @!p1 $0x1082;
	[sflag:s4] =	ssyncset.s32 $0xFFFFF086  }
0x25: {  	[simem:s6], [sflag:s4] =	dma.local [hbm:s3], $0xF7A  }
0x26: {  	[smem:$0x3F98] =	sst s1;
	(tag) =	ssettag s2;
	_ =	strace s9  }
0x27: {  	s1 =	sld [smem:$0x3FA8]  }
0x28: {  	s2 =	sld [smem:$0x3FA9]  }
0x29: {  	s4 =	sld [smem:$0x3FAB]  }
0x2a: {  	p0 =	seq.s32 s5, $0x0;
	s5 =	sld [smem:$0x3FAC]  }
0x2b: {  	s6 =	sld [smem:$0x3FAD]  }
0x2c: {  	s7 =	sld [smem:$0x3FAE]  }
0x2d: {  	s3 =	simm.s32 $0x108;
	s8 =	sld [smem:$0x3FAF]  }
0x2e: {  	s3 =	simm.s32 @!p0 $0x1082;
	s9 =	sld [smem:$0x3FB0]  }
0x2f: {  	lr =	sadd.s32 s0, s3;
	s0 =	sld [smem:$0x3FA7]  }
0x30: {  	s3 =	sld [smem:$0x3FAA]  }
0x31: {  	[smem:$0x3FB3] =	sst s10  }
0x32: {  	s10 =	sld [smem:$0x3FB1];
	_ =	sdelay $0x3  }
0x33: {  	p0 =	seq.s32 s10, $0x1;
	s10 =	sld [smem:$0x3FB3];
	_ =	sdelay $0x3  }
0x34: {  	[smem:$0x3FB3] =	sst s10  }
0x35: {  	s10 =	sld [smem:$0x3FB2];
	_ =	sdelay $0x3  }
0x36: {  	p1 =	seq.s32 s10, $0x1;
	s10 =	sld [smem:$0x3FB3];
	_ =	sdelay $0x3  }
0x37: {  	[smem:$0x3FB3] =	sst s10  }
0x38: {  	s10 =	sld [smem:$0x3FB4]  }
0x39: {  	_ = 	snop;
	(pc) =	sbr.ind lr, $3  }
0x3a: {  	_ = 	snop  }
0x3b: {  	_ = 	snop  }
0x3c: {  	p2 =	seq.s32 s10, $0x1;
	s10 =	sld [smem:$0x3FB3]  }
0x3d: {  	_ =	shalt  }
0x3e: {  	_ =	shalt  }
0x3f: {  	_ =	shalt  }
0x40: {  	_ =	shalt  }
0x41: {  	_ =	shalt  }
0x42: {  	_ =	shalt  }
0x43: {  	_ =	shalt  }
0x44: {  	_ =	shalt  }
0x45: {  	_ =	shalt  }
0x46: {  	_ =	shalt  }
0x47: {  	_ =	shalt  }
0x48: {  	_ =	shalt  }
0x49: {  	_ =	shalt  }
0x4a: {  	_ =	shalt  }
0x4b: {  	_ =	shalt  }
0x4c: {  	_ =	shalt  }
0x4d: {  	_ =	shalt  }
0x4e: {  	_ =	shalt  }
0x4f: {  	_ =	shalt  }
0x50: {  	_ =	shalt  }
0x51: {  	_ =	shalt  }
0x52: {  	_ =	shalt  }
0x53: {  	_ =	shalt  }
0x54: {  	_ =	shalt  }
0x55: {  	_ =	shalt  }
0x56: {  	_ =	shalt  }
0x57: {  	_ =	shalt  }
0x58: {  	_ =	shalt  }
0x59: {  	_ =	shalt  }
0x5a: {  	_ =	shalt  }
0x5b: {  	_ =	shalt  }
0x5c: {  	_ =	shalt  }
0x5d: {  	_ =	shalt  }
0x5e: {  	_ =	shalt  }
0x5f: {  	_ =	shalt  }
0x60: {  	_ =	shalt  }
0x61: {  	_ =	shalt  }
0x62: {  	_ =	shalt  }
0x63: {  	_ =	shalt  }
0x64: {  	_ =	shalt  }
0x65: {  	_ =	shalt  }
0x66: {  	_ =	shalt  }
0x67: {  	_ =	shalt  }
0x68: {  	_ =	shalt  }
0x69: {  	_ =	shalt  }
0x6a: {  	_ =	shalt  }
0x6b: {  	_ =	shalt  }
0x6c: {  	_ =	shalt  }
0x6d: {  	_ =	shalt  }
0x6e: {  	_ =	shalt  }
0x6f: {  	_ =	shalt  }
0x70: {  	_ =	shalt  }
0x71: {  	_ =	shalt  }
0x72: {  	_ =	shalt  }
0x73: {  	_ =	shalt  }
0x74: {  	_ =	shalt  }
0x75: {  	_ =	shalt  }
0x76: {  	_ =	shalt  }
0x77: {  	_ =	shalt  }
0x78: {  	_ =	shalt  }
0x79: {  	_ =	shalt  }
0x7a: {  	_ =	shalt  }
0x7b: {  	_ =	shalt  }
0x7c: {  	_ =	shalt  }
0x7d: {  	_ =	shalt  }
0x7e: {  	_ =	shalt  }
0x7f: {  	_ =	shalt  }
0x80: {  	_ =	shalt  }
0x81: {  	_ =	shalt  }
0x82: {  	_ =	shalt  }
0x83: {  	_ =	shalt  }
0x84: {  	_ =	shalt  }
0x85: {  	_ =	shalt  }
0x86: {  	_ =	shalt  }
0x87: {  	_ =	shalt  }
.Lfunc_end0:
.L_simem_size_0:
called_computation.1_lowered:
.L_overlay_start_0:
0x88: {  	s2 =	sld [smem:$0x3FD9]  }
0x89: {  	s3 =	sld [smem:$0x3FFE];
	_ =	sdelay $0x1  }
0x8a: {  	s1 =	srdreg.scid  }
0x8b: {  	s0 =	sand.u32 $0x1, s1  }
0x8c: {  	s17 =	sshll.u32 s0, $0xA;
	s2 =	sadd.s32 s3, s2  }
0x8d: {  	s2 =	sadd.s32 s2, s17  }
0x8e: {  	[smem:$0x3FBF] =	sst s2  }
0x8f: {  	_ = 	snop  }
0x90: {  	s2 =	sld [smem:$0x3FD0];
	(tm) =	ssettm $0x1  }
0x91: {  	s18 =	sld [smem:$0x3FFB];
	_ =	sdelay $0x3  }
0x92: {  	_ =	strace s18  }
0x93: {  	s3 =	sld [smem:$0x3FFC];
	_ =	sdelay $0x3  }
0x94: {  	_ =	strace s3  }
0x95: {  	s3 =	sld [smem:$0x3FFD];
	_ =	sdelay $0x3  }
0x96: {  	_ =	strace s3  }
0x97: {  	_ =	strace $0x8FFFFFFF  }
0x98: {  	s19 =	sld [smem:$0x3FDB];
	_ =	sdelay $0x1  }
0x99: {  	s4 =	simm.s32 $_scs_section_size  }
0x9a: {  	s5 =	simm.s32 $_size__tile_overlayer_lowered;
	s6 =	simm.s32 $_tile_overlayer_lowered  }
0x9b: {  	s22 =	simm.s32 $0x1BFF;
	s21 =	sshll.u32 s6, $0x1;
	s3 =	sadd.s32 s4, s19  }
0x9c: {  	s7 =	simm.s32 $0x0;
	s20 =	sshll.u32 s5, $0x1;
	s5 =	sadd.s32 s21, s3  }
0x9d: {  	[timem:s7], [sflag:s22] =	dma.local [hbm:s5], s20  }
0x9e: {  	_ =	swait.ge [sflag:s22], s20  }
0x9f: {  	s4 =	ssub.s32 $0x0, s20;
	[sflag:s22] =	ssyncset.done $0x0  }
0xa0: {  	[sflag:s22] =	ssyncadd.s32 s4;
	_ =	sdelay $0x1  }
0xa1: {  	s23 =	simm.s32 $0x1B8B  }
0xa2: {  	_ =	swait.ge [sflag:s23], $0x1  }
0xa3: {  	[sflag:s23] =	ssyncset.done $0x0  }
0xa4: {  	s25 =	simm.s32 $0x1B8E;
	s24 =	sld [smem:$0x3FFE];
	[sflag:s23] =	ssyncadd.s32 $0xFFFFFFFF  }
0xa5: {  	s26 =	simm.s32 $execute0_lowered;
	[smem:$0x3FD2] =	sst s25  }
0xa6: {  	s5 =	sshll.u32 s26, $0x1;
	_ =	strace $0x80000049;
	[dreg:$0x1] =	wrdreg $0xFFFFFFFF  }
0xa7: {  	s28 =	simm.s32 $_size_execute0_lowered;
	s3 =	sadd.s32 s3, s5;
	[dreg:$0x0] =	wrdreg $0x0  }
0xa8: {  	s5 =	sshll.u32 s28, $0x1;
	[dreg:$0x2] =	wrdreg s3  }
0xa9: {  	[dreg:$0x3] =	wrdreg s5  }
0xaa: {  	[dreg:$0x4] =	wrdreg $0xC0  }
0xab: {  	_ =	task [dreg:s7], $0x5FFFF  }
0xac: {  	[dreg:$0x1] =	wrdreg $0xFFFFFFFF  }
0xad: {  	[dreg:$0x0] =	wrdreg $0x60  }
0xae: {  	[dreg:$0x2] =	wrdreg s24  }
0xaf: {  	[dreg:$0x3] =	wrdreg s2  }
0xb0: {  	[dreg:$0x4] =	wrdreg $0xC0000  }
0xb1: {  	[dreg:$0x5] =	wrdreg $0x9  }
0xb2: {  	_ =	task.clear_ibuf [dreg:s7], $0x6FFFF;
	_ =	strace $0x90000049  }
0xb3: {  	s29 =	simm.s32 $0x9;
	_ =	strace $0x8000004B  }
0xb4: {  	_ =	swait.ge [sflag:s29], $0x1  }
0xb5: {  	[sflag:s29] =	ssyncadd.s32 $0xFFFFFFFF  }
0xb6: {  	_ =	strace $0x9000004B  }
0xb7: {  	_ =	sfence  }
0xb8: {  	s30 =	sld [smem:$0x0];
	_ =	sdelay $0x2  }
0xb9: {  	s31 =	sshll.u32 s1, $0xD;
	s1 =	sshrl.u32 s1, $0x2  }
0xba: {  	s3 =	sand.u32 $0x4000, s31;
	s1 =	sadd.s32 s1, s30  }
0xbb: {  	s0 =	sor.u32 s3, s0;
	s1 =	sshll.u32 s1, $0x11  }
0xbc: {  	s0 =	sor.u32 s1, s0  }
0xbd: {  	s0 =	sadd.s32 $0x8F2B, s0  }
0xbe: {  	[sflag:s0] =	ssyncadd.remote.s32 $0x1  }
0xbf: {  	_ =	sfence.sel $0xFFFF  }
0xc0: {  	[dreg:$0x0] =	wrdreg $0xFFFFFFFF;
	(pc) =	sbr.abs _section_cstart, $3  }
0xc1: {  	[dreg:$0x1] =	wrdreg $0xFFFFFFFF  }
0xc2: {  	_ =	task.clear_ibuf [dreg:s7], $0x2FFFF;
	_ =	strace $0x9FFFFFFF  }
0xc3: {  	(tm) =	ssettm $0x7FFFFFFF  }
tec
execute0_lowered:
.L_overlay_start_1:
0x0: {  	(tag) =	ssettag $0x1  }
0x1: {  	s0 =	rddreg [dreg:$0x0]  }
0x2: {  	s1 =	rddreg [dreg:$0x1];
	s3 =	srdreg.scid  }
0x3: {  	s11 =	stileid.u32;
	s2 =	rddreg [dreg:$0x2]  }
0x4: {  	s28 =	simm.s32 $0xC00;
	s29 =	simm.s32 $0x1C00;
	s31 =	simm.s32 $0x8  }
0x5: {  	s30 =	simm.s32 $0x3;
	s5 =	sand.u32 $0x1, s3;
	s4 =	smul.u32 $0x280, s11  }
0x6: {  	s3 =	simm.s32 $0x0;
	s9 =	sshll.u32 s11, $0xB;
	s11 =	smul.u32 $0x50000, s11  }
0x7: {  	s7 =	sadd.s32 $0xE200, s0;
	s6 =	smul.u32 $0x2800, s5;
	[smem:$0x7FF] =	sst s3  }
0x8: {  	s8 =	ssub.s32 $0x2, s5;
	s5 =	sshll.u32 s5, $0xF;
	_ =	strace $0x8000004A  }
0x9: {  	s14 =	sshrl.u32 s8, $0x1;
	s10 =	sor.u32 s9, s5;
	s19 =	sshrl.u32 s11, $0x2  }
0xa: {  	s6 =	sadd.s32 s6, s4;
	s4 =	sadd.s32 $0x1E200, s0;
	s12 =	sadd.s32 s1, s10  }
0xb: {  	s15 =	sor.u32 $0x80, s10;
	s16 =	sadd.s32 s7, s10;
	[dreg:$0x4] =	wrdreg s12  }
0xc: {  	s18 =	sor.u32 $0x100, s10;
	s11 =	sadd.s32 s19, s2;
	[dreg:$0x5] =	wrdreg s16  }
0xd: {  	s10 =	simm.s32 $0xB;
	s17 =	sadd.s32 s1, s15;
	[dreg:$0xa] =	wrdreg s11  }
0xe: {  	s6 =	sshll.u32 s6, $0x4;
	s20 =	sadd.s32 s1, s18;
	[dreg:$0x6] =	wrdreg s17  }
0xf: {  	s21 =	sadd.s32 $0x2800, s11;
	s22 =	sadd.s32 $0x5000, s11;
	[dreg:$0x8] =	wrdreg s20  }
0x10: {  	s24 =	sadd.s32 $0x4000, s11;
	s0 =	sadd.s32 s6, s0;
	[dreg:$0xc] =	wrdreg s21  }
0x11: {  	s6 =	ssub.s32 s8, s14;
	s8 =	sadd.s32 s7, s15;
	[dreg:$0xd] =	wrdreg s22  }
0x12: {  	s26 =	sadd.s32 $0x8000, s11;
	s16 =	sshrl.u32 s24, $0x3;
	[dreg:$0x7] =	wrdreg s8  }
0x13: {  	s13 =	sadd.s32 $0xC000, s11;
	s17 =	sshrl.u32 s26, $0x3;
	[dreg:$0x13] =	wrdreg s16  }
0x14: {  	s1 =	sadd.s32 s5, s1;
	s22 =	sadd.s32 $0x7800, s11;
	[dreg:$0x14] =	wrdreg s17  }
0x15: {  	s20 =	sadd.s32 s9, s1;
	s24 =	sadd.s32 $0xC800, s11;
	[dreg:$0x17] =	wrdreg s22  }
0x16: {  	s15 =	sadd.s32 $0x10000, s11;
	s26 =	sadd.s32 $0x11800, s11;
	[dreg:$0x19] =	wrdreg s24  }
0x17: {  	s1 =	simm.s32 $0x2000;
	s8 =	sadd.s32 s7, s18;
	[dreg:$0x1b] =	wrdreg s26  }
0x18: {  	s6 =	smax.u32 s6, $0x1;
	s23 =	sadd.s32 $0x46200, s0;
	[dreg:$0x9] =	wrdreg s8  }
0x19: {  	s25 =	sadd.s32 $0x46A00, s0;
	s12 =	sadd.s32 $0x47200, s0;
	[dreg:$0xb] =	wrdreg s6  }
0x1a: {  	s7 =	sadd.s32 s5, s7;
	s14 =	sadd.s32 $0x47A00, s0;
	[dreg:$0xe] =	wrdreg s23  }
0x1b: {  	s0 =	sadd.s32 $0x48200, s0;
	s18 =	sshrl.u32 s13, $0x3;
	[dreg:$0xf] =	wrdreg s25  }
0x1c: {  	s21 =	sshrl.u32 s15, $0x3;
	s13 =	simm.s32 $0x4800;
	[dreg:$0x10] =	wrdreg s12  }
0x1d: {  	s15 =	simm.s32 $0x7000;
	s17 =	simm.s32 $0x9800;
	[dreg:$0x11] =	wrdreg s14  }
0x1e: {  	s22 =	simm.s32 $0x9;
	s24 =	simm.s32 $0x7;
	[dreg:$0x12] =	wrdreg s0  }
0x1f: {  	s26 =	simm.s32 $0xA;
	s16 =	simm.s32 $0x1E80;
	[dreg:$0x15] =	wrdreg s18  }
.Ltmp0:
0x20: {  	s19 =	sadd.s32 s9, s7;
	[dreg:$0x16] =	wrdreg s21;
	(pc) =	sbr.rel .LBB2_1-.Ltmp0, $4  }
0x21: {  	s23 =	sadd.s32 $0xA000, s11;
	s25 =	sadd.s32 $0xF000, s11;
	s0 =	simm.s32 $0x5  }
0x22: {  	s12 =	simm.s32 $0x50;
	s18 =	simm.s32 $0x6;
	s21 =	simm.s32 $0xC  }
0x23: {  	s6 =	simm.s32 $0x2;
	s7 =	simm.s32 $0x0;
	[dreg:$0x18] =	wrdreg s23  }
0x24: {  	v0 =	vimm.f32 $0.0e+00;
	[dreg:$0x1a] =	wrdreg s25;
	s25 =	simm.s32 $0x4;
	s23 =	simm.s32 $0x1F80  }
.LBB2_6:
0x25: {  	_ =	swait.ge [sflag:s21], $0x2800  }
0x26: {  	[sflag:s21] =	ssyncset.done $0x0  }
0x27: {  	[sflag:s21] =	ssyncadd.s32 $0xFFFFD800  }
0x28: {  	s5 =	stileid.u32;
	[bflag:$0x0] =	sbarrier.arrive $0xFFFF  }
0x29: {  	s5 =	sshll.u32 s5, $0x6;
	s11 =	rddreg [dreg:$0xa]  }
0x2a: {  	s5 =	sor.u32 $0x1C05, s5;
	s8 =	rddreg [dreg:$0xe];
	s7 =	sshrl.u32 s11, $0x3  }
0x2b: {  	[hbm:s8], [sflag:s5] =	dma.local [spmem:s7], $0x800  }
0x2c: {  	s7 =	rddreg [dreg:$0xf]  }
0x2d: {  	s8 =	rddreg [dreg:$0x13]  }
0x2e: {  	[hbm:s7], [sflag:s5] =	dma.local [spmem:s8], $0x800  }
0x2f: {  	s7 =	rddreg [dreg:$0x10]  }
0x30: {  	s8 =	rddreg [dreg:$0x14]  }
0x31: {  	[hbm:s7], [sflag:s5] =	dma.local [spmem:s8], $0x800  }
0x32: {  	s7 =	rddreg [dreg:$0x11]  }
0x33: {  	s8 =	rddreg [dreg:$0x15]  }
0x34: {  	[hbm:s7], [sflag:s5] =	dma.local [spmem:s8], $0x800  }
0x35: {  	s7 =	rddreg [dreg:$0x12]  }
0x36: {  	s8 =	rddreg [dreg:$0x16]  }
0x37: {  	[hbm:s7], [sflag:s5] =	dma.local [spmem:s8], $0x800  }
0x38: {  	_ =	swait.ge [sflag:s0], $0x800  }
0x39: {  	[sflag:s0] =	ssyncset.done $0x0  }
0x3a: {  	[sflag:s0] =	ssyncadd.s32 $0xFFFFF800  }
0x3b: {  	_ =	swait.ge [sflag:s0], $0x800  }
0x3c: {  	[sflag:s0] =	ssyncset.done $0x0  }
0x3d: {  	[sflag:s0] =	ssyncadd.s32 $0xFFFFF800  }
0x3e: {  	_ =	swait.ge [sflag:s0], $0x800  }
0x3f: {  	[sflag:s0] =	ssyncset.done $0x0  }
0x40: {  	[sflag:s0] =	ssyncadd.s32 $0xFFFFF800  }
0x41: {  	_ =	swait.ge [sflag:s0], $0x800  }
0x42: {  	[sflag:s0] =	ssyncset.done $0x0  }
0x43: {  	[sflag:s0] =	ssyncadd.s32 $0xFFFFF800  }
0x44: {  	_ =	swait.ge [sflag:s0], $0x800  }
0x45: {  	s9 =	rddreg [dreg:$0x1c]  }
0x46: {  	s14 =	rddreg [dreg:$0xb];
	s7 =	sadd.s32 $0x1, s9  }
0x47: {  	p0 =	sne.s32 s7, s14  }
.Ltmp1:
0x48: {  	_ = 	snop;
	(pc) =	sbr.rel @!p0 .LBB2_7-.Ltmp1, $3  }
0x49: {  	_ =	sdelay $0x1  }
0x4a: {  	[sflag:s0] =	ssyncset.done $0x0  }
0x4b: {  	[sflag:s0] =	ssyncadd.s32 $0xFFFFF800  }
.LBB2_1:
0x4c: {  	[dreg:$0x1c] =	wrdreg s7;
	s5 =	simm.s32 $0x70;
	s7 =	simm.s32 $0x3C0  }
.LBB2_2:
0x4d: {  	p0 =	sne.s32 s7, $0x9FC0;
	[tilespmem:s5+$0x2000] =	vst v0  }
0x4e: {  	[tilespmem:s5+$0x1F90] =	vst v0  }
0x4f: {  	[tilespmem:s5+$0x1FA0] =	vst v0  }
.Ltmp2:
0x50: {  	[tilespmem:s5+$0x1FB0] =	vst v0;
	(pc) =	sbr.rel @p0 .LBB2_2-.Ltmp2, $4  }
0x51: {  	[tilespmem:s5+$0x1FC0] =	vst v0  }
0x52: {  	[tilespmem:s5+$0x1FD0] =	vst v0  }
0x53: {  	[tilespmem:s5+$0x1FE0] =	vst v0  }
0x54: {  	[tilespmem:s5+$0x1FF0] =	vst v0;
	s5 =	sshra.s32 s7, $0x2;
	s7 =	sadd.s32 $0x200, s7  }
0x55: {  	[tilespmem:s5+$0x2000] =	vst v0  }
0x56: {  	[tilespmem:s5+$0x1F90] =	vst v0  }
0x57: {  	[tilespmem:s5+$0x1FA0] =	vst v0  }
0x58: {  	[tilespmem:s5+$0x1FB0] =	vst v0  }
0x59: {  	[tilespmem:s5+$0x1FC0] =	vst v0  }
0x5a: {  	[tilespmem:s5+$0x1FD0] =	vst v0  }
0x5b: {  	[tilespmem:s5+$0x1FE0] =	vst v0  }
0x5c: {  	[tilespmem:s5+$0x1FF0] =	vst v0  }
0x5d: {  	[spmem:s11] =	stream.linear.scatter [tilespmem:s1], [sflag:$0x5], $0x2800, $0x38;
	v63 =	vld [tilespmem:$0x0]  }
0x5e: {  	s9 =	rddreg [dreg:$0xc]  }
0x5f: {  	[spmem:s9] =	stream.linear.scatter [tilespmem:s1], [sflag:$0x5], $0x2800, $0x38;
	v63 =	vld [tilespmem:$0x0]  }
0x60: {  	s11 =	rddreg [dreg:$0xd]  }
0x61: {  	[spmem:s11] =	stream.linear.scatter [tilespmem:s1], [sflag:$0x5], $0x2800, $0x38;
	v63 =	vld [tilespmem:$0x0]  }
0x62: {  	s14 =	rddreg [dreg:$0x17]  }
0x63: {  	[spmem:s14] =	stream.linear.scatter [tilespmem:s1], [sflag:$0x5], $0x2800, $0x38;
	v63 =	vld [tilespmem:$0x0]  }
0x64: {  	s7 =	rddreg [dreg:$0x18]  }
0x65: {  	[spmem:s7] =	stream.linear.scatter [tilespmem:s1], [sflag:$0x5], $0x2800, $0x38;
	v63 =	vld [tilespmem:$0x0]  }
0x66: {  	s8 =	rddreg [dreg:$0x19]  }
0x67: {  	[spmem:s8] =	stream.linear.scatter [tilespmem:s1], [sflag:$0x5], $0x2800, $0x38;
	v63 =	vld [tilespmem:$0x0]  }
0x68: {  	s9 =	rddreg [dreg:$0x1a]  }
0x69: {  	[spmem:s9] =	stream.linear.scatter [tilespmem:s1], [sflag:$0x5], $0x2800, $0x38;
	v63 =	vld [tilespmem:$0x0]  }
0x6a: {  	s11 =	rddreg [dreg:$0x1b]  }
0x6b: {  	[spmem:s11] =	stream.linear.scatter [tilespmem:s1], [sflag:$0x5], $0x2800, $0x38;
	v63 =	vld [tilespmem:$0x0]  }
0x6c: {  	_ =	swait.ge [sflag:s0], $0x2800  }
0x6d: {  	[sflag:s0] =	ssyncset.done $0x0  }
0x6e: {  	[sflag:s0] =	ssyncadd.s32 $0xFFFFD800  }
0x6f: {  	_ =	swait.ge [sflag:s0], $0x2800  }
0x70: {  	[sflag:s0] =	ssyncset.done $0x0  }
0x71: {  	[sflag:s0] =	ssyncadd.s32 $0xFFFFD800  }
0x72: {  	_ =	swait.ge [sflag:s0], $0x2800  }
0x73: {  	[sflag:s0] =	ssyncset.done $0x0  }
0x74: {  	[sflag:s0] =	ssyncadd.s32 $0xFFFFD800  }
0x75: {  	_ =	swait.ge [sflag:s0], $0x2800  }
0x76: {  	[sflag:s0] =	ssyncset.done $0x0  }
0x77: {  	[sflag:s0] =	ssyncadd.s32 $0xFFFFD800  }
0x78: {  	_ =	swait.ge [sflag:s0], $0x2800  }
0x79: {  	[sflag:s0] =	ssyncset.done $0x0  }
0x7a: {  	[sflag:s0] =	ssyncadd.s32 $0xFFFFD800  }
0x7b: {  	_ =	swait.ge [sflag:s0], $0x2800  }
0x7c: {  	[sflag:s0] =	ssyncset.done $0x0  }
0x7d: {  	[sflag:s0] =	ssyncadd.s32 $0xFFFFD800  }
0x7e: {  	_ =	swait.ge [sflag:s0], $0x2800  }
0x7f: {  	[sflag:s0] =	ssyncset.done $0x0  }
0x80: {  	[sflag:s0] =	ssyncadd.s32 $0xFFFFD800  }
0x81: {  	_ =	swait.ge [sflag:s0], $0x2800  }
0x82: {  	[sflag:s0] =	ssyncset.done $0x0  }
0x83: {  	[sflag:s0] =	ssyncadd.s32 $0xFFFFD800  }
0x84: {  	[bflag:$0x0] =	sbarrier.arrive $0xFFFF  }
0x85: {  	s5 =	simm.s32 $0x0;
	s7 =	rddreg [dreg:$0x4]  }
0x86: {  	[tilespmem:s5], [sflag:$0x1] =	stream.linear.gather [hbm4b:s7+s5], $0x400, $0x38;
	v63 =	vld [tilespmem:$0x0]  }
0x87: {  	s8 =	simm.s32 $0x1000;
	s14 =	rddreg [dreg:$0x5]  }
0x88: {  	[tilespmem:s8], [sflag:$0x1] =	stream.linear.gather [hbm4b:s14+s5], $0x400, $0x38;
	v63 =	vld [tilespmem:$0x0]  }
0x89: {  	s9 =	simm.s32 $0x400;
	s8 =	rddreg [dreg:$0x6]  }
0x8a: {  	[tilespmem:s9], [sflag:$0x2] =	stream.linear.gather [hbm4b:s8+s5], $0x400, $0x38;
	v63 =	vld [tilespmem:$0x0]  }
0x8b: {  	s11 =	rddreg [dreg:$0x7];
	s14 =	simm.s32 $0x1400  }
0x8c: {  	[tilespmem:s14], [sflag:$0x2] =	stream.linear.gather [hbm4b:s11+s5], $0x400, $0x38;
	v63 =	vld [tilespmem:$0x0]  }
0x8d: {  	s8 =	rddreg [dreg:$0x8];
	s9 =	simm.s32 $0x800  }
0x8e: {  	[tilespmem:s9], [sflag:$0x3] =	stream.linear.gather [hbm4b:s8+s5], $0x400, $0x38;
	v63 =	vld [tilespmem:$0x0]  }
0x8f: {  	s11 =	rddreg [dreg:$0x9];
	s14 =	simm.s32 $0x1800;
	s9 =	simm.s32 $0x1  }
0x90: {  	[tilespmem:s14], [sflag:$0x3] =	stream.linear.gather [hbm4b:s11+s5], $0x400, $0x38;
	v63 =	vld [tilespmem:$0x0]  }
0x91: {  	_ =	swait.ge [sflag:s9], $0x400  }
0x92: {  	[sflag:s9] =	ssyncset.done $0x0  }
0x93: {  	[sflag:s9] =	ssyncadd.s32 $0xFFFFFC00  }
0x94: {  	_ =	swait.ge [sflag:s9], $0x400  }
0x95: {  	[sflag:s9] =	ssyncset.done $0x0  }
0x96: {  	[sflag:s9] =	ssyncadd.s32 $0xFFFFFC00  }
0x97: {  	[tilespmem:s1], [sflag:$0x5] =	stream.indirect.gather [hbm4b:s4+s12], $0x80, s5, s12, $0xb8;
	v63 =	vld [tilespmem:$0x0]  }
0x98: {  	s11 =	simm.s32 $0x80  }
0x99: {  	[tilespmem:s13], [sflag:$0x6] =	stream.indirect.gather [hbm4b:s4+s12], $0x80, s11, s12, $0xb8;
	v63 =	vld [tilespmem:$0x0]  }
0x9a: {  	s14 =	simm.s32 $0x100  }
0x9b: {  	[tilespmem:s15], [sflag:$0x7] =	stream.indirect.gather [hbm4b:s4+s12], $0x80, s14, s12, $0xb8;
	v63 =	vld [tilespmem:$0x0]  }
.LBB2_4:
0x9c: {  	_ =	swait.ge [sflag:s0], $0x2800  }
0x9d: {  	[sflag:s0] =	ssyncset.done $0x0  }
0x9e: {  	s7 =	simm.s32 $0x1000;
	p0 =	seq.s32 s5, $0x0;
	[sflag:s0] =	ssyncadd.s32 $0xFFFFD800  }
0x9f: {  	[spmem:s2] =	stream.indirect.scatter.add.f32 [tilespmem:s1], [sflag:$0x9], $0x80, s7, s12, $0xb8;
	v63 =	vld [tilespmem:$0x0]  }
0xa0: {  	s7 =	simm.s32 @!p0 $0xC  }
0xa1: {  	_ =	swait.ge @!p0 [sflag:s7], $0x2800  }
0xa2: {  	[sflag:s7] =	ssyncset.done @!p0 $0x0  }
0xa3: {  	s9 =	simm.s32 $0x180;
	[sflag:s7] =	ssyncadd.s32 @!p0 $0xFFFFD800  }
0xa4: {  	[tilespmem:s17], [sflag:$0x8] =	stream.indirect.gather [hbm4b:s4+s12], $0x80, s9, s12, $0xb8;
	v63 =	vld [tilespmem:$0x0]  }
0xa5: {  	_ =	swait.ge [sflag:s18], $0x2800  }
0xa6: {  	[sflag:s18] =	ssyncset.done $0x0  }
0xa7: {  	s11 =	simm.s32 $0x1080;
	[sflag:s18] =	ssyncadd.s32 $0xFFFFD800  }
0xa8: {  	[spmem:s2] =	stream.indirect.scatter.add.f32 [tilespmem:s13], [sflag:$0xA], $0x80, s11, s12, $0xb8;
	v63 =	vld [tilespmem:$0x0]  }
0xa9: {  	_ =	swait.ge [sflag:s22], $0x2800  }
0xaa: {  	[sflag:s22] =	ssyncset.done $0x0  }
0xab: {  	s14 =	simm.s32 $0x200;
	[sflag:s22] =	ssyncadd.s32 $0xFFFFD800  }
0xac: {  	[tilespmem:s1], [sflag:$0x5] =	stream.indirect.gather [hbm4b:s4+s12], $0x80, s14, s12, $0xb8;
	v63 =	vld [tilespmem:$0x0]  }
0xad: {  	_ =	swait.ge [sflag:s24], $0x2800  }
0xae: {  	[sflag:s24] =	ssyncset.done $0x0  }
0xaf: {  	s8 =	simm.s32 $0x1100;
	[sflag:s24] =	ssyncadd.s32 $0xFFFFD800  }
0xb0: {  	[spmem:s2] =	stream.indirect.scatter.add.f32 [tilespmem:s15], [sflag:$0xB], $0x80, s8, s12, $0xb8;
	v63 =	vld [tilespmem:$0x0]  }
0xb1: {  	_ =	swait.ge [sflag:s26], $0x2800  }
0xb2: {  	s9 =	sadd.s32 s5, s20;
	[sflag:s26] =	ssyncset.done $0x0  }
0xb3: {  	s7 =	sadd.s32 $0x180, s9;
	s11 =	sadd.s32 s5, s19;
	[sflag:s26] =	ssyncadd.s32 $0xFFFFD800  }
0xb4: {  	[tilespmem:s28], [sflag:$0x4] =	stream.linear.gather [hbm4b:s7+s3], $0x400, $0x38;
	v63 =	vld [tilespmem:$0x0]  }
0xb5: {  	s7 =	sadd.s32 $0x180, s11  }
0xb6: {  	[tilespmem:s29], [sflag:$0x4] =	stream.linear.gather [hbm4b:s7+s3], $0x400, $0x38;
	v63 =	vld [tilespmem:$0x0]  }
0xb7: {  	s14 =	simm.s32 $0x280  }
0xb8: {  	[tilespmem:s13], [sflag:$0x6] =	stream.indirect.gather [hbm4b:s4+s12], $0x80, s14, s12, $0xb8;
	v63 =	vld [tilespmem:$0x0]  }
0xb9: {  	_ =	swait.ge [sflag:s31], $0x2800  }
0xba: {  	[sflag:s31] =	ssyncset.done $0x0  }
0xbb: {  	s8 =	simm.s32 $0x1180;
	[sflag:s31] =	ssyncadd.s32 $0xFFFFD800  }
0xbc: {  	[spmem:s2] =	stream.indirect.scatter.add.f32 [tilespmem:s17], [sflag:$0xC], $0x80, s8, s12, $0xb8;
	v63 =	vld [tilespmem:$0x0]  }
0xbd: {  	_ =	swait.ge [sflag:s10], $0x2800  }
0xbe: {  	[sflag:s10] =	ssyncset.done $0x0  }
0xbf: {  	s9 =	simm.s32 $0x300;
	[sflag:s10] =	ssyncadd.s32 $0xFFFFD800  }
0xc0: {  	[tilespmem:s15], [sflag:$0x7] =	stream.indirect.gather [hbm4b:s4+s12], $0x80, s9, s12, $0xb8;
	v63 =	vld [tilespmem:$0x0]  }
0xc1: {  	_ =	swait.ge [sflag:s0], $0x2800  }
0xc2: {  	[sflag:s0] =	ssyncset.done $0x0  }
0xc3: {  	s11 =	simm.s32 $0x1200;
	[sflag:s0] =	ssyncadd.s32 $0xFFFFD800  }
0xc4: {  	[spmem:s2] =	stream.indirect.scatter.add.f32 [tilespmem:s1], [sflag:$0x9], $0x80, s11, s12, $0xb8;
	v63 =	vld [tilespmem:$0x0]  }
0xc5: {  	_ =	swait.ge [sflag:s21], $0x2800  }
0xc6: {  	[sflag:s21] =	ssyncset.done $0x0  }
0xc7: {  	s14 =	simm.s32 $0x380;
	[sflag:s21] =	ssyncadd.s32 $0xFFFFD800  }
0xc8: {  	[tilespmem:s17], [sflag:$0x8] =	stream.indirect.gather [hbm4b:s4+s12], $0x80, s14, s12, $0xb8;
	v63 =	vld [tilespmem:$0x0]  }
0xc9: {  	_ =	swait.ge [sflag:s18], $0x2800  }
0xca: {  	[sflag:s18] =	ssyncset.done $0x0  }
0xcb: {  	s8 =	simm.s32 $0x1280;
	[sflag:s18] =	ssyncadd.s32 $0xFFFFD800  }
0xcc: {  	[spmem:s2] =	stream.indirect.scatter.add.f32 [tilespmem:s13], [sflag:$0xA], $0x80, s8, s12, $0xb8;
	v63 =	vld [tilespmem:$0x0]  }
0xcd: {  	_ =	swait.ge [sflag:s22], $0x2800  }
0xce: {  	[sflag:s22] =	ssyncset.done $0x0  }
0xcf: {  	[sflag:s22] =	ssyncadd.s32 $0xFFFFD800  }
0xd0: {  	_ =	swait.ge [sflag:s6], $0x400  }
0xd1: {  	[sflag:s6] =	ssyncset.done $0x0  }
0xd2: {  	[sflag:s6] =	ssyncadd.s32 $0xFFFFFC00  }
0xd3: {  	_ =	swait.ge [sflag:s6], $0x400  }
0xd4: {  	[sflag:s6] =	ssyncset.done $0x0  }
0xd5: {  	s9 =	simm.s32 $0x400;
	[sflag:s6] =	ssyncadd.s32 $0xFFFFFC00  }
0xd6: {  	[tilespmem:s1], [sflag:$0x5] =	stream.indirect.gather [hbm4b:s4+s12], $0x80, s9, s12, $0xb8;
	v63 =	vld [tilespmem:$0x0]  }
0xd7: {  	_ =	swait.ge [sflag:s24], $0x2800  }
0xd8: {  	[sflag:s24] =	ssyncset.done $0x0  }
0xd9: {  	s11 =	simm.s32 $0x1300;
	[sflag:s24] =	ssyncadd.s32 $0xFFFFD800  }
0xda: {  	[spmem:s2] =	stream.indirect.scatter.add.f32 [tilespmem:s15], [sflag:$0xB], $0x80, s11, s12, $0xb8;
	v63 =	vld [tilespmem:$0x0]  }
0xdb: {  	_ =	swait.ge [sflag:s26], $0x2800  }
0xdc: {  	[sflag:s26] =	ssyncset.done $0x0  }
0xdd: {  	s14 =	simm.s32 $0x480;
	[sflag:s26] =	ssyncadd.s32 $0xFFFFD800  }
0xde: {  	[tilespmem:s13], [sflag:$0x6] =	stream.indirect.gather [hbm4b:s4+s12], $0x80, s14, s12, $0xb8;
	v63 =	vld [tilespmem:$0x0]  }
0xdf: {  	_ =	swait.ge [sflag:s31], $0x2800  }
0xe0: {  	[sflag:s31] =	ssyncset.done $0x0  }
0xe1: {  	s8 =	simm.s32 $0x1380;
	[sflag:s31] =	ssyncadd.s32 $0xFFFFD800  }
0xe2: {  	[spmem:s2] =	stream.indirect.scatter.add.f32 [tilespmem:s17], [sflag:$0xC], $0x80, s8, s12, $0xb8;
	v63 =	vld [tilespmem:$0x0]  }
0xe3: {  	_ =	swait.ge [sflag:s10], $0x2800  }
0xe4: {  	[sflag:s10] =	ssyncset.done $0x0  }
0xe5: {  	s9 =	simm.s32 $0x500;
	[sflag:s10] =	ssyncadd.s32 $0xFFFFD800  }
0xe6: {  	[tilespmem:s15], [sflag:$0x7] =	stream.indirect.gather [hbm4b:s4+s12], $0x80, s9, s12, $0xb8;
	v63 =	vld [tilespmem:$0x0]  }
0xe7: {  	_ =	swait.ge [sflag:s0], $0x2800  }
0xe8: {  	[sflag:s0] =	ssyncset.done $0x0  }
0xe9: {  	s11 =	simm.s32 $0x1400;
	[sflag:s0] =	ssyncadd.s32 $0xFFFFD800  }
0xea: {  	[spmem:s2] =	stream.indirect.scatter.add.f32 [tilespmem:s1], [sflag:$0x9], $0x80, s11, s12, $0xb8;
	v63 =	vld [tilespmem:$0x0]  }
0xeb: {  	_ =	swait.ge [sflag:s21], $0x2800  }
0xec: {  	[sflag:s21] =	ssyncset.done $0x0  }
0xed: {  	s14 =	simm.s32 $0x580;
	[sflag:s21] =	ssyncadd.s32 $0xFFFFD800  }
0xee: {  	[tilespmem:s17], [sflag:$0x8] =	stream.indirect.gather [hbm4b:s4+s12], $0x80, s14, s12, $0xb8;
	v63 =	vld [tilespmem:$0x0]  }
0xef: {  	_ =	swait.ge [sflag:s18], $0x2800  }
0xf0: {  	[sflag:s18] =	ssyncset.done $0x0  }
0xf1: {  	s8 =	simm.s32 $0x1480;
	[sflag:s18] =	ssyncadd.s32 $0xFFFFD800  }
0xf2: {  	[spmem:s2] =	stream.indirect.scatter.add.f32 [tilespmem:s13], [sflag:$0xA], $0x80, s8, s12, $0xb8;
	v63 =	vld [tilespmem:$0x0]  }
0xf3: {  	_ =	swait.ge [sflag:s22], $0x2800  }
0xf4: {  	[sflag:s22] =	ssyncset.done $0x0  }
0xf5: {  	s9 =	simm.s32 $0x600;
	[sflag:s22] =	ssyncadd.s32 $0xFFFFD800  }
0xf6: {  	[tilespmem:s1], [sflag:$0x5] =	stream.indirect.gather [hbm4b:s4+s12], $0x80, s9, s12, $0xb8;
	v63 =	vld [tilespmem:$0x0]  }
0xf7: {  	_ =	swait.ge [sflag:s24], $0x2800  }
0xf8: {  	[sflag:s24] =	ssyncset.done $0x0  }
0xf9: {  	s11 =	simm.s32 $0x1500;
	[sflag:s24] =	ssyncadd.s32 $0xFFFFD800  }
0xfa: {  	[spmem:s2] =	stream.indirect.scatter.add.f32 [tilespmem:s15], [sflag:$0xB], $0x80, s11, s12, $0xb8;
	v63 =	vld [tilespmem:$0x0]  }
0xfb: {  	p0 =	seq.s32 s5, $0x600;
	_ =	swait.ge [sflag:s26], $0x2800  }
0xfc: {  	s8 =	sadd.s32 @!p0 s5, s20;
	[sflag:s26] =	ssyncset.done $0x0  }
0xfd: {  	s7 =	simm.s32 @!p0 $0x0;
	s9 =	sadd.s32 @!p0 $0x200, s8;
	[sflag:s26] =	ssyncadd.s32 $0xFFFFD800  }
0xfe: {  	[tilespmem:s7], [sflag:$0x1] =	stream.linear.gather @!p0 [hbm4b:s9+s7], $0x400, $0x38;
	v63 =	vld [tilespmem:$0x0]  }
0xff: {  	s9 =	sadd.s32 @!p0 s5, s19  }
0x100: {  	s14 =	simm.s32 @!p0 $0x1000;
	s11 =	sadd.s32 @!p0 $0x200, s9  }
0x101: {  	[tilespmem:s14], [sflag:$0x1] =	stream.linear.gather @!p0 [hbm4b:s11+s7], $0x400, $0x38;
	v63 =	vld [tilespmem:$0x0]  }
0x102: {  	s14 =	simm.s32 $0x680  }
0x103: {  	[tilespmem:s13], [sflag:$0x6] =	stream.indirect.gather [hbm4b:s4+s12], $0x80, s14, s12, $0xb8;
	v63 =	vld [tilespmem:$0x0]  }
0x104: {  	_ =	swait.ge [sflag:s31], $0x2800  }
0x105: {  	[sflag:s31] =	ssyncset.done $0x0  }
0x106: {  	s14 =	simm.s32 $0x1580;
	[sflag:s31] =	ssyncadd.s32 $0xFFFFD800  }
0x107: {  	[spmem:s2] =	stream.indirect.scatter.add.f32 [tilespmem:s17], [sflag:$0xC], $0x80, s14, s12, $0xb8;
	v63 =	vld [tilespmem:$0x0]  }
0x108: {  	_ =	swait.ge [sflag:s10], $0x2800  }
0x109: {  	[sflag:s10] =	ssyncset.done $0x0  }
0x10a: {  	s14 =	simm.s32 $0x700;
	[sflag:s10] =	ssyncadd.s32 $0xFFFFD800  }
0x10b: {  	[tilespmem:s15], [sflag:$0x7] =	stream.indirect.gather [hbm4b:s4+s12], $0x80, s14, s12, $0xb8;
	v63 =	vld [tilespmem:$0x0]  }
0x10c: {  	_ =	swait.ge [sflag:s0], $0x2800  }
0x10d: {  	[sflag:s0] =	ssyncset.done $0x0  }
0x10e: {  	s14 =	simm.s32 $0x1600;
	[sflag:s0] =	ssyncadd.s32 $0xFFFFD800  }
0x10f: {  	[spmem:s2] =	stream.indirect.scatter.add.f32 [tilespmem:s1], [sflag:$0x9], $0x80, s14, s12, $0xb8;
	v63 =	vld [tilespmem:$0x0]  }
0x110: {  	_ =	swait.ge [sflag:s21], $0x2800  }
0x111: {  	[sflag:s21] =	ssyncset.done $0x0  }
0x112: {  	s14 =	simm.s32 $0x780;
	[sflag:s21] =	ssyncadd.s32 $0xFFFFD800  }
0x113: {  	[tilespmem:s17], [sflag:$0x8] =	stream.indirect.gather [hbm4b:s4+s12], $0x80, s14, s12, $0xb8;
	v63 =	vld [tilespmem:$0x0]  }
0x114: {  	_ =	swait.ge [sflag:s18], $0x2800  }
0x115: {  	[sflag:s18] =	ssyncset.done $0x0  }
0x116: {  	s14 =	simm.s32 $0x1680;
	[sflag:s18] =	ssyncadd.s32 $0xFFFFD800  }
0x117: {  	[spmem:s2] =	stream.indirect.scatter.add.f32 [tilespmem:s13], [sflag:$0xA], $0x80, s14, s12, $0xb8;
	v63 =	vld [tilespmem:$0x0]  }
0x118: {  	_ =	swait.ge [sflag:s22], $0x2800  }
0x119: {  	[sflag:s22] =	ssyncset.done $0x0  }
0x11a: {  	[sflag:s22] =	ssyncadd.s32 $0xFFFFD800  }
0x11b: {  	_ =	swait.ge [sflag:s30], $0x400  }
0x11c: {  	[sflag:s30] =	ssyncset.done $0x0  }
0x11d: {  	[sflag:s30] =	ssyncadd.s32 $0xFFFFFC00  }
0x11e: {  	_ =	swait.ge [sflag:s30], $0x400  }
0x11f: {  	[sflag:s30] =	ssyncset.done $0x0  }
0x120: {  	s14 =	simm.s32 $0x800;
	[sflag:s30] =	ssyncadd.s32 $0xFFFFFC00  }
0x121: {  	[tilespmem:s1], [sflag:$0x5] =	stream.indirect.gather [hbm4b:s4+s12], $0x80, s14, s12, $0xb8;
	v63 =	vld [tilespmem:$0x0]  }
0x122: {  	_ =	swait.ge [sflag:s24], $0x2800  }
0x123: {  	[sflag:s24] =	ssyncset.done $0x0  }
0x124: {  	s14 =	simm.s32 $0x1700;
	[sflag:s24] =	ssyncadd.s32 $0xFFFFD800  }
0x125: {  	[spmem:s2] =	stream.indirect.scatter.add.f32 [tilespmem:s15], [sflag:$0xB], $0x80, s14, s12, $0xb8;
	v63 =	vld [tilespmem:$0x0]  }
0x126: {  	_ =	swait.ge [sflag:s26], $0x2800  }
0x127: {  	[sflag:s26] =	ssyncset.done $0x0  }
0x128: {  	s14 =	simm.s32 $0x880;
	[sflag:s26] =	ssyncadd.s32 $0xFFFFD800  }
0x129: {  	[tilespmem:s13], [sflag:$0x6] =	stream.indirect.gather [hbm4b:s4+s12], $0x80, s14, s12, $0xb8;
	v63 =	vld [tilespmem:$0x0]  }
0x12a: {  	_ =	swait.ge [sflag:s31], $0x2800  }
0x12b: {  	[sflag:s31] =	ssyncset.done $0x0  }
0x12c: {  	s14 =	simm.s32 $0x1780;
	[sflag:s31] =	ssyncadd.s32 $0xFFFFD800  }
0x12d: {  	[spmem:s2] =	stream.indirect.scatter.add.f32 [tilespmem:s17], [sflag:$0xC], $0x80, s14, s12, $0xb8;
	v63 =	vld [tilespmem:$0x0]  }
0x12e: {  	_ =	swait.ge [sflag:s10], $0x2800  }
0x12f: {  	[sflag:s10] =	ssyncset.done $0x0  }
0x130: {  	s14 =	simm.s32 $0x900;
	[sflag:s10] =	ssyncadd.s32 $0xFFFFD800  }
0x131: {  	[tilespmem:s15], [sflag:$0x7] =	stream.indirect.gather [hbm4b:s4+s12], $0x80, s14, s12, $0xb8;
	v63 =	vld [tilespmem:$0x0]  }
0x132: {  	_ =	swait.ge [sflag:s0], $0x2800  }
0x133: {  	[sflag:s0] =	ssyncset.done $0x0  }
0x134: {  	s14 =	simm.s32 $0x1800;
	[sflag:s0] =	ssyncadd.s32 $0xFFFFD800  }
0x135: {  	[spmem:s2] =	stream.indirect.scatter.add.f32 [tilespmem:s1], [sflag:$0x9], $0x80, s14, s12, $0xb8;
	v63 =	vld [tilespmem:$0x0]  }
0x136: {  	_ =	swait.ge [sflag:s21], $0x2800  }
0x137: {  	[sflag:s21] =	ssyncset.done $0x0  }
0x138: {  	s14 =	simm.s32 $0x980;
	[sflag:s21] =	ssyncadd.s32 $0xFFFFD800  }
0x139: {  	[tilespmem:s17], [sflag:$0x8] =	stream.indirect.gather [hbm4b:s4+s12], $0x80, s14, s12, $0xb8;
	v63 =	vld [tilespmem:$0x0]  }
0x13a: {  	_ =	swait.ge [sflag:s18], $0x2800  }
0x13b: {  	[sflag:s18] =	ssyncset.done $0x0  }
0x13c: {  	s14 =	simm.s32 $0x1880;
	[sflag:s18] =	ssyncadd.s32 $0xFFFFD800  }
0x13d: {  	[spmem:s2] =	stream.indirect.scatter.add.f32 [tilespmem:s13], [sflag:$0xA], $0x80, s14, s12, $0xb8;
	v63 =	vld [tilespmem:$0x0]  }
0x13e: {  	_ =	swait.ge [sflag:s22], $0x2800  }
0x13f: {  	[sflag:s22] =	ssyncset.done $0x0  }
0x140: {  	s14 =	simm.s32 $0xA00;
	[sflag:s22] =	ssyncadd.s32 $0xFFFFD800  }
0x141: {  	[tilespmem:s1], [sflag:$0x5] =	stream.indirect.gather [hbm4b:s4+s12], $0x80, s14, s12, $0xb8;
	v63 =	vld [tilespmem:$0x0]  }
0x142: {  	_ =	swait.ge [sflag:s24], $0x2800  }
0x143: {  	[sflag:s24] =	ssyncset.done $0x0  }
0x144: {  	s14 =	simm.s32 $0x1900;
	[sflag:s24] =	ssyncadd.s32 $0xFFFFD800  }
0x145: {  	[spmem:s2] =	stream.indirect.scatter.add.f32 [tilespmem:s15], [sflag:$0xB], $0x80, s14, s12, $0xb8;
	v63 =	vld [tilespmem:$0x0]  }
0x146: {  	_ =	swait.ge [sflag:s26], $0x2800  }
0x147: {  	[sflag:s26] =	ssyncset.done $0x0  }
0x148: {  	s11 =	sadd.s32 @!p0 $0x280, s8;
	s14 =	simm.s32 @!p0 $0x400;
	[sflag:s26] =	ssyncadd.s32 $0xFFFFD800  }
0x149: {  	[tilespmem:s14], [sflag:$0x2] =	stream.linear.gather @!p0 [hbm4b:s11+s7], $0x400, $0x38;
	v63 =	vld [tilespmem:$0x0]  }
0x14a: {  	s11 =	sadd.s32 @!p0 $0x280, s9;
	s14 =	simm.s32 @!p0 $0x1400  }
0x14b: {  	[tilespmem:s14], [sflag:$0x2] =	stream.linear.gather @!p0 [hbm4b:s11+s7], $0x400, $0x38;
	v63 =	vld [tilespmem:$0x0]  }
0x14c: {  	s14 =	simm.s32 $0xA80  }
0x14d: {  	[tilespmem:s13], [sflag:$0x6] =	stream.indirect.gather [hbm4b:s4+s12], $0x80, s14, s12, $0xb8;
	v63 =	vld [tilespmem:$0x0]  }
0x14e: {  	_ =	swait.ge [sflag:s31], $0x2800  }
0x14f: {  	[sflag:s31] =	ssyncset.done $0x0  }
0x150: {  	s14 =	simm.s32 $0x1980;
	[sflag:s31] =	ssyncadd.s32 $0xFFFFD800  }
0x151: {  	[spmem:s2] =	stream.indirect.scatter.add.f32 [tilespmem:s17], [sflag:$0xC], $0x80, s14, s12, $0xb8;
	v63 =	vld [tilespmem:$0x0]  }
0x152: {  	_ =	swait.ge [sflag:s10], $0x2800  }
0x153: {  	[sflag:s10] =	ssyncset.done $0x0  }
0x154: {  	s14 =	simm.s32 $0xB00;
	[sflag:s10] =	ssyncadd.s32 $0xFFFFD800  }
0x155: {  	[tilespmem:s15], [sflag:$0x7] =	stream.indirect.gather [hbm4b:s4+s12], $0x80, s14, s12, $0xb8;
	v63 =	vld [tilespmem:$0x0]  }
0x156: {  	_ =	swait.ge [sflag:s0], $0x2800  }
0x157: {  	[sflag:s0] =	ssyncset.done $0x0  }
0x158: {  	s14 =	simm.s32 $0x1A00;
	[sflag:s0] =	ssyncadd.s32 $0xFFFFD800  }
0x159: {  	[spmem:s2] =	stream.indirect.scatter.add.f32 [tilespmem:s1], [sflag:$0x9], $0x80, s14, s12, $0xb8;
	v63 =	vld [tilespmem:$0x0]  }
0x15a: {  	_ =	swait.ge [sflag:s21], $0x2800  }
0x15b: {  	[sflag:s21] =	ssyncset.done $0x0  }
0x15c: {  	s14 =	simm.s32 $0xB80;
	[sflag:s21] =	ssyncadd.s32 $0xFFFFD800  }
0x15d: {  	[tilespmem:s17], [sflag:$0x8] =	stream.indirect.gather [hbm4b:s4+s12], $0x80, s14, s12, $0xb8;
	v63 =	vld [tilespmem:$0x0]  }
0x15e: {  	_ =	swait.ge [sflag:s18], $0x2800  }
0x15f: {  	[sflag:s18] =	ssyncset.done $0x0  }
0x160: {  	s14 =	simm.s32 $0x1A80;
	[sflag:s18] =	ssyncadd.s32 $0xFFFFD800  }
0x161: {  	[spmem:s2] =	stream.indirect.scatter.add.f32 [tilespmem:s13], [sflag:$0xA], $0x80, s14, s12, $0xb8;
	v63 =	vld [tilespmem:$0x0]  }
0x162: {  	_ =	swait.ge [sflag:s22], $0x2800  }
0x163: {  	[sflag:s22] =	ssyncset.done $0x0  }
0x164: {  	[sflag:s22] =	ssyncadd.s32 $0xFFFFD800  }
0x165: {  	_ =	swait.ge [sflag:s25], $0x400  }
0x166: {  	[sflag:s25] =	ssyncset.done $0x0  }
0x167: {  	[sflag:s25] =	ssyncadd.s32 $0xFFFFFC00  }
0x168: {  	_ =	swait.ge [sflag:s25], $0x400  }
0x169: {  	[sflag:s25] =	ssyncset.done $0x0  }
0x16a: {  	[sflag:s25] =	ssyncadd.s32 $0xFFFFFC00  }
0x16b: {  	[tilespmem:s1], [sflag:$0x5] =	stream.indirect.gather [hbm4b:s4+s12], $0x80, s28, s12, $0xb8;
	v63 =	vld [tilespmem:$0x0]  }
0x16c: {  	_ =	swait.ge [sflag:s24], $0x2800  }
0x16d: {  	[sflag:s24] =	ssyncset.done $0x0  }
0x16e: {  	s14 =	simm.s32 $0x1B00;
	[sflag:s24] =	ssyncadd.s32 $0xFFFFD800  }
0x16f: {  	[spmem:s2] =	stream.indirect.scatter.add.f32 [tilespmem:s15], [sflag:$0xB], $0x80, s14, s12, $0xb8;
	v63 =	vld [tilespmem:$0x0]  }
0x170: {  	_ =	swait.ge [sflag:s26], $0x2800  }
0x171: {  	[sflag:s26] =	ssyncset.done $0x0  }
0x172: {  	s14 =	simm.s32 $0xC80;
	[sflag:s26] =	ssyncadd.s32 $0xFFFFD800  }
0x173: {  	[tilespmem:s13], [sflag:$0x6] =	stream.indirect.gather [hbm4b:s4+s12], $0x80, s14, s12, $0xb8;
	v63 =	vld [tilespmem:$0x0]  }
0x174: {  	_ =	swait.ge [sflag:s31], $0x2800  }
0x175: {  	[sflag:s31] =	ssyncset.done $0x0  }
0x176: {  	s14 =	simm.s32 $0x1B80;
	[sflag:s31] =	ssyncadd.s32 $0xFFFFD800  }
0x177: {  	[spmem:s2] =	stream.indirect.scatter.add.f32 [tilespmem:s17], [sflag:$0xC], $0x80, s14, s12, $0xb8;
	v63 =	vld [tilespmem:$0x0]  }
0x178: {  	_ =	swait.ge [sflag:s10], $0x2800  }
0x179: {  	[sflag:s10] =	ssyncset.done $0x0  }
0x17a: {  	s14 =	simm.s32 $0xD00;
	[sflag:s10] =	ssyncadd.s32 $0xFFFFD800  }
0x17b: {  	[tilespmem:s15], [sflag:$0x7] =	stream.indirect.gather [hbm4b:s4+s12], $0x80, s14, s12, $0xb8;
	v63 =	vld [tilespmem:$0x0]  }
0x17c: {  	_ =	swait.ge [sflag:s0], $0x2800  }
0x17d: {  	[sflag:s0] =	ssyncset.done $0x0  }
0x17e: {  	[sflag:s0] =	ssyncadd.s32 $0xFFFFD800  }
0x17f: {  	[spmem:s2] =	stream.indirect.scatter.add.f32 [tilespmem:s1], [sflag:$0x9], $0x80, s29, s12, $0xb8;
	v63 =	vld [tilespmem:$0x0]  }
0x180: {  	_ =	swait.ge [sflag:s21], $0x2800  }
0x181: {  	[sflag:s21] =	ssyncset.done $0x0  }
0x182: {  	s14 =	simm.s32 $0xD80;
	[sflag:s21] =	ssyncadd.s32 $0xFFFFD800  }
0x183: {  	[tilespmem:s17], [sflag:$0x8] =	stream.indirect.gather [hbm4b:s4+s12], $0x80, s14, s12, $0xb8;
	v63 =	vld [tilespmem:$0x0]  }
0x184: {  	_ =	swait.ge [sflag:s18], $0x2800  }
0x185: {  	[sflag:s18] =	ssyncset.done $0x0  }
0x186: {  	s14 =	simm.s32 $0x1C80;
	[sflag:s18] =	ssyncadd.s32 $0xFFFFD800  }
0x187: {  	[spmem:s2] =	stream.indirect.scatter.add.f32 [tilespmem:s13], [sflag:$0xA], $0x80, s14, s12, $0xb8;
	v63 =	vld [tilespmem:$0x0]  }
0x188: {  	_ =	swait.ge [sflag:s22], $0x2800  }
0x189: {  	[sflag:s22] =	ssyncset.done $0x0  }
0x18a: {  	s14 =	simm.s32 $0xE00;
	[sflag:s22] =	ssyncadd.s32 $0xFFFFD800  }
0x18b: {  	[tilespmem:s1], [sflag:$0x5] =	stream.indirect.gather [hbm4b:s4+s12], $0x80, s14, s12, $0xb8;
	v63 =	vld [tilespmem:$0x0]  }
0x18c: {  	_ =	swait.ge [sflag:s24], $0x2800  }
0x18d: {  	[sflag:s24] =	ssyncset.done $0x0  }
0x18e: {  	s14 =	simm.s32 $0x1D00;
	[sflag:s24] =	ssyncadd.s32 $0xFFFFD800  }
0x18f: {  	[spmem:s2] =	stream.indirect.scatter.add.f32 [tilespmem:s15], [sflag:$0xB], $0x80, s14, s12, $0xb8;
	v63 =	vld [tilespmem:$0x0]  }
0x190: {  	_ =	swait.ge [sflag:s26], $0x2800  }
0x191: {  	[sflag:s26] =	ssyncset.done $0x0  }
0x192: {  	s8 =	sadd.s32 @!p0 $0x300, s8;
	s11 =	simm.s32 @!p0 $0x800;
	[sflag:s26] =	ssyncadd.s32 $0xFFFFD800  }
0x193: {  	[tilespmem:s11], [sflag:$0x3] =	stream.linear.gather @!p0 [hbm4b:s8+s7], $0x400, $0x38;
	v63 =	vld [tilespmem:$0x0]  }
0x194: {  	s8 =	sadd.s32 @!p0 $0x300, s9;
	s9 =	simm.s32 @!p0 $0x1800  }
0x195: {  	[tilespmem:s9], [sflag:$0x3] =	stream.linear.gather @!p0 [hbm4b:s8+s7], $0x400, $0x38;
	v63 =	vld [tilespmem:$0x0]  }
0x196: {  	s11 =	simm.s32 $0xE80  }
0x197: {  	[tilespmem:s13], [sflag:$0x6] =	stream.indirect.gather [hbm4b:s4+s12], $0x80, s11, s12, $0xb8;
	v63 =	vld [tilespmem:$0x0]  }
0x198: {  	_ =	swait.ge [sflag:s31], $0x2800  }
0x199: {  	[sflag:s31] =	ssyncset.done $0x0  }
0x19a: {  	s14 =	simm.s32 $0x1D80;
	[sflag:s31] =	ssyncadd.s32 $0xFFFFD800  }
0x19b: {  	[spmem:s2] =	stream.indirect.scatter.add.f32 [tilespmem:s17], [sflag:$0xC], $0x80, s14, s12, $0xb8;
	v63 =	vld [tilespmem:$0x0]  }
0x19c: {  	_ =	swait.ge [sflag:s10], $0x2800  }
0x19d: {  	[sflag:s10] =	ssyncset.done $0x0  }
0x19e: {  	s9 =	simm.s32 $0xF00;
	[sflag:s10] =	ssyncadd.s32 $0xFFFFD800  }
0x19f: {  	[tilespmem:s15], [sflag:$0x7] =	stream.indirect.gather [hbm4b:s4+s12], $0x80, s9, s12, $0xb8;
	v63 =	vld [tilespmem:$0x0]  }
0x1a0: {  	_ =	swait.ge [sflag:s0], $0x2800  }
0x1a1: {  	[sflag:s0] =	ssyncset.done $0x0  }
0x1a2: {  	s11 =	simm.s32 $0x1E00;
	[sflag:s0] =	ssyncadd.s32 $0xFFFFD800  }
0x1a3: {  	[spmem:s2] =	stream.indirect.scatter.add.f32 [tilespmem:s1], [sflag:$0x9], $0x80, s11, s12, $0xb8;
	v63 =	vld [tilespmem:$0x0]  }
0x1a4: {  	_ =	swait.ge [sflag:s21], $0x2800  }
0x1a5: {  	[sflag:s21] =	ssyncset.done $0x0  }
0x1a6: {  	s14 =	simm.s32 $0xF80;
	[sflag:s21] =	ssyncadd.s32 $0xFFFFD800  }
0x1a7: {  	[tilespmem:s17], [sflag:$0x8] =	stream.indirect.gather [hbm4b:s4+s12], $0x80, s14, s12, $0xb8;
	v63 =	vld [tilespmem:$0x0]  }
0x1a8: {  	_ =	swait.ge [sflag:s18], $0x2800  }
0x1a9: {  	[sflag:s18] =	ssyncset.done $0x0  }
0x1aa: {  	[sflag:s18] =	ssyncadd.s32 $0xFFFFD800  }
0x1ab: {  	[spmem:s2] =	stream.indirect.scatter.add.f32 [tilespmem:s13], [sflag:$0xA], $0x80, s16, s12, $0xb8;
	v63 =	vld [tilespmem:$0x0]  }
0x1ac: {  	_ =	swait.ge [sflag:s22], $0x2800  }
0x1ad: {  	[sflag:s22] =	ssyncset.done $0x0  }
0x1ae: {  	s8 =	simm.s32 @p0 $0x7;
	[sflag:s22] =	ssyncadd.s32 $0xFFFFD800  }
0x1af: {  	_ =	swait.ge @p0 [sflag:s8], $0x2800  }
0x1b0: {  	s9 =	simm.s32 @p0 $0x1F00;
	[sflag:s8] =	ssyncset.done @p0 $0x0  }
0x1b1: {  	s11 =	simm.s32 @p0 $0x7000;
	[sflag:s8] =	ssyncadd.s32 @p0 $0xFFFFD800;
	s8 =	simm.s32 @p0 $0x50  }
0x1b2: {  	[spmem:s2] =	stream.indirect.scatter.add.f32 @p0 [tilespmem:s11], [sflag:$0xB], $0x80, s9, s8, $0xb8;
	v63 =	vld [tilespmem:$0x0]  }
0x1b3: {  	s8 =	simm.s32 @p0 $0xA  }
0x1b4: {  	_ =	swait.ge @p0 [sflag:s8], $0x2800  }
0x1b5: {  	[sflag:s8] =	ssyncset.done @p0 $0x0  }
0x1b6: {  	[sflag:s8] =	ssyncadd.s32 @p0 $0xFFFFD800;
	s8 =	simm.s32 @!p0 $0x1  }
0x1b7: {  	_ =	swait.ge @!p0 [sflag:s8], $0x400  }
0x1b8: {  	[sflag:s8] =	ssyncset.done @!p0 $0x0  }
0x1b9: {  	[sflag:s8] =	ssyncadd.s32 @!p0 $0xFFFFFC00  }
0x1ba: {  	_ =	swait.ge @!p0 [sflag:s8], $0x400  }
0x1bb: {  	[sflag:s8] =	ssyncset.done @!p0 $0x0  }
0x1bc: {  	s9 =	simm.s32 @!p0 $0x2000;
	[sflag:s8] =	ssyncadd.s32 @!p0 $0xFFFFFC00;
	s8 =	simm.s32 @!p0 $0x50  }
0x1bd: {  	[tilespmem:s9], [sflag:$0x5] =	stream.indirect.gather @!p0 [hbm4b:s4+s8], $0x80, s7, s8, $0xb8;
	v63 =	vld [tilespmem:$0x0]  }
0x1be: {  	s7 =	simm.s32 @!p0 $0x7  }
0x1bf: {  	_ =	swait.ge @!p0 [sflag:s7], $0x2800  }
0x1c0: {  	[sflag:s7] =	ssyncset.done @!p0 $0x0  }
0x1c1: {  	s9 =	simm.s32 @!p0 $0x7000;
	[sflag:s7] =	ssyncadd.s32 @!p0 $0xFFFFD800;
	s7 =	simm.s32 @!p0 $0x1F00  }
0x1c2: {  	[spmem:s2] =	stream.indirect.scatter.add.f32 @!p0 [tilespmem:s9], [sflag:$0xB], $0x80, s7, s8, $0xb8;
	v63 =	vld [tilespmem:$0x0]  }
0x1c3: {  	s7 =	simm.s32 @!p0 $0xA  }
0x1c4: {  	_ =	swait.ge @!p0 [sflag:s7], $0x2800  }
0x1c5: {  	[sflag:s7] =	ssyncset.done @!p0 $0x0  }
0x1c6: {  	s9 =	simm.s32 @!p0 $0x4800;
	[sflag:s7] =	ssyncadd.s32 @!p0 $0xFFFFD800;
	s7 =	simm.s32 @!p0 $0x80  }
0x1c7: {  	[tilespmem:s9], [sflag:$0x6] =	stream.indirect.gather @!p0 [hbm4b:s4+s8], $0x80, s7, s8, $0xb8;
	v63 =	vld [tilespmem:$0x0]  }
0x1c8: {  	_ =	swait.ge [sflag:s31], $0x2800  }
0x1c9: {  	[sflag:s31] =	ssyncset.done $0x0  }
.Ltmp3:
0x1ca: {  	[sflag:s31] =	ssyncadd.s32 $0xFFFFD800;
	(pc) =	sbr.rel @p0 .LBB2_6-.Ltmp3, $4  }
0x1cb: {  	[spmem:s2] =	stream.indirect.scatter.add.f32 [tilespmem:s17], [sflag:$0xC], $0x80, s23, s12, $0xb8;
	v63 =	vld [tilespmem:$0x0]  }
0x1cc: {  	_ =	swait.ge [sflag:s10], $0x2800  }
0x1cd: {  	[sflag:s10] =	ssyncset.done $0x0  }
0x1ce: {  	[sflag:s10] =	ssyncadd.s32 $0xFFFFD800  }
.Ltmp4:
0x1cf: {  	(pc) =	sbr.rel .LBB2_4-.Ltmp4, $3  }
0x1d0: {  	_ =	sdelay $0x1  }
0x1d1: {  	s7 =	simm.s32 $0x100;
	s5 =	sadd.s32 $0x200, s5  }
0x1d2: {  	[tilespmem:s15], [sflag:$0x7] =	stream.indirect.gather [hbm4b:s4+s12], $0x80, s7, s12, $0xb8;
	v63 =	vld [tilespmem:$0x0]  }
.LBB2_7:
0x1d3: {  	_ =	sfence.sel $0x180000  }
0x1d4: {  	[bflag:$0x0] =	sbarrier.arrive $0xFFFF  }
0x1d5: {  	_ =	strace $0x9000004A  }
0x1d6: {  	s0 =	stileid.u32;
	[bflag:$0x2] =	sbarrier.arrive $0xFFFF  }
0x1d7: {  	p0 =	sne.s32 s0, $0x0;
	s0 =	rddreg [dreg:$0x3]  }
0x1d8: {  	s0 =	sadd.s32 @!p0 $0x100000, s0  }
0x1d9: {  	[sflag:s0] =	ssyncadd.tile.s32 @!p0 $0x1;
	_ =	shalt  }
.Lfunc_end2:
_tile_overlayer_lowered:
.L_overlay_start_2:
0x1da: {  	(tag) =	ssettag $0x2  }
0x1db: {  	s0 =	rddreg [dreg:$0x0];
	s2 =	stileid.u32  }
0x1dc: {  	s1 =	rddreg [dreg:$0x1];
	p0 =	sne.s32 s2, $0x0  }
0x1dd: {  	s3 =	rddreg [dreg:$0x2];
	[bflag:$0x3] =	sbarrier.arrive $0xFFFF;
	s2 =	simm.s32 @!p0 $0x1C0D  }
0x1de: {  	[timem:s3], [sflag:s2] =	dma.local @!p0 [hbm:s0], s1  }
0x1df: {  	s0 =	simm.s32 @!p0 $0xD  }
0x1e0: {  	_ =	swait.ge @!p0 [sflag:s0], s1  }
0x1e1: {  	s1 =	ssub.s32 @!p0 $0x0, s1;
	[sflag:s0] =	ssyncset.done @!p0 $0x0  }
0x1e2: {  	[sflag:s0] =	ssyncadd.s32 @!p0 s1  }
0x1e3: {  	[bflag:$0x3] =	sbarrier.arrive $0xFFFF  }
0x1e4: {  	_ =	shalt  }

// kernel: kernel.16.cloned.1.call-start
scs
__scs_entry_jumppad:
0x0: {  	(pc) =	sbr.rel $0x88, $3  }
0x1: {  	(tag) =	ssettag $0x0;
	lr =	simm.s32 $0x1  }
0x2: {  	[smem:$0x3F98] =	sst lr;
	_ =	strace $0xD0000000  }
0x3: {  	_ = 	snop  }
0x4: {  	_ = 	snop  }
0x5: {  	_ = 	snop  }
0x6: {  	_ = 	snop  }
0x7: {  	_ = 	snop  }
__scs_overlays_trampoline_lowered:
0x8: {  	[smem:$0x3FA7] =	sst s0  }
0x9: {  	[smem:$0x3FA8] =	sst s1  }
0xa: {  	[smem:$0x3FA9] =	sst s2  }
0xb: {  	[smem:$0x3FAA] =	sst s3  }
0xc: {  	[smem:$0x3FAB] =	sst s4  }
0xd: {  	[smem:$0x3FAC] =	sst s5  }
0xe: {  	[smem:$0x3FAD] =	sst s6  }
0xf: {  	[smem:$0x3FAE] =	sst s7  }
0x10: {  	[smem:$0x3FAF] =	sst s8  }
0x11: {  	[smem:$0x3FB0] =	sst s9;
	s0 =	simm.s32 @!p0 $0x0  }
0x12: {  	s1 =	sld [smem:$0x3F96];
	s0 =	simm.s32 @p0 $0x1  }
0x13: {  	[smem:$0x3FB1] =	sst s0;
	s0 =	simm.s32 @!p1 $0x0  }
0x14: {  	s2 =	sld [smem:$0x3F95];
	s0 =	simm.s32 @p1 $0x1  }
0x15: {  	[smem:$0x3FB2] =	sst s0;
	s0 =	simm.s32 @!p2 $0x0  }
0x16: {  	s3 =	sld [smem:$0x3FDB];
	s0 =	simm.s32 @p2 $0x1  }
0x17: {  	s4 =	simm.s32 $0x1BF5;
	[smem:$0x3FB4] =	sst s0  }
0x18: {  	s0 =	sld [smem:$0x3F97];
	_ =	swait.ge [sflag:s4], $0x0  }
0x19: {  	s7 =	sld [smem:$0x3F98]  }
0x1a: {  	s8 =	sadd.s32 $0xFFFFE003, lr  }
0x1b: {  	s9 =	sadd.s32 $0xFFFFFEF7, lr;
	s5 =	simm.s32 $0xFFFFFFFF;
	p2 =	slt.u32 s8, $0xFFFFF086  }
0x1c: {  	p1 =	slt.u32 s9, $0xF7A;
	s5 =	simm.s32 @!p2 $0x0  }
0x1d: {  	s5 =	simm.s32 @p1 $0x1;
	p0 =	seq.s32 s7, s2  }
0x1e: {  	s7 =	smul.u32 @!p0 $0xF7A, s2;
	p2 =	seq.s32 @!p0 s5, $0x0  }
0x1f: {  	s9 =	smul.u32 $0xF7A, s1;
	s8 =	simm.s32 @!p0 $0x1BF5;
	p2 =	por !p2, p0  }
0x20: {  	[sflag:s8] =	ssyncset.s32 @!p0 $0xFFFFF086;
	s6 =	sadd.s32 @!p0 s3, s7;
	s7 =	simm.s32 @!p0 $0x108  }
0x21: {  	s3 =	sadd.s32 s3, s9;
	s6 =	sadd.s32 @!p0 $0x88, s6;
	s7 =	simm.s32 @p2 $0x1082  }
0x22: {  	[simem:s7], [sflag:s8] =	dma.local @!p0 [hbm:s6], $0xF7A  }
0x23: {  	s9 =	sor.u32 $0xD0000000, s2;
	s6 =	simm.s32 $0x108;
	_ =	swait.ge @!p0 [sflag:s8], $0x0  }
0x24: {  	s3 =	sadd.s32 $0x88, s3;
	s6 =	simm.s32 @!p1 $0x1082;
	[sflag:s4] =	ssyncset.s32 $0xFFFFF086  }
0x25: {  	[simem:s6], [sflag:s4] =	dma.local [hbm:s3], $0xF7A  }
0x26: {  	[smem:$0x3F98] =	sst s1;
	(tag) =	ssettag s2;
	_ =	strace s9  }
0x27: {  	s1 =	sld [smem:$0x3FA8]  }
0x28: {  	s2 =	sld [smem:$0x3FA9]  }
0x29: {  	s4 =	sld [smem:$0x3FAB]  }
0x2a: {  	p0 =	seq.s32 s5, $0x0;
	s5 =	sld [smem:$0x3FAC]  }
0x2b: {  	s6 =	sld [smem:$0x3FAD]  }
0x2c: {  	s7 =	sld [smem:$0x3FAE]  }
0x2d: {  	s3 =	simm.s32 $0x108;
	s8 =	sld [smem:$0x3FAF]  }
0x2e: {  	s3 =	simm.s32 @!p0 $0x1082;
	s9 =	sld [smem:$0x3FB0]  }
0x2f: {  	lr =	sadd.s32 s0, s3;
	s0 =	sld [smem:$0x3FA7]  }
0x30: {  	s3 =	sld [smem:$0x3FAA]  }
0x31: {  	[smem:$0x3FB3] =	sst s10  }
0x32: {  	s10 =	sld [smem:$0x3FB1];
	_ =	sdelay $0x3  }
0x33: {  	p0 =	seq.s32 s10, $0x1;
	s10 =	sld [smem:$0x3FB3];
	_ =	sdelay $0x3  }
0x34: {  	[smem:$0x3FB3] =	sst s10  }
0x35: {  	s10 =	sld [smem:$0x3FB2];
	_ =	sdelay $0x3  }
0x36: {  	p1 =	seq.s32 s10, $0x1;
	s10 =	sld [smem:$0x3FB3];
	_ =	sdelay $0x3  }
0x37: {  	[smem:$0x3FB3] =	sst s10  }
0x38: {  	s10 =	sld [smem:$0x3FB4]  }
0x39: {  	_ = 	snop;
	(pc) =	sbr.ind lr, $3  }
0x3a: {  	_ = 	snop  }
0x3b: {  	_ = 	snop  }
0x3c: {  	p2 =	seq.s32 s10, $0x1;
	s10 =	sld [smem:$0x3FB3]  }
0x3d: {  	_ =	shalt  }
0x3e: {  	_ =	shalt  }
0x3f: {  	_ =	shalt  }
0x40: {  	_ =	shalt  }
0x41: {  	_ =	shalt  }
0x42: {  	_ =	shalt  }
0x43: {  	_ =	shalt  }
0x44: {  	_ =	shalt  }
0x45: {  	_ =	shalt  }
0x46: {  	_ =	shalt  }
0x47: {  	_ =	shalt  }
0x48: {  	_ =	shalt  }
0x49: {  	_ =	shalt  }
0x4a: {  	_ =	shalt  }
0x4b: {  	_ =	shalt  }
0x4c: {  	_ =	shalt  }
0x4d: {  	_ =	shalt  }
0x4e: {  	_ =	shalt  }
0x4f: {  	_ =	shalt  }
0x50: {  	_ =	shalt  }
0x51: {  	_ =	shalt  }
0x52: {  	_ =	shalt  }
0x53: {  	_ =	shalt  }
0x54: {  	_ =	shalt  }
0x55: {  	_ =	shalt  }
0x56: {  	_ =	shalt  }
0x57: {  	_ =	shalt  }
0x58: {  	_ =	shalt  }
0x59: {  	_ =	shalt  }
0x5a: {  	_ =	shalt  }
0x5b: {  	_ =	shalt  }
0x5c: {  	_ =	shalt  }
0x5d: {  	_ =	shalt  }
0x5e: {  	_ =	shalt  }
0x5f: {  	_ =	shalt  }
0x60: {  	_ =	shalt  }
0x61: {  	_ =	shalt  }
0x62: {  	_ =	shalt  }
0x63: {  	_ =	shalt  }
0x64: {  	_ =	shalt  }
0x65: {  	_ =	shalt  }
0x66: {  	_ =	shalt  }
0x67: {  	_ =	shalt  }
0x68: {  	_ =	shalt  }
0x69: {  	_ =	shalt  }
0x6a: {  	_ =	shalt  }
0x6b: {  	_ =	shalt  }
0x6c: {  	_ =	shalt  }
0x6d: {  	_ =	shalt  }
0x6e: {  	_ =	shalt  }
0x6f: {  	_ =	shalt  }
0x70: {  	_ =	shalt  }
0x71: {  	_ =	shalt  }
0x72: {  	_ =	shalt  }
0x73: {  	_ =	shalt  }
0x74: {  	_ =	shalt  }
0x75: {  	_ =	shalt  }
0x76: {  	_ =	shalt  }
0x77: {  	_ =	shalt  }
0x78: {  	_ =	shalt  }
0x79: {  	_ =	shalt  }
0x7a: {  	_ =	shalt  }
0x7b: {  	_ =	shalt  }
0x7c: {  	_ =	shalt  }
0x7d: {  	_ =	shalt  }
0x7e: {  	_ =	shalt  }
0x7f: {  	_ =	shalt  }
0x80: {  	_ =	shalt  }
0x81: {  	_ =	shalt  }
0x82: {  	_ =	shalt  }
0x83: {  	_ =	shalt  }
0x84: {  	_ =	shalt  }
0x85: {  	_ =	shalt  }
0x86: {  	_ =	shalt  }
0x87: {  	_ =	shalt  }
.Lfunc_end0:
.L_simem_size_0:
called_computation.2_lowered:
.L_overlay_start_0:
0x88: {  	s2 =	sld [smem:$0x3FD9]  }
0x89: {  	s3 =	sld [smem:$0x3FFE];
	_ =	sdelay $0x1  }
0x8a: {  	s1 =	srdreg.scid  }
0x8b: {  	s0 =	sand.u32 $0x1, s1  }
0x8c: {  	s17 =	sshll.u32 s0, $0xA;
	s2 =	sadd.s32 s3, s2  }
0x8d: {  	s2 =	sadd.s32 s2, s17  }
0x8e: {  	[smem:$0x3FBF] =	sst s2  }
0x8f: {  	_ = 	snop  }
0x90: {  	s2 =	sld [smem:$0x3FD0];
	(tm) =	ssettm $0x1  }
0x91: {  	s18 =	sld [smem:$0x3FFB];
	_ =	sdelay $0x3  }
0x92: {  	_ =	strace s18  }
0x93: {  	s3 =	sld [smem:$0x3FFC];
	_ =	sdelay $0x3  }
0x94: {  	_ =	strace s3  }
0x95: {  	s3 =	sld [smem:$0x3FFD];
	_ =	sdelay $0x3  }
0x96: {  	_ =	strace s3  }
0x97: {  	_ =	strace $0x8FFFFFFF  }
0x98: {  	s19 =	sld [smem:$0x3FDB];
	_ =	sdelay $0x1  }
0x99: {  	s4 =	simm.s32 $_scs_section_size  }
0x9a: {  	s5 =	simm.s32 $_size__tile_overlayer_lowered;
	s6 =	simm.s32 $_tile_overlayer_lowered  }
0x9b: {  	s22 =	simm.s32 $0x1BFF;
	s21 =	sshll.u32 s6, $0x1;
	s3 =	sadd.s32 s4, s19  }
0x9c: {  	s7 =	simm.s32 $0x0;
	s20 =	sshll.u32 s5, $0x1;
	s5 =	sadd.s32 s21, s3  }
0x9d: {  	[timem:s7], [sflag:s22] =	dma.local [hbm:s5], s20  }
0x9e: {  	_ =	swait.ge [sflag:s22], s20  }
0x9f: {  	s4 =	ssub.s32 $0x0, s20;
	[sflag:s22] =	ssyncset.done $0x0  }
0xa0: {  	[sflag:s22] =	ssyncadd.s32 s4;
	_ =	sdelay $0x1  }
0xa1: {  	s23 =	simm.s32 $0x1B8B  }
0xa2: {  	_ =	swait.ge [sflag:s23], $0x1  }
0xa3: {  	[sflag:s23] =	ssyncset.done $0x0  }
0xa4: {  	s25 =	simm.s32 $0x1B8E;
	s24 =	sld [smem:$0x3FFE];
	[sflag:s23] =	ssyncadd.s32 $0xFFFFFFFF  }
0xa5: {  	s26 =	simm.s32 $execute0_lowered;
	[smem:$0x3FD2] =	sst s25  }
0xa6: {  	s5 =	sshll.u32 s26, $0x1;
	_ =	strace $0x8000004C;
	[dreg:$0x1] =	wrdreg $0xFFFFFFFF  }
0xa7: {  	s28 =	simm.s32 $_size_execute0_lowered;
	s3 =	sadd.s32 s3, s5;
	[dreg:$0x0] =	wrdreg $0x0  }
0xa8: {  	s5 =	sshll.u32 s28, $0x1;
	[dreg:$0x2] =	wrdreg s3  }
0xa9: {  	[dreg:$0x3] =	wrdreg s5  }
0xaa: {  	[dreg:$0x4] =	wrdreg $0xC0  }
0xab: {  	_ =	task [dreg:s7], $0x5FFFF  }
0xac: {  	[dreg:$0x1] =	wrdreg $0xFFFFFFFF  }
0xad: {  	[dreg:$0x0] =	wrdreg $0x60  }
0xae: {  	[dreg:$0x2] =	wrdreg s24  }
0xaf: {  	[dreg:$0x3] =	wrdreg s2  }
0xb0: {  	[dreg:$0x4] =	wrdreg $0xC0000  }
0xb1: {  	[dreg:$0x5] =	wrdreg $0x9  }
0xb2: {  	_ =	task.clear_ibuf [dreg:s7], $0x6FFFF;
	_ =	strace $0x9000004C  }
0xb3: {  	s29 =	simm.s32 $0x9;
	_ =	strace $0x8000004E  }
0xb4: {  	_ =	swait.ge [sflag:s29], $0x1  }
0xb5: {  	[sflag:s29] =	ssyncadd.s32 $0xFFFFFFFF  }
0xb6: {  	_ =	strace $0x9000004E  }
0xb7: {  	_ =	sfence  }
0xb8: {  	s30 =	sld [smem:$0x0];
	_ =	sdelay $0x2  }
0xb9: {  	s31 =	sshll.u32 s1, $0xD;
	s1 =	sshrl.u32 s1, $0x2  }
0xba: {  	s3 =	sand.u32 $0x4000, s31;
	s1 =	sadd.s32 s1, s30  }
0xbb: {  	s0 =	sor.u32 s3, s0;
	s1 =	sshll.u32 s1, $0x11  }
0xbc: {  	s0 =	sor.u32 s1, s0  }
0xbd: {  	s0 =	sadd.s32 $0x8F2B, s0  }
0xbe: {  	[sflag:s0] =	ssyncadd.remote.s32 $0x1  }
0xbf: {  	_ =	sfence.sel $0xFFFF  }
0xc0: {  	[dreg:$0x0] =	wrdreg $0xFFFFFFFF;
	(pc) =	sbr.abs _section_cstart, $3  }
0xc1: {  	[dreg:$0x1] =	wrdreg $0xFFFFFFFF  }
0xc2: {  	_ =	task.clear_ibuf [dreg:s7], $0x2FFFF;
	_ =	strace $0x9FFFFFFF  }
0xc3: {  	(tm) =	ssettm $0x7FFFFFFF  }
tec
execute0_lowered:
.L_overlay_start_1:
0x0: {  	(tag) =	ssettag $0x1  }
0x1: {  	s0 =	rddreg [dreg:$0x0]  }
0x2: {  	s1 =	rddreg [dreg:$0x1];
	s3 =	srdreg.scid  }
0x3: {  	s11 =	stileid.u32;
	s2 =	rddreg [dreg:$0x2]  }
0x4: {  	s28 =	simm.s32 $0xC00;
	s29 =	simm.s32 $0x1C00;
	s31 =	simm.s32 $0x8  }
0x5: {  	s30 =	simm.s32 $0x3;
	s5 =	sand.u32 $0x1, s3;
	s4 =	smul.u32 $0x280, s11  }
0x6: {  	s3 =	simm.s32 $0x0;
	s9 =	sshll.u32 s11, $0xB;
	s11 =	smul.u32 $0x50000, s11  }
0x7: {  	s7 =	sadd.s32 $0xE200, s0;
	s6 =	smul.u32 $0x2800, s5;
	[smem:$0x7FF] =	sst s3  }
0x8: {  	s8 =	ssub.s32 $0x2, s5;
	s5 =	sshll.u32 s5, $0xF;
	_ =	strace $0x8000004D  }
0x9: {  	s14 =	sshrl.u32 s8, $0x1;
	s10 =	sor.u32 s9, s5;
	s19 =	sshrl.u32 s11, $0x2  }
0xa: {  	s6 =	sadd.s32 s6, s4;
	s4 =	sadd.s32 $0x1E200, s0;
	s12 =	sadd.s32 s1, s10  }
0xb: {  	s15 =	sor.u32 $0x80, s10;
	s16 =	sadd.s32 s7, s10;
	[dreg:$0x4] =	wrdreg s12  }
0xc: {  	s18 =	sor.u32 $0x100, s10;
	s11 =	sadd.s32 s19, s2;
	[dreg:$0x5] =	wrdreg s16  }
0xd: {  	s10 =	simm.s32 $0xB;
	s17 =	sadd.s32 s1, s15;
	[dreg:$0xa] =	wrdreg s11  }
0xe: {  	s6 =	sshll.u32 s6, $0x4;
	s20 =	sadd.s32 s1, s18;
	[dreg:$0x6] =	wrdreg s17  }
0xf: {  	s21 =	sadd.s32 $0x2800, s11;
	s22 =	sadd.s32 $0x5000, s11;
	[dreg:$0x8] =	wrdreg s20  }
0x10: {  	s24 =	sadd.s32 $0x4000, s11;
	s0 =	sadd.s32 s6, s0;
	[dreg:$0xc] =	wrdreg s21  }
0x11: {  	s6 =	ssub.s32 s8, s14;
	s8 =	sadd.s32 s7, s15;
	[dreg:$0xd] =	wrdreg s22  }
0x12: {  	s26 =	sadd.s32 $0x8000, s11;
	s16 =	sshrl.u32 s24, $0x3;
	[dreg:$0x7] =	wrdreg s8  }
0x13: {  	s13 =	sadd.s32 $0xC000, s11;
	s17 =	sshrl.u32 s26, $0x3;
	[dreg:$0x13] =	wrdreg s16  }
0x14: {  	s1 =	sadd.s32 s5, s1;
	s22 =	sadd.s32 $0x7800, s11;
	[dreg:$0x14] =	wrdreg s17  }
0x15: {  	s20 =	sadd.s32 s9, s1;
	s24 =	sadd.s32 $0xC800, s11;
	[dreg:$0x17] =	wrdreg s22  }
0x16: {  	s15 =	sadd.s32 $0x10000, s11;
	s26 =	sadd.s32 $0x11800, s11;
	[dreg:$0x19] =	wrdreg s24  }
0x17: {  	s1 =	simm.s32 $0x2000;
	s8 =	sadd.s32 s7, s18;
	[dreg:$0x1b] =	wrdreg s26  }
0x18: {  	s6 =	smax.u32 s6, $0x1;
	s23 =	sadd.s32 $0x46200, s0;
	[dreg:$0x9] =	wrdreg s8  }
0x19: {  	s25 =	sadd.s32 $0x46A00, s0;
	s12 =	sadd.s32 $0x47200, s0;
	[dreg:$0xb] =	wrdreg s6  }
0x1a: {  	s7 =	sadd.s32 s5, s7;
	s14 =	sadd.s32 $0x47A00, s0;
	[dreg:$0xe] =	wrdreg s23  }
0x1b: {  	s0 =	sadd.s32 $0x48200, s0;
	s18 =	sshrl.u32 s13, $0x3;
	[dreg:$0xf] =	wrdreg s25  }
0x1c: {  	s21 =	sshrl.u32 s15, $0x3;
	s13 =	simm.s32 $0x4800;
	[dreg:$0x10] =	wrdreg s12  }
0x1d: {  	s15 =	simm.s32 $0x7000;
	s17 =	simm.s32 $0x9800;
	[dreg:$0x11] =	wrdreg s14  }
0x1e: {  	s22 =	simm.s32 $0x9;
	s24 =	simm.s32 $0x7;
	[dreg:$0x12] =	wrdreg s0  }
0x1f: {  	s26 =	simm.s32 $0xA;
	s16 =	simm.s32 $0x1E80;
	[dreg:$0x15] =	wrdreg s18  }
.Ltmp0:
0x20: {  	s19 =	sadd.s32 s9, s7;
	[dreg:$0x16] =	wrdreg s21;
	(pc) =	sbr.rel .LBB2_1-.Ltmp0, $4  }
0x21: {  	s23 =	sadd.s32 $0xA000, s11;
	s25 =	sadd.s32 $0xF000, s11;
	s0 =	simm.s32 $0x5  }
0x22: {  	s12 =	simm.s32 $0x50;
	s18 =	simm.s32 $0x6;
	s21 =	simm.s32 $0xC  }
0x23: {  	s6 =	simm.s32 $0x2;
	s7 =	simm.s32 $0x0;
	[dreg:$0x18] =	wrdreg s23  }
0x24: {  	v0 =	vimm.f32 $0.0e+00;
	[dreg:$0x1a] =	wrdreg s25;
	s25 =	simm.s32 $0x4;
	s23 =	simm.s32 $0x1F80  }
.LBB2_6:
0x25: {  	_ =	swait.ge [sflag:s21], $0x2800  }
0x26: {  	[sflag:s21] =	ssyncset.done $0x0  }
0x27: {  	[sflag:s21] =	ssyncadd.s32 $0xFFFFD800  }
0x28: {  	s5 =	stileid.u32;
	[bflag:$0x0] =	sbarrier.arrive $0xFFFF  }
0x29: {  	s5 =	sshll.u32 s5, $0x6;
	s11 =	rddreg [dreg:$0xa]  }
0x2a: {  	s5 =	sor.u32 $0x1C05, s5;
	s8 =	rddreg [dreg:$0xe];
	s7 =	sshrl.u32 s11, $0x3  }
0x2b: {  	[hbm:s8], [sflag:s5] =	dma.local [spmem:s7], $0x800  }
0x2c: {  	s7 =	rddreg [dreg:$0xf]  }
0x2d: {  	s8 =	rddreg [dreg:$0x13]  }
0x2e: {  	[hbm:s7], [sflag:s5] =	dma.local [spmem:s8], $0x800  }
0x2f: {  	s7 =	rddreg [dreg:$0x10]  }
0x30: {  	s8 =	rddreg [dreg:$0x14]  }
0x31: {  	[hbm:s7], [sflag:s5] =	dma.local [spmem:s8], $0x800  }
0x32: {  	s7 =	rddreg [dreg:$0x11]  }
0x33: {  	s8 =	rddreg [dreg:$0x15]  }
0x34: {  	[hbm:s7], [sflag:s5] =	dma.local [spmem:s8], $0x800  }
0x35: {  	s7 =	rddreg [dreg:$0x12]  }
0x36: {  	s8 =	rddreg [dreg:$0x16]  }
0x37: {  	[hbm:s7], [sflag:s5] =	dma.local [spmem:s8], $0x800  }
0x38: {  	_ =	swait.ge [sflag:s0], $0x800  }
0x39: {  	[sflag:s0] =	ssyncset.done $0x0  }
0x3a: {  	[sflag:s0] =	ssyncadd.s32 $0xFFFFF800  }
0x3b: {  	_ =	swait.ge [sflag:s0], $0x800  }
0x3c: {  	[sflag:s0] =	ssyncset.done $0x0  }
0x3d: {  	[sflag:s0] =	ssyncadd.s32 $0xFFFFF800  }
0x3e: {  	_ =	swait.ge [sflag:s0], $0x800  }
0x3f: {  	[sflag:s0] =	ssyncset.done $0x0  }
0x40: {  	[sflag:s0] =	ssyncadd.s32 $0xFFFFF800  }
0x41: {  	_ =	swait.ge [sflag:s0], $0x800  }
0x42: {  	[sflag:s0] =	ssyncset.done $0x0  }
0x43: {  	[sflag:s0] =	ssyncadd.s32 $0xFFFFF800  }
0x44: {  	_ =	swait.ge [sflag:s0], $0x800  }
0x45: {  	s9 =	rddreg [dreg:$0x1c]  }
0x46: {  	s14 =	rddreg [dreg:$0xb];
	s7 =	sadd.s32 $0x1, s9  }
0x47: {  	p0 =	sne.s32 s7, s14  }
.Ltmp1:
0x48: {  	_ = 	snop;
	(pc) =	sbr.rel @!p0 .LBB2_7-.Ltmp1, $3  }
0x49: {  	_ =	sdelay $0x1  }
0x4a: {  	[sflag:s0] =	ssyncset.done $0x0  }
0x4b: {  	[sflag:s0] =	ssyncadd.s32 $0xFFFFF800  }
.LBB2_1:
0x4c: {  	[dreg:$0x1c] =	wrdreg s7;
	s5 =	simm.s32 $0x70;
	s7 =	simm.s32 $0x3C0  }
.LBB2_2:
0x4d: {  	p0 =	sne.s32 s7, $0x9FC0;
	[tilespmem:s5+$0x2000] =	vst v0  }
0x4e: {  	[tilespmem:s5+$0x1F90] =	vst v0  }
0x4f: {  	[tilespmem:s5+$0x1FA0] =	vst v0  }
.Ltmp2:
0x50: {  	[tilespmem:s5+$0x1FB0] =	vst v0;
	(pc) =	sbr.rel @p0 .LBB2_2-.Ltmp2, $4  }
0x51: {  	[tilespmem:s5+$0x1FC0] =	vst v0  }
0x52: {  	[tilespmem:s5+$0x1FD0] =	vst v0  }
0x53: {  	[tilespmem:s5+$0x1FE0] =	vst v0  }
0x54: {  	[tilespmem:s5+$0x1FF0] =	vst v0;
	s5 =	sshra.s32 s7, $0x2;
	s7 =	sadd.s32 $0x200, s7  }
0x55: {  	[tilespmem:s5+$0x2000] =	vst v0  }
0x56: {  	[tilespmem:s5+$0x1F90] =	vst v0  }
0x57: {  	[tilespmem:s5+$0x1FA0] =	vst v0  }
0x58: {  	[tilespmem:s5+$0x1FB0] =	vst v0  }
0x59: {  	[tilespmem:s5+$0x1FC0] =	vst v0  }
0x5a: {  	[tilespmem:s5+$0x1FD0] =	vst v0  }
0x5b: {  	[tilespmem:s5+$0x1FE0] =	vst v0  }
0x5c: {  	[tilespmem:s5+$0x1FF0] =	vst v0  }
0x5d: {  	[spmem:s11] =	stream.linear.scatter [tilespmem:s1], [sflag:$0x5], $0x2800, $0x38;
	v63 =	vld [tilespmem:$0x0]  }
0x5e: {  	s9 =	rddreg [dreg:$0xc]  }
0x5f: {  	[spmem:s9] =	stream.linear.scatter [tilespmem:s1], [sflag:$0x5], $0x2800, $0x38;
	v63 =	vld [tilespmem:$0x0]  }
0x60: {  	s11 =	rddreg [dreg:$0xd]  }
0x61: {  	[spmem:s11] =	stream.linear.scatter [tilespmem:s1], [sflag:$0x5], $0x2800, $0x38;
	v63 =	vld [tilespmem:$0x0]  }
0x62: {  	s14 =	rddreg [dreg:$0x17]  }
0x63: {  	[spmem:s14] =	stream.linear.scatter [tilespmem:s1], [sflag:$0x5], $0x2800, $0x38;
	v63 =	vld [tilespmem:$0x0]  }
0x64: {  	s7 =	rddreg [dreg:$0x18]  }
0x65: {  	[spmem:s7] =	stream.linear.scatter [tilespmem:s1], [sflag:$0x5], $0x2800, $0x38;
	v63 =	vld [tilespmem:$0x0]  }
0x66: {  	s8 =	rddreg [dreg:$0x19]  }
0x67: {  	[spmem:s8] =	stream.linear.scatter [tilespmem:s1], [sflag:$0x5], $0x2800, $0x38;
	v63 =	vld [tilespmem:$0x0]  }
0x68: {  	s9 =	rddreg [dreg:$0x1a]  }
0x69: {  	[spmem:s9] =	stream.linear.scatter [tilespmem:s1], [sflag:$0x5], $0x2800, $0x38;
	v63 =	vld [tilespmem:$0x0]  }
0x6a: {  	s11 =	rddreg [dreg:$0x1b]  }
0x6b: {  	[spmem:s11] =	stream.linear.scatter [tilespmem:s1], [sflag:$0x5], $0x2800, $0x38;
	v63 =	vld [tilespmem:$0x0]  }
0x6c: {  	_ =	swait.ge [sflag:s0], $0x2800  }
0x6d: {  	[sflag:s0] =	ssyncset.done $0x0  }
0x6e: {  	[sflag:s0] =	ssyncadd.s32 $0xFFFFD800  }
0x6f: {  	_ =	swait.ge [sflag:s0], $0x2800  }
0x70: {  	[sflag:s0] =	ssyncset.done $0x0  }
0x71: {  	[sflag:s0] =	ssyncadd.s32 $0xFFFFD800  }
0x72: {  	_ =	swait.ge [sflag:s0], $0x2800  }
0x73: {  	[sflag:s0] =	ssyncset.done $0x0  }
0x74: {  	[sflag:s0] =	ssyncadd.s32 $0xFFFFD800  }
0x75: {  	_ =	swait.ge [sflag:s0], $0x2800  }
0x76: {  	[sflag:s0] =	ssyncset.done $0x0  }
0x77: {  	[sflag:s0] =	ssyncadd.s32 $0xFFFFD800  }
0x78: {  	_ =	swait.ge [sflag:s0], $0x2800  }
0x79: {  	[sflag:s0] =	ssyncset.done $0x0  }
0x7a: {  	[sflag:s0] =	ssyncadd.s32 $0xFFFFD800  }
0x7b: {  	_ =	swait.ge [sflag:s0], $0x2800  }
0x7c: {  	[sflag:s0] =	ssyncset.done $0x0  }
0x7d: {  	[sflag:s0] =	ssyncadd.s32 $0xFFFFD800  }
0x7e: {  	_ =	swait.ge [sflag:s0], $0x2800  }
0x7f: {  	[sflag:s0] =	ssyncset.done $0x0  }
0x80: {  	[sflag:s0] =	ssyncadd.s32 $0xFFFFD800  }
0x81: {  	_ =	swait.ge [sflag:s0], $0x2800  }
0x82: {  	[sflag:s0] =	ssyncset.done $0x0  }
0x83: {  	[sflag:s0] =	ssyncadd.s32 $0xFFFFD800  }
0x84: {  	[bflag:$0x0] =	sbarrier.arrive $0xFFFF  }
0x85: {  	s5 =	simm.s32 $0x0;
	s7 =	rddreg [dreg:$0x4]  }
0x86: {  	[tilespmem:s5], [sflag:$0x1] =	stream.linear.gather [hbm4b:s7+s5], $0x400, $0x38;
	v63 =	vld [tilespmem:$0x0]  }
0x87: {  	s8 =	simm.s32 $0x1000;
	s14 =	rddreg [dreg:$0x5]  }
0x88: {  	[tilespmem:s8], [sflag:$0x1] =	stream.linear.gather [hbm4b:s14+s5], $0x400, $0x38;
	v63 =	vld [tilespmem:$0x0]  }
0x89: {  	s9 =	simm.s32 $0x400;
	s8 =	rddreg [dreg:$0x6]  }
0x8a: {  	[tilespmem:s9], [sflag:$0x2] =	stream.linear.gather [hbm4b:s8+s5], $0x400, $0x38;
	v63 =	vld [tilespmem:$0x0]  }
0x8b: {  	s11 =	rddreg [dreg:$0x7];
	s14 =	simm.s32 $0x1400  }
0x8c: {  	[tilespmem:s14], [sflag:$0x2] =	stream.linear.gather [hbm4b:s11+s5], $0x400, $0x38;
	v63 =	vld [tilespmem:$0x0]  }
0x8d: {  	s8 =	rddreg [dreg:$0x8];
	s9 =	simm.s32 $0x800  }
0x8e: {  	[tilespmem:s9], [sflag:$0x3] =	stream.linear.gather [hbm4b:s8+s5], $0x400, $0x38;
	v63 =	vld [tilespmem:$0x0]  }
0x8f: {  	s11 =	rddreg [dreg:$0x9];
	s14 =	simm.s32 $0x1800;
	s9 =	simm.s32 $0x1  }
0x90: {  	[tilespmem:s14], [sflag:$0x3] =	stream.linear.gather [hbm4b:s11+s5], $0x400, $0x38;
	v63 =	vld [tilespmem:$0x0]  }
0x91: {  	_ =	swait.ge [sflag:s9], $0x400  }
0x92: {  	[sflag:s9] =	ssyncset.done $0x0  }
0x93: {  	[sflag:s9] =	ssyncadd.s32 $0xFFFFFC00  }
0x94: {  	_ =	swait.ge [sflag:s9], $0x400  }
0x95: {  	[sflag:s9] =	ssyncset.done $0x0  }
0x96: {  	[sflag:s9] =	ssyncadd.s32 $0xFFFFFC00  }
0x97: {  	[tilespmem:s1], [sflag:$0x5] =	stream.indirect.gather [hbm4b:s4+s12], $0x80, s5, s12, $0xb8;
	v63 =	vld [tilespmem:$0x0]  }
0x98: {  	s11 =	simm.s32 $0x80  }
0x99: {  	[tilespmem:s13], [sflag:$0x6] =	stream.indirect.gather [hbm4b:s4+s12], $0x80, s11, s12, $0xb8;
	v63 =	vld [tilespmem:$0x0]  }
0x9a: {  	s14 =	simm.s32 $0x100  }
0x9b: {  	[tilespmem:s15], [sflag:$0x7] =	stream.indirect.gather [hbm4b:s4+s12], $0x80, s14, s12, $0xb8;
	v63 =	vld [tilespmem:$0x0]  }
.LBB2_4:
0x9c: {  	_ =	swait.ge [sflag:s0], $0x2800  }
0x9d: {  	[sflag:s0] =	ssyncset.done $0x0  }
0x9e: {  	s7 =	simm.s32 $0x1000;
	p0 =	seq.s32 s5, $0x0;
	[sflag:s0] =	ssyncadd.s32 $0xFFFFD800  }
0x9f: {  	[spmem:s2] =	stream.indirect.scatter.add.f32 [tilespmem:s1], [sflag:$0x9], $0x80, s7, s12, $0xb8;
	v63 =	vld [tilespmem:$0x0]  }
0xa0: {  	s7 =	simm.s32 @!p0 $0xC  }
0xa1: {  	_ =	swait.ge @!p0 [sflag:s7], $0x2800  }
0xa2: {  	[sflag:s7] =	ssyncset.done @!p0 $0x0  }
0xa3: {  	s9 =	simm.s32 $0x180;
	[sflag:s7] =	ssyncadd.s32 @!p0 $0xFFFFD800  }
0xa4: {  	[tilespmem:s17], [sflag:$0x8] =	stream.indirect.gather [hbm4b:s4+s12], $0x80, s9, s12, $0xb8;
	v63 =	vld [tilespmem:$0x0]  }
0xa5: {  	_ =	swait.ge [sflag:s18], $0x2800  }
0xa6: {  	[sflag:s18] =	ssyncset.done $0x0  }
0xa7: {  	s11 =	simm.s32 $0x1080;
	[sflag:s18] =	ssyncadd.s32 $0xFFFFD800  }
0xa8: {  	[spmem:s2] =	stream.indirect.scatter.add.f32 [tilespmem:s13], [sflag:$0xA], $0x80, s11, s12, $0xb8;
	v63 =	vld [tilespmem:$0x0]  }
0xa9: {  	_ =	swait.ge [sflag:s22], $0x2800  }
0xaa: {  	[sflag:s22] =	ssyncset.done $0x0  }
0xab: {  	s14 =	simm.s32 $0x200;
	[sflag:s22] =	ssyncadd.s32 $0xFFFFD800  }
0xac: {  	[tilespmem:s1], [sflag:$0x5] =	stream.indirect.gather [hbm4b:s4+s12], $0x80, s14, s12, $0xb8;
	v63 =	vld [tilespmem:$0x0]  }
0xad: {  	_ =	swait.ge [sflag:s24], $0x2800  }
0xae: {  	[sflag:s24] =	ssyncset.done $0x0  }
0xaf: {  	s8 =	simm.s32 $0x1100;
	[sflag:s24] =	ssyncadd.s32 $0xFFFFD800  }
0xb0: {  	[spmem:s2] =	stream.indirect.scatter.add.f32 [tilespmem:s15], [sflag:$0xB], $0x80, s8, s12, $0xb8;
	v63 =	vld [tilespmem:$0x0]  }
0xb1: {  	_ =	swait.ge [sflag:s26], $0x2800  }
0xb2: {  	s9 =	sadd.s32 s5, s20;
	[sflag:s26] =	ssyncset.done $0x0  }
0xb3: {  	s7 =	sadd.s32 $0x180, s9;
	s11 =	sadd.s32 s5, s19;
	[sflag:s26] =	ssyncadd.s32 $0xFFFFD800  }
0xb4: {  	[tilespmem:s28], [sflag:$0x4] =	stream.linear.gather [hbm4b:s7+s3], $0x400, $0x38;
	v63 =	vld [tilespmem:$0x0]  }
0xb5: {  	s7 =	sadd.s32 $0x180, s11  }
0xb6: {  	[tilespmem:s29], [sflag:$0x4] =	stream.linear.gather [hbm4b:s7+s3], $0x400, $0x38;
	v63 =	vld [tilespmem:$0x0]  }
0xb7: {  	s14 =	simm.s32 $0x280  }
0xb8: {  	[tilespmem:s13], [sflag:$0x6] =	stream.indirect.gather [hbm4b:s4+s12], $0x80, s14, s12, $0xb8;
	v63 =	vld [tilespmem:$0x0]  }
0xb9: {  	_ =	swait.ge [sflag:s31], $0x2800  }
0xba: {  	[sflag:s31] =	ssyncset.done $0x0  }
0xbb: {  	s8 =	simm.s32 $0x1180;
	[sflag:s31] =	ssyncadd.s32 $0xFFFFD800  }
0xbc: {  	[spmem:s2] =	stream.indirect.scatter.add.f32 [tilespmem:s17], [sflag:$0xC], $0x80, s8, s12, $0xb8;
	v63 =	vld [tilespmem:$0x0]  }
0xbd: {  	_ =	swait.ge [sflag:s10], $0x2800  }
0xbe: {  	[sflag:s10] =	ssyncset.done $0x0  }
0xbf: {  	s9 =	simm.s32 $0x300;
	[sflag:s10] =	ssyncadd.s32 $0xFFFFD800  }
0xc0: {  	[tilespmem:s15], [sflag:$0x7] =	stream.indirect.gather [hbm4b:s4+s12], $0x80, s9, s12, $0xb8;
	v63 =	vld [tilespmem:$0x0]  }
0xc1: {  	_ =	swait.ge [sflag:s0], $0x2800  }
0xc2: {  	[sflag:s0] =	ssyncset.done $0x0  }
0xc3: {  	s11 =	simm.s32 $0x1200;
	[sflag:s0] =	ssyncadd.s32 $0xFFFFD800  }
0xc4: {  	[spmem:s2] =	stream.indirect.scatter.add.f32 [tilespmem:s1], [sflag:$0x9], $0x80, s11, s12, $0xb8;
	v63 =	vld [tilespmem:$0x0]  }
0xc5: {  	_ =	swait.ge [sflag:s21], $0x2800  }
0xc6: {  	[sflag:s21] =	ssyncset.done $0x0  }
0xc7: {  	s14 =	simm.s32 $0x380;
	[sflag:s21] =	ssyncadd.s32 $0xFFFFD800  }
0xc8: {  	[tilespmem:s17], [sflag:$0x8] =	stream.indirect.gather [hbm4b:s4+s12], $0x80, s14, s12, $0xb8;
	v63 =	vld [tilespmem:$0x0]  }
0xc9: {  	_ =	swait.ge [sflag:s18], $0x2800  }
0xca: {  	[sflag:s18] =	ssyncset.done $0x0  }
0xcb: {  	s8 =	simm.s32 $0x1280;
	[sflag:s18] =	ssyncadd.s32 $0xFFFFD800  }
0xcc: {  	[spmem:s2] =	stream.indirect.scatter.add.f32 [tilespmem:s13], [sflag:$0xA], $0x80, s8, s12, $0xb8;
	v63 =	vld [tilespmem:$0x0]  }
0xcd: {  	_ =	swait.ge [sflag:s22], $0x2800  }
0xce: {  	[sflag:s22] =	ssyncset.done $0x0  }
0xcf: {  	[sflag:s22] =	ssyncadd.s32 $0xFFFFD800  }
0xd0: {  	_ =	swait.ge [sflag:s6], $0x400  }
0xd1: {  	[sflag:s6] =	ssyncset.done $0x0  }
0xd2: {  	[sflag:s6] =	ssyncadd.s32 $0xFFFFFC00  }
0xd3: {  	_ =	swait.ge [sflag:s6], $0x400  }
0xd4: {  	[sflag:s6] =	ssyncset.done $0x0  }
0xd5: {  	s9 =	simm.s32 $0x400;
	[sflag:s6] =	ssyncadd.s32 $0xFFFFFC00  }
0xd6: {  	[tilespmem:s1], [sflag:$0x5] =	stream.indirect.gather [hbm4b:s4+s12], $0x80, s9, s12, $0xb8;
	v63 =	vld [tilespmem:$0x0]  }
0xd7: {  	_ =	swait.ge [sflag:s24], $0x2800  }
0xd8: {  	[sflag:s24] =	ssyncset.done $0x0  }
0xd9: {  	s11 =	simm.s32 $0x1300;
	[sflag:s24] =	ssyncadd.s32 $0xFFFFD800  }
0xda: {  	[spmem:s2] =	stream.indirect.scatter.add.f32 [tilespmem:s15], [sflag:$0xB], $0x80, s11, s12, $0xb8;
	v63 =	vld [tilespmem:$0x0]  }
0xdb: {  	_ =	swait.ge [sflag:s26], $0x2800  }
0xdc: {  	[sflag:s26] =	ssyncset.done $0x0  }
0xdd: {  	s14 =	simm.s32 $0x480;
	[sflag:s26] =	ssyncadd.s32 $0xFFFFD800  }
0xde: {  	[tilespmem:s13], [sflag:$0x6] =	stream.indirect.gather [hbm4b:s4+s12], $0x80, s14, s12, $0xb8;
	v63 =	vld [tilespmem:$0x0]  }
0xdf: {  	_ =	swait.ge [sflag:s31], $0x2800  }
0xe0: {  	[sflag:s31] =	ssyncset.done $0x0  }
0xe1: {  	s8 =	simm.s32 $0x1380;
	[sflag:s31] =	ssyncadd.s32 $0xFFFFD800  }
0xe2: {  	[spmem:s2] =	stream.indirect.scatter.add.f32 [tilespmem:s17], [sflag:$0xC], $0x80, s8, s12, $0xb8;
	v63 =	vld [tilespmem:$0x0]  }
0xe3: {  	_ =	swait.ge [sflag:s10], $0x2800  }
0xe4: {  	[sflag:s10] =	ssyncset.done $0x0  }
0xe5: {  	s9 =	simm.s32 $0x500;
	[sflag:s10] =	ssyncadd.s32 $0xFFFFD800  }
0xe6: {  	[tilespmem:s15], [sflag:$0x7] =	stream.indirect.gather [hbm4b:s4+s12], $0x80, s9, s12, $0xb8;
	v63 =	vld [tilespmem:$0x0]  }
0xe7: {  	_ =	swait.ge [sflag:s0], $0x2800  }
0xe8: {  	[sflag:s0] =	ssyncset.done $0x0  }
0xe9: {  	s11 =	simm.s32 $0x1400;
	[sflag:s0] =	ssyncadd.s32 $0xFFFFD800  }
0xea: {  	[spmem:s2] =	stream.indirect.scatter.add.f32 [tilespmem:s1], [sflag:$0x9], $0x80, s11, s12, $0xb8;
	v63 =	vld [tilespmem:$0x0]  }
0xeb: {  	_ =	swait.ge [sflag:s21], $0x2800  }
0xec: {  	[sflag:s21] =	ssyncset.done $0x0  }
0xed: {  	s14 =	simm.s32 $0x580;
	[sflag:s21] =	ssyncadd.s32 $0xFFFFD800  }
0xee: {  	[tilespmem:s17], [sflag:$0x8] =	stream.indirect.gather [hbm4b:s4+s12], $0x80, s14, s12, $0xb8;
	v63 =	vld [tilespmem:$0x0]  }
0xef: {  	_ =	swait.ge [sflag:s18], $0x2800  }
0xf0: {  	[sflag:s18] =	ssyncset.done $0x0  }
0xf1: {  	s8 =	simm.s32 $0x1480;
	[sflag:s18] =	ssyncadd.s32 $0xFFFFD800  }
0xf2: {  	[spmem:s2] =	stream.indirect.scatter.add.f32 [tilespmem:s13], [sflag:$0xA], $0x80, s8, s12, $0xb8;
	v63 =	vld [tilespmem:$0x0]  }
0xf3: {  	_ =	swait.ge [sflag:s22], $0x2800  }
0xf4: {  	[sflag:s22] =	ssyncset.done $0x0  }
0xf5: {  	s9 =	simm.s32 $0x600;
	[sflag:s22] =	ssyncadd.s32 $0xFFFFD800  }
0xf6: {  	[tilespmem:s1], [sflag:$0x5] =	stream.indirect.gather [hbm4b:s4+s12], $0x80, s9, s12, $0xb8;
	v63 =	vld [tilespmem:$0x0]  }
0xf7: {  	_ =	swait.ge [sflag:s24], $0x2800  }
0xf8: {  	[sflag:s24] =	ssyncset.done $0x0  }
0xf9: {  	s11 =	simm.s32 $0x1500;
	[sflag:s24] =	ssyncadd.s32 $0xFFFFD800  }
0xfa: {  	[spmem:s2] =	stream.indirect.scatter.add.f32 [tilespmem:s15], [sflag:$0xB], $0x80, s11, s12, $0xb8;
	v63 =	vld [tilespmem:$0x0]  }
0xfb: {  	p0 =	seq.s32 s5, $0x600;
	_ =	swait.ge [sflag:s26], $0x2800  }
0xfc: {  	s8 =	sadd.s32 @!p0 s5, s20;
	[sflag:s26] =	ssyncset.done $0x0  }
0xfd: {  	s7 =	simm.s32 @!p0 $0x0;
	s9 =	sadd.s32 @!p0 $0x200, s8;
	[sflag:s26] =	ssyncadd.s32 $0xFFFFD800  }
0xfe: {  	[tilespmem:s7], [sflag:$0x1] =	stream.linear.gather @!p0 [hbm4b:s9+s7], $0x400, $0x38;
	v63 =	vld [tilespmem:$0x0]  }
0xff: {  	s9 =	sadd.s32 @!p0 s5, s19  }
0x100: {  	s14 =	simm.s32 @!p0 $0x1000;
	s11 =	sadd.s32 @!p0 $0x200, s9  }
0x101: {  	[tilespmem:s14], [sflag:$0x1] =	stream.linear.gather @!p0 [hbm4b:s11+s7], $0x400, $0x38;
	v63 =	vld [tilespmem:$0x0]  }
0x102: {  	s14 =	simm.s32 $0x680  }
0x103: {  	[tilespmem:s13], [sflag:$0x6] =	stream.indirect.gather [hbm4b:s4+s12], $0x80, s14, s12, $0xb8;
	v63 =	vld [tilespmem:$0x0]  }
0x104: {  	_ =	swait.ge [sflag:s31], $0x2800  }
0x105: {  	[sflag:s31] =	ssyncset.done $0x0  }
0x106: {  	s14 =	simm.s32 $0x1580;
	[sflag:s31] =	ssyncadd.s32 $0xFFFFD800  }
0x107: {  	[spmem:s2] =	stream.indirect.scatter.add.f32 [tilespmem:s17], [sflag:$0xC], $0x80, s14, s12, $0xb8;
	v63 =	vld [tilespmem:$0x0]  }
0x108: {  	_ =	swait.ge [sflag:s10], $0x2800  }
0x109: {  	[sflag:s10] =	ssyncset.done $0x0  }
0x10a: {  	s14 =	simm.s32 $0x700;
	[sflag:s10] =	ssyncadd.s32 $0xFFFFD800  }
0x10b: {  	[tilespmem:s15], [sflag:$0x7] =	stream.indirect.gather [hbm4b:s4+s12], $0x80, s14, s12, $0xb8;
	v63 =	vld [tilespmem:$0x0]  }
0x10c: {  	_ =	swait.ge [sflag:s0], $0x2800  }
0x10d: {  	[sflag:s0] =	ssyncset.done $0x0  }
0x10e: {  	s14 =	simm.s32 $0x1600;
	[sflag:s0] =	ssyncadd.s32 $0xFFFFD800  }
0x10f: {  	[spmem:s2] =	stream.indirect.scatter.add.f32 [tilespmem:s1], [sflag:$0x9], $0x80, s14, s12, $0xb8;
	v63 =	vld [tilespmem:$0x0]  }
0x110: {  	_ =	swait.ge [sflag:s21], $0x2800  }
0x111: {  	[sflag:s21] =	ssyncset.done $0x0  }
0x112: {  	s14 =	simm.s32 $0x780;
	[sflag:s21] =	ssyncadd.s32 $0xFFFFD800  }
0x113: {  	[tilespmem:s17], [sflag:$0x8] =	stream.indirect.gather [hbm4b:s4+s12], $0x80, s14, s12, $0xb8;
	v63 =	vld [tilespmem:$0x0]  }
0x114: {  	_ =	swait.ge [sflag:s18], $0x2800  }
0x115: {  	[sflag:s18] =	ssyncset.done $0x0  }
0x116: {  	s14 =	simm.s32 $0x1680;
	[sflag:s18] =	ssyncadd.s32 $0xFFFFD800  }
0x117: {  	[spmem:s2] =	stream.indirect.scatter.add.f32 [tilespmem:s13], [sflag:$0xA], $0x80, s14, s12, $0xb8;
	v63 =	vld [tilespmem:$0x0]  }
0x118: {  	_ =	swait.ge [sflag:s22], $0x2800  }
0x119: {  	[sflag:s22] =	ssyncset.done $0x0  }
0x11a: {  	[sflag:s22] =	ssyncadd.s32 $0xFFFFD800  }
0x11b: {  	_ =	swait.ge [sflag:s30], $0x400  }
0x11c: {  	[sflag:s30] =	ssyncset.done $0x0  }
0x11d: {  	[sflag:s30] =	ssyncadd.s32 $0xFFFFFC00  }
0x11e: {  	_ =	swait.ge [sflag:s30], $0x400  }
0x11f: {  	[sflag:s30] =	ssyncset.done $0x0  }
0x120: {  	s14 =	simm.s32 $0x800;
	[sflag:s30] =	ssyncadd.s32 $0xFFFFFC00  }
0x121: {  	[tilespmem:s1], [sflag:$0x5] =	stream.indirect.gather [hbm4b:s4+s12], $0x80, s14, s12, $0xb8;
	v63 =	vld [tilespmem:$0x0]  }
0x122: {  	_ =	swait.ge [sflag:s24], $0x2800  }
0x123: {  	[sflag:s24] =	ssyncset.done $0x0  }
0x124: {  	s14 =	simm.s32 $0x1700;
	[sflag:s24] =	ssyncadd.s32 $0xFFFFD800  }
0x125: {  	[spmem:s2] =	stream.indirect.scatter.add.f32 [tilespmem:s15], [sflag:$0xB], $0x80, s14, s12, $0xb8;
	v63 =	vld [tilespmem:$0x0]  }
0x126: {  	_ =	swait.ge [sflag:s26], $0x2800  }
0x127: {  	[sflag:s26] =	ssyncset.done $0x0  }
0x128: {  	s14 =	simm.s32 $0x880;
	[sflag:s26] =	ssyncadd.s32 $0xFFFFD800  }
0x129: {  	[tilespmem:s13], [sflag:$0x6] =	stream.indirect.gather [hbm4b:s4+s12], $0x80, s14, s12, $0xb8;
	v63 =	vld [tilespmem:$0x0]  }
0x12a: {  	_ =	swait.ge [sflag:s31], $0x2800  }
0x12b: {  	[sflag:s31] =	ssyncset.done $0x0  }
0x12c: {  	s14 =	simm.s32 $0x1780;
	[sflag:s31] =	ssyncadd.s32 $0xFFFFD800  }
0x12d: {  	[spmem:s2] =	stream.indirect.scatter.add.f32 [tilespmem:s17], [sflag:$0xC], $0x80, s14, s12, $0xb8;
	v63 =	vld [tilespmem:$0x0]  }
0x12e: {  	_ =	swait.ge [sflag:s10], $0x2800  }
0x12f: {  	[sflag:s10] =	ssyncset.done $0x0  }
0x130: {  	s14 =	simm.s32 $0x900;
	[sflag:s10] =	ssyncadd.s32 $0xFFFFD800  }
0x131: {  	[tilespmem:s15], [sflag:$0x7] =	stream.indirect.gather [hbm4b:s4+s12], $0x80, s14, s12, $0xb8;
	v63 =	vld [tilespmem:$0x0]  }
0x132: {  	_ =	swait.ge [sflag:s0], $0x2800  }
0x133: {  	[sflag:s0] =	ssyncset.done $0x0  }
0x134: {  	s14 =	simm.s32 $0x1800;
	[sflag:s0] =	ssyncadd.s32 $0xFFFFD800  }
0x135: {  	[spmem:s2] =	stream.indirect.scatter.add.f32 [tilespmem:s1], [sflag:$0x9], $0x80, s14, s12, $0xb8;
	v63 =	vld [tilespmem:$0x0]  }
0x136: {  	_ =	swait.ge [sflag:s21], $0x2800  }
0x137: {  	[sflag:s21] =	ssyncset.done $0x0  }
0x138: {  	s14 =	simm.s32 $0x980;
	[sflag:s21] =	ssyncadd.s32 $0xFFFFD800  }
0x139: {  	[tilespmem:s17], [sflag:$0x8] =	stream.indirect.gather [hbm4b:s4+s12], $0x80, s14, s12, $0xb8;
	v63 =	vld [tilespmem:$0x0]  }
0x13a: {  	_ =	swait.ge [sflag:s18], $0x2800  }
0x13b: {  	[sflag:s18] =	ssyncset.done $0x0  }
0x13c: {  	s14 =	simm.s32 $0x1880;
	[sflag:s18] =	ssyncadd.s32 $0xFFFFD800  }
0x13d: {  	[spmem:s2] =	stream.indirect.scatter.add.f32 [tilespmem:s13], [sflag:$0xA], $0x80, s14, s12, $0xb8;
	v63 =	vld [tilespmem:$0x0]  }
0x13e: {  	_ =	swait.ge [sflag:s22], $0x2800  }
0x13f: {  	[sflag:s22] =	ssyncset.done $0x0  }
0x140: {  	s14 =	simm.s32 $0xA00;
	[sflag:s22] =	ssyncadd.s32 $0xFFFFD800  }
0x141: {  	[tilespmem:s1], [sflag:$0x5] =	stream.indirect.gather [hbm4b:s4+s12], $0x80, s14, s12, $0xb8;
	v63 =	vld [tilespmem:$0x0]  }
0x142: {  	_ =	swait.ge [sflag:s24], $0x2800  }
0x143: {  	[sflag:s24] =	ssyncset.done $0x0  }
0x144: {  	s14 =	simm.s32 $0x1900;
	[sflag:s24] =	ssyncadd.s32 $0xFFFFD800  }
0x145: {  	[spmem:s2] =	stream.indirect.scatter.add.f32 [tilespmem:s15], [sflag:$0xB], $0x80, s14, s12, $0xb8;
	v63 =	vld [tilespmem:$0x0]  }
0x146: {  	_ =	swait.ge [sflag:s26], $0x2800  }
0x147: {  	[sflag:s26] =	ssyncset.done $0x0  }
0x148: {  	s11 =	sadd.s32 @!p0 $0x280, s8;
	s14 =	simm.s32 @!p0 $0x400;
	[sflag:s26] =	ssyncadd.s32 $0xFFFFD800  }
0x149: {  	[tilespmem:s14], [sflag:$0x2] =	stream.linear.gather @!p0 [hbm4b:s11+s7], $0x400, $0x38;
	v63 =	vld [tilespmem:$0x0]  }
0x14a: {  	s11 =	sadd.s32 @!p0 $0x280, s9;
	s14 =	simm.s32 @!p0 $0x1400  }
0x14b: {  	[tilespmem:s14], [sflag:$0x2] =	stream.linear.gather @!p0 [hbm4b:s11+s7], $0x400, $0x38;
	v63 =	vld [tilespmem:$0x0]  }
0x14c: {  	s14 =	simm.s32 $0xA80  }
0x14d: {  	[tilespmem:s13], [sflag:$0x6] =	stream.indirect.gather [hbm4b:s4+s12], $0x80, s14, s12, $0xb8;
	v63 =	vld [tilespmem:$0x0]  }
0x14e: {  	_ =	swait.ge [sflag:s31], $0x2800  }
0x14f: {  	[sflag:s31] =	ssyncset.done $0x0  }
0x150: {  	s14 =	simm.s32 $0x1980;
	[sflag:s31] =	ssyncadd.s32 $0xFFFFD800  }
0x151: {  	[spmem:s2] =	stream.indirect.scatter.add.f32 [tilespmem:s17], [sflag:$0xC], $0x80, s14, s12, $0xb8;
	v63 =	vld [tilespmem:$0x0]  }
0x152: {  	_ =	swait.ge [sflag:s10], $0x2800  }
0x153: {  	[sflag:s10] =	ssyncset.done $0x0  }
0x154: {  	s14 =	simm.s32 $0xB00;
	[sflag:s10] =	ssyncadd.s32 $0xFFFFD800  }
0x155: {  	[tilespmem:s15], [sflag:$0x7] =	stream.indirect.gather [hbm4b:s4+s12], $0x80, s14, s12, $0xb8;
	v63 =	vld [tilespmem:$0x0]  }
0x156: {  	_ =	swait.ge [sflag:s0], $0x2800  }
0x157: {  	[sflag:s0] =	ssyncset.done $0x0  }
0x158: {  	s14 =	simm.s32 $0x1A00;
	[sflag:s0] =	ssyncadd.s32 $0xFFFFD800  }
0x159: {  	[spmem:s2] =	stream.indirect.scatter.add.f32 [tilespmem:s1], [sflag:$0x9], $0x80, s14, s12, $0xb8;
	v63 =	vld [tilespmem:$0x0]  }
0x15a: {  	_ =	swait.ge [sflag:s21], $0x2800  }
0x15b: {  	[sflag:s21] =	ssyncset.done $0x0  }
0x15c: {  	s14 =	simm.s32 $0xB80;
	[sflag:s21] =	ssyncadd.s32 $0xFFFFD800  }
0x15d: {  	[tilespmem:s17], [sflag:$0x8] =	stream.indirect.gather [hbm4b:s4+s12], $0x80, s14, s12, $0xb8;
	v63 =	vld [tilespmem:$0x0]  }
0x15e: {  	_ =	swait.ge [sflag:s18], $0x2800  }
0x15f: {  	[sflag:s18] =	ssyncset.done $0x0  }
0x160: {  	s14 =	simm.s32 $0x1A80;
	[sflag:s18] =	ssyncadd.s32 $0xFFFFD800  }
0x161: {  	[spmem:s2] =	stream.indirect.scatter.add.f32 [tilespmem:s13], [sflag:$0xA], $0x80, s14, s12, $0xb8;
	v63 =	vld [tilespmem:$0x0]  }
0x162: {  	_ =	swait.ge [sflag:s22], $0x2800  }
0x163: {  	[sflag:s22] =	ssyncset.done $0x0  }
0x164: {  	[sflag:s22] =	ssyncadd.s32 $0xFFFFD800  }
0x165: {  	_ =	swait.ge [sflag:s25], $0x400  }
0x166: {  	[sflag:s25] =	ssyncset.done $0x0  }
0x167: {  	[sflag:s25] =	ssyncadd.s32 $0xFFFFFC00  }
0x168: {  	_ =	swait.ge [sflag:s25], $0x400  }
0x169: {  	[sflag:s25] =	ssyncset.done $0x0  }
0x16a: {  	[sflag:s25] =	ssyncadd.s32 $0xFFFFFC00  }
0x16b: {  	[tilespmem:s1], [sflag:$0x5] =	stream.indirect.gather [hbm4b:s4+s12], $0x80, s28, s12, $0xb8;
	v63 =	vld [tilespmem:$0x0]  }
0x16c: {  	_ =	swait.ge [sflag:s24], $0x2800  }
0x16d: {  	[sflag:s24] =	ssyncset.done $0x0  }
0x16e: {  	s14 =	simm.s32 $0x1B00;
	[sflag:s24] =	ssyncadd.s32 $0xFFFFD800  }
0x16f: {  	[spmem:s2] =	stream.indirect.scatter.add.f32 [tilespmem:s15], [sflag:$0xB], $0x80, s14, s12, $0xb8;
	v63 =	vld [tilespmem:$0x0]  }
0x170: {  	_ =	swait.ge [sflag:s26], $0x2800  }
0x171: {  	[sflag:s26] =	ssyncset.done $0x0  }
0x172: {  	s14 =	simm.s32 $0xC80;
	[sflag:s26] =	ssyncadd.s32 $0xFFFFD800  }
0x173: {  	[tilespmem:s13], [sflag:$0x6] =	stream.indirect.gather [hbm4b:s4+s12], $0x80, s14, s12, $0xb8;
	v63 =	vld [tilespmem:$0x0]  }
0x174: {  	_ =	swait.ge [sflag:s31], $0x2800  }
0x175: {  	[sflag:s31] =	ssyncset.done $0x0  }
0x176: {  	s14 =	simm.s32 $0x1B80;
	[sflag:s31] =	ssyncadd.s32 $0xFFFFD800  }
0x177: {  	[spmem:s2] =	stream.indirect.scatter.add.f32 [tilespmem:s17], [sflag:$0xC], $0x80, s14, s12, $0xb8;
	v63 =	vld [tilespmem:$0x0]  }
0x178: {  	_ =	swait.ge [sflag:s10], $0x2800  }
0x179: {  	[sflag:s10] =	ssyncset.done $0x0  }
0x17a: {  	s14 =	simm.s32 $0xD00;
	[sflag:s10] =	ssyncadd.s32 $0xFFFFD800  }
0x17b: {  	[tilespmem:s15], [sflag:$0x7] =	stream.indirect.gather [hbm4b:s4+s12], $0x80, s14, s12, $0xb8;
	v63 =	vld [tilespmem:$0x0]  }
0x17c: {  	_ =	swait.ge [sflag:s0], $0x2800  }
0x17d: {  	[sflag:s0] =	ssyncset.done $0x0  }
0x17e: {  	[sflag:s0] =	ssyncadd.s32 $0xFFFFD800  }
0x17f: {  	[spmem:s2] =	stream.indirect.scatter.add.f32 [tilespmem:s1], [sflag:$0x9], $0x80, s29, s12, $0xb8;
	v63 =	vld [tilespmem:$0x0]  }
0x180: {  	_ =	swait.ge [sflag:s21], $0x2800  }
0x181: {  	[sflag:s21] =	ssyncset.done $0x0  }
0x182: {  	s14 =	simm.s32 $0xD80;
	[sflag:s21] =	ssyncadd.s32 $0xFFFFD800  }
0x183: {  	[tilespmem:s17], [sflag:$0x8] =	stream.indirect.gather [hbm4b:s4+s12], $0x80, s14, s12, $0xb8;
	v63 =	vld [tilespmem:$0x0]  }
0x184: {  	_ =	swait.ge [sflag:s18], $0x2800  }
0x185: {  	[sflag:s18] =	ssyncset.done $0x0  }
0x186: {  	s14 =	simm.s32 $0x1C80;
	[sflag:s18] =	ssyncadd.s32 $0xFFFFD800  }
0x187: {  	[spmem:s2] =	stream.indirect.scatter.add.f32 [tilespmem:s13], [sflag:$0xA], $0x80, s14, s12, $0xb8;
	v63 =	vld [tilespmem:$0x0]  }
0x188: {  	_ =	swait.ge [sflag:s22], $0x2800  }
0x189: {  	[sflag:s22] =	ssyncset.done $0x0  }
0x18a: {  	s14 =	simm.s32 $0xE00;
	[sflag:s22] =	ssyncadd.s32 $0xFFFFD800  }
0x18b: {  	[tilespmem:s1], [sflag:$0x5] =	stream.indirect.gather [hbm4b:s4+s12], $0x80, s14, s12, $0xb8;
	v63 =	vld [tilespmem:$0x0]  }
0x18c: {  	_ =	swait.ge [sflag:s24], $0x2800  }
0x18d: {  	[sflag:s24] =	ssyncset.done $0x0  }
0x18e: {  	s14 =	simm.s32 $0x1D00;
	[sflag:s24] =	ssyncadd.s32 $0xFFFFD800  }
0x18f: {  	[spmem:s2] =	stream.indirect.scatter.add.f32 [tilespmem:s15], [sflag:$0xB], $0x80, s14, s12, $0xb8;
	v63 =	vld [tilespmem:$0x0]  }
0x190: {  	_ =	swait.ge [sflag:s26], $0x2800  }
0x191: {  	[sflag:s26] =	ssyncset.done $0x0  }
0x192: {  	s8 =	sadd.s32 @!p0 $0x300, s8;
	s11 =	simm.s32 @!p0 $0x800;
	[sflag:s26] =	ssyncadd.s32 $0xFFFFD800  }
0x193: {  	[tilespmem:s11], [sflag:$0x3] =	stream.linear.gather @!p0 [hbm4b:s8+s7], $0x400, $0x38;
	v63 =	vld [tilespmem:$0x0]  }
0x194: {  	s8 =	sadd.s32 @!p0 $0x300, s9;
	s9 =	simm.s32 @!p0 $0x1800  }
0x195: {  	[tilespmem:s9], [sflag:$0x3] =	stream.linear.gather @!p0 [hbm4b:s8+s7], $0x400, $0x38;
	v63 =	vld [tilespmem:$0x0]  }
0x196: {  	s11 =	simm.s32 $0xE80  }
0x197: {  	[tilespmem:s13], [sflag:$0x6] =	stream.indirect.gather [hbm4b:s4+s12], $0x80, s11, s12, $0xb8;
	v63 =	vld [tilespmem:$0x0]  }
0x198: {  	_ =	swait.ge [sflag:s31], $0x2800  }
0x199: {  	[sflag:s31] =	ssyncset.done $0x0  }
0x19a: {  	s14 =	simm.s32 $0x1D80;
	[sflag:s31] =	ssyncadd.s32 $0xFFFFD800  }
0x19b: {  	[spmem:s2] =	stream.indirect.scatter.add.f32 [tilespmem:s17], [sflag:$0xC], $0x80, s14, s12, $0xb8;
	v63 =	vld [tilespmem:$0x0]  }
0x19c: {  	_ =	swait.ge [sflag:s10], $0x2800  }
0x19d: {  	[sflag:s10] =	ssyncset.done $0x0  }
0x19e: {  	s9 =	simm.s32 $0xF00;
	[sflag:s10] =	ssyncadd.s32 $0xFFFFD800  }
0x19f: {  	[tilespmem:s15], [sflag:$0x7] =	stream.indirect.gather [hbm4b:s4+s12], $0x80, s9, s12, $0xb8;
	v63 =	vld [tilespmem:$0x0]  }
0x1a0: {  	_ =	swait.ge [sflag:s0], $0x2800  }
0x1a1: {  	[sflag:s0] =	ssyncset.done $0x0  }
0x1a2: {  	s11 =	simm.s32 $0x1E00;
	[sflag:s0] =	ssyncadd.s32 $0xFFFFD800  }
0x1a3: {  	[spmem:s2] =	stream.indirect.scatter.add.f32 [tilespmem:s1], [sflag:$0x9], $0x80, s11, s12, $0xb8;
	v63 =	vld [tilespmem:$0x0]  }
0x1a4: {  	_ =	swait.ge [sflag:s21], $0x2800  }
0x1a5: {  	[sflag:s21] =	ssyncset.done $0x0  }
0x1a6: {  	s14 =	simm.s32 $0xF80;
	[sflag:s21] =	ssyncadd.s32 $0xFFFFD800  }
0x1a7: {  	[tilespmem:s17], [sflag:$0x8] =	stream.indirect.gather [hbm4b:s4+s12], $0x80, s14, s12, $0xb8;
	v63 =	vld [tilespmem:$0x0]  }
0x1a8: {  	_ =	swait.ge [sflag:s18], $0x2800  }
0x1a9: {  	[sflag:s18] =	ssyncset.done $0x0  }
0x1aa: {  	[sflag:s18] =	ssyncadd.s32 $0xFFFFD800  }
0x1ab: {  	[spmem:s2] =	stream.indirect.scatter.add.f32 [tilespmem:s13], [sflag:$0xA], $0x80, s16, s12, $0xb8;
	v63 =	vld [tilespmem:$0x0]  }
0x1ac: {  	_ =	swait.ge [sflag:s22], $0x2800  }
0x1ad: {  	[sflag:s22] =	ssyncset.done $0x0  }
0x1ae: {  	s8 =	simm.s32 @p0 $0x7;
	[sflag:s22] =	ssyncadd.s32 $0xFFFFD800  }
0x1af: {  	_ =	swait.ge @p0 [sflag:s8], $0x2800  }
0x1b0: {  	s9 =	simm.s32 @p0 $0x1F00;
	[sflag:s8] =	ssyncset.done @p0 $0x0  }
0x1b1: {  	s11 =	simm.s32 @p0 $0x7000;
	[sflag:s8] =	ssyncadd.s32 @p0 $0xFFFFD800;
	s8 =	simm.s32 @p0 $0x50  }
0x1b2: {  	[spmem:s2] =	stream.indirect.scatter.add.f32 @p0 [tilespmem:s11], [sflag:$0xB], $0x80, s9, s8, $0xb8;
	v63 =	vld [tilespmem:$0x0]  }
0x1b3: {  	s8 =	simm.s32 @p0 $0xA  }
0x1b4: {  	_ =	swait.ge @p0 [sflag:s8], $0x2800  }
0x1b5: {  	[sflag:s8] =	ssyncset.done @p0 $0x0  }
0x1b6: {  	[sflag:s8] =	ssyncadd.s32 @p0 $0xFFFFD800;
	s8 =	simm.s32 @!p0 $0x1  }
0x1b7: {  	_ =	swait.ge @!p0 [sflag:s8], $0x400  }
0x1b8: {  	[sflag:s8] =	ssyncset.done @!p0 $0x0  }
0x1b9: {  	[sflag:s8] =	ssyncadd.s32 @!p0 $0xFFFFFC00  }
0x1ba: {  	_ =	swait.ge @!p0 [sflag:s8], $0x400  }
0x1bb: {  	[sflag:s8] =	ssyncset.done @!p0 $0x0  }
0x1bc: {  	s9 =	simm.s32 @!p0 $0x2000;
	[sflag:s8] =	ssyncadd.s32 @!p0 $0xFFFFFC00;
	s8 =	simm.s32 @!p0 $0x50  }
0x1bd: {  	[tilespmem:s9], [sflag:$0x5] =	stream.indirect.gather @!p0 [hbm4b:s4+s8], $0x80, s7, s8, $0xb8;
	v63 =	vld [tilespmem:$0x0]  }
0x1be: {  	s7 =	simm.s32 @!p0 $0x7  }
0x1bf: {  	_ =	swait.ge @!p0 [sflag:s7], $0x2800  }
0x1c0: {  	[sflag:s7] =	ssyncset.done @!p0 $0x0  }
0x1c1: {  	s9 =	simm.s32 @!p0 $0x7000;
	[sflag:s7] =	ssyncadd.s32 @!p0 $0xFFFFD800;
	s7 =	simm.s32 @!p0 $0x1F00  }
0x1c2: {  	[spmem:s2] =	stream.indirect.scatter.add.f32 @!p0 [tilespmem:s9], [sflag:$0xB], $0x80, s7, s8, $0xb8;
	v63 =	vld [tilespmem:$0x0]  }
0x1c3: {  	s7 =	simm.s32 @!p0 $0xA  }
0x1c4: {  	_ =	swait.ge @!p0 [sflag:s7], $0x2800  }
0x1c5: {  	[sflag:s7] =	ssyncset.done @!p0 $0x0  }
0x1c6: {  	s9 =	simm.s32 @!p0 $0x4800;
	[sflag:s7] =	ssyncadd.s32 @!p0 $0xFFFFD800;
	s7 =	simm.s32 @!p0 $0x80  }
0x1c7: {  	[tilespmem:s9], [sflag:$0x6] =	stream.indirect.gather @!p0 [hbm4b:s4+s8], $0x80, s7, s8, $0xb8;
	v63 =	vld [tilespmem:$0x0]  }
0x1c8: {  	_ =	swait.ge [sflag:s31], $0x2800  }
0x1c9: {  	[sflag:s31] =	ssyncset.done $0x0  }
.Ltmp3:
0x1ca: {  	[sflag:s31] =	ssyncadd.s32 $0xFFFFD800;
	(pc) =	sbr.rel @p0 .LBB2_6-.Ltmp3, $4  }
0x1cb: {  	[spmem:s2] =	stream.indirect.scatter.add.f32 [tilespmem:s17], [sflag:$0xC], $0x80, s23, s12, $0xb8;
	v63 =	vld [tilespmem:$0x0]  }
0x1cc: {  	_ =	swait.ge [sflag:s10], $0x2800  }
0x1cd: {  	[sflag:s10] =	ssyncset.done $0x0  }
0x1ce: {  	[sflag:s10] =	ssyncadd.s32 $0xFFFFD800  }
.Ltmp4:
0x1cf: {  	(pc) =	sbr.rel .LBB2_4-.Ltmp4, $3  }
0x1d0: {  	_ =	sdelay $0x1  }
0x1d1: {  	s7 =	simm.s32 $0x100;
	s5 =	sadd.s32 $0x200, s5  }
0x1d2: {  	[tilespmem:s15], [sflag:$0x7] =	stream.indirect.gather [hbm4b:s4+s12], $0x80, s7, s12, $0xb8;
	v63 =	vld [tilespmem:$0x0]  }
.LBB2_7:
0x1d3: {  	_ =	sfence.sel $0x180000  }
0x1d4: {  	[bflag:$0x0] =	sbarrier.arrive $0xFFFF  }
0x1d5: {  	_ =	strace $0x9000004D  }
0x1d6: {  	s0 =	stileid.u32;
	[bflag:$0x2] =	sbarrier.arrive $0xFFFF  }
0x1d7: {  	p0 =	sne.s32 s0, $0x0;
	s0 =	rddreg [dreg:$0x3]  }
0x1d8: {  	s0 =	sadd.s32 @!p0 $0x100000, s0  }
0x1d9: {  	[sflag:s0] =	ssyncadd.tile.s32 @!p0 $0x1;
	_ =	shalt  }
.Lfunc_end2:
_tile_overlayer_lowered:
.L_overlay_start_2:
0x1da: {  	(tag) =	ssettag $0x2  }
0x1db: {  	s0 =	rddreg [dreg:$0x0];
	s2 =	stileid.u32  }
0x1dc: {  	s1 =	rddreg [dreg:$0x1];
	p0 =	sne.s32 s2, $0x0  }
0x1dd: {  	s3 =	rddreg [dreg:$0x2];
	[bflag:$0x3] =	sbarrier.arrive $0xFFFF;
	s2 =	simm.s32 @!p0 $0x1C0D  }
0x1de: {  	[timem:s3], [sflag:s2] =	dma.local @!p0 [hbm:s0], s1  }
0x1df: {  	s0 =	simm.s32 @!p0 $0xD  }
0x1e0: {  	_ =	swait.ge @!p0 [sflag:s0], s1  }
0x1e1: {  	s1 =	ssub.s32 @!p0 $0x0, s1;
	[sflag:s0] =	ssyncset.done @!p0 $0x0  }
0x1e2: {  	[sflag:s0] =	ssyncadd.s32 @!p0 s1  }
0x1e3: {  	[bflag:$0x3] =	sbarrier.arrive $0xFFFF  }
0x1e4: {  	_ =	shalt  }

</sc_bundles>
